<compile_context>
chip_gen: v7x
topology: tpu7x:2x2x1
jax: 0.10.2.dev20260603
libtpu: 0.0.44.dev20260713+nightly
codegen_flags: <defaults>
</compile_context>

<pallas_src>
import functools

import jax
import jax.numpy as jnp
from jax import lax
from jax.experimental import pallas as pl
from jax.experimental.pallas import tpu as pltpu
from jax.experimental.pallas import tpu_sc as plsc

N = 10000
IN_C = 128
HID = 128
OUT_C = 64
E = 320000

NCORES = 2
NSUB = 16
NW = NCORES * NSUB
CHUNK = 64
NCH = 158
EPAD = NW * CHUNK * NCH
NPAD = 10240
ROWS_PER_TILE = NPAD // NSUB
DUMMY = 10016

BM = 640
LSTM_BLK = 400


def _deg_body(dst_hbm, out_hbm, didx, buf_v, deg_sh):
    c = lax.axis_index("c")
    s = lax.axis_index("s")
    w = c * NSUB + s

    def _fill(val):
        def _f(i, _):
            def _g(j, _u):
                buf_v[i, pl.ds(j * 16, 16)] = jnp.full((16,), val, jnp.float32)
                return 0

            lax.fori_loop(0, HID // 16, _g, 0)
            return 0

        lax.fori_loop(0, CHUNK, _f, 0)

    _fill(0.0)
    for q in range(ROWS_PER_TILE // CHUNK):
        pltpu.sync_copy(
            buf_v, deg_sh.at[pl.ds(s * ROWS_PER_TILE + q * CHUNK, CHUNK)])
    _fill(1.0)
    plsc.subcore_barrier()

    def _chunk(k, _):
        pltpu.sync_copy(dst_hbm.at[pl.ds((w * NCH + k) * CHUNK, CHUNK)], didx)
        pltpu.sync_copy(buf_v, deg_sh.at[didx], add=True)
        return 0

    lax.fori_loop(0, NCH, _chunk, 0)
    plsc.subcore_barrier()
    for q in range(ROWS_PER_TILE // CHUNK):
        off = s * ROWS_PER_TILE + q * CHUNK
        pltpu.sync_copy(deg_sh.at[pl.ds(off, CHUNK)], buf_v)
        pltpu.sync_copy(buf_v, out_hbm.at[pl.ds(c * NPAD + off, CHUNK)])


def _edge_scatter_body(src_hbm, dst_hbm, y_hbm, out_hbm, sidx_all,
                       didx_a, didx_b, rows_a, rows_b, z_sh,
                       semg_a, semg_b, sems_a, sems_b, semi_a, semi_b):
    c = lax.axis_index("c")
    s = lax.axis_index("s")
    w = c * NSUB + s

    pltpu.sync_copy(src_hbm.at[pl.ds(w * NCH * CHUNK, NCH * CHUNK)], sidx_all)

    def _zinit(i, _):
        def _zin(j, _u):
            rows_a[i, pl.ds(j * 16, 16)] = jnp.zeros((16,), jnp.float32)
            return 0

        lax.fori_loop(0, HID // 16, _zin, 0)
        return 0

    lax.fori_loop(0, CHUNK, _zinit, 0)

    for q in range(ROWS_PER_TILE // CHUNK):
        pltpu.sync_copy(
            rows_a, z_sh.at[pl.ds(s * ROWS_PER_TILE + q * CHUNK, CHUNK)]
        )
    plsc.subcore_barrier()

    def _sidx(k):
        return sidx_all.at[pl.ds(k * CHUNK, CHUNK)]

    def _dslice(k):
        return dst_hbm.at[pl.ds((w * NCH + k) * CHUNK, CHUNK)]

    def _gst(k, rows, sem):
        pltpu.async_copy(y_hbm.at[_sidx(k)], rows, sem)

    def _gwt(k, rows, sem):
        pltpu.make_async_copy(y_hbm.at[_sidx(k)], rows, sem).wait()

    def _sst(k, rows, didx, sem):
        pltpu.async_copy(rows, z_sh.at[didx], sem, add=True)

    def _swt(k, rows, didx, sem):
        pltpu.make_async_copy(rows, z_sh.at[didx], sem).wait()

    def _ist(k, didx, sem):
        pltpu.async_copy(_dslice(k), didx, sem)

    def _iwt(k, didx, sem):
        pltpu.make_async_copy(_dslice(k), didx, sem).wait()

    _ist(0, didx_a, semi_a)
    _gst(0, rows_a, semg_a)

    def _pair(p, _):
        k0 = 2 * p
        _gwt(k0, rows_a, semg_a)

        @pl.when(p > 0)
        def _():
            _swt(k0 - 1, rows_b, didx_b, sems_b)

        _ist(k0 + 1, didx_b, semi_b)
        _gst(k0 + 1, rows_b, semg_b)
        _iwt(k0, didx_a, semi_a)
        _sst(k0, rows_a, didx_a, sems_a)

        _gwt(k0 + 1, rows_b, semg_b)
        _swt(k0, rows_a, didx_a, sems_a)

        @pl.when(k0 + 2 < NCH)
        def _():
            _ist(k0 + 2, didx_a, semi_a)
            _gst(k0 + 2, rows_a, semg_a)

        _iwt(k0 + 1, didx_b, semi_b)
        _sst(k0 + 1, rows_b, didx_b, sems_b)
        return 0

    lax.fori_loop(0, NCH // 2, _pair, 0)
    _swt(NCH - 1, rows_b, didx_b, sems_b)
    plsc.subcore_barrier()
    for q in range(ROWS_PER_TILE // CHUNK):
        off = s * ROWS_PER_TILE + q * CHUNK
        pltpu.sync_copy(z_sh.at[pl.ds(off, CHUNK)], rows_a)
        pltpu.sync_copy(rows_a, out_hbm.at[pl.ds(c * NPAD + off, CHUNK)])


@functools.lru_cache(maxsize=1)
def _get_sc_kernels():
    mesh = plsc.VectorSubcoreMesh(core_axis_name="c", subcore_axis_name="s")
    deg_k = pl.kernel(
        _deg_body,
        out_type=jax.ShapeDtypeStruct((NCORES * NPAD, HID), jnp.float32),
        mesh=mesh,
        scratch_types=[
            pltpu.VMEM((CHUNK,), jnp.int32),
            pltpu.VMEM((CHUNK, HID), jnp.float32),
            pltpu.VMEM_SHARED((NPAD, HID), jnp.float32),
        ],
    )
    scat_k = pl.kernel(
        _edge_scatter_body,
        out_type=jax.ShapeDtypeStruct((NCORES * NPAD, HID), jnp.float32),
        mesh=mesh,
        scratch_types=[
            pltpu.VMEM((NCH * CHUNK,), jnp.int32),
            pltpu.VMEM((CHUNK,), jnp.int32),
            pltpu.VMEM((CHUNK,), jnp.int32),
            pltpu.VMEM((CHUNK, HID), jnp.float32),
            pltpu.VMEM((CHUNK, HID), jnp.float32),
            pltpu.VMEM_SHARED((NPAD, HID), jnp.float32),
            pltpu.SemaphoreType.DMA,
            pltpu.SemaphoreType.DMA,
            pltpu.SemaphoreType.DMA,
            pltpu.SemaphoreType.DMA,
            pltpu.SemaphoreType.DMA,
            pltpu.SemaphoreType.DMA,
        ],
    )
    return deg_k, scat_k


def _dinv_block(deg_ref):
    d = deg_ref[0, :, 0:1] + deg_ref[1, :, 0:1] + 1.0
    return lax.rsqrt(d)


def _k1_body(x_ref, w_ref, deg_ref, y_ref):
    xw = jnp.dot(x_ref[...], w_ref[...], preferred_element_type=jnp.float32)
    y_ref[...] = _dinv_block(deg_ref) * xw


def _k2_body(z_ref, y_ref, deg_ref, b_ref, w_ref, o_ref):
    dinv = _dinv_block(deg_ref)
    agg = z_ref[0] + z_ref[1] + y_ref[...]
    h = jnp.maximum(dinv * agg + b_ref[...], 0.0)
    o_ref[...] = dinv * jnp.dot(h, w_ref[...], preferred_element_type=jnp.float32)


def _k3_body(z_ref, y_ref, deg_ref, b_ref, wih_ref, bg_ref, o_ref):
    dinv = _dinv_block(deg_ref)
    agg = z_ref[0] + z_ref[1] + y_ref[...]
    h = jnp.maximum(dinv * agg + b_ref[...], 0.0)
    o_ref[...] = (
        jnp.dot(h, wih_ref[...], preferred_element_type=jnp.float32) + bg_ref[...]
    )


def _lstm_body(ig_ref, whh_ref, wl_ref, bl_ref, o_ref, h_ref, c_ref, hs_ref):
    @pl.when(pl.program_id(0) == 0)
    def _():
        h_ref[...] = jnp.zeros_like(h_ref)
        c_ref[...] = jnp.zeros_like(c_ref)

    whh = whh_ref[...]

    def _step(t, carry):
        h, cc = carry
        gates = ig_ref[pl.ds(t, 1), :] + jnp.dot(
            h.astype(jnp.bfloat16), whh, preferred_element_type=jnp.float32
        )
        i = jax.nn.sigmoid(gates[:, 0:HID])
        f = jax.nn.sigmoid(gates[:, HID : 2 * HID])
        g = jnp.tanh(gates[:, 2 * HID : 3 * HID])
        o = jax.nn.sigmoid(gates[:, 3 * HID : 4 * HID])
        cc = f * cc + i * g
        h = o * jnp.tanh(cc)
        hs_ref[pl.ds(t, 1), :] = h
        return (h, cc)

    h, cc = lax.fori_loop(0, LSTM_BLK, _step, (h_ref[...], c_ref[...]))
    h_ref[...] = h
    c_ref[...] = cc
    o_ref[...] = (
        jnp.dot(hs_ref[...], wl_ref[...], preferred_element_type=jnp.float32)
        + bl_ref[...]
    )


def _make_tc_calls():
    nb = NPAD // BM
    k1 = pl.pallas_call(
        _k1_body,
        grid=(nb,),
        in_specs=[
            pl.BlockSpec((BM, IN_C), lambda i: (i, 0)),
            pl.BlockSpec((IN_C, HID), lambda i: (0, 0)),
            pl.BlockSpec((NCORES, BM, HID), lambda i: (0, i, 0)),
        ],
        out_specs=pl.BlockSpec((BM, HID), lambda i: (i, 0)),
        out_shape=jax.ShapeDtypeStruct((NPAD, HID), jnp.float32),
    )
    k2 = pl.pallas_call(
        _k2_body,
        grid=(nb,),
        in_specs=[
            pl.BlockSpec((NCORES, BM, HID), lambda i: (0, i, 0)),
            pl.BlockSpec((BM, HID), lambda i: (i, 0)),
            pl.BlockSpec((NCORES, BM, HID), lambda i: (0, i, 0)),
            pl.BlockSpec((1, HID), lambda i: (0, 0)),
            pl.BlockSpec((HID, HID), lambda i: (0, 0)),
        ],
        out_specs=pl.BlockSpec((BM, HID), lambda i: (i, 0)),
        out_shape=jax.ShapeDtypeStruct((NPAD, HID), jnp.float32),
    )
    k3 = pl.pallas_call(
        _k3_body,
        grid=(nb,),
        in_specs=[
            pl.BlockSpec((NCORES, BM, HID), lambda i: (0, i, 0)),
            pl.BlockSpec((BM, HID), lambda i: (i, 0)),
            pl.BlockSpec((NCORES, BM, HID), lambda i: (0, i, 0)),
            pl.BlockSpec((1, HID), lambda i: (0, 0)),
            pl.BlockSpec((HID, 4 * HID), lambda i: (0, 0)),
            pl.BlockSpec((1, 4 * HID), lambda i: (0, 0)),
        ],
        out_specs=pl.BlockSpec((BM, 4 * HID), lambda i: (i, 0)),
        out_shape=jax.ShapeDtypeStruct((NPAD, 4 * HID), jnp.float32),
    )
    lstm = pl.pallas_call(
        _lstm_body,
        grid=(N // LSTM_BLK,),
        in_specs=[
            pl.BlockSpec((LSTM_BLK, 4 * HID), lambda i: (i, 0)),
            pl.BlockSpec((HID, 4 * HID), lambda i: (0, 0)),
            pl.BlockSpec((HID, OUT_C), lambda i: (0, 0)),
            pl.BlockSpec((1, OUT_C), lambda i: (0, 0)),
        ],
        out_specs=pl.BlockSpec((LSTM_BLK, OUT_C), lambda i: (i, 0)),
        out_shape=jax.ShapeDtypeStruct((N, OUT_C), jnp.float32),
        scratch_shapes=[
            pltpu.VMEM((1, HID), jnp.float32),
            pltpu.VMEM((1, HID), jnp.float32),
            pltpu.VMEM((LSTM_BLK, HID), jnp.float32),
        ],
    )
    return k1, k2, k3, lstm


_K1, _K2, _K3, _LSTM = _make_tc_calls()


def kernel(x, edge_index, batch, W1, b1, W2, b2, W_ih, W_hh, b_ih, b_hh, Wl, bl):
    del batch
    pad_e = EPAD - E
    fill = DUMMY + (jnp.arange(pad_e, dtype=jnp.int32) % (NPAD - DUMMY))
    src = jnp.concatenate([edge_index[0], fill])
    dst = jnp.concatenate([edge_index[1], fill])
    x_p = jnp.pad(x, ((0, NPAD - N), (0, 0)))

    deg_k, scat_k = _get_sc_kernels()
    degp = deg_k(dst).reshape(NCORES, NPAD, HID)

    y1 = _K1(x_p, W1, degp)
    z1 = scat_k(src, dst, y1).reshape(NCORES, NPAD, HID)
    y2 = _K2(z1, y1, degp, b1.reshape(1, HID), W2)
    z2 = scat_k(src, dst, y2).reshape(NCORES, NPAD, HID)
    ig = _K3(
        z2, y2, degp, b2.reshape(1, HID),
        W_ih.T, (b_ih + b_hh).reshape(1, 4 * HID),
    )
    out = _LSTM(ig, W_hh.T.astype(jnp.bfloat16), Wl, bl.reshape(1, OUT_C))
    return out

# --- scband reference (transcript-rebuilt; emitter-appended) ---
"""Pipeline reference for scband-stgcn-31894427140601 (READ-ONLY COPY).

The authoritative reference and input builder live on the scoring server;
editing this copy changes nothing except your own understanding.
"""

import jax, jax.numpy as jnp
import numpy as np

N_NODES = 10000
N_EDGES = 320000
IN_C = 128
HID = 128
OUT_C = 64


def gcn_conv(x, edge_index, W, b):
    # Faithful to PyG GCNConv: add self-loops, symmetric normalization, scatter-add aggregation.
    n = x.shape[0]
    loop = jnp.arange(n, dtype=edge_index.dtype)
    src = jnp.concatenate([edge_index[0], loop])
    dst = jnp.concatenate([edge_index[1], loop])
    deg = jnp.zeros((n,), x.dtype).at[dst].add(1.0)
    deg_inv_sqrt = jnp.where(deg > 0, deg ** -0.5, 0.0)
    norm = deg_inv_sqrt[src] * deg_inv_sqrt[dst]
    xw = x @ W
    msg = norm[:, None] * xw[src]
    out = jnp.zeros((n, W.shape[1]), x.dtype).at[dst].add(msg)
    return out + b


def lstm_forward(seq, W_ih, W_hh, b_ih, b_hh):
    # PyTorch nn.LSTM (single layer, batch=1): gate order i, f, g, o.
    H = W_hh.shape[1]

    def step(carry, x_t):
        h, c = carry
        gates = x_t @ W_ih.T + b_ih + h @ W_hh.T + b_hh
        i, f, g, o = jnp.split(gates, 4)
        i = jax.nn.sigmoid(i)
        f = jax.nn.sigmoid(f)
        g = jnp.tanh(g)
        o = jax.nn.sigmoid(o)
        c_new = f * c + i * g
        h_new = o * jnp.tanh(c_new)
        return (h_new, c_new), h_new

    init = (jnp.zeros((H,), seq.dtype), jnp.zeros((H,), seq.dtype))
    _, hs = jax.lax.scan(step, init, seq)
    return hs


def setup_inputs(seed: int = 0):
    key = jax.random.key(seed)
    ks = jax.random.split(key, 13)
    x = jax.random.normal(ks[0], (N_NODES, IN_C), dtype=jnp.float32)
    edge_index = jax.random.randint(ks[1], (2, N_EDGES), 0, N_NODES, dtype=jnp.int32)
    batch = jnp.zeros((N_NODES,), dtype=jnp.int32)
    s = 0.05
    W1 = jax.random.normal(ks[2], (IN_C, HID), jnp.float32) * s
    b1 = jax.random.normal(ks[3], (HID,), jnp.float32) * s
    W2 = jax.random.normal(ks[4], (HID, HID), jnp.float32) * s
    b2 = jax.random.normal(ks[5], (HID,), jnp.float32) * s
    W_ih = jax.random.normal(ks[6], (4 * HID, HID), jnp.float32) * s
    W_hh = jax.random.normal(ks[7], (4 * HID, HID), jnp.float32) * s
    b_ih = jax.random.normal(ks[8], (4 * HID,), jnp.float32) * s
    b_hh = jax.random.normal(ks[9], (4 * HID,), jnp.float32) * s
    Wl = jax.random.normal(ks[10], (HID, OUT_C), jnp.float32) * s
    bl = jax.random.normal(ks[11], (OUT_C,), jnp.float32) * s
    return {"x": x, "edge_index": edge_index, "batch": batch,
            "W1": W1, "b1": b1, "W2": W2, "b2": b2,
            "W_ih": W_ih, "W_hh": W_hh, "b_ih": b_ih, "b_hh": b_hh,
            "Wl": Wl, "bl": bl}


def reference(x, edge_index, batch, W1, b1, W2, b2, W_ih, W_hh, b_ih, b_hh, Wl, bl):
    h = jax.nn.relu(gcn_conv(x, edge_index, W1, b1))
    h = jax.nn.relu(gcn_conv(h, edge_index, W2, b2))
    hs = lstm_forward(h, W_ih, W_hh, b_ih, b_hh)  # LSTM over seq of length N (batch 1)
    return hs @ Wl + bl

if __name__ == "__main__":
    import jax
    _d = setup_inputs()
    print(jax.jit(kernel)(*tuple(_d.values())))

</pallas_src>

<mosaic_0001>
#map = affine_map<(d0, d1) -> (0)>
#map1 = affine_map<(d0, d1) -> (0, 0)>
module attributes {stable_mosaic.version = 14 : i64} {
  func.func @_edge_scatter_body(%arg0: i32, %arg1: i32, %arg2: memref<323584xi32, #tpu.memory_space<hbm>>, %arg3: memref<323584xi32, #tpu.memory_space<hbm>>, %arg4: memref<10240x128xf32, #tpu.memory_space<hbm>>, %arg5: memref<20480x128xf32, #tpu.memory_space<hbm>>, %arg6: memref<10112xi32, #tpu.memory_space<vmem>>, %arg7: memref<64xi32, #tpu.memory_space<vmem>>, %arg8: memref<64xi32, #tpu.memory_space<vmem>>, %arg9: memref<64x128xf32, #tpu.memory_space<vmem>>, %arg10: memref<64x128xf32, #tpu.memory_space<vmem>>, %arg11: memref<10240x128xf32, #tpu.memory_space<vmem_shared>>, %arg12: memref<!tpu.dma_semaphore, #tpu.memory_space<semaphore_mem>>, %arg13: memref<!tpu.dma_semaphore, #tpu.memory_space<semaphore_mem>>, %arg14: memref<!tpu.dma_semaphore, #tpu.memory_space<semaphore_mem>>, %arg15: memref<!tpu.dma_semaphore, #tpu.memory_space<semaphore_mem>>, %arg16: memref<!tpu.dma_semaphore, #tpu.memory_space<semaphore_mem>>, %arg17: memref<!tpu.dma_semaphore, #tpu.memory_space<semaphore_mem>>) attributes {dimension_semantics = [#tpu.dimension_semantics<core_parallel>, #tpu.dimension_semantics<subcore_parallel>], iteration_bounds = array<i64: 2, 16>, scalar_prefetch = 0 : i64, scratch_operands = 12 : i64, tpu.core_type = #tpu.core_type<sc_vector_subcore>, window_params = [{transform_indices = #map}, {transform_indices = #map}, {transform_indices = #map1}, {transform_indices = #map1}]} {
    %mul3A = arith.constant 16 : i32
    %mul3A_0 = arith.muli %arg0, %mul3A : i32
    %add3A = arith.addi %mul3A_0, %arg1 : i32
    %mul3A_1 = arith.constant 158 : i32
    %mul3A_2 = arith.muli %add3A, %mul3A_1 : i32
    %mul3A_3 = arith.constant 64 : i32
    %mul3A_4 = arith.muli %mul3A_2, %mul3A_3 : i32
    "tpu.region"() ({
      %run_scoped3A = tpu.sem_alloc : memref<!tpu.dma_semaphore, #tpu.memory_space<semaphore_mem>>
      %dma_start3A_143 = tpu.memref_slice %arg2[%mul3A_4] : memref<323584xi32, #tpu.memory_space<hbm>> -> memref<10112xi32, #tpu.memory_space<hbm>>
      %dma_start3A_144 = tpu.memref_slice %arg2[%mul3A_4] : memref<323584xi32, #tpu.memory_space<hbm>> -> memref<10112xi32, #tpu.memory_space<hbm>>
      tpu.enqueue_dma source(%dma_start3A_144 : memref<10112xi32, #tpu.memory_space<hbm>>) target(%arg6 : memref<10112xi32, #tpu.memory_space<vmem>>) target_semaphore(%run_scoped3A : memref<!tpu.dma_semaphore, #tpu.memory_space<semaphore_mem>>)
      %dma_wait3A_145 = tpu.memref_slice %arg2[%mul3A_4] : memref<323584xi32, #tpu.memory_space<hbm>> -> memref<10112xi32, #tpu.memory_space<hbm>>
      %dma_wait3A_146 = tpu.memref_slice %arg2[%mul3A_4] : memref<323584xi32, #tpu.memory_space<hbm>> -> memref<10112xi32, #tpu.memory_space<hbm>>
      tpu.wait_dma2 semaphore(%run_scoped3A : memref<!tpu.dma_semaphore, #tpu.memory_space<semaphore_mem>>) src(%dma_wait3A_146 : memref<10112xi32, #tpu.memory_space<hbm>>) dst(%arg6 : memref<10112xi32, #tpu.memory_space<vmem>>)
      tpu.yield
    }) : () -> ()
    %scan3A = arith.constant 0 : i32
    %scan3A_5 = arith.constant 0 : i32
    %scan3A_6 = arith.constant 64 : i32
    %scan3A_7 = arith.addi %scan3A_5, %scan3A_6 : i32
    %scan3A_8 = arith.constant 1 : i32
    %scan3A_9 = scf.for %scan3A_143 = %scan3A_5 to %scan3A_7 step %scan3A_8 iter_args(%scan3A_144 = %scan3A) -> (i32)  : i32 {
      %scan3A_145 = arith.constant 0 : i32
      %scan3A_146 = arith.constant 0 : i32
      %scan3A_147 = arith.constant 8 : i32
      %scan3A_148 = arith.addi %scan3A_146, %scan3A_147 : i32
      %scan3A_149 = arith.constant 1 : i32
      %scan3A_150 = scf.for %scan3A_153 = %scan3A_146 to %scan3A_148 step %scan3A_149 iter_args(%scan3A_154 = %scan3A_145) -> (i32)  : i32 {
        %broadcast_in_dim3A = arith.constant 0.000000e+00 : f32
        %broadcast_in_dim3A_155 = vector.broadcast %broadcast_in_dim3A : f32 to vector<16xf32>
        %mul3A_156 = arith.constant 16 : i32
        %mul3A_157 = arith.muli %scan3A_153, %mul3A_156 : i32
        %swap3A = arith.index_cast %scan3A_143 : i32 to index
        %swap3A_158 = arith.index_cast %mul3A_157 : i32 to index
        %swap3A_159 = tpu.vector_load %arg9[%swap3A, %swap3A_158] {strides = array<i32>} : memref<64x128xf32, #tpu.memory_space<vmem>>, vector<1x16xf32>,
        %swap3A_160 = vector.shape_cast %swap3A_159 : vector<1x16xf32> to vector<16xf32>
        %swap3A_161 = vector.shape_cast %broadcast_in_dim3A_155 : vector<16xf32> to vector<1x16xf32>
        tpu.vector_store %arg9[%swap3A, %swap3A_158], %swap3A_161 {strides = array<i32>} : memref<64x128xf32, #tpu.memory_space<vmem>>, vector<1x16xf32>,
        %scan3A_162 = arith.constant 0 : i32
        scf.yield %scan3A_162 : i32
      }
      %scan3A_151 = arith.constant 8 : i32
      %scan3A_152 = arith.constant 0 : i32
      scf.yield %scan3A_152 : i32
    }
    %scan3A_10 = arith.constant 64 : i32
    %mul3A_11 = arith.constant 640 : i32
    %mul3A_12 = arith.muli %arg1, %mul3A_11 : i32
    %add3A_13 = arith.constant 0 : i32
    %add3A_14 = arith.addi %mul3A_12, %add3A_13 : i32
    "tpu.region"() ({
      %run_scoped3A = tpu.sem_alloc : memref<!tpu.dma_semaphore, #tpu.memory_space<semaphore_mem>>
      %dma_start3A_143 = arith.constant 0 : i32
      %dma_start3A_144 = tpu.memref_slice %arg11[%add3A_14, %dma_start3A_143] : memref<10240x128xf32, #tpu.memory_space<vmem_shared>> -> memref<64x128xf32, #tpu.memory_space<vmem_shared>>
      %dma_start3A_145 = arith.constant 0 : i32
      %dma_start3A_146 = tpu.memref_slice %arg11[%add3A_14, %dma_start3A_145] : memref<10240x128xf32, #tpu.memory_space<vmem_shared>> -> memref<64x128xf32, #tpu.memory_space<vmem_shared>>
      tpu.enqueue_dma source(%arg9 : memref<64x128xf32, #tpu.memory_space<vmem>>) target(%dma_start3A_146 : memref<64x128xf32, #tpu.memory_space<vmem_shared>>) target_semaphore(%run_scoped3A : memref<!tpu.dma_semaphore, #tpu.memory_space<semaphore_mem>>)
      %dma_wait3A_147 = arith.constant 0 : i32
      %dma_wait3A_148 = tpu.memref_slice %arg11[%add3A_14, %dma_wait3A_147] : memref<10240x128xf32, #tpu.memory_space<vmem_shared>> -> memref<64x128xf32, #tpu.memory_space<vmem_shared>>
      %dma_wait3A_149 = arith.constant 0 : i32
      %dma_wait3A_150 = tpu.memref_slice %arg11[%add3A_14, %dma_wait3A_149] : memref<10240x128xf32, #tpu.memory_space<vmem_shared>> -> memref<64x128xf32, #tpu.memory_space<vmem_shared>>
      tpu.wait_dma2 semaphore(%run_scoped3A : memref<!tpu.dma_semaphore, #tpu.memory_space<semaphore_mem>>) src(%arg9 : memref<64x128xf32, #tpu.memory_space<vmem>>) dst(%dma_wait3A_150 : memref<64x128xf32, #tpu.memory_space<vmem_shared>>)
      tpu.yield
    }) : () -> ()
    %mul3A_15 = arith.constant 640 : i32
    %mul3A_16 = arith.muli %arg1, %mul3A_15 : i32
    %add3A_17 = arith.constant 64 : i32
    %add3A_18 = arith.addi %mul3A_16, %add3A_17 : i32
    "tpu.region"() ({
      %run_scoped3A = tpu.sem_alloc : memref<!tpu.dma_semaphore, #tpu.memory_space<semaphore_mem>>
      %dma_start3A_143 = arith.constant 0 : i32
      %dma_start3A_144 = tpu.memref_slice %arg11[%add3A_18, %dma_start3A_143] : memref<10240x128xf32, #tpu.memory_space<vmem_shared>> -> memref<64x128xf32, #tpu.memory_space<vmem_shared>>
      %dma_start3A_145 = arith.constant 0 : i32
      %dma_start3A_146 = tpu.memref_slice %arg11[%add3A_18, %dma_start3A_145] : memref<10240x128xf32, #tpu.memory_space<vmem_shared>> -> memref<64x128xf32, #tpu.memory_space<vmem_shared>>
      tpu.enqueue_dma source(%arg9 : memref<64x128xf32, #tpu.memory_space<vmem>>) target(%dma_start3A_146 : memref<64x128xf32, #tpu.memory_space<vmem_shared>>) target_semaphore(%run_scoped3A : memref<!tpu.dma_semaphore, #tpu.memory_space<semaphore_mem>>)
      %dma_wait3A_147 = arith.constant 0 : i32
      %dma_wait3A_148 = tpu.memref_slice %arg11[%add3A_18, %dma_wait3A_147] : memref<10240x128xf32, #tpu.memory_space<vmem_shared>> -> memref<64x128xf32, #tpu.memory_space<vmem_shared>>
      %dma_wait3A_149 = arith.constant 0 : i32
      %dma_wait3A_150 = tpu.memref_slice %arg11[%add3A_18, %dma_wait3A_149] : memref<10240x128xf32, #tpu.memory_space<vmem_shared>> -> memref<64x128xf32, #tpu.memory_space<vmem_shared>>
      tpu.wait_dma2 semaphore(%run_scoped3A : memref<!tpu.dma_semaphore, #tpu.memory_space<semaphore_mem>>) src(%arg9 : memref<64x128xf32, #tpu.memory_space<vmem>>) dst(%dma_wait3A_150 : memref<64x128xf32, #tpu.memory_space<vmem_shared>>)
      tpu.yield
    }) : () -> ()
    %mul3A_19 = arith.constant 640 : i32
    %mul3A_20 = arith.muli %arg1, %mul3A_19 : i32
    %add3A_21 = arith.constant 128 : i32
    %add3A_22 = arith.addi %mul3A_20, %add3A_21 : i32
    "tpu.region"() ({
      %run_scoped3A = tpu.sem_alloc : memref<!tpu.dma_semaphore, #tpu.memory_space<semaphore_mem>>
      %dma_start3A_143 = arith.constant 0 : i32
      %dma_start3A_144 = tpu.memref_slice %arg11[%add3A_22, %dma_start3A_143] : memref<10240x128xf32, #tpu.memory_space<vmem_shared>> -> memref<64x128xf32, #tpu.memory_space<vmem_shared>>
      %dma_start3A_145 = arith.constant 0 : i32
      %dma_start3A_146 = tpu.memref_slice %arg11[%add3A_22, %dma_start3A_145] : memref<10240x128xf32, #tpu.memory_space<vmem_shared>> -> memref<64x128xf32, #tpu.memory_space<vmem_shared>>
      tpu.enqueue_dma source(%arg9 : memref<64x128xf32, #tpu.memory_space<vmem>>) target(%dma_start3A_146 : memref<64x128xf32, #tpu.memory_space<vmem_shared>>) target_semaphore(%run_scoped3A : memref<!tpu.dma_semaphore, #tpu.memory_space<semaphore_mem>>)
      %dma_wait3A_147 = arith.constant 0 : i32
      %dma_wait3A_148 = tpu.memref_slice %arg11[%add3A_22, %dma_wait3A_147] : memref<10240x128xf32, #tpu.memory_space<vmem_shared>> -> memref<64x128xf32, #tpu.memory_space<vmem_shared>>
      %dma_wait3A_149 = arith.constant 0 : i32
      %dma_wait3A_150 = tpu.memref_slice %arg11[%add3A_22, %dma_wait3A_149] : memref<10240x128xf32, #tpu.memory_space<vmem_shared>> -> memref<64x128xf32, #tpu.memory_space<vmem_shared>>
      tpu.wait_dma2 semaphore(%run_scoped3A : memref<!tpu.dma_semaphore, #tpu.memory_space<semaphore_mem>>) src(%arg9 : memref<64x128xf32, #tpu.memory_space<vmem>>) dst(%dma_wait3A_150 : memref<64x128xf32, #tpu.memory_space<vmem_shared>>)
      tpu.yield
    }) : () -> ()
    %mul3A_23 = arith.constant 640 : i32
    %mul3A_24 = arith.muli %arg1, %mul3A_23 : i32
    %add3A_25 = arith.constant 192 : i32
    %add3A_26 = arith.addi %mul3A_24, %add3A_25 : i32
    "tpu.region"() ({
      %run_scoped3A = tpu.sem_alloc : memref<!tpu.dma_semaphore, #tpu.memory_space<semaphore_mem>>
      %dma_start3A_143 = arith.constant 0 : i32
      %dma_start3A_144 = tpu.memref_slice %arg11[%add3A_26, %dma_start3A_143] : memref<10240x128xf32, #tpu.memory_space<vmem_shared>> -> memref<64x128xf32, #tpu.memory_space<vmem_shared>>
      %dma_start3A_145 = arith.constant 0 : i32
      %dma_start3A_146 = tpu.memref_slice %arg11[%add3A_26, %dma_start3A_145] : memref<10240x128xf32, #tpu.memory_space<vmem_shared>> -> memref<64x128xf32, #tpu.memory_space<vmem_shared>>
      tpu.enqueue_dma source(%arg9 : memref<64x128xf32, #tpu.memory_space<vmem>>) target(%dma_start3A_146 : memref<64x128xf32, #tpu.memory_space<vmem_shared>>) target_semaphore(%run_scoped3A : memref<!tpu.dma_semaphore, #tpu.memory_space<semaphore_mem>>)
      %dma_wait3A_147 = arith.constant 0 : i32
      %dma_wait3A_148 = tpu.memref_slice %arg11[%add3A_26, %dma_wait3A_147] : memref<10240x128xf32, #tpu.memory_space<vmem_shared>> -> memref<64x128xf32, #tpu.memory_space<vmem_shared>>
      %dma_wait3A_149 = arith.constant 0 : i32
      %dma_wait3A_150 = tpu.memref_slice %arg11[%add3A_26, %dma_wait3A_149] : memref<10240x128xf32, #tpu.memory_space<vmem_shared>> -> memref<64x128xf32, #tpu.memory_space<vmem_shared>>
      tpu.wait_dma2 semaphore(%run_scoped3A : memref<!tpu.dma_semaphore, #tpu.memory_space<semaphore_mem>>) src(%arg9 : memref<64x128xf32, #tpu.memory_space<vmem>>) dst(%dma_wait3A_150 : memref<64x128xf32, #tpu.memory_space<vmem_shared>>)
      tpu.yield
    }) : () -> ()
    %mul3A_27 = arith.constant 640 : i32
    %mul3A_28 = arith.muli %arg1, %mul3A_27 : i32
    %add3A_29 = arith.constant 256 : i32
    %add3A_30 = arith.addi %mul3A_28, %add3A_29 : i32
    "tpu.region"() ({
      %run_scoped3A = tpu.sem_alloc : memref<!tpu.dma_semaphore, #tpu.memory_space<semaphore_mem>>
      %dma_start3A_143 = arith.constant 0 : i32
      %dma_start3A_144 = tpu.memref_slice %arg11[%add3A_30, %dma_start3A_143] : memref<10240x128xf32, #tpu.memory_space<vmem_shared>> -> memref<64x128xf32, #tpu.memory_space<vmem_shared>>
      %dma_start3A_145 = arith.constant 0 : i32
      %dma_start3A_146 = tpu.memref_slice %arg11[%add3A_30, %dma_start3A_145] : memref<10240x128xf32, #tpu.memory_space<vmem_shared>> -> memref<64x128xf32, #tpu.memory_space<vmem_shared>>
      tpu.enqueue_dma source(%arg9 : memref<64x128xf32, #tpu.memory_space<vmem>>) target(%dma_start3A_146 : memref<64x128xf32, #tpu.memory_space<vmem_shared>>) target_semaphore(%run_scoped3A : memref<!tpu.dma_semaphore, #tpu.memory_space<semaphore_mem>>)
      %dma_wait3A_147 = arith.constant 0 : i32
      %dma_wait3A_148 = tpu.memref_slice %arg11[%add3A_30, %dma_wait3A_147] : memref<10240x128xf32, #tpu.memory_space<vmem_shared>> -> memref<64x128xf32, #tpu.memory_space<vmem_shared>>
      %dma_wait3A_149 = arith.constant 0 : i32
      %dma_wait3A_150 = tpu.memref_slice %arg11[%add3A_30, %dma_wait3A_149] : memref<10240x128xf32, #tpu.memory_space<vmem_shared>> -> memref<64x128xf32, #tpu.memory_space<vmem_shared>>
      tpu.wait_dma2 semaphore(%run_scoped3A : memref<!tpu.dma_semaphore, #tpu.memory_space<semaphore_mem>>) src(%arg9 : memref<64x128xf32, #tpu.memory_space<vmem>>) dst(%dma_wait3A_150 : memref<64x128xf32, #tpu.memory_space<vmem_shared>>)
      tpu.yield
    }) : () -> ()
    %mul3A_31 = arith.constant 640 : i32
    %mul3A_32 = arith.muli %arg1, %mul3A_31 : i32
    %add3A_33 = arith.constant 320 : i32
    %add3A_34 = arith.addi %mul3A_32, %add3A_33 : i32
    "tpu.region"() ({
      %run_scoped3A = tpu.sem_alloc : memref<!tpu.dma_semaphore, #tpu.memory_space<semaphore_mem>>
      %dma_start3A_143 = arith.constant 0 : i32
      %dma_start3A_144 = tpu.memref_slice %arg11[%add3A_34, %dma_start3A_143] : memref<10240x128xf32, #tpu.memory_space<vmem_shared>> -> memref<64x128xf32, #tpu.memory_space<vmem_shared>>
      %dma_start3A_145 = arith.constant 0 : i32
      %dma_start3A_146 = tpu.memref_slice %arg11[%add3A_34, %dma_start3A_145] : memref<10240x128xf32, #tpu.memory_space<vmem_shared>> -> memref<64x128xf32, #tpu.memory_space<vmem_shared>>
      tpu.enqueue_dma source(%arg9 : memref<64x128xf32, #tpu.memory_space<vmem>>) target(%dma_start3A_146 : memref<64x128xf32, #tpu.memory_space<vmem_shared>>) target_semaphore(%run_scoped3A : memref<!tpu.dma_semaphore, #tpu.memory_space<semaphore_mem>>)
      %dma_wait3A_147 = arith.constant 0 : i32
      %dma_wait3A_148 = tpu.memref_slice %arg11[%add3A_34, %dma_wait3A_147] : memref<10240x128xf32, #tpu.memory_space<vmem_shared>> -> memref<64x128xf32, #tpu.memory_space<vmem_shared>>
      %dma_wait3A_149 = arith.constant 0 : i32
      %dma_wait3A_150 = tpu.memref_slice %arg11[%add3A_34, %dma_wait3A_149] : memref<10240x128xf32, #tpu.memory_space<vmem_shared>> -> memref<64x128xf32, #tpu.memory_space<vmem_shared>>
      tpu.wait_dma2 semaphore(%run_scoped3A : memref<!tpu.dma_semaphore, #tpu.memory_space<semaphore_mem>>) src(%arg9 : memref<64x128xf32, #tpu.memory_space<vmem>>) dst(%dma_wait3A_150 : memref<64x128xf32, #tpu.memory_space<vmem_shared>>)
      tpu.yield
    }) : () -> ()
    %mul3A_35 = arith.constant 640 : i32
    %mul3A_36 = arith.muli %arg1, %mul3A_35 : i32
    %add3A_37 = arith.constant 384 : i32
    %add3A_38 = arith.addi %mul3A_36, %add3A_37 : i32
    "tpu.region"() ({
      %run_scoped3A = tpu.sem_alloc : memref<!tpu.dma_semaphore, #tpu.memory_space<semaphore_mem>>
      %dma_start3A_143 = arith.constant 0 : i32
      %dma_start3A_144 = tpu.memref_slice %arg11[%add3A_38, %dma_start3A_143] : memref<10240x128xf32, #tpu.memory_space<vmem_shared>> -> memref<64x128xf32, #tpu.memory_space<vmem_shared>>
      %dma_start3A_145 = arith.constant 0 : i32
      %dma_start3A_146 = tpu.memref_slice %arg11[%add3A_38, %dma_start3A_145] : memref<10240x128xf32, #tpu.memory_space<vmem_shared>> -> memref<64x128xf32, #tpu.memory_space<vmem_shared>>
      tpu.enqueue_dma source(%arg9 : memref<64x128xf32, #tpu.memory_space<vmem>>) target(%dma_start3A_146 : memref<64x128xf32, #tpu.memory_space<vmem_shared>>) target_semaphore(%run_scoped3A : memref<!tpu.dma_semaphore, #tpu.memory_space<semaphore_mem>>)
      %dma_wait3A_147 = arith.constant 0 : i32
      %dma_wait3A_148 = tpu.memref_slice %arg11[%add3A_38, %dma_wait3A_147] : memref<10240x128xf32, #tpu.memory_space<vmem_shared>> -> memref<64x128xf32, #tpu.memory_space<vmem_shared>>
      %dma_wait3A_149 = arith.constant 0 : i32
      %dma_wait3A_150 = tpu.memref_slice %arg11[%add3A_38, %dma_wait3A_149] : memref<10240x128xf32, #tpu.memory_space<vmem_shared>> -> memref<64x128xf32, #tpu.memory_space<vmem_shared>>
      tpu.wait_dma2 semaphore(%run_scoped3A : memref<!tpu.dma_semaphore, #tpu.memory_space<semaphore_mem>>) src(%arg9 : memref<64x128xf32, #tpu.memory_space<vmem>>) dst(%dma_wait3A_150 : memref<64x128xf32, #tpu.memory_space<vmem_shared>>)
      tpu.yield
    }) : () -> ()
    %mul3A_39 = arith.constant 640 : i32
    %mul3A_40 = arith.muli %arg1, %mul3A_39 : i32
    %add3A_41 = arith.constant 448 : i32
    %add3A_42 = arith.addi %mul3A_40, %add3A_41 : i32
    "tpu.region"() ({
      %run_scoped3A = tpu.sem_alloc : memref<!tpu.dma_semaphore, #tpu.memory_space<semaphore_mem>>
      %dma_start3A_143 = arith.constant 0 : i32
      %dma_start3A_144 = tpu.memref_slice %arg11[%add3A_42, %dma_start3A_143] : memref<10240x128xf32, #tpu.memory_space<vmem_shared>> -> memref<64x128xf32, #tpu.memory_space<vmem_shared>>
      %dma_start3A_145 = arith.constant 0 : i32
      %dma_start3A_146 = tpu.memref_slice %arg11[%add3A_42, %dma_start3A_145] : memref<10240x128xf32, #tpu.memory_space<vmem_shared>> -> memref<64x128xf32, #tpu.memory_space<vmem_shared>>
      tpu.enqueue_dma source(%arg9 : memref<64x128xf32, #tpu.memory_space<vmem>>) target(%dma_start3A_146 : memref<64x128xf32, #tpu.memory_space<vmem_shared>>) target_semaphore(%run_scoped3A : memref<!tpu.dma_semaphore, #tpu.memory_space<semaphore_mem>>)
      %dma_wait3A_147 = arith.constant 0 : i32
      %dma_wait3A_148 = tpu.memref_slice %arg11[%add3A_42, %dma_wait3A_147] : memref<10240x128xf32, #tpu.memory_space<vmem_shared>> -> memref<64x128xf32, #tpu.memory_space<vmem_shared>>
      %dma_wait3A_149 = arith.constant 0 : i32
      %dma_wait3A_150 = tpu.memref_slice %arg11[%add3A_42, %dma_wait3A_149] : memref<10240x128xf32, #tpu.memory_space<vmem_shared>> -> memref<64x128xf32, #tpu.memory_space<vmem_shared>>
      tpu.wait_dma2 semaphore(%run_scoped3A : memref<!tpu.dma_semaphore, #tpu.memory_space<semaphore_mem>>) src(%arg9 : memref<64x128xf32, #tpu.memory_space<vmem>>) dst(%dma_wait3A_150 : memref<64x128xf32, #tpu.memory_space<vmem_shared>>)
      tpu.yield
    }) : () -> ()
    %mul3A_43 = arith.constant 640 : i32
    %mul3A_44 = arith.muli %arg1, %mul3A_43 : i32
    %add3A_45 = arith.constant 512 : i32
    %add3A_46 = arith.addi %mul3A_44, %add3A_45 : i32
    "tpu.region"() ({
      %run_scoped3A = tpu.sem_alloc : memref<!tpu.dma_semaphore, #tpu.memory_space<semaphore_mem>>
      %dma_start3A_143 = arith.constant 0 : i32
      %dma_start3A_144 = tpu.memref_slice %arg11[%add3A_46, %dma_start3A_143] : memref<10240x128xf32, #tpu.memory_space<vmem_shared>> -> memref<64x128xf32, #tpu.memory_space<vmem_shared>>
      %dma_start3A_145 = arith.constant 0 : i32
      %dma_start3A_146 = tpu.memref_slice %arg11[%add3A_46, %dma_start3A_145] : memref<10240x128xf32, #tpu.memory_space<vmem_shared>> -> memref<64x128xf32, #tpu.memory_space<vmem_shared>>
      tpu.enqueue_dma source(%arg9 : memref<64x128xf32, #tpu.memory_space<vmem>>) target(%dma_start3A_146 : memref<64x128xf32, #tpu.memory_space<vmem_shared>>) target_semaphore(%run_scoped3A : memref<!tpu.dma_semaphore, #tpu.memory_space<semaphore_mem>>)
      %dma_wait3A_147 = arith.constant 0 : i32
      %dma_wait3A_148 = tpu.memref_slice %arg11[%add3A_46, %dma_wait3A_147] : memref<10240x128xf32, #tpu.memory_space<vmem_shared>> -> memref<64x128xf32, #tpu.memory_space<vmem_shared>>
      %dma_wait3A_149 = arith.constant 0 : i32
      %dma_wait3A_150 = tpu.memref_slice %arg11[%add3A_46, %dma_wait3A_149] : memref<10240x128xf32, #tpu.memory_space<vmem_shared>> -> memref<64x128xf32, #tpu.memory_space<vmem_shared>>
      tpu.wait_dma2 semaphore(%run_scoped3A : memref<!tpu.dma_semaphore, #tpu.memory_space<semaphore_mem>>) src(%arg9 : memref<64x128xf32, #tpu.memory_space<vmem>>) dst(%dma_wait3A_150 : memref<64x128xf32, #tpu.memory_space<vmem_shared>>)
      tpu.yield
    }) : () -> ()
    %mul3A_47 = arith.constant 640 : i32
    %mul3A_48 = arith.muli %arg1, %mul3A_47 : i32
    %add3A_49 = arith.constant 576 : i32
    %add3A_50 = arith.addi %mul3A_48, %add3A_49 : i32
    "tpu.region"() ({
      %run_scoped3A = tpu.sem_alloc : memref<!tpu.dma_semaphore, #tpu.memory_space<semaphore_mem>>
      %dma_start3A_143 = arith.constant 0 : i32
      %dma_start3A_144 = tpu.memref_slice %arg11[%add3A_50, %dma_start3A_143] : memref<10240x128xf32, #tpu.memory_space<vmem_shared>> -> memref<64x128xf32, #tpu.memory_space<vmem_shared>>
      %dma_start3A_145 = arith.constant 0 : i32
      %dma_start3A_146 = tpu.memref_slice %arg11[%add3A_50, %dma_start3A_145] : memref<10240x128xf32, #tpu.memory_space<vmem_shared>> -> memref<64x128xf32, #tpu.memory_space<vmem_shared>>
      tpu.enqueue_dma source(%arg9 : memref<64x128xf32, #tpu.memory_space<vmem>>) target(%dma_start3A_146 : memref<64x128xf32, #tpu.memory_space<vmem_shared>>) target_semaphore(%run_scoped3A : memref<!tpu.dma_semaphore, #tpu.memory_space<semaphore_mem>>)
      %dma_wait3A_147 = arith.constant 0 : i32
      %dma_wait3A_148 = tpu.memref_slice %arg11[%add3A_50, %dma_wait3A_147] : memref<10240x128xf32, #tpu.memory_space<vmem_shared>> -> memref<64x128xf32, #tpu.memory_space<vmem_shared>>
      %dma_wait3A_149 = arith.constant 0 : i32
      %dma_wait3A_150 = tpu.memref_slice %arg11[%add3A_50, %dma_wait3A_149] : memref<10240x128xf32, #tpu.memory_space<vmem_shared>> -> memref<64x128xf32, #tpu.memory_space<vmem_shared>>
      tpu.wait_dma2 semaphore(%run_scoped3A : memref<!tpu.dma_semaphore, #tpu.memory_space<semaphore_mem>>) src(%arg9 : memref<64x128xf32, #tpu.memory_space<vmem>>) dst(%dma_wait3A_150 : memref<64x128xf32, #tpu.memory_space<vmem_shared>>)
      tpu.yield
    }) : () -> ()
    %barrier3A = arith.constant 0 : index
    tpu.barrier barrier_id(%barrier3A)
    %mul3A_51 = arith.constant 158 : i32
    %mul3A_52 = arith.muli %add3A, %mul3A_51 : i32
    %add3A_53 = arith.constant 0 : i32
    %add3A_54 = arith.addi %mul3A_52, %add3A_53 : i32
    %mul3A_55 = arith.constant 64 : i32
    %mul3A_56 = arith.muli %add3A_54, %mul3A_55 : i32
    %dma_start3A = tpu.memref_slice %arg3[%mul3A_56] : memref<323584xi32, #tpu.memory_space<hbm>> -> memref<64xi32, #tpu.memory_space<hbm>>
    %dma_start3A_57 = tpu.memref_slice %arg3[%mul3A_56] : memref<323584xi32, #tpu.memory_space<hbm>> -> memref<64xi32, #tpu.memory_space<hbm>>
    tpu.enqueue_dma source(%dma_start3A_57 : memref<64xi32, #tpu.memory_space<hbm>>) target(%arg7 : memref<64xi32, #tpu.memory_space<vmem>>) target_semaphore(%arg16 : memref<!tpu.dma_semaphore, #tpu.memory_space<semaphore_mem>>)
    %dma_start3A_58 = arith.constant 0 : i32
    %dma_start3A_59 = tpu.memref_slice %arg6[%dma_start3A_58] : memref<10112xi32, #tpu.memory_space<vmem>> -> memref<64xi32, #tpu.memory_space<vmem>>
    %dma_start3A_60 = arith.constant 0 : i32
    %dma_start3A_61 = arith.constant 0 : i32
    %dma_start3A_62 = tpu.memref_slice %arg4[%dma_start3A_60, %dma_start3A_61] : memref<10240x128xf32, #tpu.memory_space<hbm>> -> memref<10240x128xf32, #tpu.memory_space<hbm>>
    tpu.enqueue_indirect_dma source(%dma_start3A_62 : memref<10240x128xf32, #tpu.memory_space<hbm>>) target(%arg9 : memref<64x128xf32, #tpu.memory_space<vmem>>) offsets(%dma_start3A_59 : memref<64xi32, #tpu.memory_space<vmem>>) semaphore(%arg12 : memref<!tpu.dma_semaphore, #tpu.memory_space<semaphore_mem>>)
    %scan3A_63 = arith.constant 0 : i32
    %scan3A_64 = arith.constant 0 : i32
    %scan3A_65 = arith.constant 79 : i32
    %scan3A_66 = arith.addi %scan3A_64, %scan3A_65 : i32
    %scan3A_67 = arith.constant 1 : i32
    %scan3A_68 = scf.for %scan3A_143 = %scan3A_64 to %scan3A_66 step %scan3A_67 iter_args(%scan3A_144 = %scan3A_63) -> (i32)  : i32 {
      %mul3A_145 = arith.constant 2 : i32
      %mul3A_146 = arith.muli %mul3A_145, %scan3A_143 : i32
      %mul3A_147 = arith.constant 64 : i32
      %mul3A_148 = arith.muli %mul3A_146, %mul3A_147 : i32
      %dma_wait3A_149 = tpu.memref_slice %arg6[%mul3A_148] : memref<10112xi32, #tpu.memory_space<vmem>> -> memref<64xi32, #tpu.memory_space<vmem>>
      %dma_wait3A_150 = arith.constant 0 : i32
      %dma_wait3A_151 = arith.constant 0 : i32
      %dma_wait3A_152 = tpu.memref_slice %arg4[%dma_wait3A_150, %dma_wait3A_151] : memref<10240x128xf32, #tpu.memory_space<hbm>> -> memref<10240x128xf32, #tpu.memory_space<hbm>>
      tpu.wait_indirect_dma semaphore(%arg12 : memref<!tpu.dma_semaphore, #tpu.memory_space<semaphore_mem>>) src(%dma_wait3A_152 : memref<10240x128xf32, #tpu.memory_space<hbm>>) dst(%arg9 : memref<64x128xf32, #tpu.memory_space<vmem>>)
      %gt3A = arith.constant 0 : i32
      %gt3A_153 = arith.cmpi sgt, %scan3A_143, %gt3A : i32
      %convert_element_type3A = arith.extui %gt3A_153 : i1 to i32
      %cond3A = arith.constant 0 : i32
      %cond3A_154 = arith.cmpi ne, %convert_element_type3A, %cond3A : i32
      scf.if %cond3A_154 {
        %sub3A = arith.constant 1 : i32
        %sub3A_214 = arith.subi %mul3A_146, %sub3A : i32
        %dma_wait3A_215 = arith.constant 0 : i32
        %dma_wait3A_216 = arith.constant 0 : i32
        %dma_wait3A_217 = tpu.memref_slice %arg11[%dma_wait3A_215, %dma_wait3A_216] : memref<10240x128xf32, #tpu.memory_space<vmem_shared>> -> memref<10240x128xf32, #tpu.memory_space<vmem_shared>>
        tpu.wait_indirect_dma semaphore(%arg15 : memref<!tpu.dma_semaphore, #tpu.memory_space<semaphore_mem>>) src(%arg10 : memref<64x128xf32, #tpu.memory_space<vmem>>) dst(%dma_wait3A_217 : memref<10240x128xf32, #tpu.memory_space<vmem_shared>>)
      } else {
      }
      %add3A_155 = arith.constant 1 : i32
      %add3A_156 = arith.addi %mul3A_146, %add3A_155 : i32
      %mul3A_157 = arith.constant 158 : i32
      %mul3A_158 = arith.muli %add3A, %mul3A_157 : i32
      %add3A_159 = arith.addi %mul3A_158, %add3A_156 : i32
      %mul3A_160 = arith.constant 64 : i32
      %mul3A_161 = arith.muli %add3A_159, %mul3A_160 : i32
      %dma_start3A_162 = tpu.memref_slice %arg3[%mul3A_161] : memref<323584xi32, #tpu.memory_space<hbm>> -> memref<64xi32, #tpu.memory_space<hbm>>
      %dma_start3A_163 = tpu.memref_slice %arg3[%mul3A_161] : memref<323584xi32, #tpu.memory_space<hbm>> -> memref<64xi32, #tpu.memory_space<hbm>>
      tpu.enqueue_dma source(%dma_start3A_163 : memref<64xi32, #tpu.memory_space<hbm>>) target(%arg8 : memref<64xi32, #tpu.memory_space<vmem>>) target_semaphore(%arg17 : memref<!tpu.dma_semaphore, #tpu.memory_space<semaphore_mem>>)
      %add3A_164 = arith.constant 1 : i32
      %add3A_165 = arith.addi %mul3A_146, %add3A_164 : i32
      %mul3A_166 = arith.constant 64 : i32
      %mul3A_167 = arith.muli %add3A_165, %mul3A_166 : i32
      %dma_start3A_168 = tpu.memref_slice %arg6[%mul3A_167] : memref<10112xi32, #tpu.memory_space<vmem>> -> memref<64xi32, #tpu.memory_space<vmem>>
      %dma_start3A_169 = arith.constant 0 : i32
      %dma_start3A_170 = arith.constant 0 : i32
      %dma_start3A_171 = tpu.memref_slice %arg4[%dma_start3A_169, %dma_start3A_170] : memref<10240x128xf32, #tpu.memory_space<hbm>> -> memref<10240x128xf32, #tpu.memory_space<hbm>>
      tpu.enqueue_indirect_dma source(%dma_start3A_171 : memref<10240x128xf32, #tpu.memory_space<hbm>>) target(%arg10 : memref<64x128xf32, #tpu.memory_space<vmem>>) offsets(%dma_start3A_168 : memref<64xi32, #tpu.memory_space<vmem>>) semaphore(%arg13 : memref<!tpu.dma_semaphore, #tpu.memory_space<semaphore_mem>>)
      %mul3A_172 = arith.constant 158 : i32
      %mul3A_173 = arith.muli %add3A, %mul3A_172 : i32
      %add3A_174 = arith.addi %mul3A_173, %mul3A_146 : i32
      %mul3A_175 = arith.constant 64 : i32
      %mul3A_176 = arith.muli %add3A_174, %mul3A_175 : i32
      %dma_wait3A_177 = tpu.memref_slice %arg3[%mul3A_176] : memref<323584xi32, #tpu.memory_space<hbm>> -> memref<64xi32, #tpu.memory_space<hbm>>
      %dma_wait3A_178 = tpu.memref_slice %arg3[%mul3A_176] : memref<323584xi32, #tpu.memory_space<hbm>> -> memref<64xi32, #tpu.memory_space<hbm>>
      tpu.wait_dma2 semaphore(%arg16 : memref<!tpu.dma_semaphore, #tpu.memory_space<semaphore_mem>>) src(%dma_wait3A_178 : memref<64xi32, #tpu.memory_space<hbm>>) dst(%arg7 : memref<64xi32, #tpu.memory_space<vmem>>)
      %dma_start3A_179 = arith.constant 0 : i32
      %dma_start3A_180 = arith.constant 0 : i32
      %dma_start3A_181 = tpu.memref_slice %arg11[%dma_start3A_179, %dma_start3A_180] : memref<10240x128xf32, #tpu.memory_space<vmem_shared>> -> memref<10240x128xf32, #tpu.memory_space<vmem_shared>>
      tpu.enqueue_indirect_dma source(%arg9 : memref<64x128xf32, #tpu.memory_space<vmem>>) target(%dma_start3A_181 : memref<10240x128xf32, #tpu.memory_space<vmem_shared>>) offsets(%arg7 : memref<64xi32, #tpu.memory_space<vmem>>) semaphore(%arg14 : memref<!tpu.dma_semaphore, #tpu.memory_space<semaphore_mem>>) {add = true}
      %add3A_182 = arith.constant 1 : i32
      %add3A_183 = arith.addi %mul3A_146, %add3A_182 : i32
      %mul3A_184 = arith.constant 64 : i32
      %mul3A_185 = arith.muli %add3A_183, %mul3A_184 : i32
      %dma_wait3A_186 = tpu.memref_slice %arg6[%mul3A_185] : memref<10112xi32, #tpu.memory_space<vmem>> -> memref<64xi32, #tpu.memory_space<vmem>>
      %dma_wait3A_187 = arith.constant 0 : i32
      %dma_wait3A_188 = arith.constant 0 : i32
      %dma_wait3A_189 = tpu.memref_slice %arg4[%dma_wait3A_187, %dma_wait3A_188] : memref<10240x128xf32, #tpu.memory_space<hbm>> -> memref<10240x128xf32, #tpu.memory_space<hbm>>
      tpu.wait_indirect_dma semaphore(%arg13 : memref<!tpu.dma_semaphore, #tpu.memory_space<semaphore_mem>>) src(%dma_wait3A_189 : memref<10240x128xf32, #tpu.memory_space<hbm>>) dst(%arg10 : memref<64x128xf32, #tpu.memory_space<vmem>>)
      %dma_wait3A_190 = arith.constant 0 : i32
      %dma_wait3A_191 = arith.constant 0 : i32
      %dma_wait3A_192 = tpu.memref_slice %arg11[%dma_wait3A_190, %dma_wait3A_191] : memref<10240x128xf32, #tpu.memory_space<vmem_shared>> -> memref<10240x128xf32, #tpu.memory_space<vmem_shared>>
      tpu.wait_indirect_dma semaphore(%arg14 : memref<!tpu.dma_semaphore, #tpu.memory_space<semaphore_mem>>) src(%arg9 : memref<64x128xf32, #tpu.memory_space<vmem>>) dst(%dma_wait3A_192 : memref<10240x128xf32, #tpu.memory_space<vmem_shared>>)
      %add3A_193 = arith.constant 2 : i32
      %add3A_194 = arith.addi %mul3A_146, %add3A_193 : i32
      %lt3A = arith.constant 158 : i32
      %lt3A_195 = arith.cmpi slt, %add3A_194, %lt3A : i32
      %convert_element_type3A_196 = arith.extui %lt3A_195 : i1 to i32
      %cond3A_197 = arith.constant 0 : i32
      %cond3A_198 = arith.cmpi ne, %convert_element_type3A_196, %cond3A_197 : i32
      scf.if %cond3A_198 {
        %add3A_214 = arith.constant 2 : i32
        %add3A_215 = arith.addi %mul3A_146, %add3A_214 : i32
        %mul3A_216 = arith.constant 158 : i32
        %mul3A_217 = arith.muli %add3A, %mul3A_216 : i32
        %add3A_218 = arith.addi %mul3A_217, %add3A_215 : i32
        %mul3A_219 = arith.constant 64 : i32
        %mul3A_220 = arith.muli %add3A_218, %mul3A_219 : i32
        %dma_start3A_221 = tpu.memref_slice %arg3[%mul3A_220] : memref<323584xi32, #tpu.memory_space<hbm>> -> memref<64xi32, #tpu.memory_space<hbm>>
        %dma_start3A_222 = tpu.memref_slice %arg3[%mul3A_220] : memref<323584xi32, #tpu.memory_space<hbm>> -> memref<64xi32, #tpu.memory_space<hbm>>
        tpu.enqueue_dma source(%dma_start3A_222 : memref<64xi32, #tpu.memory_space<hbm>>) target(%arg7 : memref<64xi32, #tpu.memory_space<vmem>>) target_semaphore(%arg16 : memref<!tpu.dma_semaphore, #tpu.memory_space<semaphore_mem>>)
        %add3A_223 = arith.constant 2 : i32
        %add3A_224 = arith.addi %mul3A_146, %add3A_223 : i32
        %mul3A_225 = arith.constant 64 : i32
        %mul3A_226 = arith.muli %add3A_224, %mul3A_225 : i32
        %dma_start3A_227 = tpu.memref_slice %arg6[%mul3A_226] : memref<10112xi32, #tpu.memory_space<vmem>> -> memref<64xi32, #tpu.memory_space<vmem>>
        %dma_start3A_228 = arith.constant 0 : i32
        %dma_start3A_229 = arith.constant 0 : i32
        %dma_start3A_230 = tpu.memref_slice %arg4[%dma_start3A_228, %dma_start3A_229] : memref<10240x128xf32, #tpu.memory_space<hbm>> -> memref<10240x128xf32, #tpu.memory_space<hbm>>
        tpu.enqueue_indirect_dma source(%dma_start3A_230 : memref<10240x128xf32, #tpu.memory_space<hbm>>) target(%arg9 : memref<64x128xf32, #tpu.memory_space<vmem>>) offsets(%dma_start3A_227 : memref<64xi32, #tpu.memory_space<vmem>>) semaphore(%arg12 : memref<!tpu.dma_semaphore, #tpu.memory_space<semaphore_mem>>)
      } else {
      }
      %add3A_199 = arith.constant 1 : i32
      %add3A_200 = arith.addi %mul3A_146, %add3A_199 : i32
      %mul3A_201 = arith.constant 158 : i32
      %mul3A_202 = arith.muli %add3A, %mul3A_201 : i32
      %add3A_203 = arith.addi %mul3A_202, %add3A_200 : i32
      %mul3A_204 = arith.constant 64 : i32
      %mul3A_205 = arith.muli %add3A_203, %mul3A_204 : i32
      %dma_wait3A_206 = tpu.memref_slice %arg3[%mul3A_205] : memref<323584xi32, #tpu.memory_space<hbm>> -> memref<64xi32, #tpu.memory_space<hbm>>
      %dma_wait3A_207 = tpu.memref_slice %arg3[%mul3A_205] : memref<323584xi32, #tpu.memory_space<hbm>> -> memref<64xi32, #tpu.memory_space<hbm>>
      tpu.wait_dma2 semaphore(%arg17 : memref<!tpu.dma_semaphore, #tpu.memory_space<semaphore_mem>>) src(%dma_wait3A_207 : memref<64xi32, #tpu.memory_space<hbm>>) dst(%arg8 : memref<64xi32, #tpu.memory_space<vmem>>)
      %add3A_208 = arith.constant 1 : i32
      %add3A_209 = arith.addi %mul3A_146, %add3A_208 : i32
      %dma_start3A_210 = arith.constant 0 : i32
      %dma_start3A_211 = arith.constant 0 : i32
      %dma_start3A_212 = tpu.memref_slice %arg11[%dma_start3A_210, %dma_start3A_211] : memref<10240x128xf32, #tpu.memory_space<vmem_shared>> -> memref<10240x128xf32, #tpu.memory_space<vmem_shared>>
      tpu.enqueue_indirect_dma source(%arg10 : memref<64x128xf32, #tpu.memory_space<vmem>>) target(%dma_start3A_212 : memref<10240x128xf32, #tpu.memory_space<vmem_shared>>) offsets(%arg8 : memref<64xi32, #tpu.memory_space<vmem>>) semaphore(%arg15 : memref<!tpu.dma_semaphore, #tpu.memory_space<semaphore_mem>>) {add = true}
      %scan3A_213 = arith.constant 0 : i32
      scf.yield %scan3A_213 : i32
    }
    %scan3A_69 = arith.constant 79 : i32
    %dma_wait3A = arith.constant 0 : i32
    %dma_wait3A_70 = arith.constant 0 : i32
    %dma_wait3A_71 = tpu.memref_slice %arg11[%dma_wait3A, %dma_wait3A_70] : memref<10240x128xf32, #tpu.memory_space<vmem_shared>> -> memref<10240x128xf32, #tpu.memory_space<vmem_shared>>
    tpu.wait_indirect_dma semaphore(%arg15 : memref<!tpu.dma_semaphore, #tpu.memory_space<semaphore_mem>>) src(%arg10 : memref<64x128xf32, #tpu.memory_space<vmem>>) dst(%dma_wait3A_71 : memref<10240x128xf32, #tpu.memory_space<vmem_shared>>)
    %barrier3A_72 = arith.constant 0 : index
    tpu.barrier barrier_id(%barrier3A_72)
    %mul3A_73 = arith.constant 640 : i32
    %mul3A_74 = arith.muli %arg1, %mul3A_73 : i32
    %add3A_75 = arith.constant 0 : i32
    %add3A_76 = arith.addi %mul3A_74, %add3A_75 : i32
    "tpu.region"() ({
      %run_scoped3A = tpu.sem_alloc : memref<!tpu.dma_semaphore, #tpu.memory_space<semaphore_mem>>
      %dma_start3A_143 = arith.constant 0 : i32
      %dma_start3A_144 = tpu.memref_slice %arg11[%add3A_76, %dma_start3A_143] : memref<10240x128xf32, #tpu.memory_space<vmem_shared>> -> memref<64x128xf32, #tpu.memory_space<vmem_shared>>
      %dma_start3A_145 = arith.constant 0 : i32
      %dma_start3A_146 = tpu.memref_slice %arg11[%add3A_76, %dma_start3A_145] : memref<10240x128xf32, #tpu.memory_space<vmem_shared>> -> memref<64x128xf32, #tpu.memory_space<vmem_shared>>
      tpu.enqueue_dma source(%dma_start3A_146 : memref<64x128xf32, #tpu.memory_space<vmem_shared>>) target(%arg9 : memref<64x128xf32, #tpu.memory_space<vmem>>) target_semaphore(%run_scoped3A : memref<!tpu.dma_semaphore, #tpu.memory_space<semaphore_mem>>)
      %dma_wait3A_147 = arith.constant 0 : i32
      %dma_wait3A_148 = tpu.memref_slice %arg11[%add3A_76, %dma_wait3A_147] : memref<10240x128xf32, #tpu.memory_space<vmem_shared>> -> memref<64x128xf32, #tpu.memory_space<vmem_shared>>
      %dma_wait3A_149 = arith.constant 0 : i32
      %dma_wait3A_150 = tpu.memref_slice %arg11[%add3A_76, %dma_wait3A_149] : memref<10240x128xf32, #tpu.memory_space<vmem_shared>> -> memref<64x128xf32, #tpu.memory_space<vmem_shared>>
      tpu.wait_dma2 semaphore(%run_scoped3A : memref<!tpu.dma_semaphore, #tpu.memory_space<semaphore_mem>>) src(%dma_wait3A_150 : memref<64x128xf32, #tpu.memory_space<vmem_shared>>) dst(%arg9 : memref<64x128xf32, #tpu.memory_space<vmem>>)
      tpu.yield
    }) : () -> ()
    %mul3A_77 = arith.constant 10240 : i32
    %mul3A_78 = arith.muli %arg0, %mul3A_77 : i32
    %add3A_79 = arith.addi %mul3A_78, %add3A_76 : i32
    "tpu.region"() ({
      %run_scoped3A = tpu.sem_alloc : memref<!tpu.dma_semaphore, #tpu.memory_space<semaphore_mem>>
      %dma_start3A_143 = arith.constant 0 : i32
      %dma_start3A_144 = tpu.memref_slice %arg5[%add3A_79, %dma_start3A_143] : memref<20480x128xf32, #tpu.memory_space<hbm>> -> memref<64x128xf32, #tpu.memory_space<hbm>>
      %dma_start3A_145 = arith.constant 0 : i32
      %dma_start3A_146 = tpu.memref_slice %arg5[%add3A_79, %dma_start3A_145] : memref<20480x128xf32, #tpu.memory_space<hbm>> -> memref<64x128xf32, #tpu.memory_space<hbm>>
      tpu.enqueue_dma source(%arg9 : memref<64x128xf32, #tpu.memory_space<vmem>>) target(%dma_start3A_146 : memref<64x128xf32, #tpu.memory_space<hbm>>) target_semaphore(%run_scoped3A : memref<!tpu.dma_semaphore, #tpu.memory_space<semaphore_mem>>)
      %dma_wait3A_147 = arith.constant 0 : i32
      %dma_wait3A_148 = tpu.memref_slice %arg5[%add3A_79, %dma_wait3A_147] : memref<20480x128xf32, #tpu.memory_space<hbm>> -> memref<64x128xf32, #tpu.memory_space<hbm>>
      %dma_wait3A_149 = arith.constant 0 : i32
      %dma_wait3A_150 = tpu.memref_slice %arg5[%add3A_79, %dma_wait3A_149] : memref<20480x128xf32, #tpu.memory_space<hbm>> -> memref<64x128xf32, #tpu.memory_space<hbm>>
      tpu.wait_dma2 semaphore(%run_scoped3A : memref<!tpu.dma_semaphore, #tpu.memory_space<semaphore_mem>>) src(%arg9 : memref<64x128xf32, #tpu.memory_space<vmem>>) dst(%dma_wait3A_150 : memref<64x128xf32, #tpu.memory_space<hbm>>)
      tpu.yield
    }) : () -> ()
    %mul3A_80 = arith.constant 640 : i32
    %mul3A_81 = arith.muli %arg1, %mul3A_80 : i32
    %add3A_82 = arith.constant 64 : i32
    %add3A_83 = arith.addi %mul3A_81, %add3A_82 : i32
    "tpu.region"() ({
      %run_scoped3A = tpu.sem_alloc : memref<!tpu.dma_semaphore, #tpu.memory_space<semaphore_mem>>
      %dma_start3A_143 = arith.constant 0 : i32
      %dma_start3A_144 = tpu.memref_slice %arg11[%add3A_83, %dma_start3A_143] : memref<10240x128xf32, #tpu.memory_space<vmem_shared>> -> memref<64x128xf32, #tpu.memory_space<vmem_shared>>
      %dma_start3A_145 = arith.constant 0 : i32
      %dma_start3A_146 = tpu.memref_slice %arg11[%add3A_83, %dma_start3A_145] : memref<10240x128xf32, #tpu.memory_space<vmem_shared>> -> memref<64x128xf32, #tpu.memory_space<vmem_shared>>
      tpu.enqueue_dma source(%dma_start3A_146 : memref<64x128xf32, #tpu.memory_space<vmem_shared>>) target(%arg9 : memref<64x128xf32, #tpu.memory_space<vmem>>) target_semaphore(%run_scoped3A : memref<!tpu.dma_semaphore, #tpu.memory_space<semaphore_mem>>)
      %dma_wait3A_147 = arith.constant 0 : i32
      %dma_wait3A_148 = tpu.memref_slice %arg11[%add3A_83, %dma_wait3A_147] : memref<10240x128xf32, #tpu.memory_space<vmem_shared>> -> memref<64x128xf32, #tpu.memory_space<vmem_shared>>
      %dma_wait3A_149 = arith.constant 0 : i32
      %dma_wait3A_150 = tpu.memref_slice %arg11[%add3A_83, %dma_wait3A_149] : memref<10240x128xf32, #tpu.memory_space<vmem_shared>> -> memref<64x128xf32, #tpu.memory_space<vmem_shared>>
      tpu.wait_dma2 semaphore(%run_scoped3A : memref<!tpu.dma_semaphore, #tpu.memory_space<semaphore_mem>>) src(%dma_wait3A_150 : memref<64x128xf32, #tpu.memory_space<vmem_shared>>) dst(%arg9 : memref<64x128xf32, #tpu.memory_space<vmem>>)
      tpu.yield
    }) : () -> ()
    %mul3A_84 = arith.constant 10240 : i32
    %mul3A_85 = arith.muli %arg0, %mul3A_84 : i32
    %add3A_86 = arith.addi %mul3A_85, %add3A_83 : i32
    "tpu.region"() ({
      %run_scoped3A = tpu.sem_alloc : memref<!tpu.dma_semaphore, #tpu.memory_space<semaphore_mem>>
      %dma_start3A_143 = arith.constant 0 : i32
      %dma_start3A_144 = tpu.memref_slice %arg5[%add3A_86, %dma_start3A_143] : memref<20480x128xf32, #tpu.memory_space<hbm>> -> memref<64x128xf32, #tpu.memory_space<hbm>>
      %dma_start3A_145 = arith.constant 0 : i32
      %dma_start3A_146 = tpu.memref_slice %arg5[%add3A_86, %dma_start3A_145] : memref<20480x128xf32, #tpu.memory_space<hbm>> -> memref<64x128xf32, #tpu.memory_space<hbm>>
      tpu.enqueue_dma source(%arg9 : memref<64x128xf32, #tpu.memory_space<vmem>>) target(%dma_start3A_146 : memref<64x128xf32, #tpu.memory_space<hbm>>) target_semaphore(%run_scoped3A : memref<!tpu.dma_semaphore, #tpu.memory_space<semaphore_mem>>)
      %dma_wait3A_147 = arith.constant 0 : i32
      %dma_wait3A_148 = tpu.memref_slice %arg5[%add3A_86, %dma_wait3A_147] : memref<20480x128xf32, #tpu.memory_space<hbm>> -> memref<64x128xf32, #tpu.memory_space<hbm>>
      %dma_wait3A_149 = arith.constant 0 : i32
      %dma_wait3A_150 = tpu.memref_slice %arg5[%add3A_86, %dma_wait3A_149] : memref<20480x128xf32, #tpu.memory_space<hbm>> -> memref<64x128xf32, #tpu.memory_space<hbm>>
      tpu.wait_dma2 semaphore(%run_scoped3A : memref<!tpu.dma_semaphore, #tpu.memory_space<semaphore_mem>>) src(%arg9 : memref<64x128xf32, #tpu.memory_space<vmem>>) dst(%dma_wait3A_150 : memref<64x128xf32, #tpu.memory_space<hbm>>)
      tpu.yield
    }) : () -> ()
    %mul3A_87 = arith.constant 640 : i32
    %mul3A_88 = arith.muli %arg1, %mul3A_87 : i32
    %add3A_89 = arith.constant 128 : i32
    %add3A_90 = arith.addi %mul3A_88, %add3A_89 : i32
    "tpu.region"() ({
      %run_scoped3A = tpu.sem_alloc : memref<!tpu.dma_semaphore, #tpu.memory_space<semaphore_mem>>
      %dma_start3A_143 = arith.constant 0 : i32
      %dma_start3A_144 = tpu.memref_slice %arg11[%add3A_90, %dma_start3A_143] : memref<10240x128xf32, #tpu.memory_space<vmem_shared>> -> memref<64x128xf32, #tpu.memory_space<vmem_shared>>
      %dma_start3A_145 = arith.constant 0 : i32
      %dma_start3A_146 = tpu.memref_slice %arg11[%add3A_90, %dma_start3A_145] : memref<10240x128xf32, #tpu.memory_space<vmem_shared>> -> memref<64x128xf32, #tpu.memory_space<vmem_shared>>
      tpu.enqueue_dma source(%dma_start3A_146 : memref<64x128xf32, #tpu.memory_space<vmem_shared>>) target(%arg9 : memref<64x128xf32, #tpu.memory_space<vmem>>) target_semaphore(%run_scoped3A : memref<!tpu.dma_semaphore, #tpu.memory_space<semaphore_mem>>)
      %dma_wait3A_147 = arith.constant 0 : i32
      %dma_wait3A_148 = tpu.memref_slice %arg11[%add3A_90, %dma_wait3A_147] : memref<10240x128xf32, #tpu.memory_space<vmem_shared>> -> memref<64x128xf32, #tpu.memory_space<vmem_shared>>
      %dma_wait3A_149 = arith.constant 0 : i32
      %dma_wait3A_150 = tpu.memref_slice %arg11[%add3A_90, %dma_wait3A_149] : memref<10240x128xf32, #tpu.memory_space<vmem_shared>> -> memref<64x128xf32, #tpu.memory_space<vmem_shared>>
      tpu.wait_dma2 semaphore(%run_scoped3A : memref<!tpu.dma_semaphore, #tpu.memory_space<semaphore_mem>>) src(%dma_wait3A_150 : memref<64x128xf32, #tpu.memory_space<vmem_shared>>) dst(%arg9 : memref<64x128xf32, #tpu.memory_space<vmem>>)
      tpu.yield
    }) : () -> ()
    %mul3A_91 = arith.constant 10240 : i32
    %mul3A_92 = arith.muli %arg0, %mul3A_91 : i32
    %add3A_93 = arith.addi %mul3A_92, %add3A_90 : i32
    "tpu.region"() ({
      %run_scoped3A = tpu.sem_alloc : memref<!tpu.dma_semaphore, #tpu.memory_space<semaphore_mem>>
      %dma_start3A_143 = arith.constant 0 : i32
      %dma_start3A_144 = tpu.memref_slice %arg5[%add3A_93, %dma_start3A_143] : memref<20480x128xf32, #tpu.memory_space<hbm>> -> memref<64x128xf32, #tpu.memory_space<hbm>>
      %dma_start3A_145 = arith.constant 0 : i32
      %dma_start3A_146 = tpu.memref_slice %arg5[%add3A_93, %dma_start3A_145] : memref<20480x128xf32, #tpu.memory_space<hbm>> -> memref<64x128xf32, #tpu.memory_space<hbm>>
      tpu.enqueue_dma source(%arg9 : memref<64x128xf32, #tpu.memory_space<vmem>>) target(%dma_start3A_146 : memref<64x128xf32, #tpu.memory_space<hbm>>) target_semaphore(%run_scoped3A : memref<!tpu.dma_semaphore, #tpu.memory_space<semaphore_mem>>)
      %dma_wait3A_147 = arith.constant 0 : i32
      %dma_wait3A_148 = tpu.memref_slice %arg5[%add3A_93, %dma_wait3A_147] : memref<20480x128xf32, #tpu.memory_space<hbm>> -> memref<64x128xf32, #tpu.memory_space<hbm>>
      %dma_wait3A_149 = arith.constant 0 : i32
      %dma_wait3A_150 = tpu.memref_slice %arg5[%add3A_93, %dma_wait3A_149] : memref<20480x128xf32, #tpu.memory_space<hbm>> -> memref<64x128xf32, #tpu.memory_space<hbm>>
      tpu.wait_dma2 semaphore(%run_scoped3A : memref<!tpu.dma_semaphore, #tpu.memory_space<semaphore_mem>>) src(%arg9 : memref<64x128xf32, #tpu.memory_space<vmem>>) dst(%dma_wait3A_150 : memref<64x128xf32, #tpu.memory_space<hbm>>)
      tpu.yield
    }) : () -> ()
    %mul3A_94 = arith.constant 640 : i32
    %mul3A_95 = arith.muli %arg1, %mul3A_94 : i32
    %add3A_96 = arith.constant 192 : i32
    %add3A_97 = arith.addi %mul3A_95, %add3A_96 : i32
    "tpu.region"() ({
      %run_scoped3A = tpu.sem_alloc : memref<!tpu.dma_semaphore, #tpu.memory_space<semaphore_mem>>
      %dma_start3A_143 = arith.constant 0 : i32
      %dma_start3A_144 = tpu.memref_slice %arg11[%add3A_97, %dma_start3A_143] : memref<10240x128xf32, #tpu.memory_space<vmem_shared>> -> memref<64x128xf32, #tpu.memory_space<vmem_shared>>
      %dma_start3A_145 = arith.constant 0 : i32
      %dma_start3A_146 = tpu.memref_slice %arg11[%add3A_97, %dma_start3A_145] : memref<10240x128xf32, #tpu.memory_space<vmem_shared>> -> memref<64x128xf32, #tpu.memory_space<vmem_shared>>
      tpu.enqueue_dma source(%dma_start3A_146 : memref<64x128xf32, #tpu.memory_space<vmem_shared>>) target(%arg9 : memref<64x128xf32, #tpu.memory_space<vmem>>) target_semaphore(%run_scoped3A : memref<!tpu.dma_semaphore, #tpu.memory_space<semaphore_mem>>)
      %dma_wait3A_147 = arith.constant 0 : i32
      %dma_wait3A_148 = tpu.memref_slice %arg11[%add3A_97, %dma_wait3A_147] : memref<10240x128xf32, #tpu.memory_space<vmem_shared>> -> memref<64x128xf32, #tpu.memory_space<vmem_shared>>
      %dma_wait3A_149 = arith.constant 0 : i32
      %dma_wait3A_150 = tpu.memref_slice %arg11[%add3A_97, %dma_wait3A_149] : memref<10240x128xf32, #tpu.memory_space<vmem_shared>> -> memref<64x128xf32, #tpu.memory_space<vmem_shared>>
      tpu.wait_dma2 semaphore(%run_scoped3A : memref<!tpu.dma_semaphore, #tpu.memory_space<semaphore_mem>>) src(%dma_wait3A_150 : memref<64x128xf32, #tpu.memory_space<vmem_shared>>) dst(%arg9 : memref<64x128xf32, #tpu.memory_space<vmem>>)
      tpu.yield
    }) : () -> ()
    %mul3A_98 = arith.constant 10240 : i32
    %mul3A_99 = arith.muli %arg0, %mul3A_98 : i32
    %add3A_100 = arith.addi %mul3A_99, %add3A_97 : i32
    "tpu.region"() ({
      %run_scoped3A = tpu.sem_alloc : memref<!tpu.dma_semaphore, #tpu.memory_space<semaphore_mem>>
      %dma_start3A_143 = arith.constant 0 : i32
      %dma_start3A_144 = tpu.memref_slice %arg5[%add3A_100, %dma_start3A_143] : memref<20480x128xf32, #tpu.memory_space<hbm>> -> memref<64x128xf32, #tpu.memory_space<hbm>>
      %dma_start3A_145 = arith.constant 0 : i32
      %dma_start3A_146 = tpu.memref_slice %arg5[%add3A_100, %dma_start3A_145] : memref<20480x128xf32, #tpu.memory_space<hbm>> -> memref<64x128xf32, #tpu.memory_space<hbm>>
      tpu.enqueue_dma source(%arg9 : memref<64x128xf32, #tpu.memory_space<vmem>>) target(%dma_start3A_146 : memref<64x128xf32, #tpu.memory_space<hbm>>) target_semaphore(%run_scoped3A : memref<!tpu.dma_semaphore, #tpu.memory_space<semaphore_mem>>)
      %dma_wait3A_147 = arith.constant 0 : i32
      %dma_wait3A_148 = tpu.memref_slice %arg5[%add3A_100, %dma_wait3A_147] : memref<20480x128xf32, #tpu.memory_space<hbm>> -> memref<64x128xf32, #tpu.memory_space<hbm>>
      %dma_wait3A_149 = arith.constant 0 : i32
      %dma_wait3A_150 = tpu.memref_slice %arg5[%add3A_100, %dma_wait3A_149] : memref<20480x128xf32, #tpu.memory_space<hbm>> -> memref<64x128xf32, #tpu.memory_space<hbm>>
      tpu.wait_dma2 semaphore(%run_scoped3A : memref<!tpu.dma_semaphore, #tpu.memory_space<semaphore_mem>>) src(%arg9 : memref<64x128xf32, #tpu.memory_space<vmem>>) dst(%dma_wait3A_150 : memref<64x128xf32, #tpu.memory_space<hbm>>)
      tpu.yield
    }) : () -> ()
    %mul3A_101 = arith.constant 640 : i32
    %mul3A_102 = arith.muli %arg1, %mul3A_101 : i32
    %add3A_103 = arith.constant 256 : i32
    %add3A_104 = arith.addi %mul3A_102, %add3A_103 : i32
    "tpu.region"() ({
      %run_scoped3A = tpu.sem_alloc : memref<!tpu.dma_semaphore, #tpu.memory_space<semaphore_mem>>
      %dma_start3A_143 = arith.constant 0 : i32
      %dma_start3A_144 = tpu.memref_slice %arg11[%add3A_104, %dma_start3A_143] : memref<10240x128xf32, #tpu.memory_space<vmem_shared>> -> memref<64x128xf32, #tpu.memory_space<vmem_shared>>
      %dma_start3A_145 = arith.constant 0 : i32
      %dma_start3A_146 = tpu.memref_slice %arg11[%add3A_104, %dma_start3A_145] : memref<10240x128xf32, #tpu.memory_space<vmem_shared>> -> memref<64x128xf32, #tpu.memory_space<vmem_shared>>
      tpu.enqueue_dma source(%dma_start3A_146 : memref<64x128xf32, #tpu.memory_space<vmem_shared>>) target(%arg9 : memref<64x128xf32, #tpu.memory_space<vmem>>) target_semaphore(%run_scoped3A : memref<!tpu.dma_semaphore, #tpu.memory_space<semaphore_mem>>)
      %dma_wait3A_147 = arith.constant 0 : i32
      %dma_wait3A_148 = tpu.memref_slice %arg11[%add3A_104, %dma_wait3A_147] : memref<10240x128xf32, #tpu.memory_space<vmem_shared>> -> memref<64x128xf32, #tpu.memory_space<vmem_shared>>
      %dma_wait3A_149 = arith.constant 0 : i32
      %dma_wait3A_150 = tpu.memref_slice %arg11[%add3A_104, %dma_wait3A_149] : memref<10240x128xf32, #tpu.memory_space<vmem_shared>> -> memref<64x128xf32, #tpu.memory_space<vmem_shared>>
      tpu.wait_dma2 semaphore(%run_scoped3A : memref<!tpu.dma_semaphore, #tpu.memory_space<semaphore_mem>>) src(%dma_wait3A_150 : memref<64x128xf32, #tpu.memory_space<vmem_shared>>) dst(%arg9 : memref<64x128xf32, #tpu.memory_space<vmem>>)
      tpu.yield
    }) : () -> ()
    %mul3A_105 = arith.constant 10240 : i32
    %mul3A_106 = arith.muli %arg0, %mul3A_105 : i32
    %add3A_107 = arith.addi %mul3A_106, %add3A_104 : i32
    "tpu.region"() ({
      %run_scoped3A = tpu.sem_alloc : memref<!tpu.dma_semaphore, #tpu.memory_space<semaphore_mem>>
      %dma_start3A_143 = arith.constant 0 : i32
      %dma_start3A_144 = tpu.memref_slice %arg5[%add3A_107, %dma_start3A_143] : memref<20480x128xf32, #tpu.memory_space<hbm>> -> memref<64x128xf32, #tpu.memory_space<hbm>>
      %dma_start3A_145 = arith.constant 0 : i32
      %dma_start3A_146 = tpu.memref_slice %arg5[%add3A_107, %dma_start3A_145] : memref<20480x128xf32, #tpu.memory_space<hbm>> -> memref<64x128xf32, #tpu.memory_space<hbm>>
      tpu.enqueue_dma source(%arg9 : memref<64x128xf32, #tpu.memory_space<vmem>>) target(%dma_start3A_146 : memref<64x128xf32, #tpu.memory_space<hbm>>) target_semaphore(%run_scoped3A : memref<!tpu.dma_semaphore, #tpu.memory_space<semaphore_mem>>)
      %dma_wait3A_147 = arith.constant 0 : i32
      %dma_wait3A_148 = tpu.memref_slice %arg5[%add3A_107, %dma_wait3A_147] : memref<20480x128xf32, #tpu.memory_space<hbm>> -> memref<64x128xf32, #tpu.memory_space<hbm>>
      %dma_wait3A_149 = arith.constant 0 : i32
      %dma_wait3A_150 = tpu.memref_slice %arg5[%add3A_107, %dma_wait3A_149] : memref<20480x128xf32, #tpu.memory_space<hbm>> -> memref<64x128xf32, #tpu.memory_space<hbm>>
      tpu.wait_dma2 semaphore(%run_scoped3A : memref<!tpu.dma_semaphore, #tpu.memory_space<semaphore_mem>>) src(%arg9 : memref<64x128xf32, #tpu.memory_space<vmem>>) dst(%dma_wait3A_150 : memref<64x128xf32, #tpu.memory_space<hbm>>)
      tpu.yield
    }) : () -> ()
    %mul3A_108 = arith.constant 640 : i32
    %mul3A_109 = arith.muli %arg1, %mul3A_108 : i32
    %add3A_110 = arith.constant 320 : i32
    %add3A_111 = arith.addi %mul3A_109, %add3A_110 : i32
    "tpu.region"() ({
      %run_scoped3A = tpu.sem_alloc : memref<!tpu.dma_semaphore, #tpu.memory_space<semaphore_mem>>
      %dma_start3A_143 = arith.constant 0 : i32
      %dma_start3A_144 = tpu.memref_slice %arg11[%add3A_111, %dma_start3A_143] : memref<10240x128xf32, #tpu.memory_space<vmem_shared>> -> memref<64x128xf32, #tpu.memory_space<vmem_shared>>
      %dma_start3A_145 = arith.constant 0 : i32
      %dma_start3A_146 = tpu.memref_slice %arg11[%add3A_111, %dma_start3A_145] : memref<10240x128xf32, #tpu.memory_space<vmem_shared>> -> memref<64x128xf32, #tpu.memory_space<vmem_shared>>
      tpu.enqueue_dma source(%dma_start3A_146 : memref<64x128xf32, #tpu.memory_space<vmem_shared>>) target(%arg9 : memref<64x128xf32, #tpu.memory_space<vmem>>) target_semaphore(%run_scoped3A : memref<!tpu.dma_semaphore, #tpu.memory_space<semaphore_mem>>)
      %dma_wait3A_147 = arith.constant 0 : i32
      %dma_wait3A_148 = tpu.memref_slice %arg11[%add3A_111, %dma_wait3A_147] : memref<10240x128xf32, #tpu.memory_space<vmem_shared>> -> memref<64x128xf32, #tpu.memory_space<vmem_shared>>
      %dma_wait3A_149 = arith.constant 0 : i32
      %dma_wait3A_150 = tpu.memref_slice %arg11[%add3A_111, %dma_wait3A_149] : memref<10240x128xf32, #tpu.memory_space<vmem_shared>> -> memref<64x128xf32, #tpu.memory_space<vmem_shared>>
      tpu.wait_dma2 semaphore(%run_scoped3A : memref<!tpu.dma_semaphore, #tpu.memory_space<semaphore_mem>>) src(%dma_wait3A_150 : memref<64x128xf32, #tpu.memory_space<vmem_shared>>) dst(%arg9 : memref<64x128xf32, #tpu.memory_space<vmem>>)
      tpu.yield
    }) : () -> ()
    %mul3A_112 = arith.constant 10240 : i32
    %mul3A_113 = arith.muli %arg0, %mul3A_112 : i32
    %add3A_114 = arith.addi %mul3A_113, %add3A_111 : i32
    "tpu.region"() ({
      %run_scoped3A = tpu.sem_alloc : memref<!tpu.dma_semaphore, #tpu.memory_space<semaphore_mem>>
      %dma_start3A_143 = arith.constant 0 : i32
      %dma_start3A_144 = tpu.memref_slice %arg5[%add3A_114, %dma_start3A_143] : memref<20480x128xf32, #tpu.memory_space<hbm>> -> memref<64x128xf32, #tpu.memory_space<hbm>>
      %dma_start3A_145 = arith.constant 0 : i32
      %dma_start3A_146 = tpu.memref_slice %arg5[%add3A_114, %dma_start3A_145] : memref<20480x128xf32, #tpu.memory_space<hbm>> -> memref<64x128xf32, #tpu.memory_space<hbm>>
      tpu.enqueue_dma source(%arg9 : memref<64x128xf32, #tpu.memory_space<vmem>>) target(%dma_start3A_146 : memref<64x128xf32, #tpu.memory_space<hbm>>) target_semaphore(%run_scoped3A : memref<!tpu.dma_semaphore, #tpu.memory_space<semaphore_mem>>)
      %dma_wait3A_147 = arith.constant 0 : i32
      %dma_wait3A_148 = tpu.memref_slice %arg5[%add3A_114, %dma_wait3A_147] : memref<20480x128xf32, #tpu.memory_space<hbm>> -> memref<64x128xf32, #tpu.memory_space<hbm>>
      %dma_wait3A_149 = arith.constant 0 : i32
      %dma_wait3A_150 = tpu.memref_slice %arg5[%add3A_114, %dma_wait3A_149] : memref<20480x128xf32, #tpu.memory_space<hbm>> -> memref<64x128xf32, #tpu.memory_space<hbm>>
      tpu.wait_dma2 semaphore(%run_scoped3A : memref<!tpu.dma_semaphore, #tpu.memory_space<semaphore_mem>>) src(%arg9 : memref<64x128xf32, #tpu.memory_space<vmem>>) dst(%dma_wait3A_150 : memref<64x128xf32, #tpu.memory_space<hbm>>)
      tpu.yield
    }) : () -> ()
    %mul3A_115 = arith.constant 640 : i32
    %mul3A_116 = arith.muli %arg1, %mul3A_115 : i32
    %add3A_117 = arith.constant 384 : i32
    %add3A_118 = arith.addi %mul3A_116, %add3A_117 : i32
    "tpu.region"() ({
      %run_scoped3A = tpu.sem_alloc : memref<!tpu.dma_semaphore, #tpu.memory_space<semaphore_mem>>
      %dma_start3A_143 = arith.constant 0 : i32
      %dma_start3A_144 = tpu.memref_slice %arg11[%add3A_118, %dma_start3A_143] : memref<10240x128xf32, #tpu.memory_space<vmem_shared>> -> memref<64x128xf32, #tpu.memory_space<vmem_shared>>
      %dma_start3A_145 = arith.constant 0 : i32
      %dma_start3A_146 = tpu.memref_slice %arg11[%add3A_118, %dma_start3A_145] : memref<10240x128xf32, #tpu.memory_space<vmem_shared>> -> memref<64x128xf32, #tpu.memory_space<vmem_shared>>
      tpu.enqueue_dma source(%dma_start3A_146 : memref<64x128xf32, #tpu.memory_space<vmem_shared>>) target(%arg9 : memref<64x128xf32, #tpu.memory_space<vmem>>) target_semaphore(%run_scoped3A : memref<!tpu.dma_semaphore, #tpu.memory_space<semaphore_mem>>)
      %dma_wait3A_147 = arith.constant 0 : i32
      %dma_wait3A_148 = tpu.memref_slice %arg11[%add3A_118, %dma_wait3A_147] : memref<10240x128xf32, #tpu.memory_space<vmem_shared>> -> memref<64x128xf32, #tpu.memory_space<vmem_shared>>
      %dma_wait3A_149 = arith.constant 0 : i32
      %dma_wait3A_150 = tpu.memref_slice %arg11[%add3A_118, %dma_wait3A_149] : memref<10240x128xf32, #tpu.memory_space<vmem_shared>> -> memref<64x128xf32, #tpu.memory_space<vmem_shared>>
      tpu.wait_dma2 semaphore(%run_scoped3A : memref<!tpu.dma_semaphore, #tpu.memory_space<semaphore_mem>>) src(%dma_wait3A_150 : memref<64x128xf32, #tpu.memory_space<vmem_shared>>) dst(%arg9 : memref<64x128xf32, #tpu.memory_space<vmem>>)
      tpu.yield
    }) : () -> ()
    %mul3A_119 = arith.constant 10240 : i32
    %mul3A_120 = arith.muli %arg0, %mul3A_119 : i32
    %add3A_121 = arith.addi %mul3A_120, %add3A_118 : i32
    "tpu.region"() ({
      %run_scoped3A = tpu.sem_alloc : memref<!tpu.dma_semaphore, #tpu.memory_space<semaphore_mem>>
      %dma_start3A_143 = arith.constant 0 : i32
      %dma_start3A_144 = tpu.memref_slice %arg5[%add3A_121, %dma_start3A_143] : memref<20480x128xf32, #tpu.memory_space<hbm>> -> memref<64x128xf32, #tpu.memory_space<hbm>>
      %dma_start3A_145 = arith.constant 0 : i32
      %dma_start3A_146 = tpu.memref_slice %arg5[%add3A_121, %dma_start3A_145] : memref<20480x128xf32, #tpu.memory_space<hbm>> -> memref<64x128xf32, #tpu.memory_space<hbm>>
      tpu.enqueue_dma source(%arg9 : memref<64x128xf32, #tpu.memory_space<vmem>>) target(%dma_start3A_146 : memref<64x128xf32, #tpu.memory_space<hbm>>) target_semaphore(%run_scoped3A : memref<!tpu.dma_semaphore, #tpu.memory_space<semaphore_mem>>)
      %dma_wait3A_147 = arith.constant 0 : i32
      %dma_wait3A_148 = tpu.memref_slice %arg5[%add3A_121, %dma_wait3A_147] : memref<20480x128xf32, #tpu.memory_space<hbm>> -> memref<64x128xf32, #tpu.memory_space<hbm>>
      %dma_wait3A_149 = arith.constant 0 : i32
      %dma_wait3A_150 = tpu.memref_slice %arg5[%add3A_121, %dma_wait3A_149] : memref<20480x128xf32, #tpu.memory_space<hbm>> -> memref<64x128xf32, #tpu.memory_space<hbm>>
      tpu.wait_dma2 semaphore(%run_scoped3A : memref<!tpu.dma_semaphore, #tpu.memory_space<semaphore_mem>>) src(%arg9 : memref<64x128xf32, #tpu.memory_space<vmem>>) dst(%dma_wait3A_150 : memref<64x128xf32, #tpu.memory_space<hbm>>)
      tpu.yield
    }) : () -> ()
    %mul3A_122 = arith.constant 640 : i32
    %mul3A_123 = arith.muli %arg1, %mul3A_122 : i32
    %add3A_124 = arith.constant 448 : i32
    %add3A_125 = arith.addi %mul3A_123, %add3A_124 : i32
    "tpu.region"() ({
      %run_scoped3A = tpu.sem_alloc : memref<!tpu.dma_semaphore, #tpu.memory_space<semaphore_mem>>
      %dma_start3A_143 = arith.constant 0 : i32
      %dma_start3A_144 = tpu.memref_slice %arg11[%add3A_125, %dma_start3A_143] : memref<10240x128xf32, #tpu.memory_space<vmem_shared>> -> memref<64x128xf32, #tpu.memory_space<vmem_shared>>
      %dma_start3A_145 = arith.constant 0 : i32
      %dma_start3A_146 = tpu.memref_slice %arg11[%add3A_125, %dma_start3A_145] : memref<10240x128xf32, #tpu.memory_space<vmem_shared>> -> memref<64x128xf32, #tpu.memory_space<vmem_shared>>
      tpu.enqueue_dma source(%dma_start3A_146 : memref<64x128xf32, #tpu.memory_space<vmem_shared>>) target(%arg9 : memref<64x128xf32, #tpu.memory_space<vmem>>) target_semaphore(%run_scoped3A : memref<!tpu.dma_semaphore, #tpu.memory_space<semaphore_mem>>)
      %dma_wait3A_147 = arith.constant 0 : i32
      %dma_wait3A_148 = tpu.memref_slice %arg11[%add3A_125, %dma_wait3A_147] : memref<10240x128xf32, #tpu.memory_space<vmem_shared>> -> memref<64x128xf32, #tpu.memory_space<vmem_shared>>
      %dma_wait3A_149 = arith.constant 0 : i32
      %dma_wait3A_150 = tpu.memref_slice %arg11[%add3A_125, %dma_wait3A_149] : memref<10240x128xf32, #tpu.memory_space<vmem_shared>> -> memref<64x128xf32, #tpu.memory_space<vmem_shared>>
      tpu.wait_dma2 semaphore(%run_scoped3A : memref<!tpu.dma_semaphore, #tpu.memory_space<semaphore_mem>>) src(%dma_wait3A_150 : memref<64x128xf32, #tpu.memory_space<vmem_shared>>) dst(%arg9 : memref<64x128xf32, #tpu.memory_space<vmem>>)
      tpu.yield
    }) : () -> ()
    %mul3A_126 = arith.constant 10240 : i32
    %mul3A_127 = arith.muli %arg0, %mul3A_126 : i32
    %add3A_128 = arith.addi %mul3A_127, %add3A_125 : i32
    "tpu.region"() ({
      %run_scoped3A = tpu.sem_alloc : memref<!tpu.dma_semaphore, #tpu.memory_space<semaphore_mem>>
      %dma_start3A_143 = arith.constant 0 : i32
      %dma_start3A_144 = tpu.memref_slice %arg5[%add3A_128, %dma_start3A_143] : memref<20480x128xf32, #tpu.memory_space<hbm>> -> memref<64x128xf32, #tpu.memory_space<hbm>>
      %dma_start3A_145 = arith.constant 0 : i32
      %dma_start3A_146 = tpu.memref_slice %arg5[%add3A_128, %dma_start3A_145] : memref<20480x128xf32, #tpu.memory_space<hbm>> -> memref<64x128xf32, #tpu.memory_space<hbm>>
      tpu.enqueue_dma source(%arg9 : memref<64x128xf32, #tpu.memory_space<vmem>>) target(%dma_start3A_146 : memref<64x128xf32, #tpu.memory_space<hbm>>) target_semaphore(%run_scoped3A : memref<!tpu.dma_semaphore, #tpu.memory_space<semaphore_mem>>)
      %dma_wait3A_147 = arith.constant 0 : i32
      %dma_wait3A_148 = tpu.memref_slice %arg5[%add3A_128, %dma_wait3A_147] : memref<20480x128xf32, #tpu.memory_space<hbm>> -> memref<64x128xf32, #tpu.memory_space<hbm>>
      %dma_wait3A_149 = arith.constant 0 : i32
      %dma_wait3A_150 = tpu.memref_slice %arg5[%add3A_128, %dma_wait3A_149] : memref<20480x128xf32, #tpu.memory_space<hbm>> -> memref<64x128xf32, #tpu.memory_space<hbm>>
      tpu.wait_dma2 semaphore(%run_scoped3A : memref<!tpu.dma_semaphore, #tpu.memory_space<semaphore_mem>>) src(%arg9 : memref<64x128xf32, #tpu.memory_space<vmem>>) dst(%dma_wait3A_150 : memref<64x128xf32, #tpu.memory_space<hbm>>)
      tpu.yield
    }) : () -> ()
    %mul3A_129 = arith.constant 640 : i32
    %mul3A_130 = arith.muli %arg1, %mul3A_129 : i32
    %add3A_131 = arith.constant 512 : i32
    %add3A_132 = arith.addi %mul3A_130, %add3A_131 : i32
    "tpu.region"() ({
      %run_scoped3A = tpu.sem_alloc : memref<!tpu.dma_semaphore, #tpu.memory_space<semaphore_mem>>
      %dma_start3A_143 = arith.constant 0 : i32
      %dma_start3A_144 = tpu.memref_slice %arg11[%add3A_132, %dma_start3A_143] : memref<10240x128xf32, #tpu.memory_space<vmem_shared>> -> memref<64x128xf32, #tpu.memory_space<vmem_shared>>
      %dma_start3A_145 = arith.constant 0 : i32
      %dma_start3A_146 = tpu.memref_slice %arg11[%add3A_132, %dma_start3A_145] : memref<10240x128xf32, #tpu.memory_space<vmem_shared>> -> memref<64x128xf32, #tpu.memory_space<vmem_shared>>
      tpu.enqueue_dma source(%dma_start3A_146 : memref<64x128xf32, #tpu.memory_space<vmem_shared>>) target(%arg9 : memref<64x128xf32, #tpu.memory_space<vmem>>) target_semaphore(%run_scoped3A : memref<!tpu.dma_semaphore, #tpu.memory_space<semaphore_mem>>)
      %dma_wait3A_147 = arith.constant 0 : i32
      %dma_wait3A_148 = tpu.memref_slice %arg11[%add3A_132, %dma_wait3A_147] : memref<10240x128xf32, #tpu.memory_space<vmem_shared>> -> memref<64x128xf32, #tpu.memory_space<vmem_shared>>
      %dma_wait3A_149 = arith.constant 0 : i32
      %dma_wait3A_150 = tpu.memref_slice %arg11[%add3A_132, %dma_wait3A_149] : memref<10240x128xf32, #tpu.memory_space<vmem_shared>> -> memref<64x128xf32, #tpu.memory_space<vmem_shared>>
      tpu.wait_dma2 semaphore(%run_scoped3A : memref<!tpu.dma_semaphore, #tpu.memory_space<semaphore_mem>>) src(%dma_wait3A_150 : memref<64x128xf32, #tpu.memory_space<vmem_shared>>) dst(%arg9 : memref<64x128xf32, #tpu.memory_space<vmem>>)
      tpu.yield
    }) : () -> ()
    %mul3A_133 = arith.constant 10240 : i32
    %mul3A_134 = arith.muli %arg0, %mul3A_133 : i32
    %add3A_135 = arith.addi %mul3A_134, %add3A_132 : i32
    "tpu.region"() ({
      %run_scoped3A = tpu.sem_alloc : memref<!tpu.dma_semaphore, #tpu.memory_space<semaphore_mem>>
      %dma_start3A_143 = arith.constant 0 : i32
      %dma_start3A_144 = tpu.memref_slice %arg5[%add3A_135, %dma_start3A_143] : memref<20480x128xf32, #tpu.memory_space<hbm>> -> memref<64x128xf32, #tpu.memory_space<hbm>>
      %dma_start3A_145 = arith.constant 0 : i32
      %dma_start3A_146 = tpu.memref_slice %arg5[%add3A_135, %dma_start3A_145] : memref<20480x128xf32, #tpu.memory_space<hbm>> -> memref<64x128xf32, #tpu.memory_space<hbm>>
      tpu.enqueue_dma source(%arg9 : memref<64x128xf32, #tpu.memory_space<vmem>>) target(%dma_start3A_146 : memref<64x128xf32, #tpu.memory_space<hbm>>) target_semaphore(%run_scoped3A : memref<!tpu.dma_semaphore, #tpu.memory_space<semaphore_mem>>)
      %dma_wait3A_147 = arith.constant 0 : i32
      %dma_wait3A_148 = tpu.memref_slice %arg5[%add3A_135, %dma_wait3A_147] : memref<20480x128xf32, #tpu.memory_space<hbm>> -> memref<64x128xf32, #tpu.memory_space<hbm>>
      %dma_wait3A_149 = arith.constant 0 : i32
      %dma_wait3A_150 = tpu.memref_slice %arg5[%add3A_135, %dma_wait3A_149] : memref<20480x128xf32, #tpu.memory_space<hbm>> -> memref<64x128xf32, #tpu.memory_space<hbm>>
      tpu.wait_dma2 semaphore(%run_scoped3A : memref<!tpu.dma_semaphore, #tpu.memory_space<semaphore_mem>>) src(%arg9 : memref<64x128xf32, #tpu.memory_space<vmem>>) dst(%dma_wait3A_150 : memref<64x128xf32, #tpu.memory_space<hbm>>)
      tpu.yield
    }) : () -> ()
    %mul3A_136 = arith.constant 640 : i32
    %mul3A_137 = arith.muli %arg1, %mul3A_136 : i32
    %add3A_138 = arith.constant 576 : i32
    %add3A_139 = arith.addi %mul3A_137, %add3A_138 : i32
    "tpu.region"() ({
      %run_scoped3A = tpu.sem_alloc : memref<!tpu.dma_semaphore, #tpu.memory_space<semaphore_mem>>
      %dma_start3A_143 = arith.constant 0 : i32
      %dma_start3A_144 = tpu.memref_slice %arg11[%add3A_139, %dma_start3A_143] : memref<10240x128xf32, #tpu.memory_space<vmem_shared>> -> memref<64x128xf32, #tpu.memory_space<vmem_shared>>
      %dma_start3A_145 = arith.constant 0 : i32
      %dma_start3A_146 = tpu.memref_slice %arg11[%add3A_139, %dma_start3A_145] : memref<10240x128xf32, #tpu.memory_space<vmem_shared>> -> memref<64x128xf32, #tpu.memory_space<vmem_shared>>
      tpu.enqueue_dma source(%dma_start3A_146 : memref<64x128xf32, #tpu.memory_space<vmem_shared>>) target(%arg9 : memref<64x128xf32, #tpu.memory_space<vmem>>) target_semaphore(%run_scoped3A : memref<!tpu.dma_semaphore, #tpu.memory_space<semaphore_mem>>)
      %dma_wait3A_147 = arith.constant 0 : i32
      %dma_wait3A_148 = tpu.memref_slice %arg11[%add3A_139, %dma_wait3A_147] : memref<10240x128xf32, #tpu.memory_space<vmem_shared>> -> memref<64x128xf32, #tpu.memory_space<vmem_shared>>
      %dma_wait3A_149 = arith.constant 0 : i32
      %dma_wait3A_150 = tpu.memref_slice %arg11[%add3A_139, %dma_wait3A_149] : memref<10240x128xf32, #tpu.memory_space<vmem_shared>> -> memref<64x128xf32, #tpu.memory_space<vmem_shared>>
      tpu.wait_dma2 semaphore(%run_scoped3A : memref<!tpu.dma_semaphore, #tpu.memory_space<semaphore_mem>>) src(%dma_wait3A_150 : memref<64x128xf32, #tpu.memory_space<vmem_shared>>) dst(%arg9 : memref<64x128xf32, #tpu.memory_space<vmem>>)
      tpu.yield
    }) : () -> ()
    %mul3A_140 = arith.constant 10240 : i32
    %mul3A_141 = arith.muli %arg0, %mul3A_140 : i32
    %add3A_142 = arith.addi %mul3A_141, %add3A_139 : i32
    "tpu.region"() ({
      %run_scoped3A = tpu.sem_alloc : memref<!tpu.dma_semaphore, #tpu.memory_space<semaphore_mem>>
      %dma_start3A_143 = arith.constant 0 : i32
      %dma_start3A_144 = tpu.memref_slice %arg5[%add3A_142, %dma_start3A_143] : memref<20480x128xf32, #tpu.memory_space<hbm>> -> memref<64x128xf32, #tpu.memory_space<hbm>>
      %dma_start3A_145 = arith.constant 0 : i32
      %dma_start3A_146 = tpu.memref_slice %arg5[%add3A_142, %dma_start3A_145] : memref<20480x128xf32, #tpu.memory_space<hbm>> -> memref<64x128xf32, #tpu.memory_space<hbm>>
      tpu.enqueue_dma source(%arg9 : memref<64x128xf32, #tpu.memory_space<vmem>>) target(%dma_start3A_146 : memref<64x128xf32, #tpu.memory_space<hbm>>) target_semaphore(%run_scoped3A : memref<!tpu.dma_semaphore, #tpu.memory_space<semaphore_mem>>)
      %dma_wait3A_147 = arith.constant 0 : i32
      %dma_wait3A_148 = tpu.memref_slice %arg5[%add3A_142, %dma_wait3A_147] : memref<20480x128xf32, #tpu.memory_space<hbm>> -> memref<64x128xf32, #tpu.memory_space<hbm>>
      %dma_wait3A_149 = arith.constant 0 : i32
      %dma_wait3A_150 = tpu.memref_slice %arg5[%add3A_142, %dma_wait3A_149] : memref<20480x128xf32, #tpu.memory_space<hbm>> -> memref<64x128xf32, #tpu.memory_space<hbm>>
      tpu.wait_dma2 semaphore(%run_scoped3A : memref<!tpu.dma_semaphore, #tpu.memory_space<semaphore_mem>>) src(%arg9 : memref<64x128xf32, #tpu.memory_space<vmem>>) dst(%dma_wait3A_150 : memref<64x128xf32, #tpu.memory_space<hbm>>)
      tpu.yield
    }) : () -> ()
    return
  }
}

#map = affine_map<(d0, d1) -> (0)>
#map1 = affine_map<(d0, d1) -> (0, 0)>
module attributes {stable_mosaic.version = 14 : i64} {
  func.func @_deg_body(%arg0: i32, %arg1: i32, %arg2: memref<323584xi32, #tpu.memory_space<hbm>>, %arg3: memref<20480x128xf32, #tpu.memory_space<hbm>>, %arg4: memref<64xi32, #tpu.memory_space<vmem>>, %arg5: memref<64x128xf32, #tpu.memory_space<vmem>>, %arg6: memref<10240x128xf32, #tpu.memory_space<vmem_shared>>) attributes {dimension_semantics = [#tpu.dimension_semantics<core_parallel>, #tpu.dimension_semantics<subcore_parallel>], iteration_bounds = array<i64: 2, 16>, scalar_prefetch = 0 : i64, scratch_operands = 3 : i64, tpu.core_type = #tpu.core_type<sc_vector_subcore>, window_params = [{transform_indices = #map}, {transform_indices = #map1}]} {
    %mul3A = arith.constant 16 : i32
    %mul3A_0 = arith.muli %arg0, %mul3A : i32
    %add3A = arith.addi %mul3A_0, %arg1 : i32
    %scan3A = arith.constant 0 : i32
    %scan3A_1 = arith.constant 0 : i32
    %scan3A_2 = arith.constant 64 : i32
    %scan3A_3 = arith.addi %scan3A_1, %scan3A_2 : i32
    %scan3A_4 = arith.constant 1 : i32
    %scan3A_5 = scf.for %scan3A_132 = %scan3A_1 to %scan3A_3 step %scan3A_4 iter_args(%scan3A_133 = %scan3A) -> (i32)  : i32 {
      %scan3A_134 = arith.constant 0 : i32
      %scan3A_135 = arith.constant 0 : i32
      %scan3A_136 = arith.constant 8 : i32
      %scan3A_137 = arith.addi %scan3A_135, %scan3A_136 : i32
      %scan3A_138 = arith.constant 1 : i32
      %scan3A_139 = scf.for %scan3A_142 = %scan3A_135 to %scan3A_137 step %scan3A_138 iter_args(%scan3A_143 = %scan3A_134) -> (i32)  : i32 {
        %broadcast_in_dim3A = arith.constant 0.000000e+00 : f32
        %broadcast_in_dim3A_144 = vector.broadcast %broadcast_in_dim3A : f32 to vector<16xf32>
        %mul3A_145 = arith.constant 16 : i32
        %mul3A_146 = arith.muli %scan3A_142, %mul3A_145 : i32
        %swap3A = arith.index_cast %scan3A_132 : i32 to index
        %swap3A_147 = arith.index_cast %mul3A_146 : i32 to index
        %swap3A_148 = tpu.vector_load %arg5[%swap3A, %swap3A_147] {strides = array<i32>} : memref<64x128xf32, #tpu.memory_space<vmem>>, vector<1x16xf32>,
        %swap3A_149 = vector.shape_cast %swap3A_148 : vector<1x16xf32> to vector<16xf32>
        %swap3A_150 = vector.shape_cast %broadcast_in_dim3A_144 : vector<16xf32> to vector<1x16xf32>
        tpu.vector_store %arg5[%swap3A, %swap3A_147], %swap3A_150 {strides = array<i32>} : memref<64x128xf32, #tpu.memory_space<vmem>>, vector<1x16xf32>,
        %scan3A_151 = arith.constant 0 : i32
        scf.yield %scan3A_151 : i32
      }
      %scan3A_140 = arith.constant 8 : i32
      %scan3A_141 = arith.constant 0 : i32
      scf.yield %scan3A_141 : i32
    }
    %scan3A_6 = arith.constant 64 : i32
    %mul3A_7 = arith.constant 640 : i32
    %mul3A_8 = arith.muli %arg1, %mul3A_7 : i32
    %add3A_9 = arith.constant 0 : i32
    %add3A_10 = arith.addi %mul3A_8, %add3A_9 : i32
    "tpu.region"() ({
      %run_scoped3A = tpu.sem_alloc : memref<!tpu.dma_semaphore, #tpu.memory_space<semaphore_mem>>
      %dma_start3A = arith.constant 0 : i32
      %dma_start3A_132 = tpu.memref_slice %arg6[%add3A_10, %dma_start3A] : memref<10240x128xf32, #tpu.memory_space<vmem_shared>> -> memref<64x128xf32, #tpu.memory_space<vmem_shared>>
      %dma_start3A_133 = arith.constant 0 : i32
      %dma_start3A_134 = tpu.memref_slice %arg6[%add3A_10, %dma_start3A_133] : memref<10240x128xf32, #tpu.memory_space<vmem_shared>> -> memref<64x128xf32, #tpu.memory_space<vmem_shared>>
      tpu.enqueue_dma source(%arg5 : memref<64x128xf32, #tpu.memory_space<vmem>>) target(%dma_start3A_134 : memref<64x128xf32, #tpu.memory_space<vmem_shared>>) target_semaphore(%run_scoped3A : memref<!tpu.dma_semaphore, #tpu.memory_space<semaphore_mem>>)
      %dma_wait3A = arith.constant 0 : i32
      %dma_wait3A_135 = tpu.memref_slice %arg6[%add3A_10, %dma_wait3A] : memref<10240x128xf32, #tpu.memory_space<vmem_shared>> -> memref<64x128xf32, #tpu.memory_space<vmem_shared>>
      %dma_wait3A_136 = arith.constant 0 : i32
      %dma_wait3A_137 = tpu.memref_slice %arg6[%add3A_10, %dma_wait3A_136] : memref<10240x128xf32, #tpu.memory_space<vmem_shared>> -> memref<64x128xf32, #tpu.memory_space<vmem_shared>>
      tpu.wait_dma2 semaphore(%run_scoped3A : memref<!tpu.dma_semaphore, #tpu.memory_space<semaphore_mem>>) src(%arg5 : memref<64x128xf32, #tpu.memory_space<vmem>>) dst(%dma_wait3A_137 : memref<64x128xf32, #tpu.memory_space<vmem_shared>>)
      tpu.yield
    }) : () -> ()
    %mul3A_11 = arith.constant 640 : i32
    %mul3A_12 = arith.muli %arg1, %mul3A_11 : i32
    %add3A_13 = arith.constant 64 : i32
    %add3A_14 = arith.addi %mul3A_12, %add3A_13 : i32
    "tpu.region"() ({
      %run_scoped3A = tpu.sem_alloc : memref<!tpu.dma_semaphore, #tpu.memory_space<semaphore_mem>>
      %dma_start3A = arith.constant 0 : i32
      %dma_start3A_132 = tpu.memref_slice %arg6[%add3A_14, %dma_start3A] : memref<10240x128xf32, #tpu.memory_space<vmem_shared>> -> memref<64x128xf32, #tpu.memory_space<vmem_shared>>
      %dma_start3A_133 = arith.constant 0 : i32
      %dma_start3A_134 = tpu.memref_slice %arg6[%add3A_14, %dma_start3A_133] : memref<10240x128xf32, #tpu.memory_space<vmem_shared>> -> memref<64x128xf32, #tpu.memory_space<vmem_shared>>
      tpu.enqueue_dma source(%arg5 : memref<64x128xf32, #tpu.memory_space<vmem>>) target(%dma_start3A_134 : memref<64x128xf32, #tpu.memory_space<vmem_shared>>) target_semaphore(%run_scoped3A : memref<!tpu.dma_semaphore, #tpu.memory_space<semaphore_mem>>)
      %dma_wait3A = arith.constant 0 : i32
      %dma_wait3A_135 = tpu.memref_slice %arg6[%add3A_14, %dma_wait3A] : memref<10240x128xf32, #tpu.memory_space<vmem_shared>> -> memref<64x128xf32, #tpu.memory_space<vmem_shared>>
      %dma_wait3A_136 = arith.constant 0 : i32
      %dma_wait3A_137 = tpu.memref_slice %arg6[%add3A_14, %dma_wait3A_136] : memref<10240x128xf32, #tpu.memory_space<vmem_shared>> -> memref<64x128xf32, #tpu.memory_space<vmem_shared>>
      tpu.wait_dma2 semaphore(%run_scoped3A : memref<!tpu.dma_semaphore, #tpu.memory_space<semaphore_mem>>) src(%arg5 : memref<64x128xf32, #tpu.memory_space<vmem>>) dst(%dma_wait3A_137 : memref<64x128xf32, #tpu.memory_space<vmem_shared>>)
      tpu.yield
    }) : () -> ()
    %mul3A_15 = arith.constant 640 : i32
    %mul3A_16 = arith.muli %arg1, %mul3A_15 : i32
    %add3A_17 = arith.constant 128 : i32
    %add3A_18 = arith.addi %mul3A_16, %add3A_17 : i32
    "tpu.region"() ({
      %run_scoped3A = tpu.sem_alloc : memref<!tpu.dma_semaphore, #tpu.memory_space<semaphore_mem>>
      %dma_start3A = arith.constant 0 : i32
      %dma_start3A_132 = tpu.memref_slice %arg6[%add3A_18, %dma_start3A] : memref<10240x128xf32, #tpu.memory_space<vmem_shared>> -> memref<64x128xf32, #tpu.memory_space<vmem_shared>>
      %dma_start3A_133 = arith.constant 0 : i32
      %dma_start3A_134 = tpu.memref_slice %arg6[%add3A_18, %dma_start3A_133] : memref<10240x128xf32, #tpu.memory_space<vmem_shared>> -> memref<64x128xf32, #tpu.memory_space<vmem_shared>>
      tpu.enqueue_dma source(%arg5 : memref<64x128xf32, #tpu.memory_space<vmem>>) target(%dma_start3A_134 : memref<64x128xf32, #tpu.memory_space<vmem_shared>>) target_semaphore(%run_scoped3A : memref<!tpu.dma_semaphore, #tpu.memory_space<semaphore_mem>>)
      %dma_wait3A = arith.constant 0 : i32
      %dma_wait3A_135 = tpu.memref_slice %arg6[%add3A_18, %dma_wait3A] : memref<10240x128xf32, #tpu.memory_space<vmem_shared>> -> memref<64x128xf32, #tpu.memory_space<vmem_shared>>
      %dma_wait3A_136 = arith.constant 0 : i32
      %dma_wait3A_137 = tpu.memref_slice %arg6[%add3A_18, %dma_wait3A_136] : memref<10240x128xf32, #tpu.memory_space<vmem_shared>> -> memref<64x128xf32, #tpu.memory_space<vmem_shared>>
      tpu.wait_dma2 semaphore(%run_scoped3A : memref<!tpu.dma_semaphore, #tpu.memory_space<semaphore_mem>>) src(%arg5 : memref<64x128xf32, #tpu.memory_space<vmem>>) dst(%dma_wait3A_137 : memref<64x128xf32, #tpu.memory_space<vmem_shared>>)
      tpu.yield
    }) : () -> ()
    %mul3A_19 = arith.constant 640 : i32
    %mul3A_20 = arith.muli %arg1, %mul3A_19 : i32
    %add3A_21 = arith.constant 192 : i32
    %add3A_22 = arith.addi %mul3A_20, %add3A_21 : i32
    "tpu.region"() ({
      %run_scoped3A = tpu.sem_alloc : memref<!tpu.dma_semaphore, #tpu.memory_space<semaphore_mem>>
      %dma_start3A = arith.constant 0 : i32
      %dma_start3A_132 = tpu.memref_slice %arg6[%add3A_22, %dma_start3A] : memref<10240x128xf32, #tpu.memory_space<vmem_shared>> -> memref<64x128xf32, #tpu.memory_space<vmem_shared>>
      %dma_start3A_133 = arith.constant 0 : i32
      %dma_start3A_134 = tpu.memref_slice %arg6[%add3A_22, %dma_start3A_133] : memref<10240x128xf32, #tpu.memory_space<vmem_shared>> -> memref<64x128xf32, #tpu.memory_space<vmem_shared>>
      tpu.enqueue_dma source(%arg5 : memref<64x128xf32, #tpu.memory_space<vmem>>) target(%dma_start3A_134 : memref<64x128xf32, #tpu.memory_space<vmem_shared>>) target_semaphore(%run_scoped3A : memref<!tpu.dma_semaphore, #tpu.memory_space<semaphore_mem>>)
      %dma_wait3A = arith.constant 0 : i32
      %dma_wait3A_135 = tpu.memref_slice %arg6[%add3A_22, %dma_wait3A] : memref<10240x128xf32, #tpu.memory_space<vmem_shared>> -> memref<64x128xf32, #tpu.memory_space<vmem_shared>>
      %dma_wait3A_136 = arith.constant 0 : i32
      %dma_wait3A_137 = tpu.memref_slice %arg6[%add3A_22, %dma_wait3A_136] : memref<10240x128xf32, #tpu.memory_space<vmem_shared>> -> memref<64x128xf32, #tpu.memory_space<vmem_shared>>
      tpu.wait_dma2 semaphore(%run_scoped3A : memref<!tpu.dma_semaphore, #tpu.memory_space<semaphore_mem>>) src(%arg5 : memref<64x128xf32, #tpu.memory_space<vmem>>) dst(%dma_wait3A_137 : memref<64x128xf32, #tpu.memory_space<vmem_shared>>)
      tpu.yield
    }) : () -> ()
    %mul3A_23 = arith.constant 640 : i32
    %mul3A_24 = arith.muli %arg1, %mul3A_23 : i32
    %add3A_25 = arith.constant 256 : i32
    %add3A_26 = arith.addi %mul3A_24, %add3A_25 : i32
    "tpu.region"() ({
      %run_scoped3A = tpu.sem_alloc : memref<!tpu.dma_semaphore, #tpu.memory_space<semaphore_mem>>
      %dma_start3A = arith.constant 0 : i32
      %dma_start3A_132 = tpu.memref_slice %arg6[%add3A_26, %dma_start3A] : memref<10240x128xf32, #tpu.memory_space<vmem_shared>> -> memref<64x128xf32, #tpu.memory_space<vmem_shared>>
      %dma_start3A_133 = arith.constant 0 : i32
      %dma_start3A_134 = tpu.memref_slice %arg6[%add3A_26, %dma_start3A_133] : memref<10240x128xf32, #tpu.memory_space<vmem_shared>> -> memref<64x128xf32, #tpu.memory_space<vmem_shared>>
      tpu.enqueue_dma source(%arg5 : memref<64x128xf32, #tpu.memory_space<vmem>>) target(%dma_start3A_134 : memref<64x128xf32, #tpu.memory_space<vmem_shared>>) target_semaphore(%run_scoped3A : memref<!tpu.dma_semaphore, #tpu.memory_space<semaphore_mem>>)
      %dma_wait3A = arith.constant 0 : i32
      %dma_wait3A_135 = tpu.memref_slice %arg6[%add3A_26, %dma_wait3A] : memref<10240x128xf32, #tpu.memory_space<vmem_shared>> -> memref<64x128xf32, #tpu.memory_space<vmem_shared>>
      %dma_wait3A_136 = arith.constant 0 : i32
      %dma_wait3A_137 = tpu.memref_slice %arg6[%add3A_26, %dma_wait3A_136] : memref<10240x128xf32, #tpu.memory_space<vmem_shared>> -> memref<64x128xf32, #tpu.memory_space<vmem_shared>>
      tpu.wait_dma2 semaphore(%run_scoped3A : memref<!tpu.dma_semaphore, #tpu.memory_space<semaphore_mem>>) src(%arg5 : memref<64x128xf32, #tpu.memory_space<vmem>>) dst(%dma_wait3A_137 : memref<64x128xf32, #tpu.memory_space<vmem_shared>>)
      tpu.yield
    }) : () -> ()
    %mul3A_27 = arith.constant 640 : i32
    %mul3A_28 = arith.muli %arg1, %mul3A_27 : i32
    %add3A_29 = arith.constant 320 : i32
    %add3A_30 = arith.addi %mul3A_28, %add3A_29 : i32
    "tpu.region"() ({
      %run_scoped3A = tpu.sem_alloc : memref<!tpu.dma_semaphore, #tpu.memory_space<semaphore_mem>>
      %dma_start3A = arith.constant 0 : i32
      %dma_start3A_132 = tpu.memref_slice %arg6[%add3A_30, %dma_start3A] : memref<10240x128xf32, #tpu.memory_space<vmem_shared>> -> memref<64x128xf32, #tpu.memory_space<vmem_shared>>
      %dma_start3A_133 = arith.constant 0 : i32
      %dma_start3A_134 = tpu.memref_slice %arg6[%add3A_30, %dma_start3A_133] : memref<10240x128xf32, #tpu.memory_space<vmem_shared>> -> memref<64x128xf32, #tpu.memory_space<vmem_shared>>
      tpu.enqueue_dma source(%arg5 : memref<64x128xf32, #tpu.memory_space<vmem>>) target(%dma_start3A_134 : memref<64x128xf32, #tpu.memory_space<vmem_shared>>) target_semaphore(%run_scoped3A : memref<!tpu.dma_semaphore, #tpu.memory_space<semaphore_mem>>)
      %dma_wait3A = arith.constant 0 : i32
      %dma_wait3A_135 = tpu.memref_slice %arg6[%add3A_30, %dma_wait3A] : memref<10240x128xf32, #tpu.memory_space<vmem_shared>> -> memref<64x128xf32, #tpu.memory_space<vmem_shared>>
      %dma_wait3A_136 = arith.constant 0 : i32
      %dma_wait3A_137 = tpu.memref_slice %arg6[%add3A_30, %dma_wait3A_136] : memref<10240x128xf32, #tpu.memory_space<vmem_shared>> -> memref<64x128xf32, #tpu.memory_space<vmem_shared>>
      tpu.wait_dma2 semaphore(%run_scoped3A : memref<!tpu.dma_semaphore, #tpu.memory_space<semaphore_mem>>) src(%arg5 : memref<64x128xf32, #tpu.memory_space<vmem>>) dst(%dma_wait3A_137 : memref<64x128xf32, #tpu.memory_space<vmem_shared>>)
      tpu.yield
    }) : () -> ()
    %mul3A_31 = arith.constant 640 : i32
    %mul3A_32 = arith.muli %arg1, %mul3A_31 : i32
    %add3A_33 = arith.constant 384 : i32
    %add3A_34 = arith.addi %mul3A_32, %add3A_33 : i32
    "tpu.region"() ({
      %run_scoped3A = tpu.sem_alloc : memref<!tpu.dma_semaphore, #tpu.memory_space<semaphore_mem>>
      %dma_start3A = arith.constant 0 : i32
      %dma_start3A_132 = tpu.memref_slice %arg6[%add3A_34, %dma_start3A] : memref<10240x128xf32, #tpu.memory_space<vmem_shared>> -> memref<64x128xf32, #tpu.memory_space<vmem_shared>>
      %dma_start3A_133 = arith.constant 0 : i32
      %dma_start3A_134 = tpu.memref_slice %arg6[%add3A_34, %dma_start3A_133] : memref<10240x128xf32, #tpu.memory_space<vmem_shared>> -> memref<64x128xf32, #tpu.memory_space<vmem_shared>>
      tpu.enqueue_dma source(%arg5 : memref<64x128xf32, #tpu.memory_space<vmem>>) target(%dma_start3A_134 : memref<64x128xf32, #tpu.memory_space<vmem_shared>>) target_semaphore(%run_scoped3A : memref<!tpu.dma_semaphore, #tpu.memory_space<semaphore_mem>>)
      %dma_wait3A = arith.constant 0 : i32
      %dma_wait3A_135 = tpu.memref_slice %arg6[%add3A_34, %dma_wait3A] : memref<10240x128xf32, #tpu.memory_space<vmem_shared>> -> memref<64x128xf32, #tpu.memory_space<vmem_shared>>
      %dma_wait3A_136 = arith.constant 0 : i32
      %dma_wait3A_137 = tpu.memref_slice %arg6[%add3A_34, %dma_wait3A_136] : memref<10240x128xf32, #tpu.memory_space<vmem_shared>> -> memref<64x128xf32, #tpu.memory_space<vmem_shared>>
      tpu.wait_dma2 semaphore(%run_scoped3A : memref<!tpu.dma_semaphore, #tpu.memory_space<semaphore_mem>>) src(%arg5 : memref<64x128xf32, #tpu.memory_space<vmem>>) dst(%dma_wait3A_137 : memref<64x128xf32, #tpu.memory_space<vmem_shared>>)
      tpu.yield
    }) : () -> ()
    %mul3A_35 = arith.constant 640 : i32
    %mul3A_36 = arith.muli %arg1, %mul3A_35 : i32
    %add3A_37 = arith.constant 448 : i32
    %add3A_38 = arith.addi %mul3A_36, %add3A_37 : i32
    "tpu.region"() ({
      %run_scoped3A = tpu.sem_alloc : memref<!tpu.dma_semaphore, #tpu.memory_space<semaphore_mem>>
      %dma_start3A = arith.constant 0 : i32
      %dma_start3A_132 = tpu.memref_slice %arg6[%add3A_38, %dma_start3A] : memref<10240x128xf32, #tpu.memory_space<vmem_shared>> -> memref<64x128xf32, #tpu.memory_space<vmem_shared>>
      %dma_start3A_133 = arith.constant 0 : i32
      %dma_start3A_134 = tpu.memref_slice %arg6[%add3A_38, %dma_start3A_133] : memref<10240x128xf32, #tpu.memory_space<vmem_shared>> -> memref<64x128xf32, #tpu.memory_space<vmem_shared>>
      tpu.enqueue_dma source(%arg5 : memref<64x128xf32, #tpu.memory_space<vmem>>) target(%dma_start3A_134 : memref<64x128xf32, #tpu.memory_space<vmem_shared>>) target_semaphore(%run_scoped3A : memref<!tpu.dma_semaphore, #tpu.memory_space<semaphore_mem>>)
      %dma_wait3A = arith.constant 0 : i32
      %dma_wait3A_135 = tpu.memref_slice %arg6[%add3A_38, %dma_wait3A] : memref<10240x128xf32, #tpu.memory_space<vmem_shared>> -> memref<64x128xf32, #tpu.memory_space<vmem_shared>>
      %dma_wait3A_136 = arith.constant 0 : i32
      %dma_wait3A_137 = tpu.memref_slice %arg6[%add3A_38, %dma_wait3A_136] : memref<10240x128xf32, #tpu.memory_space<vmem_shared>> -> memref<64x128xf32, #tpu.memory_space<vmem_shared>>
      tpu.wait_dma2 semaphore(%run_scoped3A : memref<!tpu.dma_semaphore, #tpu.memory_space<semaphore_mem>>) src(%arg5 : memref<64x128xf32, #tpu.memory_space<vmem>>) dst(%dma_wait3A_137 : memref<64x128xf32, #tpu.memory_space<vmem_shared>>)
      tpu.yield
    }) : () -> ()
    %mul3A_39 = arith.constant 640 : i32
    %mul3A_40 = arith.muli %arg1, %mul3A_39 : i32
    %add3A_41 = arith.constant 512 : i32
    %add3A_42 = arith.addi %mul3A_40, %add3A_41 : i32
    "tpu.region"() ({
      %run_scoped3A = tpu.sem_alloc : memref<!tpu.dma_semaphore, #tpu.memory_space<semaphore_mem>>
      %dma_start3A = arith.constant 0 : i32
      %dma_start3A_132 = tpu.memref_slice %arg6[%add3A_42, %dma_start3A] : memref<10240x128xf32, #tpu.memory_space<vmem_shared>> -> memref<64x128xf32, #tpu.memory_space<vmem_shared>>
      %dma_start3A_133 = arith.constant 0 : i32
      %dma_start3A_134 = tpu.memref_slice %arg6[%add3A_42, %dma_start3A_133] : memref<10240x128xf32, #tpu.memory_space<vmem_shared>> -> memref<64x128xf32, #tpu.memory_space<vmem_shared>>
      tpu.enqueue_dma source(%arg5 : memref<64x128xf32, #tpu.memory_space<vmem>>) target(%dma_start3A_134 : memref<64x128xf32, #tpu.memory_space<vmem_shared>>) target_semaphore(%run_scoped3A : memref<!tpu.dma_semaphore, #tpu.memory_space<semaphore_mem>>)
      %dma_wait3A = arith.constant 0 : i32
      %dma_wait3A_135 = tpu.memref_slice %arg6[%add3A_42, %dma_wait3A] : memref<10240x128xf32, #tpu.memory_space<vmem_shared>> -> memref<64x128xf32, #tpu.memory_space<vmem_shared>>
      %dma_wait3A_136 = arith.constant 0 : i32
      %dma_wait3A_137 = tpu.memref_slice %arg6[%add3A_42, %dma_wait3A_136] : memref<10240x128xf32, #tpu.memory_space<vmem_shared>> -> memref<64x128xf32, #tpu.memory_space<vmem_shared>>
      tpu.wait_dma2 semaphore(%run_scoped3A : memref<!tpu.dma_semaphore, #tpu.memory_space<semaphore_mem>>) src(%arg5 : memref<64x128xf32, #tpu.memory_space<vmem>>) dst(%dma_wait3A_137 : memref<64x128xf32, #tpu.memory_space<vmem_shared>>)
      tpu.yield
    }) : () -> ()
    %mul3A_43 = arith.constant 640 : i32
    %mul3A_44 = arith.muli %arg1, %mul3A_43 : i32
    %add3A_45 = arith.constant 576 : i32
    %add3A_46 = arith.addi %mul3A_44, %add3A_45 : i32
    "tpu.region"() ({
      %run_scoped3A = tpu.sem_alloc : memref<!tpu.dma_semaphore, #tpu.memory_space<semaphore_mem>>
      %dma_start3A = arith.constant 0 : i32
      %dma_start3A_132 = tpu.memref_slice %arg6[%add3A_46, %dma_start3A] : memref<10240x128xf32, #tpu.memory_space<vmem_shared>> -> memref<64x128xf32, #tpu.memory_space<vmem_shared>>
      %dma_start3A_133 = arith.constant 0 : i32
      %dma_start3A_134 = tpu.memref_slice %arg6[%add3A_46, %dma_start3A_133] : memref<10240x128xf32, #tpu.memory_space<vmem_shared>> -> memref<64x128xf32, #tpu.memory_space<vmem_shared>>
      tpu.enqueue_dma source(%arg5 : memref<64x128xf32, #tpu.memory_space<vmem>>) target(%dma_start3A_134 : memref<64x128xf32, #tpu.memory_space<vmem_shared>>) target_semaphore(%run_scoped3A : memref<!tpu.dma_semaphore, #tpu.memory_space<semaphore_mem>>)
      %dma_wait3A = arith.constant 0 : i32
      %dma_wait3A_135 = tpu.memref_slice %arg6[%add3A_46, %dma_wait3A] : memref<10240x128xf32, #tpu.memory_space<vmem_shared>> -> memref<64x128xf32, #tpu.memory_space<vmem_shared>>
      %dma_wait3A_136 = arith.constant 0 : i32
      %dma_wait3A_137 = tpu.memref_slice %arg6[%add3A_46, %dma_wait3A_136] : memref<10240x128xf32, #tpu.memory_space<vmem_shared>> -> memref<64x128xf32, #tpu.memory_space<vmem_shared>>
      tpu.wait_dma2 semaphore(%run_scoped3A : memref<!tpu.dma_semaphore, #tpu.memory_space<semaphore_mem>>) src(%arg5 : memref<64x128xf32, #tpu.memory_space<vmem>>) dst(%dma_wait3A_137 : memref<64x128xf32, #tpu.memory_space<vmem_shared>>)
      tpu.yield
    }) : () -> ()
    %scan3A_47 = arith.constant 0 : i32
    %scan3A_48 = arith.constant 0 : i32
    %scan3A_49 = arith.constant 64 : i32
    %scan3A_50 = arith.addi %scan3A_48, %scan3A_49 : i32
    %scan3A_51 = arith.constant 1 : i32
    %scan3A_52 = scf.for %scan3A_132 = %scan3A_48 to %scan3A_50 step %scan3A_51 iter_args(%scan3A_133 = %scan3A_47) -> (i32)  : i32 {
      %scan3A_134 = arith.constant 0 : i32
      %scan3A_135 = arith.constant 0 : i32
      %scan3A_136 = arith.constant 8 : i32
      %scan3A_137 = arith.addi %scan3A_135, %scan3A_136 : i32
      %scan3A_138 = arith.constant 1 : i32
      %scan3A_139 = scf.for %scan3A_142 = %scan3A_135 to %scan3A_137 step %scan3A_138 iter_args(%scan3A_143 = %scan3A_134) -> (i32)  : i32 {
        %broadcast_in_dim3A = arith.constant 1.000000e+00 : f32
        %broadcast_in_dim3A_144 = vector.broadcast %broadcast_in_dim3A : f32 to vector<16xf32>
        %mul3A_145 = arith.constant 16 : i32
        %mul3A_146 = arith.muli %scan3A_142, %mul3A_145 : i32
        %swap3A = arith.index_cast %scan3A_132 : i32 to index
        %swap3A_147 = arith.index_cast %mul3A_146 : i32 to index
        %swap3A_148 = tpu.vector_load %arg5[%swap3A, %swap3A_147] {strides = array<i32>} : memref<64x128xf32, #tpu.memory_space<vmem>>, vector<1x16xf32>,
        %swap3A_149 = vector.shape_cast %swap3A_148 : vector<1x16xf32> to vector<16xf32>
        %swap3A_150 = vector.shape_cast %broadcast_in_dim3A_144 : vector<16xf32> to vector<1x16xf32>
        tpu.vector_store %arg5[%swap3A, %swap3A_147], %swap3A_150 {strides = array<i32>} : memref<64x128xf32, #tpu.memory_space<vmem>>, vector<1x16xf32>,
        %scan3A_151 = arith.constant 0 : i32
        scf.yield %scan3A_151 : i32
      }
      %scan3A_140 = arith.constant 8 : i32
      %scan3A_141 = arith.constant 0 : i32
      scf.yield %scan3A_141 : i32
    }
    %scan3A_53 = arith.constant 64 : i32
    %barrier3A = arith.constant 0 : index
    tpu.barrier barrier_id(%barrier3A)
    %scan3A_54 = arith.constant 0 : i32
    %scan3A_55 = arith.constant 0 : i32
    %scan3A_56 = arith.constant 158 : i32
    %scan3A_57 = arith.addi %scan3A_55, %scan3A_56 : i32
    %scan3A_58 = arith.constant 1 : i32
    %scan3A_59 = scf.for %scan3A_132 = %scan3A_55 to %scan3A_57 step %scan3A_58 iter_args(%scan3A_133 = %scan3A_54) -> (i32)  : i32 {
      %mul3A_134 = arith.constant 158 : i32
      %mul3A_135 = arith.muli %add3A, %mul3A_134 : i32
      %add3A_136 = arith.addi %mul3A_135, %scan3A_132 : i32
      %mul3A_137 = arith.constant 64 : i32
      %mul3A_138 = arith.muli %add3A_136, %mul3A_137 : i32
      "tpu.region"() ({
        %run_scoped3A = tpu.sem_alloc : memref<!tpu.dma_semaphore, #tpu.memory_space<semaphore_mem>>
        %dma_start3A = tpu.memref_slice %arg2[%mul3A_138] : memref<323584xi32, #tpu.memory_space<hbm>> -> memref<64xi32, #tpu.memory_space<hbm>>
        %dma_start3A_140 = tpu.memref_slice %arg2[%mul3A_138] : memref<323584xi32, #tpu.memory_space<hbm>> -> memref<64xi32, #tpu.memory_space<hbm>>
        tpu.enqueue_dma source(%dma_start3A_140 : memref<64xi32, #tpu.memory_space<hbm>>) target(%arg4 : memref<64xi32, #tpu.memory_space<vmem>>) target_semaphore(%run_scoped3A : memref<!tpu.dma_semaphore, #tpu.memory_space<semaphore_mem>>)
        %dma_wait3A = tpu.memref_slice %arg2[%mul3A_138] : memref<323584xi32, #tpu.memory_space<hbm>> -> memref<64xi32, #tpu.memory_space<hbm>>
        %dma_wait3A_141 = tpu.memref_slice %arg2[%mul3A_138] : memref<323584xi32, #tpu.memory_space<hbm>> -> memref<64xi32, #tpu.memory_space<hbm>>
        tpu.wait_dma2 semaphore(%run_scoped3A : memref<!tpu.dma_semaphore, #tpu.memory_space<semaphore_mem>>) src(%dma_wait3A_141 : memref<64xi32, #tpu.memory_space<hbm>>) dst(%arg4 : memref<64xi32, #tpu.memory_space<vmem>>)
        tpu.yield
      }) : () -> ()
      "tpu.region"() ({
        %run_scoped3A = tpu.sem_alloc : memref<!tpu.dma_semaphore, #tpu.memory_space<semaphore_mem>>
        %dma_start3A = arith.constant 0 : i32
        %dma_start3A_140 = arith.constant 0 : i32
        %dma_start3A_141 = tpu.memref_slice %arg6[%dma_start3A, %dma_start3A_140] : memref<10240x128xf32, #tpu.memory_space<vmem_shared>> -> memref<10240x128xf32, #tpu.memory_space<vmem_shared>>
        tpu.enqueue_indirect_dma source(%arg5 : memref<64x128xf32, #tpu.memory_space<vmem>>) target(%dma_start3A_141 : memref<10240x128xf32, #tpu.memory_space<vmem_shared>>) offsets(%arg4 : memref<64xi32, #tpu.memory_space<vmem>>) semaphore(%run_scoped3A : memref<!tpu.dma_semaphore, #tpu.memory_space<semaphore_mem>>) {add = true}
        %dma_wait3A = arith.constant 0 : i32
        %dma_wait3A_142 = arith.constant 0 : i32
        %dma_wait3A_143 = tpu.memref_slice %arg6[%dma_wait3A, %dma_wait3A_142] : memref<10240x128xf32, #tpu.memory_space<vmem_shared>> -> memref<10240x128xf32, #tpu.memory_space<vmem_shared>>
        tpu.wait_indirect_dma semaphore(%run_scoped3A : memref<!tpu.dma_semaphore, #tpu.memory_space<semaphore_mem>>) src(%arg5 : memref<64x128xf32, #tpu.memory_space<vmem>>) dst(%dma_wait3A_143 : memref<10240x128xf32, #tpu.memory_space<vmem_shared>>)
        tpu.yield
      }) : () -> ()
      %scan3A_139 = arith.constant 0 : i32
      scf.yield %scan3A_139 : i32
    }
    %scan3A_60 = arith.constant 158 : i32
    %barrier3A_61 = arith.constant 0 : index
    tpu.barrier barrier_id(%barrier3A_61)
    %mul3A_62 = arith.constant 640 : i32
    %mul3A_63 = arith.muli %arg1, %mul3A_62 : i32
    %add3A_64 = arith.constant 0 : i32
    %add3A_65 = arith.addi %mul3A_63, %add3A_64 : i32
    "tpu.region"() ({
      %run_scoped3A = tpu.sem_alloc : memref<!tpu.dma_semaphore, #tpu.memory_space<semaphore_mem>>
      %dma_start3A = arith.constant 0 : i32
      %dma_start3A_132 = tpu.memref_slice %arg6[%add3A_65, %dma_start3A] : memref<10240x128xf32, #tpu.memory_space<vmem_shared>> -> memref<64x128xf32, #tpu.memory_space<vmem_shared>>
      %dma_start3A_133 = arith.constant 0 : i32
      %dma_start3A_134 = tpu.memref_slice %arg6[%add3A_65, %dma_start3A_133] : memref<10240x128xf32, #tpu.memory_space<vmem_shared>> -> memref<64x128xf32, #tpu.memory_space<vmem_shared>>
      tpu.enqueue_dma source(%dma_start3A_134 : memref<64x128xf32, #tpu.memory_space<vmem_shared>>) target(%arg5 : memref<64x128xf32, #tpu.memory_space<vmem>>) target_semaphore(%run_scoped3A : memref<!tpu.dma_semaphore, #tpu.memory_space<semaphore_mem>>)
      %dma_wait3A = arith.constant 0 : i32
      %dma_wait3A_135 = tpu.memref_slice %arg6[%add3A_65, %dma_wait3A] : memref<10240x128xf32, #tpu.memory_space<vmem_shared>> -> memref<64x128xf32, #tpu.memory_space<vmem_shared>>
      %dma_wait3A_136 = arith.constant 0 : i32
      %dma_wait3A_137 = tpu.memref_slice %arg6[%add3A_65, %dma_wait3A_136] : memref<10240x128xf32, #tpu.memory_space<vmem_shared>> -> memref<64x128xf32, #tpu.memory_space<vmem_shared>>
      tpu.wait_dma2 semaphore(%run_scoped3A : memref<!tpu.dma_semaphore, #tpu.memory_space<semaphore_mem>>) src(%dma_wait3A_137 : memref<64x128xf32, #tpu.memory_space<vmem_shared>>) dst(%arg5 : memref<64x128xf32, #tpu.memory_space<vmem>>)
      tpu.yield
    }) : () -> ()
    %mul3A_66 = arith.constant 10240 : i32
    %mul3A_67 = arith.muli %arg0, %mul3A_66 : i32
    %add3A_68 = arith.addi %mul3A_67, %add3A_65 : i32
    "tpu.region"() ({
      %run_scoped3A = tpu.sem_alloc : memref<!tpu.dma_semaphore, #tpu.memory_space<semaphore_mem>>
      %dma_start3A = arith.constant 0 : i32
      %dma_start3A_132 = tpu.memref_slice %arg3[%add3A_68, %dma_start3A] : memref<20480x128xf32, #tpu.memory_space<hbm>> -> memref<64x128xf32, #tpu.memory_space<hbm>>
      %dma_start3A_133 = arith.constant 0 : i32
      %dma_start3A_134 = tpu.memref_slice %arg3[%add3A_68, %dma_start3A_133] : memref<20480x128xf32, #tpu.memory_space<hbm>> -> memref<64x128xf32, #tpu.memory_space<hbm>>
      tpu.enqueue_dma source(%arg5 : memref<64x128xf32, #tpu.memory_space<vmem>>) target(%dma_start3A_134 : memref<64x128xf32, #tpu.memory_space<hbm>>) target_semaphore(%run_scoped3A : memref<!tpu.dma_semaphore, #tpu.memory_space<semaphore_mem>>)
      %dma_wait3A = arith.constant 0 : i32
      %dma_wait3A_135 = tpu.memref_slice %arg3[%add3A_68, %dma_wait3A] : memref<20480x128xf32, #tpu.memory_space<hbm>> -> memref<64x128xf32, #tpu.memory_space<hbm>>
      %dma_wait3A_136 = arith.constant 0 : i32
      %dma_wait3A_137 = tpu.memref_slice %arg3[%add3A_68, %dma_wait3A_136] : memref<20480x128xf32, #tpu.memory_space<hbm>> -> memref<64x128xf32, #tpu.memory_space<hbm>>
      tpu.wait_dma2 semaphore(%run_scoped3A : memref<!tpu.dma_semaphore, #tpu.memory_space<semaphore_mem>>) src(%arg5 : memref<64x128xf32, #tpu.memory_space<vmem>>) dst(%dma_wait3A_137 : memref<64x128xf32, #tpu.memory_space<hbm>>)
      tpu.yield
    }) : () -> ()
    %mul3A_69 = arith.constant 640 : i32
    %mul3A_70 = arith.muli %arg1, %mul3A_69 : i32
    %add3A_71 = arith.constant 64 : i32
    %add3A_72 = arith.addi %mul3A_70, %add3A_71 : i32
    "tpu.region"() ({
      %run_scoped3A = tpu.sem_alloc : memref<!tpu.dma_semaphore, #tpu.memory_space<semaphore_mem>>
      %dma_start3A = arith.constant 0 : i32
      %dma_start3A_132 = tpu.memref_slice %arg6[%add3A_72, %dma_start3A] : memref<10240x128xf32, #tpu.memory_space<vmem_shared>> -> memref<64x128xf32, #tpu.memory_space<vmem_shared>>
      %dma_start3A_133 = arith.constant 0 : i32
      %dma_start3A_134 = tpu.memref_slice %arg6[%add3A_72, %dma_start3A_133] : memref<10240x128xf32, #tpu.memory_space<vmem_shared>> -> memref<64x128xf32, #tpu.memory_space<vmem_shared>>
      tpu.enqueue_dma source(%dma_start3A_134 : memref<64x128xf32, #tpu.memory_space<vmem_shared>>) target(%arg5 : memref<64x128xf32, #tpu.memory_space<vmem>>) target_semaphore(%run_scoped3A : memref<!tpu.dma_semaphore, #tpu.memory_space<semaphore_mem>>)
      %dma_wait3A = arith.constant 0 : i32
      %dma_wait3A_135 = tpu.memref_slice %arg6[%add3A_72, %dma_wait3A] : memref<10240x128xf32, #tpu.memory_space<vmem_shared>> -> memref<64x128xf32, #tpu.memory_space<vmem_shared>>
      %dma_wait3A_136 = arith.constant 0 : i32
      %dma_wait3A_137 = tpu.memref_slice %arg6[%add3A_72, %dma_wait3A_136] : memref<10240x128xf32, #tpu.memory_space<vmem_shared>> -> memref<64x128xf32, #tpu.memory_space<vmem_shared>>
      tpu.wait_dma2 semaphore(%run_scoped3A : memref<!tpu.dma_semaphore, #tpu.memory_space<semaphore_mem>>) src(%dma_wait3A_137 : memref<64x128xf32, #tpu.memory_space<vmem_shared>>) dst(%arg5 : memref<64x128xf32, #tpu.memory_space<vmem>>)
      tpu.yield
    }) : () -> ()
    %mul3A_73 = arith.constant 10240 : i32
    %mul3A_74 = arith.muli %arg0, %mul3A_73 : i32
    %add3A_75 = arith.addi %mul3A_74, %add3A_72 : i32
    "tpu.region"() ({
      %run_scoped3A = tpu.sem_alloc : memref<!tpu.dma_semaphore, #tpu.memory_space<semaphore_mem>>
      %dma_start3A = arith.constant 0 : i32
      %dma_start3A_132 = tpu.memref_slice %arg3[%add3A_75, %dma_start3A] : memref<20480x128xf32, #tpu.memory_space<hbm>> -> memref<64x128xf32, #tpu.memory_space<hbm>>
      %dma_start3A_133 = arith.constant 0 : i32
      %dma_start3A_134 = tpu.memref_slice %arg3[%add3A_75, %dma_start3A_133] : memref<20480x128xf32, #tpu.memory_space<hbm>> -> memref<64x128xf32, #tpu.memory_space<hbm>>
      tpu.enqueue_dma source(%arg5 : memref<64x128xf32, #tpu.memory_space<vmem>>) target(%dma_start3A_134 : memref<64x128xf32, #tpu.memory_space<hbm>>) target_semaphore(%run_scoped3A : memref<!tpu.dma_semaphore, #tpu.memory_space<semaphore_mem>>)
      %dma_wait3A = arith.constant 0 : i32
      %dma_wait3A_135 = tpu.memref_slice %arg3[%add3A_75, %dma_wait3A] : memref<20480x128xf32, #tpu.memory_space<hbm>> -> memref<64x128xf32, #tpu.memory_space<hbm>>
      %dma_wait3A_136 = arith.constant 0 : i32
      %dma_wait3A_137 = tpu.memref_slice %arg3[%add3A_75, %dma_wait3A_136] : memref<20480x128xf32, #tpu.memory_space<hbm>> -> memref<64x128xf32, #tpu.memory_space<hbm>>
      tpu.wait_dma2 semaphore(%run_scoped3A : memref<!tpu.dma_semaphore, #tpu.memory_space<semaphore_mem>>) src(%arg5 : memref<64x128xf32, #tpu.memory_space<vmem>>) dst(%dma_wait3A_137 : memref<64x128xf32, #tpu.memory_space<hbm>>)
      tpu.yield
    }) : () -> ()
    %mul3A_76 = arith.constant 640 : i32
    %mul3A_77 = arith.muli %arg1, %mul3A_76 : i32
    %add3A_78 = arith.constant 128 : i32
    %add3A_79 = arith.addi %mul3A_77, %add3A_78 : i32
    "tpu.region"() ({
      %run_scoped3A = tpu.sem_alloc : memref<!tpu.dma_semaphore, #tpu.memory_space<semaphore_mem>>
      %dma_start3A = arith.constant 0 : i32
      %dma_start3A_132 = tpu.memref_slice %arg6[%add3A_79, %dma_start3A] : memref<10240x128xf32, #tpu.memory_space<vmem_shared>> -> memref<64x128xf32, #tpu.memory_space<vmem_shared>>
      %dma_start3A_133 = arith.constant 0 : i32
      %dma_start3A_134 = tpu.memref_slice %arg6[%add3A_79, %dma_start3A_133] : memref<10240x128xf32, #tpu.memory_space<vmem_shared>> -> memref<64x128xf32, #tpu.memory_space<vmem_shared>>
      tpu.enqueue_dma source(%dma_start3A_134 : memref<64x128xf32, #tpu.memory_space<vmem_shared>>) target(%arg5 : memref<64x128xf32, #tpu.memory_space<vmem>>) target_semaphore(%run_scoped3A : memref<!tpu.dma_semaphore, #tpu.memory_space<semaphore_mem>>)
      %dma_wait3A = arith.constant 0 : i32
      %dma_wait3A_135 = tpu.memref_slice %arg6[%add3A_79, %dma_wait3A] : memref<10240x128xf32, #tpu.memory_space<vmem_shared>> -> memref<64x128xf32, #tpu.memory_space<vmem_shared>>
      %dma_wait3A_136 = arith.constant 0 : i32
      %dma_wait3A_137 = tpu.memref_slice %arg6[%add3A_79, %dma_wait3A_136] : memref<10240x128xf32, #tpu.memory_space<vmem_shared>> -> memref<64x128xf32, #tpu.memory_space<vmem_shared>>
      tpu.wait_dma2 semaphore(%run_scoped3A : memref<!tpu.dma_semaphore, #tpu.memory_space<semaphore_mem>>) src(%dma_wait3A_137 : memref<64x128xf32, #tpu.memory_space<vmem_shared>>) dst(%arg5 : memref<64x128xf32, #tpu.memory_space<vmem>>)
      tpu.yield
    }) : () -> ()
    %mul3A_80 = arith.constant 10240 : i32
    %mul3A_81 = arith.muli %arg0, %mul3A_80 : i32
    %add3A_82 = arith.addi %mul3A_81, %add3A_79 : i32
    "tpu.region"() ({
      %run_scoped3A = tpu.sem_alloc : memref<!tpu.dma_semaphore, #tpu.memory_space<semaphore_mem>>
      %dma_start3A = arith.constant 0 : i32
      %dma_start3A_132 = tpu.memref_slice %arg3[%add3A_82, %dma_start3A] : memref<20480x128xf32, #tpu.memory_space<hbm>> -> memref<64x128xf32, #tpu.memory_space<hbm>>
      %dma_start3A_133 = arith.constant 0 : i32
      %dma_start3A_134 = tpu.memref_slice %arg3[%add3A_82, %dma_start3A_133] : memref<20480x128xf32, #tpu.memory_space<hbm>> -> memref<64x128xf32, #tpu.memory_space<hbm>>
      tpu.enqueue_dma source(%arg5 : memref<64x128xf32, #tpu.memory_space<vmem>>) target(%dma_start3A_134 : memref<64x128xf32, #tpu.memory_space<hbm>>) target_semaphore(%run_scoped3A : memref<!tpu.dma_semaphore, #tpu.memory_space<semaphore_mem>>)
      %dma_wait3A = arith.constant 0 : i32
      %dma_wait3A_135 = tpu.memref_slice %arg3[%add3A_82, %dma_wait3A] : memref<20480x128xf32, #tpu.memory_space<hbm>> -> memref<64x128xf32, #tpu.memory_space<hbm>>
      %dma_wait3A_136 = arith.constant 0 : i32
      %dma_wait3A_137 = tpu.memref_slice %arg3[%add3A_82, %dma_wait3A_136] : memref<20480x128xf32, #tpu.memory_space<hbm>> -> memref<64x128xf32, #tpu.memory_space<hbm>>
      tpu.wait_dma2 semaphore(%run_scoped3A : memref<!tpu.dma_semaphore, #tpu.memory_space<semaphore_mem>>) src(%arg5 : memref<64x128xf32, #tpu.memory_space<vmem>>) dst(%dma_wait3A_137 : memref<64x128xf32, #tpu.memory_space<hbm>>)
      tpu.yield
    }) : () -> ()
    %mul3A_83 = arith.constant 640 : i32
    %mul3A_84 = arith.muli %arg1, %mul3A_83 : i32
    %add3A_85 = arith.constant 192 : i32
    %add3A_86 = arith.addi %mul3A_84, %add3A_85 : i32
    "tpu.region"() ({
      %run_scoped3A = tpu.sem_alloc : memref<!tpu.dma_semaphore, #tpu.memory_space<semaphore_mem>>
      %dma_start3A = arith.constant 0 : i32
      %dma_start3A_132 = tpu.memref_slice %arg6[%add3A_86, %dma_start3A] : memref<10240x128xf32, #tpu.memory_space<vmem_shared>> -> memref<64x128xf32, #tpu.memory_space<vmem_shared>>
      %dma_start3A_133 = arith.constant 0 : i32
      %dma_start3A_134 = tpu.memref_slice %arg6[%add3A_86, %dma_start3A_133] : memref<10240x128xf32, #tpu.memory_space<vmem_shared>> -> memref<64x128xf32, #tpu.memory_space<vmem_shared>>
      tpu.enqueue_dma source(%dma_start3A_134 : memref<64x128xf32, #tpu.memory_space<vmem_shared>>) target(%arg5 : memref<64x128xf32, #tpu.memory_space<vmem>>) target_semaphore(%run_scoped3A : memref<!tpu.dma_semaphore, #tpu.memory_space<semaphore_mem>>)
      %dma_wait3A = arith.constant 0 : i32
      %dma_wait3A_135 = tpu.memref_slice %arg6[%add3A_86, %dma_wait3A] : memref<10240x128xf32, #tpu.memory_space<vmem_shared>> -> memref<64x128xf32, #tpu.memory_space<vmem_shared>>
      %dma_wait3A_136 = arith.constant 0 : i32
      %dma_wait3A_137 = tpu.memref_slice %arg6[%add3A_86, %dma_wait3A_136] : memref<10240x128xf32, #tpu.memory_space<vmem_shared>> -> memref<64x128xf32, #tpu.memory_space<vmem_shared>>
      tpu.wait_dma2 semaphore(%run_scoped3A : memref<!tpu.dma_semaphore, #tpu.memory_space<semaphore_mem>>) src(%dma_wait3A_137 : memref<64x128xf32, #tpu.memory_space<vmem_shared>>) dst(%arg5 : memref<64x128xf32, #tpu.memory_space<vmem>>)
      tpu.yield
    }) : () -> ()
    %mul3A_87 = arith.constant 10240 : i32
    %mul3A_88 = arith.muli %arg0, %mul3A_87 : i32
    %add3A_89 = arith.addi %mul3A_88, %add3A_86 : i32
    "tpu.region"() ({
      %run_scoped3A = tpu.sem_alloc : memref<!tpu.dma_semaphore, #tpu.memory_space<semaphore_mem>>
      %dma_start3A = arith.constant 0 : i32
      %dma_start3A_132 = tpu.memref_slice %arg3[%add3A_89, %dma_start3A] : memref<20480x128xf32, #tpu.memory_space<hbm>> -> memref<64x128xf32, #tpu.memory_space<hbm>>
      %dma_start3A_133 = arith.constant 0 : i32
      %dma_start3A_134 = tpu.memref_slice %arg3[%add3A_89, %dma_start3A_133] : memref<20480x128xf32, #tpu.memory_space<hbm>> -> memref<64x128xf32, #tpu.memory_space<hbm>>
      tpu.enqueue_dma source(%arg5 : memref<64x128xf32, #tpu.memory_space<vmem>>) target(%dma_start3A_134 : memref<64x128xf32, #tpu.memory_space<hbm>>) target_semaphore(%run_scoped3A : memref<!tpu.dma_semaphore, #tpu.memory_space<semaphore_mem>>)
      %dma_wait3A = arith.constant 0 : i32
      %dma_wait3A_135 = tpu.memref_slice %arg3[%add3A_89, %dma_wait3A] : memref<20480x128xf32, #tpu.memory_space<hbm>> -> memref<64x128xf32, #tpu.memory_space<hbm>>
      %dma_wait3A_136 = arith.constant 0 : i32
      %dma_wait3A_137 = tpu.memref_slice %arg3[%add3A_89, %dma_wait3A_136] : memref<20480x128xf32, #tpu.memory_space<hbm>> -> memref<64x128xf32, #tpu.memory_space<hbm>>
      tpu.wait_dma2 semaphore(%run_scoped3A : memref<!tpu.dma_semaphore, #tpu.memory_space<semaphore_mem>>) src(%arg5 : memref<64x128xf32, #tpu.memory_space<vmem>>) dst(%dma_wait3A_137 : memref<64x128xf32, #tpu.memory_space<hbm>>)
      tpu.yield
    }) : () -> ()
    %mul3A_90 = arith.constant 640 : i32
    %mul3A_91 = arith.muli %arg1, %mul3A_90 : i32
    %add3A_92 = arith.constant 256 : i32
    %add3A_93 = arith.addi %mul3A_91, %add3A_92 : i32
    "tpu.region"() ({
      %run_scoped3A = tpu.sem_alloc : memref<!tpu.dma_semaphore, #tpu.memory_space<semaphore_mem>>
      %dma_start3A = arith.constant 0 : i32
      %dma_start3A_132 = tpu.memref_slice %arg6[%add3A_93, %dma_start3A] : memref<10240x128xf32, #tpu.memory_space<vmem_shared>> -> memref<64x128xf32, #tpu.memory_space<vmem_shared>>
      %dma_start3A_133 = arith.constant 0 : i32
      %dma_start3A_134 = tpu.memref_slice %arg6[%add3A_93, %dma_start3A_133] : memref<10240x128xf32, #tpu.memory_space<vmem_shared>> -> memref<64x128xf32, #tpu.memory_space<vmem_shared>>
      tpu.enqueue_dma source(%dma_start3A_134 : memref<64x128xf32, #tpu.memory_space<vmem_shared>>) target(%arg5 : memref<64x128xf32, #tpu.memory_space<vmem>>) target_semaphore(%run_scoped3A : memref<!tpu.dma_semaphore, #tpu.memory_space<semaphore_mem>>)
      %dma_wait3A = arith.constant 0 : i32
      %dma_wait3A_135 = tpu.memref_slice %arg6[%add3A_93, %dma_wait3A] : memref<10240x128xf32, #tpu.memory_space<vmem_shared>> -> memref<64x128xf32, #tpu.memory_space<vmem_shared>>
      %dma_wait3A_136 = arith.constant 0 : i32
      %dma_wait3A_137 = tpu.memref_slice %arg6[%add3A_93, %dma_wait3A_136] : memref<10240x128xf32, #tpu.memory_space<vmem_shared>> -> memref<64x128xf32, #tpu.memory_space<vmem_shared>>
      tpu.wait_dma2 semaphore(%run_scoped3A : memref<!tpu.dma_semaphore, #tpu.memory_space<semaphore_mem>>) src(%dma_wait3A_137 : memref<64x128xf32, #tpu.memory_space<vmem_shared>>) dst(%arg5 : memref<64x128xf32, #tpu.memory_space<vmem>>)
      tpu.yield
    }) : () -> ()
    %mul3A_94 = arith.constant 10240 : i32
    %mul3A_95 = arith.muli %arg0, %mul3A_94 : i32
    %add3A_96 = arith.addi %mul3A_95, %add3A_93 : i32
    "tpu.region"() ({
      %run_scoped3A = tpu.sem_alloc : memref<!tpu.dma_semaphore, #tpu.memory_space<semaphore_mem>>
      %dma_start3A = arith.constant 0 : i32
      %dma_start3A_132 = tpu.memref_slice %arg3[%add3A_96, %dma_start3A] : memref<20480x128xf32, #tpu.memory_space<hbm>> -> memref<64x128xf32, #tpu.memory_space<hbm>>
      %dma_start3A_133 = arith.constant 0 : i32
      %dma_start3A_134 = tpu.memref_slice %arg3[%add3A_96, %dma_start3A_133] : memref<20480x128xf32, #tpu.memory_space<hbm>> -> memref<64x128xf32, #tpu.memory_space<hbm>>
      tpu.enqueue_dma source(%arg5 : memref<64x128xf32, #tpu.memory_space<vmem>>) target(%dma_start3A_134 : memref<64x128xf32, #tpu.memory_space<hbm>>) target_semaphore(%run_scoped3A : memref<!tpu.dma_semaphore, #tpu.memory_space<semaphore_mem>>)
      %dma_wait3A = arith.constant 0 : i32
      %dma_wait3A_135 = tpu.memref_slice %arg3[%add3A_96, %dma_wait3A] : memref<20480x128xf32, #tpu.memory_space<hbm>> -> memref<64x128xf32, #tpu.memory_space<hbm>>
      %dma_wait3A_136 = arith.constant 0 : i32
      %dma_wait3A_137 = tpu.memref_slice %arg3[%add3A_96, %dma_wait3A_136] : memref<20480x128xf32, #tpu.memory_space<hbm>> -> memref<64x128xf32, #tpu.memory_space<hbm>>
      tpu.wait_dma2 semaphore(%run_scoped3A : memref<!tpu.dma_semaphore, #tpu.memory_space<semaphore_mem>>) src(%arg5 : memref<64x128xf32, #tpu.memory_space<vmem>>) dst(%dma_wait3A_137 : memref<64x128xf32, #tpu.memory_space<hbm>>)
      tpu.yield
    }) : () -> ()
    %mul3A_97 = arith.constant 640 : i32
    %mul3A_98 = arith.muli %arg1, %mul3A_97 : i32
    %add3A_99 = arith.constant 320 : i32
    %add3A_100 = arith.addi %mul3A_98, %add3A_99 : i32
    "tpu.region"() ({
      %run_scoped3A = tpu.sem_alloc : memref<!tpu.dma_semaphore, #tpu.memory_space<semaphore_mem>>
      %dma_start3A = arith.constant 0 : i32
      %dma_start3A_132 = tpu.memref_slice %arg6[%add3A_100, %dma_start3A] : memref<10240x128xf32, #tpu.memory_space<vmem_shared>> -> memref<64x128xf32, #tpu.memory_space<vmem_shared>>
      %dma_start3A_133 = arith.constant 0 : i32
      %dma_start3A_134 = tpu.memref_slice %arg6[%add3A_100, %dma_start3A_133] : memref<10240x128xf32, #tpu.memory_space<vmem_shared>> -> memref<64x128xf32, #tpu.memory_space<vmem_shared>>
      tpu.enqueue_dma source(%dma_start3A_134 : memref<64x128xf32, #tpu.memory_space<vmem_shared>>) target(%arg5 : memref<64x128xf32, #tpu.memory_space<vmem>>) target_semaphore(%run_scoped3A : memref<!tpu.dma_semaphore, #tpu.memory_space<semaphore_mem>>)
      %dma_wait3A = arith.constant 0 : i32
      %dma_wait3A_135 = tpu.memref_slice %arg6[%add3A_100, %dma_wait3A] : memref<10240x128xf32, #tpu.memory_space<vmem_shared>> -> memref<64x128xf32, #tpu.memory_space<vmem_shared>>
      %dma_wait3A_136 = arith.constant 0 : i32
      %dma_wait3A_137 = tpu.memref_slice %arg6[%add3A_100, %dma_wait3A_136] : memref<10240x128xf32, #tpu.memory_space<vmem_shared>> -> memref<64x128xf32, #tpu.memory_space<vmem_shared>>
      tpu.wait_dma2 semaphore(%run_scoped3A : memref<!tpu.dma_semaphore, #tpu.memory_space<semaphore_mem>>) src(%dma_wait3A_137 : memref<64x128xf32, #tpu.memory_space<vmem_shared>>) dst(%arg5 : memref<64x128xf32, #tpu.memory_space<vmem>>)
      tpu.yield
    }) : () -> ()
    %mul3A_101 = arith.constant 10240 : i32
    %mul3A_102 = arith.muli %arg0, %mul3A_101 : i32
    %add3A_103 = arith.addi %mul3A_102, %add3A_100 : i32
    "tpu.region"() ({
      %run_scoped3A = tpu.sem_alloc : memref<!tpu.dma_semaphore, #tpu.memory_space<semaphore_mem>>
      %dma_start3A = arith.constant 0 : i32
      %dma_start3A_132 = tpu.memref_slice %arg3[%add3A_103, %dma_start3A] : memref<20480x128xf32, #tpu.memory_space<hbm>> -> memref<64x128xf32, #tpu.memory_space<hbm>>
      %dma_start3A_133 = arith.constant 0 : i32
      %dma_start3A_134 = tpu.memref_slice %arg3[%add3A_103, %dma_start3A_133] : memref<20480x128xf32, #tpu.memory_space<hbm>> -> memref<64x128xf32, #tpu.memory_space<hbm>>
      tpu.enqueue_dma source(%arg5 : memref<64x128xf32, #tpu.memory_space<vmem>>) target(%dma_start3A_134 : memref<64x128xf32, #tpu.memory_space<hbm>>) target_semaphore(%run_scoped3A : memref<!tpu.dma_semaphore, #tpu.memory_space<semaphore_mem>>)
      %dma_wait3A = arith.constant 0 : i32
      %dma_wait3A_135 = tpu.memref_slice %arg3[%add3A_103, %dma_wait3A] : memref<20480x128xf32, #tpu.memory_space<hbm>> -> memref<64x128xf32, #tpu.memory_space<hbm>>
      %dma_wait3A_136 = arith.constant 0 : i32
      %dma_wait3A_137 = tpu.memref_slice %arg3[%add3A_103, %dma_wait3A_136] : memref<20480x128xf32, #tpu.memory_space<hbm>> -> memref<64x128xf32, #tpu.memory_space<hbm>>
      tpu.wait_dma2 semaphore(%run_scoped3A : memref<!tpu.dma_semaphore, #tpu.memory_space<semaphore_mem>>) src(%arg5 : memref<64x128xf32, #tpu.memory_space<vmem>>) dst(%dma_wait3A_137 : memref<64x128xf32, #tpu.memory_space<hbm>>)
      tpu.yield
    }) : () -> ()
    %mul3A_104 = arith.constant 640 : i32
    %mul3A_105 = arith.muli %arg1, %mul3A_104 : i32
    %add3A_106 = arith.constant 384 : i32
    %add3A_107 = arith.addi %mul3A_105, %add3A_106 : i32
    "tpu.region"() ({
      %run_scoped3A = tpu.sem_alloc : memref<!tpu.dma_semaphore, #tpu.memory_space<semaphore_mem>>
      %dma_start3A = arith.constant 0 : i32
      %dma_start3A_132 = tpu.memref_slice %arg6[%add3A_107, %dma_start3A] : memref<10240x128xf32, #tpu.memory_space<vmem_shared>> -> memref<64x128xf32, #tpu.memory_space<vmem_shared>>
      %dma_start3A_133 = arith.constant 0 : i32
      %dma_start3A_134 = tpu.memref_slice %arg6[%add3A_107, %dma_start3A_133] : memref<10240x128xf32, #tpu.memory_space<vmem_shared>> -> memref<64x128xf32, #tpu.memory_space<vmem_shared>>
      tpu.enqueue_dma source(%dma_start3A_134 : memref<64x128xf32, #tpu.memory_space<vmem_shared>>) target(%arg5 : memref<64x128xf32, #tpu.memory_space<vmem>>) target_semaphore(%run_scoped3A : memref<!tpu.dma_semaphore, #tpu.memory_space<semaphore_mem>>)
      %dma_wait3A = arith.constant 0 : i32
      %dma_wait3A_135 = tpu.memref_slice %arg6[%add3A_107, %dma_wait3A] : memref<10240x128xf32, #tpu.memory_space<vmem_shared>> -> memref<64x128xf32, #tpu.memory_space<vmem_shared>>
      %dma_wait3A_136 = arith.constant 0 : i32
      %dma_wait3A_137 = tpu.memref_slice %arg6[%add3A_107, %dma_wait3A_136] : memref<10240x128xf32, #tpu.memory_space<vmem_shared>> -> memref<64x128xf32, #tpu.memory_space<vmem_shared>>
      tpu.wait_dma2 semaphore(%run_scoped3A : memref<!tpu.dma_semaphore, #tpu.memory_space<semaphore_mem>>) src(%dma_wait3A_137 : memref<64x128xf32, #tpu.memory_space<vmem_shared>>) dst(%arg5 : memref<64x128xf32, #tpu.memory_space<vmem>>)
      tpu.yield
    }) : () -> ()
    %mul3A_108 = arith.constant 10240 : i32
    %mul3A_109 = arith.muli %arg0, %mul3A_108 : i32
    %add3A_110 = arith.addi %mul3A_109, %add3A_107 : i32
    "tpu.region"() ({
      %run_scoped3A = tpu.sem_alloc : memref<!tpu.dma_semaphore, #tpu.memory_space<semaphore_mem>>
      %dma_start3A = arith.constant 0 : i32
      %dma_start3A_132 = tpu.memref_slice %arg3[%add3A_110, %dma_start3A] : memref<20480x128xf32, #tpu.memory_space<hbm>> -> memref<64x128xf32, #tpu.memory_space<hbm>>
      %dma_start3A_133 = arith.constant 0 : i32
      %dma_start3A_134 = tpu.memref_slice %arg3[%add3A_110, %dma_start3A_133] : memref<20480x128xf32, #tpu.memory_space<hbm>> -> memref<64x128xf32, #tpu.memory_space<hbm>>
      tpu.enqueue_dma source(%arg5 : memref<64x128xf32, #tpu.memory_space<vmem>>) target(%dma_start3A_134 : memref<64x128xf32, #tpu.memory_space<hbm>>) target_semaphore(%run_scoped3A : memref<!tpu.dma_semaphore, #tpu.memory_space<semaphore_mem>>)
      %dma_wait3A = arith.constant 0 : i32
      %dma_wait3A_135 = tpu.memref_slice %arg3[%add3A_110, %dma_wait3A] : memref<20480x128xf32, #tpu.memory_space<hbm>> -> memref<64x128xf32, #tpu.memory_space<hbm>>
      %dma_wait3A_136 = arith.constant 0 : i32
      %dma_wait3A_137 = tpu.memref_slice %arg3[%add3A_110, %dma_wait3A_136] : memref<20480x128xf32, #tpu.memory_space<hbm>> -> memref<64x128xf32, #tpu.memory_space<hbm>>
      tpu.wait_dma2 semaphore(%run_scoped3A : memref<!tpu.dma_semaphore, #tpu.memory_space<semaphore_mem>>) src(%arg5 : memref<64x128xf32, #tpu.memory_space<vmem>>) dst(%dma_wait3A_137 : memref<64x128xf32, #tpu.memory_space<hbm>>)
      tpu.yield
    }) : () -> ()
    %mul3A_111 = arith.constant 640 : i32
    %mul3A_112 = arith.muli %arg1, %mul3A_111 : i32
    %add3A_113 = arith.constant 448 : i32
    %add3A_114 = arith.addi %mul3A_112, %add3A_113 : i32
    "tpu.region"() ({
      %run_scoped3A = tpu.sem_alloc : memref<!tpu.dma_semaphore, #tpu.memory_space<semaphore_mem>>
      %dma_start3A = arith.constant 0 : i32
      %dma_start3A_132 = tpu.memref_slice %arg6[%add3A_114, %dma_start3A] : memref<10240x128xf32, #tpu.memory_space<vmem_shared>> -> memref<64x128xf32, #tpu.memory_space<vmem_shared>>
      %dma_start3A_133 = arith.constant 0 : i32
      %dma_start3A_134 = tpu.memref_slice %arg6[%add3A_114, %dma_start3A_133] : memref<10240x128xf32, #tpu.memory_space<vmem_shared>> -> memref<64x128xf32, #tpu.memory_space<vmem_shared>>
      tpu.enqueue_dma source(%dma_start3A_134 : memref<64x128xf32, #tpu.memory_space<vmem_shared>>) target(%arg5 : memref<64x128xf32, #tpu.memory_space<vmem>>) target_semaphore(%run_scoped3A : memref<!tpu.dma_semaphore, #tpu.memory_space<semaphore_mem>>)
      %dma_wait3A = arith.constant 0 : i32
      %dma_wait3A_135 = tpu.memref_slice %arg6[%add3A_114, %dma_wait3A] : memref<10240x128xf32, #tpu.memory_space<vmem_shared>> -> memref<64x128xf32, #tpu.memory_space<vmem_shared>>
      %dma_wait3A_136 = arith.constant 0 : i32
      %dma_wait3A_137 = tpu.memref_slice %arg6[%add3A_114, %dma_wait3A_136] : memref<10240x128xf32, #tpu.memory_space<vmem_shared>> -> memref<64x128xf32, #tpu.memory_space<vmem_shared>>
      tpu.wait_dma2 semaphore(%run_scoped3A : memref<!tpu.dma_semaphore, #tpu.memory_space<semaphore_mem>>) src(%dma_wait3A_137 : memref<64x128xf32, #tpu.memory_space<vmem_shared>>) dst(%arg5 : memref<64x128xf32, #tpu.memory_space<vmem>>)
      tpu.yield
    }) : () -> ()
    %mul3A_115 = arith.constant 10240 : i32
    %mul3A_116 = arith.muli %arg0, %mul3A_115 : i32
    %add3A_117 = arith.addi %mul3A_116, %add3A_114 : i32
    "tpu.region"() ({
      %run_scoped3A = tpu.sem_alloc : memref<!tpu.dma_semaphore, #tpu.memory_space<semaphore_mem>>
      %dma_start3A = arith.constant 0 : i32
      %dma_start3A_132 = tpu.memref_slice %arg3[%add3A_117, %dma_start3A] : memref<20480x128xf32, #tpu.memory_space<hbm>> -> memref<64x128xf32, #tpu.memory_space<hbm>>
      %dma_start3A_133 = arith.constant 0 : i32
      %dma_start3A_134 = tpu.memref_slice %arg3[%add3A_117, %dma_start3A_133] : memref<20480x128xf32, #tpu.memory_space<hbm>> -> memref<64x128xf32, #tpu.memory_space<hbm>>
      tpu.enqueue_dma source(%arg5 : memref<64x128xf32, #tpu.memory_space<vmem>>) target(%dma_start3A_134 : memref<64x128xf32, #tpu.memory_space<hbm>>) target_semaphore(%run_scoped3A : memref<!tpu.dma_semaphore, #tpu.memory_space<semaphore_mem>>)
      %dma_wait3A = arith.constant 0 : i32
      %dma_wait3A_135 = tpu.memref_slice %arg3[%add3A_117, %dma_wait3A] : memref<20480x128xf32, #tpu.memory_space<hbm>> -> memref<64x128xf32, #tpu.memory_space<hbm>>
      %dma_wait3A_136 = arith.constant 0 : i32
      %dma_wait3A_137 = tpu.memref_slice %arg3[%add3A_117, %dma_wait3A_136] : memref<20480x128xf32, #tpu.memory_space<hbm>> -> memref<64x128xf32, #tpu.memory_space<hbm>>
      tpu.wait_dma2 semaphore(%run_scoped3A : memref<!tpu.dma_semaphore, #tpu.memory_space<semaphore_mem>>) src(%arg5 : memref<64x128xf32, #tpu.memory_space<vmem>>) dst(%dma_wait3A_137 : memref<64x128xf32, #tpu.memory_space<hbm>>)
      tpu.yield
    }) : () -> ()
    %mul3A_118 = arith.constant 640 : i32
    %mul3A_119 = arith.muli %arg1, %mul3A_118 : i32
    %add3A_120 = arith.constant 512 : i32
    %add3A_121 = arith.addi %mul3A_119, %add3A_120 : i32
    "tpu.region"() ({
      %run_scoped3A = tpu.sem_alloc : memref<!tpu.dma_semaphore, #tpu.memory_space<semaphore_mem>>
      %dma_start3A = arith.constant 0 : i32
      %dma_start3A_132 = tpu.memref_slice %arg6[%add3A_121, %dma_start3A] : memref<10240x128xf32, #tpu.memory_space<vmem_shared>> -> memref<64x128xf32, #tpu.memory_space<vmem_shared>>
      %dma_start3A_133 = arith.constant 0 : i32
      %dma_start3A_134 = tpu.memref_slice %arg6[%add3A_121, %dma_start3A_133] : memref<10240x128xf32, #tpu.memory_space<vmem_shared>> -> memref<64x128xf32, #tpu.memory_space<vmem_shared>>
      tpu.enqueue_dma source(%dma_start3A_134 : memref<64x128xf32, #tpu.memory_space<vmem_shared>>) target(%arg5 : memref<64x128xf32, #tpu.memory_space<vmem>>) target_semaphore(%run_scoped3A : memref<!tpu.dma_semaphore, #tpu.memory_space<semaphore_mem>>)
      %dma_wait3A = arith.constant 0 : i32
      %dma_wait3A_135 = tpu.memref_slice %arg6[%add3A_121, %dma_wait3A] : memref<10240x128xf32, #tpu.memory_space<vmem_shared>> -> memref<64x128xf32, #tpu.memory_space<vmem_shared>>
      %dma_wait3A_136 = arith.constant 0 : i32
      %dma_wait3A_137 = tpu.memref_slice %arg6[%add3A_121, %dma_wait3A_136] : memref<10240x128xf32, #tpu.memory_space<vmem_shared>> -> memref<64x128xf32, #tpu.memory_space<vmem_shared>>
      tpu.wait_dma2 semaphore(%run_scoped3A : memref<!tpu.dma_semaphore, #tpu.memory_space<semaphore_mem>>) src(%dma_wait3A_137 : memref<64x128xf32, #tpu.memory_space<vmem_shared>>) dst(%arg5 : memref<64x128xf32, #tpu.memory_space<vmem>>)
      tpu.yield
    }) : () -> ()
    %mul3A_122 = arith.constant 10240 : i32
    %mul3A_123 = arith.muli %arg0, %mul3A_122 : i32
    %add3A_124 = arith.addi %mul3A_123, %add3A_121 : i32
    "tpu.region"() ({
      %run_scoped3A = tpu.sem_alloc : memref<!tpu.dma_semaphore, #tpu.memory_space<semaphore_mem>>
      %dma_start3A = arith.constant 0 : i32
      %dma_start3A_132 = tpu.memref_slice %arg3[%add3A_124, %dma_start3A] : memref<20480x128xf32, #tpu.memory_space<hbm>> -> memref<64x128xf32, #tpu.memory_space<hbm>>
      %dma_start3A_133 = arith.constant 0 : i32
      %dma_start3A_134 = tpu.memref_slice %arg3[%add3A_124, %dma_start3A_133] : memref<20480x128xf32, #tpu.memory_space<hbm>> -> memref<64x128xf32, #tpu.memory_space<hbm>>
      tpu.enqueue_dma source(%arg5 : memref<64x128xf32, #tpu.memory_space<vmem>>) target(%dma_start3A_134 : memref<64x128xf32, #tpu.memory_space<hbm>>) target_semaphore(%run_scoped3A : memref<!tpu.dma_semaphore, #tpu.memory_space<semaphore_mem>>)
      %dma_wait3A = arith.constant 0 : i32
      %dma_wait3A_135 = tpu.memref_slice %arg3[%add3A_124, %dma_wait3A] : memref<20480x128xf32, #tpu.memory_space<hbm>> -> memref<64x128xf32, #tpu.memory_space<hbm>>
      %dma_wait3A_136 = arith.constant 0 : i32
      %dma_wait3A_137 = tpu.memref_slice %arg3[%add3A_124, %dma_wait3A_136] : memref<20480x128xf32, #tpu.memory_space<hbm>> -> memref<64x128xf32, #tpu.memory_space<hbm>>
      tpu.wait_dma2 semaphore(%run_scoped3A : memref<!tpu.dma_semaphore, #tpu.memory_space<semaphore_mem>>) src(%arg5 : memref<64x128xf32, #tpu.memory_space<vmem>>) dst(%dma_wait3A_137 : memref<64x128xf32, #tpu.memory_space<hbm>>)
      tpu.yield
    }) : () -> ()
    %mul3A_125 = arith.constant 640 : i32
    %mul3A_126 = arith.muli %arg1, %mul3A_125 : i32
    %add3A_127 = arith.constant 576 : i32
    %add3A_128 = arith.addi %mul3A_126, %add3A_127 : i32
    "tpu.region"() ({
      %run_scoped3A = tpu.sem_alloc : memref<!tpu.dma_semaphore, #tpu.memory_space<semaphore_mem>>
      %dma_start3A = arith.constant 0 : i32
      %dma_start3A_132 = tpu.memref_slice %arg6[%add3A_128, %dma_start3A] : memref<10240x128xf32, #tpu.memory_space<vmem_shared>> -> memref<64x128xf32, #tpu.memory_space<vmem_shared>>
      %dma_start3A_133 = arith.constant 0 : i32
      %dma_start3A_134 = tpu.memref_slice %arg6[%add3A_128, %dma_start3A_133] : memref<10240x128xf32, #tpu.memory_space<vmem_shared>> -> memref<64x128xf32, #tpu.memory_space<vmem_shared>>
      tpu.enqueue_dma source(%dma_start3A_134 : memref<64x128xf32, #tpu.memory_space<vmem_shared>>) target(%arg5 : memref<64x128xf32, #tpu.memory_space<vmem>>) target_semaphore(%run_scoped3A : memref<!tpu.dma_semaphore, #tpu.memory_space<semaphore_mem>>)
      %dma_wait3A = arith.constant 0 : i32
      %dma_wait3A_135 = tpu.memref_slice %arg6[%add3A_128, %dma_wait3A] : memref<10240x128xf32, #tpu.memory_space<vmem_shared>> -> memref<64x128xf32, #tpu.memory_space<vmem_shared>>
      %dma_wait3A_136 = arith.constant 0 : i32
      %dma_wait3A_137 = tpu.memref_slice %arg6[%add3A_128, %dma_wait3A_136] : memref<10240x128xf32, #tpu.memory_space<vmem_shared>> -> memref<64x128xf32, #tpu.memory_space<vmem_shared>>
      tpu.wait_dma2 semaphore(%run_scoped3A : memref<!tpu.dma_semaphore, #tpu.memory_space<semaphore_mem>>) src(%dma_wait3A_137 : memref<64x128xf32, #tpu.memory_space<vmem_shared>>) dst(%arg5 : memref<64x128xf32, #tpu.memory_space<vmem>>)
      tpu.yield
    }) : () -> ()
    %mul3A_129 = arith.constant 10240 : i32
    %mul3A_130 = arith.muli %arg0, %mul3A_129 : i32
    %add3A_131 = arith.addi %mul3A_130, %add3A_128 : i32
    "tpu.region"() ({
      %run_scoped3A = tpu.sem_alloc : memref<!tpu.dma_semaphore, #tpu.memory_space<semaphore_mem>>
      %dma_start3A = arith.constant 0 : i32
      %dma_start3A_132 = tpu.memref_slice %arg3[%add3A_131, %dma_start3A] : memref<20480x128xf32, #tpu.memory_space<hbm>> -> memref<64x128xf32, #tpu.memory_space<hbm>>
      %dma_start3A_133 = arith.constant 0 : i32
      %dma_start3A_134 = tpu.memref_slice %arg3[%add3A_131, %dma_start3A_133] : memref<20480x128xf32, #tpu.memory_space<hbm>> -> memref<64x128xf32, #tpu.memory_space<hbm>>
      tpu.enqueue_dma source(%arg5 : memref<64x128xf32, #tpu.memory_space<vmem>>) target(%dma_start3A_134 : memref<64x128xf32, #tpu.memory_space<hbm>>) target_semaphore(%run_scoped3A : memref<!tpu.dma_semaphore, #tpu.memory_space<semaphore_mem>>)
      %dma_wait3A = arith.constant 0 : i32
      %dma_wait3A_135 = tpu.memref_slice %arg3[%add3A_131, %dma_wait3A] : memref<20480x128xf32, #tpu.memory_space<hbm>> -> memref<64x128xf32, #tpu.memory_space<hbm>>
      %dma_wait3A_136 = arith.constant 0 : i32
      %dma_wait3A_137 = tpu.memref_slice %arg3[%add3A_131, %dma_wait3A_136] : memref<20480x128xf32, #tpu.memory_space<hbm>> -> memref<64x128xf32, #tpu.memory_space<hbm>>
      tpu.wait_dma2 semaphore(%run_scoped3A : memref<!tpu.dma_semaphore, #tpu.memory_space<semaphore_mem>>) src(%arg5 : memref<64x128xf32, #tpu.memory_space<vmem>>) dst(%dma_wait3A_137 : memref<64x128xf32, #tpu.memory_space<hbm>>)
      tpu.yield
    }) : () -> ()
    return
  }
}

#map = affine_map<(d0, d1) -> (0)>
#map1 = affine_map<(d0, d1) -> (0, 0)>
module attributes {stable_mosaic.version = 14 : i64} {
  func.func @_edge_scatter_body(%arg0: i32, %arg1: i32, %arg2: memref<323584xi32, #tpu.memory_space<hbm>>, %arg3: memref<323584xi32, #tpu.memory_space<hbm>>, %arg4: memref<10240x128xf32, #tpu.memory_space<hbm>>, %arg5: memref<20480x128xf32, #tpu.memory_space<hbm>>, %arg6: memref<10112xi32, #tpu.memory_space<vmem>>, %arg7: memref<64xi32, #tpu.memory_space<vmem>>, %arg8: memref<64xi32, #tpu.memory_space<vmem>>, %arg9: memref<64x128xf32, #tpu.memory_space<vmem>>, %arg10: memref<64x128xf32, #tpu.memory_space<vmem>>, %arg11: memref<10240x128xf32, #tpu.memory_space<vmem_shared>>, %arg12: memref<!tpu.dma_semaphore, #tpu.memory_space<semaphore_mem>>, %arg13: memref<!tpu.dma_semaphore, #tpu.memory_space<semaphore_mem>>, %arg14: memref<!tpu.dma_semaphore, #tpu.memory_space<semaphore_mem>>, %arg15: memref<!tpu.dma_semaphore, #tpu.memory_space<semaphore_mem>>, %arg16: memref<!tpu.dma_semaphore, #tpu.memory_space<semaphore_mem>>, %arg17: memref<!tpu.dma_semaphore, #tpu.memory_space<semaphore_mem>>) attributes {dimension_semantics = [#tpu.dimension_semantics<core_parallel>, #tpu.dimension_semantics<subcore_parallel>], iteration_bounds = array<i64: 2, 16>, scalar_prefetch = 0 : i64, scratch_operands = 12 : i64, tpu.core_type = #tpu.core_type<sc_vector_subcore>, window_params = [{transform_indices = #map}, {transform_indices = #map}, {transform_indices = #map1}, {transform_indices = #map1}]} {
    %mul3A = arith.constant 16 : i32
    %mul3A_0 = arith.muli %arg0, %mul3A : i32
    %add3A = arith.addi %mul3A_0, %arg1 : i32
    %mul3A_1 = arith.constant 158 : i32
    %mul3A_2 = arith.muli %add3A, %mul3A_1 : i32
    %mul3A_3 = arith.constant 64 : i32
    %mul3A_4 = arith.muli %mul3A_2, %mul3A_3 : i32
    "tpu.region"() ({
      %run_scoped3A = tpu.sem_alloc : memref<!tpu.dma_semaphore, #tpu.memory_space<semaphore_mem>>
      %dma_start3A_143 = tpu.memref_slice %arg2[%mul3A_4] : memref<323584xi32, #tpu.memory_space<hbm>> -> memref<10112xi32, #tpu.memory_space<hbm>>
      %dma_start3A_144 = tpu.memref_slice %arg2[%mul3A_4] : memref<323584xi32, #tpu.memory_space<hbm>> -> memref<10112xi32, #tpu.memory_space<hbm>>
      tpu.enqueue_dma source(%dma_start3A_144 : memref<10112xi32, #tpu.memory_space<hbm>>) target(%arg6 : memref<10112xi32, #tpu.memory_space<vmem>>) target_semaphore(%run_scoped3A : memref<!tpu.dma_semaphore, #tpu.memory_space<semaphore_mem>>)
      %dma_wait3A_145 = tpu.memref_slice %arg2[%mul3A_4] : memref<323584xi32, #tpu.memory_space<hbm>> -> memref<10112xi32, #tpu.memory_space<hbm>>
      %dma_wait3A_146 = tpu.memref_slice %arg2[%mul3A_4] : memref<323584xi32, #tpu.memory_space<hbm>> -> memref<10112xi32, #tpu.memory_space<hbm>>
      tpu.wait_dma2 semaphore(%run_scoped3A : memref<!tpu.dma_semaphore, #tpu.memory_space<semaphore_mem>>) src(%dma_wait3A_146 : memref<10112xi32, #tpu.memory_space<hbm>>) dst(%arg6 : memref<10112xi32, #tpu.memory_space<vmem>>)
      tpu.yield
    }) : () -> ()
    %scan3A = arith.constant 0 : i32
    %scan3A_5 = arith.constant 0 : i32
    %scan3A_6 = arith.constant 64 : i32
    %scan3A_7 = arith.addi %scan3A_5, %scan3A_6 : i32
    %scan3A_8 = arith.constant 1 : i32
    %scan3A_9 = scf.for %scan3A_143 = %scan3A_5 to %scan3A_7 step %scan3A_8 iter_args(%scan3A_144 = %scan3A) -> (i32)  : i32 {
      %scan3A_145 = arith.constant 0 : i32
      %scan3A_146 = arith.constant 0 : i32
      %scan3A_147 = arith.constant 8 : i32
      %scan3A_148 = arith.addi %scan3A_146, %scan3A_147 : i32
      %scan3A_149 = arith.constant 1 : i32
      %scan3A_150 = scf.for %scan3A_153 = %scan3A_146 to %scan3A_148 step %scan3A_149 iter_args(%scan3A_154 = %scan3A_145) -> (i32)  : i32 {
        %broadcast_in_dim3A = arith.constant 0.000000e+00 : f32
        %broadcast_in_dim3A_155 = vector.broadcast %broadcast_in_dim3A : f32 to vector<16xf32>
        %mul3A_156 = arith.constant 16 : i32
        %mul3A_157 = arith.muli %scan3A_153, %mul3A_156 : i32
        %swap3A = arith.index_cast %scan3A_143 : i32 to index
        %swap3A_158 = arith.index_cast %mul3A_157 : i32 to index
        %swap3A_159 = tpu.vector_load %arg9[%swap3A, %swap3A_158] {strides = array<i32>} : memref<64x128xf32, #tpu.memory_space<vmem>>, vector<1x16xf32>,
        %swap3A_160 = vector.shape_cast %swap3A_159 : vector<1x16xf32> to vector<16xf32>
        %swap3A_161 = vector.shape_cast %broadcast_in_dim3A_155 : vector<16xf32> to vector<1x16xf32>
        tpu.vector_store %arg9[%swap3A, %swap3A_158], %swap3A_161 {strides = array<i32>} : memref<64x128xf32, #tpu.memory_space<vmem>>, vector<1x16xf32>,
        %scan3A_162 = arith.constant 0 : i32
        scf.yield %scan3A_162 : i32
      }
      %scan3A_151 = arith.constant 8 : i32
      %scan3A_152 = arith.constant 0 : i32
      scf.yield %scan3A_152 : i32
    }
    %scan3A_10 = arith.constant 64 : i32
    %mul3A_11 = arith.constant 640 : i32
    %mul3A_12 = arith.muli %arg1, %mul3A_11 : i32
    %add3A_13 = arith.constant 0 : i32
    %add3A_14 = arith.addi %mul3A_12, %add3A_13 : i32
    "tpu.region"() ({
      %run_scoped3A = tpu.sem_alloc : memref<!tpu.dma_semaphore, #tpu.memory_space<semaphore_mem>>
      %dma_start3A_143 = arith.constant 0 : i32
      %dma_start3A_144 = tpu.memref_slice %arg11[%add3A_14, %dma_start3A_143] : memref<10240x128xf32, #tpu.memory_space<vmem_shared>> -> memref<64x128xf32, #tpu.memory_space<vmem_shared>>
      %dma_start3A_145 = arith.constant 0 : i32
      %dma_start3A_146 = tpu.memref_slice %arg11[%add3A_14, %dma_start3A_145] : memref<10240x128xf32, #tpu.memory_space<vmem_shared>> -> memref<64x128xf32, #tpu.memory_space<vmem_shared>>
      tpu.enqueue_dma source(%arg9 : memref<64x128xf32, #tpu.memory_space<vmem>>) target(%dma_start3A_146 : memref<64x128xf32, #tpu.memory_space<vmem_shared>>) target_semaphore(%run_scoped3A : memref<!tpu.dma_semaphore, #tpu.memory_space<semaphore_mem>>)
      %dma_wait3A_147 = arith.constant 0 : i32
      %dma_wait3A_148 = tpu.memref_slice %arg11[%add3A_14, %dma_wait3A_147] : memref<10240x128xf32, #tpu.memory_space<vmem_shared>> -> memref<64x128xf32, #tpu.memory_space<vmem_shared>>
      %dma_wait3A_149 = arith.constant 0 : i32
      %dma_wait3A_150 = tpu.memref_slice %arg11[%add3A_14, %dma_wait3A_149] : memref<10240x128xf32, #tpu.memory_space<vmem_shared>> -> memref<64x128xf32, #tpu.memory_space<vmem_shared>>
      tpu.wait_dma2 semaphore(%run_scoped3A : memref<!tpu.dma_semaphore, #tpu.memory_space<semaphore_mem>>) src(%arg9 : memref<64x128xf32, #tpu.memory_space<vmem>>) dst(%dma_wait3A_150 : memref<64x128xf32, #tpu.memory_space<vmem_shared>>)
      tpu.yield
    }) : () -> ()
    %mul3A_15 = arith.constant 640 : i32
    %mul3A_16 = arith.muli %arg1, %mul3A_15 : i32
    %add3A_17 = arith.constant 64 : i32
    %add3A_18 = arith.addi %mul3A_16, %add3A_17 : i32
    "tpu.region"() ({
      %run_scoped3A = tpu.sem_alloc : memref<!tpu.dma_semaphore, #tpu.memory_space<semaphore_mem>>
      %dma_start3A_143 = arith.constant 0 : i32
      %dma_start3A_144 = tpu.memref_slice %arg11[%add3A_18, %dma_start3A_143] : memref<10240x128xf32, #tpu.memory_space<vmem_shared>> -> memref<64x128xf32, #tpu.memory_space<vmem_shared>>
      %dma_start3A_145 = arith.constant 0 : i32
      %dma_start3A_146 = tpu.memref_slice %arg11[%add3A_18, %dma_start3A_145] : memref<10240x128xf32, #tpu.memory_space<vmem_shared>> -> memref<64x128xf32, #tpu.memory_space<vmem_shared>>
      tpu.enqueue_dma source(%arg9 : memref<64x128xf32, #tpu.memory_space<vmem>>) target(%dma_start3A_146 : memref<64x128xf32, #tpu.memory_space<vmem_shared>>) target_semaphore(%run_scoped3A : memref<!tpu.dma_semaphore, #tpu.memory_space<semaphore_mem>>)
      %dma_wait3A_147 = arith.constant 0 : i32
      %dma_wait3A_148 = tpu.memref_slice %arg11[%add3A_18, %dma_wait3A_147] : memref<10240x128xf32, #tpu.memory_space<vmem_shared>> -> memref<64x128xf32, #tpu.memory_space<vmem_shared>>
      %dma_wait3A_149 = arith.constant 0 : i32
      %dma_wait3A_150 = tpu.memref_slice %arg11[%add3A_18, %dma_wait3A_149] : memref<10240x128xf32, #tpu.memory_space<vmem_shared>> -> memref<64x128xf32, #tpu.memory_space<vmem_shared>>
      tpu.wait_dma2 semaphore(%run_scoped3A : memref<!tpu.dma_semaphore, #tpu.memory_space<semaphore_mem>>) src(%arg9 : memref<64x128xf32, #tpu.memory_space<vmem>>) dst(%dma_wait3A_150 : memref<64x128xf32, #tpu.memory_space<vmem_shared>>)
      tpu.yield
    }) : () -> ()
    %mul3A_19 = arith.constant 640 : i32
    %mul3A_20 = arith.muli %arg1, %mul3A_19 : i32
    %add3A_21 = arith.constant 128 : i32
    %add3A_22 = arith.addi %mul3A_20, %add3A_21 : i32
    "tpu.region"() ({
      %run_scoped3A = tpu.sem_alloc : memref<!tpu.dma_semaphore, #tpu.memory_space<semaphore_mem>>
      %dma_start3A_143 = arith.constant 0 : i32
      %dma_start3A_144 = tpu.memref_slice %arg11[%add3A_22, %dma_start3A_143] : memref<10240x128xf32, #tpu.memory_space<vmem_shared>> -> memref<64x128xf32, #tpu.memory_space<vmem_shared>>
      %dma_start3A_145 = arith.constant 0 : i32
      %dma_start3A_146 = tpu.memref_slice %arg11[%add3A_22, %dma_start3A_145] : memref<10240x128xf32, #tpu.memory_space<vmem_shared>> -> memref<64x128xf32, #tpu.memory_space<vmem_shared>>
      tpu.enqueue_dma source(%arg9 : memref<64x128xf32, #tpu.memory_space<vmem>>) target(%dma_start3A_146 : memref<64x128xf32, #tpu.memory_space<vmem_shared>>) target_semaphore(%run_scoped3A : memref<!tpu.dma_semaphore, #tpu.memory_space<semaphore_mem>>)
      %dma_wait3A_147 = arith.constant 0 : i32
      %dma_wait3A_148 = tpu.memref_slice %arg11[%add3A_22, %dma_wait3A_147] : memref<10240x128xf32, #tpu.memory_space<vmem_shared>> -> memref<64x128xf32, #tpu.memory_space<vmem_shared>>
      %dma_wait3A_149 = arith.constant 0 : i32
      %dma_wait3A_150 = tpu.memref_slice %arg11[%add3A_22, %dma_wait3A_149] : memref<10240x128xf32, #tpu.memory_space<vmem_shared>> -> memref<64x128xf32, #tpu.memory_space<vmem_shared>>
      tpu.wait_dma2 semaphore(%run_scoped3A : memref<!tpu.dma_semaphore, #tpu.memory_space<semaphore_mem>>) src(%arg9 : memref<64x128xf32, #tpu.memory_space<vmem>>) dst(%dma_wait3A_150 : memref<64x128xf32, #tpu.memory_space<vmem_shared>>)
      tpu.yield
    }) : () -> ()
    %mul3A_23 = arith.constant 640 : i32
    %mul3A_24 = arith.muli %arg1, %mul3A_23 : i32
    %add3A_25 = arith.constant 192 : i32
    %add3A_26 = arith.addi %mul3A_24, %add3A_25 : i32
    "tpu.region"() ({
      %run_scoped3A = tpu.sem_alloc : memref<!tpu.dma_semaphore, #tpu.memory_space<semaphore_mem>>
      %dma_start3A_143 = arith.constant 0 : i32
      %dma_start3A_144 = tpu.memref_slice %arg11[%add3A_26, %dma_start3A_143] : memref<10240x128xf32, #tpu.memory_space<vmem_shared>> -> memref<64x128xf32, #tpu.memory_space<vmem_shared>>
      %dma_start3A_145 = arith.constant 0 : i32
      %dma_start3A_146 = tpu.memref_slice %arg11[%add3A_26, %dma_start3A_145] : memref<10240x128xf32, #tpu.memory_space<vmem_shared>> -> memref<64x128xf32, #tpu.memory_space<vmem_shared>>
      tpu.enqueue_dma source(%arg9 : memref<64x128xf32, #tpu.memory_space<vmem>>) target(%dma_start3A_146 : memref<64x128xf32, #tpu.memory_space<vmem_shared>>) target_semaphore(%run_scoped3A : memref<!tpu.dma_semaphore, #tpu.memory_space<semaphore_mem>>)
      %dma_wait3A_147 = arith.constant 0 : i32
      %dma_wait3A_148 = tpu.memref_slice %arg11[%add3A_26, %dma_wait3A_147] : memref<10240x128xf32, #tpu.memory_space<vmem_shared>> -> memref<64x128xf32, #tpu.memory_space<vmem_shared>>
      %dma_wait3A_149 = arith.constant 0 : i32
      %dma_wait3A_150 = tpu.memref_slice %arg11[%add3A_26, %dma_wait3A_149] : memref<10240x128xf32, #tpu.memory_space<vmem_shared>> -> memref<64x128xf32, #tpu.memory_space<vmem_shared>>
      tpu.wait_dma2 semaphore(%run_scoped3A : memref<!tpu.dma_semaphore, #tpu.memory_space<semaphore_mem>>) src(%arg9 : memref<64x128xf32, #tpu.memory_space<vmem>>) dst(%dma_wait3A_150 : memref<64x128xf32, #tpu.memory_space<vmem_shared>>)
      tpu.yield
    }) : () -> ()
    %mul3A_27 = arith.constant 640 : i32
    %mul3A_28 = arith.muli %arg1, %mul3A_27 : i32
    %add3A_29 = arith.constant 256 : i32
    %add3A_30 = arith.addi %mul3A_28, %add3A_29 : i32
    "tpu.region"() ({
      %run_scoped3A = tpu.sem_alloc : memref<!tpu.dma_semaphore, #tpu.memory_space<semaphore_mem>>
      %dma_start3A_143 = arith.constant 0 : i32
      %dma_start3A_144 = tpu.memref_slice %arg11[%add3A_30, %dma_start3A_143] : memref<10240x128xf32, #tpu.memory_space<vmem_shared>> -> memref<64x128xf32, #tpu.memory_space<vmem_shared>>
      %dma_start3A_145 = arith.constant 0 : i32
      %dma_start3A_146 = tpu.memref_slice %arg11[%add3A_30, %dma_start3A_145] : memref<10240x128xf32, #tpu.memory_space<vmem_shared>> -> memref<64x128xf32, #tpu.memory_space<vmem_shared>>
      tpu.enqueue_dma source(%arg9 : memref<64x128xf32, #tpu.memory_space<vmem>>) target(%dma_start3A_146 : memref<64x128xf32, #tpu.memory_space<vmem_shared>>) target_semaphore(%run_scoped3A : memref<!tpu.dma_semaphore, #tpu.memory_space<semaphore_mem>>)
      %dma_wait3A_147 = arith.constant 0 : i32
      %dma_wait3A_148 = tpu.memref_slice %arg11[%add3A_30, %dma_wait3A_147] : memref<10240x128xf32, #tpu.memory_space<vmem_shared>> -> memref<64x128xf32, #tpu.memory_space<vmem_shared>>
      %dma_wait3A_149 = arith.constant 0 : i32
      %dma_wait3A_150 = tpu.memref_slice %arg11[%add3A_30, %dma_wait3A_149] : memref<10240x128xf32, #tpu.memory_space<vmem_shared>> -> memref<64x128xf32, #tpu.memory_space<vmem_shared>>
      tpu.wait_dma2 semaphore(%run_scoped3A : memref<!tpu.dma_semaphore, #tpu.memory_space<semaphore_mem>>) src(%arg9 : memref<64x128xf32, #tpu.memory_space<vmem>>) dst(%dma_wait3A_150 : memref<64x128xf32, #tpu.memory_space<vmem_shared>>)
      tpu.yield
    }) : () -> ()
    %mul3A_31 = arith.constant 640 : i32
    %mul3A_32 = arith.muli %arg1, %mul3A_31 : i32
    %add3A_33 = arith.constant 320 : i32
    %add3A_34 = arith.addi %mul3A_32, %add3A_33 : i32
    "tpu.region"() ({
      %run_scoped3A = tpu.sem_alloc : memref<!tpu.dma_semaphore, #tpu.memory_space<semaphore_mem>>
      %dma_start3A_143 = arith.constant 0 : i32
      %dma_start3A_144 = tpu.memref_slice %arg11[%add3A_34, %dma_start3A_143] : memref<10240x128xf32, #tpu.memory_space<vmem_shared>> -> memref<64x128xf32, #tpu.memory_space<vmem_shared>>
      %dma_start3A_145 = arith.constant 0 : i32
      %dma_start3A_146 = tpu.memref_slice %arg11[%add3A_34, %dma_start3A_145] : memref<10240x128xf32, #tpu.memory_space<vmem_shared>> -> memref<64x128xf32, #tpu.memory_space<vmem_shared>>
      tpu.enqueue_dma source(%arg9 : memref<64x128xf32, #tpu.memory_space<vmem>>) target(%dma_start3A_146 : memref<64x128xf32, #tpu.memory_space<vmem_shared>>) target_semaphore(%run_scoped3A : memref<!tpu.dma_semaphore, #tpu.memory_space<semaphore_mem>>)
      %dma_wait3A_147 = arith.constant 0 : i32
      %dma_wait3A_148 = tpu.memref_slice %arg11[%add3A_34, %dma_wait3A_147] : memref<10240x128xf32, #tpu.memory_space<vmem_shared>> -> memref<64x128xf32, #tpu.memory_space<vmem_shared>>
      %dma_wait3A_149 = arith.constant 0 : i32
      %dma_wait3A_150 = tpu.memref_slice %arg11[%add3A_34, %dma_wait3A_149] : memref<10240x128xf32, #tpu.memory_space<vmem_shared>> -> memref<64x128xf32, #tpu.memory_space<vmem_shared>>
      tpu.wait_dma2 semaphore(%run_scoped3A : memref<!tpu.dma_semaphore, #tpu.memory_space<semaphore_mem>>) src(%arg9 : memref<64x128xf32, #tpu.memory_space<vmem>>) dst(%dma_wait3A_150 : memref<64x128xf32, #tpu.memory_space<vmem_shared>>)
      tpu.yield
    }) : () -> ()
    %mul3A_35 = arith.constant 640 : i32
    %mul3A_36 = arith.muli %arg1, %mul3A_35 : i32
    %add3A_37 = arith.constant 384 : i32
    %add3A_38 = arith.addi %mul3A_36, %add3A_37 : i32
    "tpu.region"() ({
      %run_scoped3A = tpu.sem_alloc : memref<!tpu.dma_semaphore, #tpu.memory_space<semaphore_mem>>
      %dma_start3A_143 = arith.constant 0 : i32
      %dma_start3A_144 = tpu.memref_slice %arg11[%add3A_38, %dma_start3A_143] : memref<10240x128xf32, #tpu.memory_space<vmem_shared>> -> memref<64x128xf32, #tpu.memory_space<vmem_shared>>
      %dma_start3A_145 = arith.constant 0 : i32
      %dma_start3A_146 = tpu.memref_slice %arg11[%add3A_38, %dma_start3A_145] : memref<10240x128xf32, #tpu.memory_space<vmem_shared>> -> memref<64x128xf32, #tpu.memory_space<vmem_shared>>
      tpu.enqueue_dma source(%arg9 : memref<64x128xf32, #tpu.memory_space<vmem>>) target(%dma_start3A_146 : memref<64x128xf32, #tpu.memory_space<vmem_shared>>) target_semaphore(%run_scoped3A : memref<!tpu.dma_semaphore, #tpu.memory_space<semaphore_mem>>)
      %dma_wait3A_147 = arith.constant 0 : i32
      %dma_wait3A_148 = tpu.memref_slice %arg11[%add3A_38, %dma_wait3A_147] : memref<10240x128xf32, #tpu.memory_space<vmem_shared>> -> memref<64x128xf32, #tpu.memory_space<vmem_shared>>
      %dma_wait3A_149 = arith.constant 0 : i32
      %dma_wait3A_150 = tpu.memref_slice %arg11[%add3A_38, %dma_wait3A_149] : memref<10240x128xf32, #tpu.memory_space<vmem_shared>> -> memref<64x128xf32, #tpu.memory_space<vmem_shared>>
      tpu.wait_dma2 semaphore(%run_scoped3A : memref<!tpu.dma_semaphore, #tpu.memory_space<semaphore_mem>>) src(%arg9 : memref<64x128xf32, #tpu.memory_space<vmem>>) dst(%dma_wait3A_150 : memref<64x128xf32, #tpu.memory_space<vmem_shared>>)
      tpu.yield
    }) : () -> ()
    %mul3A_39 = arith.constant 640 : i32
    %mul3A_40 = arith.muli %arg1, %mul3A_39 : i32
    %add3A_41 = arith.constant 448 : i32
    %add3A_42 = arith.addi %mul3A_40, %add3A_41 : i32
    "tpu.region"() ({
      %run_scoped3A = tpu.sem_alloc : memref<!tpu.dma_semaphore, #tpu.memory_space<semaphore_mem>>
      %dma_start3A_143 = arith.constant 0 : i32
      %dma_start3A_144 = tpu.memref_slice %arg11[%add3A_42, %dma_start3A_143] : memref<10240x128xf32, #tpu.memory_space<vmem_shared>> -> memref<64x128xf32, #tpu.memory_space<vmem_shared>>
      %dma_start3A_145 = arith.constant 0 : i32
      %dma_start3A_146 = tpu.memref_slice %arg11[%add3A_42, %dma_start3A_145] : memref<10240x128xf32, #tpu.memory_space<vmem_shared>> -> memref<64x128xf32, #tpu.memory_space<vmem_shared>>
      tpu.enqueue_dma source(%arg9 : memref<64x128xf32, #tpu.memory_space<vmem>>) target(%dma_start3A_146 : memref<64x128xf32, #tpu.memory_space<vmem_shared>>) target_semaphore(%run_scoped3A : memref<!tpu.dma_semaphore, #tpu.memory_space<semaphore_mem>>)
      %dma_wait3A_147 = arith.constant 0 : i32
      %dma_wait3A_148 = tpu.memref_slice %arg11[%add3A_42, %dma_wait3A_147] : memref<10240x128xf32, #tpu.memory_space<vmem_shared>> -> memref<64x128xf32, #tpu.memory_space<vmem_shared>>
      %dma_wait3A_149 = arith.constant 0 : i32
      %dma_wait3A_150 = tpu.memref_slice %arg11[%add3A_42, %dma_wait3A_149] : memref<10240x128xf32, #tpu.memory_space<vmem_shared>> -> memref<64x128xf32, #tpu.memory_space<vmem_shared>>
      tpu.wait_dma2 semaphore(%run_scoped3A : memref<!tpu.dma_semaphore, #tpu.memory_space<semaphore_mem>>) src(%arg9 : memref<64x128xf32, #tpu.memory_space<vmem>>) dst(%dma_wait3A_150 : memref<64x128xf32, #tpu.memory_space<vmem_shared>>)
      tpu.yield
    }) : () -> ()
    %mul3A_43 = arith.constant 640 : i32
    %mul3A_44 = arith.muli %arg1, %mul3A_43 : i32
    %add3A_45 = arith.constant 512 : i32
    %add3A_46 = arith.addi %mul3A_44, %add3A_45 : i32
    "tpu.region"() ({
      %run_scoped3A = tpu.sem_alloc : memref<!tpu.dma_semaphore, #tpu.memory_space<semaphore_mem>>
      %dma_start3A_143 = arith.constant 0 : i32
      %dma_start3A_144 = tpu.memref_slice %arg11[%add3A_46, %dma_start3A_143] : memref<10240x128xf32, #tpu.memory_space<vmem_shared>> -> memref<64x128xf32, #tpu.memory_space<vmem_shared>>
      %dma_start3A_145 = arith.constant 0 : i32
      %dma_start3A_146 = tpu.memref_slice %arg11[%add3A_46, %dma_start3A_145] : memref<10240x128xf32, #tpu.memory_space<vmem_shared>> -> memref<64x128xf32, #tpu.memory_space<vmem_shared>>
      tpu.enqueue_dma source(%arg9 : memref<64x128xf32, #tpu.memory_space<vmem>>) target(%dma_start3A_146 : memref<64x128xf32, #tpu.memory_space<vmem_shared>>) target_semaphore(%run_scoped3A : memref<!tpu.dma_semaphore, #tpu.memory_space<semaphore_mem>>)
      %dma_wait3A_147 = arith.constant 0 : i32
      %dma_wait3A_148 = tpu.memref_slice %arg11[%add3A_46, %dma_wait3A_147] : memref<10240x128xf32, #tpu.memory_space<vmem_shared>> -> memref<64x128xf32, #tpu.memory_space<vmem_shared>>
      %dma_wait3A_149 = arith.constant 0 : i32
      %dma_wait3A_150 = tpu.memref_slice %arg11[%add3A_46, %dma_wait3A_149] : memref<10240x128xf32, #tpu.memory_space<vmem_shared>> -> memref<64x128xf32, #tpu.memory_space<vmem_shared>>
      tpu.wait_dma2 semaphore(%run_scoped3A : memref<!tpu.dma_semaphore, #tpu.memory_space<semaphore_mem>>) src(%arg9 : memref<64x128xf32, #tpu.memory_space<vmem>>) dst(%dma_wait3A_150 : memref<64x128xf32, #tpu.memory_space<vmem_shared>>)
      tpu.yield
    }) : () -> ()
    %mul3A_47 = arith.constant 640 : i32
    %mul3A_48 = arith.muli %arg1, %mul3A_47 : i32
    %add3A_49 = arith.constant 576 : i32
    %add3A_50 = arith.addi %mul3A_48, %add3A_49 : i32
    "tpu.region"() ({
      %run_scoped3A = tpu.sem_alloc : memref<!tpu.dma_semaphore, #tpu.memory_space<semaphore_mem>>
      %dma_start3A_143 = arith.constant 0 : i32
      %dma_start3A_144 = tpu.memref_slice %arg11[%add3A_50, %dma_start3A_143] : memref<10240x128xf32, #tpu.memory_space<vmem_shared>> -> memref<64x128xf32, #tpu.memory_space<vmem_shared>>
      %dma_start3A_145 = arith.constant 0 : i32
      %dma_start3A_146 = tpu.memref_slice %arg11[%add3A_50, %dma_start3A_145] : memref<10240x128xf32, #tpu.memory_space<vmem_shared>> -> memref<64x128xf32, #tpu.memory_space<vmem_shared>>
      tpu.enqueue_dma source(%arg9 : memref<64x128xf32, #tpu.memory_space<vmem>>) target(%dma_start3A_146 : memref<64x128xf32, #tpu.memory_space<vmem_shared>>) target_semaphore(%run_scoped3A : memref<!tpu.dma_semaphore, #tpu.memory_space<semaphore_mem>>)
      %dma_wait3A_147 = arith.constant 0 : i32
      %dma_wait3A_148 = tpu.memref_slice %arg11[%add3A_50, %dma_wait3A_147] : memref<10240x128xf32, #tpu.memory_space<vmem_shared>> -> memref<64x128xf32, #tpu.memory_space<vmem_shared>>
      %dma_wait3A_149 = arith.constant 0 : i32
      %dma_wait3A_150 = tpu.memref_slice %arg11[%add3A_50, %dma_wait3A_149] : memref<10240x128xf32, #tpu.memory_space<vmem_shared>> -> memref<64x128xf32, #tpu.memory_space<vmem_shared>>
      tpu.wait_dma2 semaphore(%run_scoped3A : memref<!tpu.dma_semaphore, #tpu.memory_space<semaphore_mem>>) src(%arg9 : memref<64x128xf32, #tpu.memory_space<vmem>>) dst(%dma_wait3A_150 : memref<64x128xf32, #tpu.memory_space<vmem_shared>>)
      tpu.yield
    }) : () -> ()
    %barrier3A = arith.constant 0 : index
    tpu.barrier barrier_id(%barrier3A)
    %mul3A_51 = arith.constant 158 : i32
    %mul3A_52 = arith.muli %add3A, %mul3A_51 : i32
    %add3A_53 = arith.constant 0 : i32
    %add3A_54 = arith.addi %mul3A_52, %add3A_53 : i32
    %mul3A_55 = arith.constant 64 : i32
    %mul3A_56 = arith.muli %add3A_54, %mul3A_55 : i32
    %dma_start3A = tpu.memref_slice %arg3[%mul3A_56] : memref<323584xi32, #tpu.memory_space<hbm>> -> memref<64xi32, #tpu.memory_space<hbm>>
    %dma_start3A_57 = tpu.memref_slice %arg3[%mul3A_56] : memref<323584xi32, #tpu.memory_space<hbm>> -> memref<64xi32, #tpu.memory_space<hbm>>
    tpu.enqueue_dma source(%dma_start3A_57 : memref<64xi32, #tpu.memory_space<hbm>>) target(%arg7 : memref<64xi32, #tpu.memory_space<vmem>>) target_semaphore(%arg16 : memref<!tpu.dma_semaphore, #tpu.memory_space<semaphore_mem>>)
    %dma_start3A_58 = arith.constant 0 : i32
    %dma_start3A_59 = tpu.memref_slice %arg6[%dma_start3A_58] : memref<10112xi32, #tpu.memory_space<vmem>> -> memref<64xi32, #tpu.memory_space<vmem>>
    %dma_start3A_60 = arith.constant 0 : i32
    %dma_start3A_61 = arith.constant 0 : i32
    %dma_start3A_62 = tpu.memref_slice %arg4[%dma_start3A_60, %dma_start3A_61] : memref<10240x128xf32, #tpu.memory_space<hbm>> -> memref<10240x128xf32, #tpu.memory_space<hbm>>
    tpu.enqueue_indirect_dma source(%dma_start3A_62 : memref<10240x128xf32, #tpu.memory_space<hbm>>) target(%arg9 : memref<64x128xf32, #tpu.memory_space<vmem>>) offsets(%dma_start3A_59 : memref<64xi32, #tpu.memory_space<vmem>>) semaphore(%arg12 : memref<!tpu.dma_semaphore, #tpu.memory_space<semaphore_mem>>)
    %scan3A_63 = arith.constant 0 : i32
    %scan3A_64 = arith.constant 0 : i32
    %scan3A_65 = arith.constant 79 : i32
    %scan3A_66 = arith.addi %scan3A_64, %scan3A_65 : i32
    %scan3A_67 = arith.constant 1 : i32
    %scan3A_68 = scf.for %scan3A_143 = %scan3A_64 to %scan3A_66 step %scan3A_67 iter_args(%scan3A_144 = %scan3A_63) -> (i32)  : i32 {
      %mul3A_145 = arith.constant 2 : i32
      %mul3A_146 = arith.muli %mul3A_145, %scan3A_143 : i32
      %mul3A_147 = arith.constant 64 : i32
      %mul3A_148 = arith.muli %mul3A_146, %mul3A_147 : i32
      %dma_wait3A_149 = tpu.memref_slice %arg6[%mul3A_148] : memref<10112xi32, #tpu.memory_space<vmem>> -> memref<64xi32, #tpu.memory_space<vmem>>
      %dma_wait3A_150 = arith.constant 0 : i32
      %dma_wait3A_151 = arith.constant 0 : i32
      %dma_wait3A_152 = tpu.memref_slice %arg4[%dma_wait3A_150, %dma_wait3A_151] : memref<10240x128xf32, #tpu.memory_space<hbm>> -> memref<10240x128xf32, #tpu.memory_space<hbm>>
      tpu.wait_indirect_dma semaphore(%arg12 : memref<!tpu.dma_semaphore, #tpu.memory_space<semaphore_mem>>) src(%dma_wait3A_152 : memref<10240x128xf32, #tpu.memory_space<hbm>>) dst(%arg9 : memref<64x128xf32, #tpu.memory_space<vmem>>)
      %gt3A = arith.constant 0 : i32
      %gt3A_153 = arith.cmpi sgt, %scan3A_143, %gt3A : i32
      %convert_element_type3A = arith.extui %gt3A_153 : i1 to i32
      %cond3A = arith.constant 0 : i32
      %cond3A_154 = arith.cmpi ne, %convert_element_type3A, %cond3A : i32
      scf.if %cond3A_154 {
        %sub3A = arith.constant 1 : i32
        %sub3A_214 = arith.subi %mul3A_146, %sub3A : i32
        %dma_wait3A_215 = arith.constant 0 : i32
        %dma_wait3A_216 = arith.constant 0 : i32
        %dma_wait3A_217 = tpu.memref_slice %arg11[%dma_wait3A_215, %dma_wait3A_216] : memref<10240x128xf32, #tpu.memory_space<vmem_shared>> -> memref<10240x128xf32, #tpu.memory_space<vmem_shared>>
        tpu.wait_indirect_dma semaphore(%arg15 : memref<!tpu.dma_semaphore, #tpu.memory_space<semaphore_mem>>) src(%arg10 : memref<64x128xf32, #tpu.memory_space<vmem>>) dst(%dma_wait3A_217 : memref<10240x128xf32, #tpu.memory_space<vmem_shared>>)
      } else {
      }
      %add3A_155 = arith.constant 1 : i32
      %add3A_156 = arith.addi %mul3A_146, %add3A_155 : i32
      %mul3A_157 = arith.constant 158 : i32
      %mul3A_158 = arith.muli %add3A, %mul3A_157 : i32
      %add3A_159 = arith.addi %mul3A_158, %add3A_156 : i32
      %mul3A_160 = arith.constant 64 : i32
      %mul3A_161 = arith.muli %add3A_159, %mul3A_160 : i32
      %dma_start3A_162 = tpu.memref_slice %arg3[%mul3A_161] : memref<323584xi32, #tpu.memory_space<hbm>> -> memref<64xi32, #tpu.memory_space<hbm>>
      %dma_start3A_163 = tpu.memref_slice %arg3[%mul3A_161] : memref<323584xi32, #tpu.memory_space<hbm>> -> memref<64xi32, #tpu.memory_space<hbm>>
      tpu.enqueue_dma source(%dma_start3A_163 : memref<64xi32, #tpu.memory_space<hbm>>) target(%arg8 : memref<64xi32, #tpu.memory_space<vmem>>) target_semaphore(%arg17 : memref<!tpu.dma_semaphore, #tpu.memory_space<semaphore_mem>>)
      %add3A_164 = arith.constant 1 : i32
      %add3A_165 = arith.addi %mul3A_146, %add3A_164 : i32
      %mul3A_166 = arith.constant 64 : i32
      %mul3A_167 = arith.muli %add3A_165, %mul3A_166 : i32
      %dma_start3A_168 = tpu.memref_slice %arg6[%mul3A_167] : memref<10112xi32, #tpu.memory_space<vmem>> -> memref<64xi32, #tpu.memory_space<vmem>>
      %dma_start3A_169 = arith.constant 0 : i32
      %dma_start3A_170 = arith.constant 0 : i32
      %dma_start3A_171 = tpu.memref_slice %arg4[%dma_start3A_169, %dma_start3A_170] : memref<10240x128xf32, #tpu.memory_space<hbm>> -> memref<10240x128xf32, #tpu.memory_space<hbm>>
      tpu.enqueue_indirect_dma source(%dma_start3A_171 : memref<10240x128xf32, #tpu.memory_space<hbm>>) target(%arg10 : memref<64x128xf32, #tpu.memory_space<vmem>>) offsets(%dma_start3A_168 : memref<64xi32, #tpu.memory_space<vmem>>) semaphore(%arg13 : memref<!tpu.dma_semaphore, #tpu.memory_space<semaphore_mem>>)
      %mul3A_172 = arith.constant 158 : i32
      %mul3A_173 = arith.muli %add3A, %mul3A_172 : i32
      %add3A_174 = arith.addi %mul3A_173, %mul3A_146 : i32
      %mul3A_175 = arith.constant 64 : i32
      %mul3A_176 = arith.muli %add3A_174, %mul3A_175 : i32
      %dma_wait3A_177 = tpu.memref_slice %arg3[%mul3A_176] : memref<323584xi32, #tpu.memory_space<hbm>> -> memref<64xi32, #tpu.memory_space<hbm>>
      %dma_wait3A_178 = tpu.memref_slice %arg3[%mul3A_176] : memref<323584xi32, #tpu.memory_space<hbm>> -> memref<64xi32, #tpu.memory_space<hbm>>
      tpu.wait_dma2 semaphore(%arg16 : memref<!tpu.dma_semaphore, #tpu.memory_space<semaphore_mem>>) src(%dma_wait3A_178 : memref<64xi32, #tpu.memory_space<hbm>>) dst(%arg7 : memref<64xi32, #tpu.memory_space<vmem>>)
      %dma_start3A_179 = arith.constant 0 : i32
      %dma_start3A_180 = arith.constant 0 : i32
      %dma_start3A_181 = tpu.memref_slice %arg11[%dma_start3A_179, %dma_start3A_180] : memref<10240x128xf32, #tpu.memory_space<vmem_shared>> -> memref<10240x128xf32, #tpu.memory_space<vmem_shared>>
      tpu.enqueue_indirect_dma source(%arg9 : memref<64x128xf32, #tpu.memory_space<vmem>>) target(%dma_start3A_181 : memref<10240x128xf32, #tpu.memory_space<vmem_shared>>) offsets(%arg7 : memref<64xi32, #tpu.memory_space<vmem>>) semaphore(%arg14 : memref<!tpu.dma_semaphore, #tpu.memory_space<semaphore_mem>>) {add = true}
      %add3A_182 = arith.constant 1 : i32
      %add3A_183 = arith.addi %mul3A_146, %add3A_182 : i32
      %mul3A_184 = arith.constant 64 : i32
      %mul3A_185 = arith.muli %add3A_183, %mul3A_184 : i32
      %dma_wait3A_186 = tpu.memref_slice %arg6[%mul3A_185] : memref<10112xi32, #tpu.memory_space<vmem>> -> memref<64xi32, #tpu.memory_space<vmem>>
      %dma_wait3A_187 = arith.constant 0 : i32
      %dma_wait3A_188 = arith.constant 0 : i32
      %dma_wait3A_189 = tpu.memref_slice %arg4[%dma_wait3A_187, %dma_wait3A_188] : memref<10240x128xf32, #tpu.memory_space<hbm>> -> memref<10240x128xf32, #tpu.memory_space<hbm>>
      tpu.wait_indirect_dma semaphore(%arg13 : memref<!tpu.dma_semaphore, #tpu.memory_space<semaphore_mem>>) src(%dma_wait3A_189 : memref<10240x128xf32, #tpu.memory_space<hbm>>) dst(%arg10 : memref<64x128xf32, #tpu.memory_space<vmem>>)
      %dma_wait3A_190 = arith.constant 0 : i32
      %dma_wait3A_191 = arith.constant 0 : i32
      %dma_wait3A_192 = tpu.memref_slice %arg11[%dma_wait3A_190, %dma_wait3A_191] : memref<10240x128xf32, #tpu.memory_space<vmem_shared>> -> memref<10240x128xf32, #tpu.memory_space<vmem_shared>>
      tpu.wait_indirect_dma semaphore(%arg14 : memref<!tpu.dma_semaphore, #tpu.memory_space<semaphore_mem>>) src(%arg9 : memref<64x128xf32, #tpu.memory_space<vmem>>) dst(%dma_wait3A_192 : memref<10240x128xf32, #tpu.memory_space<vmem_shared>>)
      %add3A_193 = arith.constant 2 : i32
      %add3A_194 = arith.addi %mul3A_146, %add3A_193 : i32
      %lt3A = arith.constant 158 : i32
      %lt3A_195 = arith.cmpi slt, %add3A_194, %lt3A : i32
      %convert_element_type3A_196 = arith.extui %lt3A_195 : i1 to i32
      %cond3A_197 = arith.constant 0 : i32
      %cond3A_198 = arith.cmpi ne, %convert_element_type3A_196, %cond3A_197 : i32
      scf.if %cond3A_198 {
        %add3A_214 = arith.constant 2 : i32
        %add3A_215 = arith.addi %mul3A_146, %add3A_214 : i32
        %mul3A_216 = arith.constant 158 : i32
        %mul3A_217 = arith.muli %add3A, %mul3A_216 : i32
        %add3A_218 = arith.addi %mul3A_217, %add3A_215 : i32
        %mul3A_219 = arith.constant 64 : i32
        %mul3A_220 = arith.muli %add3A_218, %mul3A_219 : i32
        %dma_start3A_221 = tpu.memref_slice %arg3[%mul3A_220] : memref<323584xi32, #tpu.memory_space<hbm>> -> memref<64xi32, #tpu.memory_space<hbm>>
        %dma_start3A_222 = tpu.memref_slice %arg3[%mul3A_220] : memref<323584xi32, #tpu.memory_space<hbm>> -> memref<64xi32, #tpu.memory_space<hbm>>
        tpu.enqueue_dma source(%dma_start3A_222 : memref<64xi32, #tpu.memory_space<hbm>>) target(%arg7 : memref<64xi32, #tpu.memory_space<vmem>>) target_semaphore(%arg16 : memref<!tpu.dma_semaphore, #tpu.memory_space<semaphore_mem>>)
        %add3A_223 = arith.constant 2 : i32
        %add3A_224 = arith.addi %mul3A_146, %add3A_223 : i32
        %mul3A_225 = arith.constant 64 : i32
        %mul3A_226 = arith.muli %add3A_224, %mul3A_225 : i32
        %dma_start3A_227 = tpu.memref_slice %arg6[%mul3A_226] : memref<10112xi32, #tpu.memory_space<vmem>> -> memref<64xi32, #tpu.memory_space<vmem>>
        %dma_start3A_228 = arith.constant 0 : i32
        %dma_start3A_229 = arith.constant 0 : i32
        %dma_start3A_230 = tpu.memref_slice %arg4[%dma_start3A_228, %dma_start3A_229] : memref<10240x128xf32, #tpu.memory_space<hbm>> -> memref<10240x128xf32, #tpu.memory_space<hbm>>
        tpu.enqueue_indirect_dma source(%dma_start3A_230 : memref<10240x128xf32, #tpu.memory_space<hbm>>) target(%arg9 : memref<64x128xf32, #tpu.memory_space<vmem>>) offsets(%dma_start3A_227 : memref<64xi32, #tpu.memory_space<vmem>>) semaphore(%arg12 : memref<!tpu.dma_semaphore, #tpu.memory_space<semaphore_mem>>)
      } else {
      }
      %add3A_199 = arith.constant 1 : i32
      %add3A_200 = arith.addi %mul3A_146, %add3A_199 : i32
      %mul3A_201 = arith.constant 158 : i32
      %mul3A_202 = arith.muli %add3A, %mul3A_201 : i32
      %add3A_203 = arith.addi %mul3A_202, %add3A_200 : i32
      %mul3A_204 = arith.constant 64 : i32
      %mul3A_205 = arith.muli %add3A_203, %mul3A_204 : i32
      %dma_wait3A_206 = tpu.memref_slice %arg3[%mul3A_205] : memref<323584xi32, #tpu.memory_space<hbm>> -> memref<64xi32, #tpu.memory_space<hbm>>
      %dma_wait3A_207 = tpu.memref_slice %arg3[%mul3A_205] : memref<323584xi32, #tpu.memory_space<hbm>> -> memref<64xi32, #tpu.memory_space<hbm>>
      tpu.wait_dma2 semaphore(%arg17 : memref<!tpu.dma_semaphore, #tpu.memory_space<semaphore_mem>>) src(%dma_wait3A_207 : memref<64xi32, #tpu.memory_space<hbm>>) dst(%arg8 : memref<64xi32, #tpu.memory_space<vmem>>)
      %add3A_208 = arith.constant 1 : i32
      %add3A_209 = arith.addi %mul3A_146, %add3A_208 : i32
      %dma_start3A_210 = arith.constant 0 : i32
      %dma_start3A_211 = arith.constant 0 : i32
      %dma_start3A_212 = tpu.memref_slice %arg11[%dma_start3A_210, %dma_start3A_211] : memref<10240x128xf32, #tpu.memory_space<vmem_shared>> -> memref<10240x128xf32, #tpu.memory_space<vmem_shared>>
      tpu.enqueue_indirect_dma source(%arg10 : memref<64x128xf32, #tpu.memory_space<vmem>>) target(%dma_start3A_212 : memref<10240x128xf32, #tpu.memory_space<vmem_shared>>) offsets(%arg8 : memref<64xi32, #tpu.memory_space<vmem>>) semaphore(%arg15 : memref<!tpu.dma_semaphore, #tpu.memory_space<semaphore_mem>>) {add = true}
      %scan3A_213 = arith.constant 0 : i32
      scf.yield %scan3A_213 : i32
    }
    %scan3A_69 = arith.constant 79 : i32
    %dma_wait3A = arith.constant 0 : i32
    %dma_wait3A_70 = arith.constant 0 : i32
    %dma_wait3A_71 = tpu.memref_slice %arg11[%dma_wait3A, %dma_wait3A_70] : memref<10240x128xf32, #tpu.memory_space<vmem_shared>> -> memref<10240x128xf32, #tpu.memory_space<vmem_shared>>
    tpu.wait_indirect_dma semaphore(%arg15 : memref<!tpu.dma_semaphore, #tpu.memory_space<semaphore_mem>>) src(%arg10 : memref<64x128xf32, #tpu.memory_space<vmem>>) dst(%dma_wait3A_71 : memref<10240x128xf32, #tpu.memory_space<vmem_shared>>)
    %barrier3A_72 = arith.constant 0 : index
    tpu.barrier barrier_id(%barrier3A_72)
    %mul3A_73 = arith.constant 640 : i32
    %mul3A_74 = arith.muli %arg1, %mul3A_73 : i32
    %add3A_75 = arith.constant 0 : i32
    %add3A_76 = arith.addi %mul3A_74, %add3A_75 : i32
    "tpu.region"() ({
      %run_scoped3A = tpu.sem_alloc : memref<!tpu.dma_semaphore, #tpu.memory_space<semaphore_mem>>
      %dma_start3A_143 = arith.constant 0 : i32
      %dma_start3A_144 = tpu.memref_slice %arg11[%add3A_76, %dma_start3A_143] : memref<10240x128xf32, #tpu.memory_space<vmem_shared>> -> memref<64x128xf32, #tpu.memory_space<vmem_shared>>
      %dma_start3A_145 = arith.constant 0 : i32
      %dma_start3A_146 = tpu.memref_slice %arg11[%add3A_76, %dma_start3A_145] : memref<10240x128xf32, #tpu.memory_space<vmem_shared>> -> memref<64x128xf32, #tpu.memory_space<vmem_shared>>
      tpu.enqueue_dma source(%dma_start3A_146 : memref<64x128xf32, #tpu.memory_space<vmem_shared>>) target(%arg9 : memref<64x128xf32, #tpu.memory_space<vmem>>) target_semaphore(%run_scoped3A : memref<!tpu.dma_semaphore, #tpu.memory_space<semaphore_mem>>)
      %dma_wait3A_147 = arith.constant 0 : i32
      %dma_wait3A_148 = tpu.memref_slice %arg11[%add3A_76, %dma_wait3A_147] : memref<10240x128xf32, #tpu.memory_space<vmem_shared>> -> memref<64x128xf32, #tpu.memory_space<vmem_shared>>
      %dma_wait3A_149 = arith.constant 0 : i32
      %dma_wait3A_150 = tpu.memref_slice %arg11[%add3A_76, %dma_wait3A_149] : memref<10240x128xf32, #tpu.memory_space<vmem_shared>> -> memref<64x128xf32, #tpu.memory_space<vmem_shared>>
      tpu.wait_dma2 semaphore(%run_scoped3A : memref<!tpu.dma_semaphore, #tpu.memory_space<semaphore_mem>>) src(%dma_wait3A_150 : memref<64x128xf32, #tpu.memory_space<vmem_shared>>) dst(%arg9 : memref<64x128xf32, #tpu.memory_space<vmem>>)
      tpu.yield
    }) : () -> ()
    %mul3A_77 = arith.constant 10240 : i32
    %mul3A_78 = arith.muli %arg0, %mul3A_77 : i32
    %add3A_79 = arith.addi %mul3A_78, %add3A_76 : i32
    "tpu.region"() ({
      %run_scoped3A = tpu.sem_alloc : memref<!tpu.dma_semaphore, #tpu.memory_space<semaphore_mem>>
      %dma_start3A_143 = arith.constant 0 : i32
      %dma_start3A_144 = tpu.memref_slice %arg5[%add3A_79, %dma_start3A_143] : memref<20480x128xf32, #tpu.memory_space<hbm>> -> memref<64x128xf32, #tpu.memory_space<hbm>>
      %dma_start3A_145 = arith.constant 0 : i32
      %dma_start3A_146 = tpu.memref_slice %arg5[%add3A_79, %dma_start3A_145] : memref<20480x128xf32, #tpu.memory_space<hbm>> -> memref<64x128xf32, #tpu.memory_space<hbm>>
      tpu.enqueue_dma source(%arg9 : memref<64x128xf32, #tpu.memory_space<vmem>>) target(%dma_start3A_146 : memref<64x128xf32, #tpu.memory_space<hbm>>) target_semaphore(%run_scoped3A : memref<!tpu.dma_semaphore, #tpu.memory_space<semaphore_mem>>)
      %dma_wait3A_147 = arith.constant 0 : i32
      %dma_wait3A_148 = tpu.memref_slice %arg5[%add3A_79, %dma_wait3A_147] : memref<20480x128xf32, #tpu.memory_space<hbm>> -> memref<64x128xf32, #tpu.memory_space<hbm>>
      %dma_wait3A_149 = arith.constant 0 : i32
      %dma_wait3A_150 = tpu.memref_slice %arg5[%add3A_79, %dma_wait3A_149] : memref<20480x128xf32, #tpu.memory_space<hbm>> -> memref<64x128xf32, #tpu.memory_space<hbm>>
      tpu.wait_dma2 semaphore(%run_scoped3A : memref<!tpu.dma_semaphore, #tpu.memory_space<semaphore_mem>>) src(%arg9 : memref<64x128xf32, #tpu.memory_space<vmem>>) dst(%dma_wait3A_150 : memref<64x128xf32, #tpu.memory_space<hbm>>)
      tpu.yield
    }) : () -> ()
    %mul3A_80 = arith.constant 640 : i32
    %mul3A_81 = arith.muli %arg1, %mul3A_80 : i32
    %add3A_82 = arith.constant 64 : i32
    %add3A_83 = arith.addi %mul3A_81, %add3A_82 : i32
    "tpu.region"() ({
      %run_scoped3A = tpu.sem_alloc : memref<!tpu.dma_semaphore, #tpu.memory_space<semaphore_mem>>
      %dma_start3A_143 = arith.constant 0 : i32
      %dma_start3A_144 = tpu.memref_slice %arg11[%add3A_83, %dma_start3A_143] : memref<10240x128xf32, #tpu.memory_space<vmem_shared>> -> memref<64x128xf32, #tpu.memory_space<vmem_shared>>
      %dma_start3A_145 = arith.constant 0 : i32
      %dma_start3A_146 = tpu.memref_slice %arg11[%add3A_83, %dma_start3A_145] : memref<10240x128xf32, #tpu.memory_space<vmem_shared>> -> memref<64x128xf32, #tpu.memory_space<vmem_shared>>
      tpu.enqueue_dma source(%dma_start3A_146 : memref<64x128xf32, #tpu.memory_space<vmem_shared>>) target(%arg9 : memref<64x128xf32, #tpu.memory_space<vmem>>) target_semaphore(%run_scoped3A : memref<!tpu.dma_semaphore, #tpu.memory_space<semaphore_mem>>)
      %dma_wait3A_147 = arith.constant 0 : i32
      %dma_wait3A_148 = tpu.memref_slice %arg11[%add3A_83, %dma_wait3A_147] : memref<10240x128xf32, #tpu.memory_space<vmem_shared>> -> memref<64x128xf32, #tpu.memory_space<vmem_shared>>
      %dma_wait3A_149 = arith.constant 0 : i32
      %dma_wait3A_150 = tpu.memref_slice %arg11[%add3A_83, %dma_wait3A_149] : memref<10240x128xf32, #tpu.memory_space<vmem_shared>> -> memref<64x128xf32, #tpu.memory_space<vmem_shared>>
      tpu.wait_dma2 semaphore(%run_scoped3A : memref<!tpu.dma_semaphore, #tpu.memory_space<semaphore_mem>>) src(%dma_wait3A_150 : memref<64x128xf32, #tpu.memory_space<vmem_shared>>) dst(%arg9 : memref<64x128xf32, #tpu.memory_space<vmem>>)
      tpu.yield
    }) : () -> ()
    %mul3A_84 = arith.constant 10240 : i32
    %mul3A_85 = arith.muli %arg0, %mul3A_84 : i32
    %add3A_86 = arith.addi %mul3A_85, %add3A_83 : i32
    "tpu.region"() ({
      %run_scoped3A = tpu.sem_alloc : memref<!tpu.dma_semaphore, #tpu.memory_space<semaphore_mem>>
      %dma_start3A_143 = arith.constant 0 : i32
      %dma_start3A_144 = tpu.memref_slice %arg5[%add3A_86, %dma_start3A_143] : memref<20480x128xf32, #tpu.memory_space<hbm>> -> memref<64x128xf32, #tpu.memory_space<hbm>>
      %dma_start3A_145 = arith.constant 0 : i32
      %dma_start3A_146 = tpu.memref_slice %arg5[%add3A_86, %dma_start3A_145] : memref<20480x128xf32, #tpu.memory_space<hbm>> -> memref<64x128xf32, #tpu.memory_space<hbm>>
      tpu.enqueue_dma source(%arg9 : memref<64x128xf32, #tpu.memory_space<vmem>>) target(%dma_start3A_146 : memref<64x128xf32, #tpu.memory_space<hbm>>) target_semaphore(%run_scoped3A : memref<!tpu.dma_semaphore, #tpu.memory_space<semaphore_mem>>)
      %dma_wait3A_147 = arith.constant 0 : i32
      %dma_wait3A_148 = tpu.memref_slice %arg5[%add3A_86, %dma_wait3A_147] : memref<20480x128xf32, #tpu.memory_space<hbm>> -> memref<64x128xf32, #tpu.memory_space<hbm>>
      %dma_wait3A_149 = arith.constant 0 : i32
      %dma_wait3A_150 = tpu.memref_slice %arg5[%add3A_86, %dma_wait3A_149] : memref<20480x128xf32, #tpu.memory_space<hbm>> -> memref<64x128xf32, #tpu.memory_space<hbm>>
      tpu.wait_dma2 semaphore(%run_scoped3A : memref<!tpu.dma_semaphore, #tpu.memory_space<semaphore_mem>>) src(%arg9 : memref<64x128xf32, #tpu.memory_space<vmem>>) dst(%dma_wait3A_150 : memref<64x128xf32, #tpu.memory_space<hbm>>)
      tpu.yield
    }) : () -> ()
    %mul3A_87 = arith.constant 640 : i32
    %mul3A_88 = arith.muli %arg1, %mul3A_87 : i32
    %add3A_89 = arith.constant 128 : i32
    %add3A_90 = arith.addi %mul3A_88, %add3A_89 : i32
    "tpu.region"() ({
      %run_scoped3A = tpu.sem_alloc : memref<!tpu.dma_semaphore, #tpu.memory_space<semaphore_mem>>
      %dma_start3A_143 = arith.constant 0 : i32
      %dma_start3A_144 = tpu.memref_slice %arg11[%add3A_90, %dma_start3A_143] : memref<10240x128xf32, #tpu.memory_space<vmem_shared>> -> memref<64x128xf32, #tpu.memory_space<vmem_shared>>
      %dma_start3A_145 = arith.constant 0 : i32
      %dma_start3A_146 = tpu.memref_slice %arg11[%add3A_90, %dma_start3A_145] : memref<10240x128xf32, #tpu.memory_space<vmem_shared>> -> memref<64x128xf32, #tpu.memory_space<vmem_shared>>
      tpu.enqueue_dma source(%dma_start3A_146 : memref<64x128xf32, #tpu.memory_space<vmem_shared>>) target(%arg9 : memref<64x128xf32, #tpu.memory_space<vmem>>) target_semaphore(%run_scoped3A : memref<!tpu.dma_semaphore, #tpu.memory_space<semaphore_mem>>)
      %dma_wait3A_147 = arith.constant 0 : i32
      %dma_wait3A_148 = tpu.memref_slice %arg11[%add3A_90, %dma_wait3A_147] : memref<10240x128xf32, #tpu.memory_space<vmem_shared>> -> memref<64x128xf32, #tpu.memory_space<vmem_shared>>
      %dma_wait3A_149 = arith.constant 0 : i32
      %dma_wait3A_150 = tpu.memref_slice %arg11[%add3A_90, %dma_wait3A_149] : memref<10240x128xf32, #tpu.memory_space<vmem_shared>> -> memref<64x128xf32, #tpu.memory_space<vmem_shared>>
      tpu.wait_dma2 semaphore(%run_scoped3A : memref<!tpu.dma_semaphore, #tpu.memory_space<semaphore_mem>>) src(%dma_wait3A_150 : memref<64x128xf32, #tpu.memory_space<vmem_shared>>) dst(%arg9 : memref<64x128xf32, #tpu.memory_space<vmem>>)
      tpu.yield
    }) : () -> ()
    %mul3A_91 = arith.constant 10240 : i32
    %mul3A_92 = arith.muli %arg0, %mul3A_91 : i32
    %add3A_93 = arith.addi %mul3A_92, %add3A_90 : i32
    "tpu.region"() ({
      %run_scoped3A = tpu.sem_alloc : memref<!tpu.dma_semaphore, #tpu.memory_space<semaphore_mem>>
      %dma_start3A_143 = arith.constant 0 : i32
      %dma_start3A_144 = tpu.memref_slice %arg5[%add3A_93, %dma_start3A_143] : memref<20480x128xf32, #tpu.memory_space<hbm>> -> memref<64x128xf32, #tpu.memory_space<hbm>>
      %dma_start3A_145 = arith.constant 0 : i32
      %dma_start3A_146 = tpu.memref_slice %arg5[%add3A_93, %dma_start3A_145] : memref<20480x128xf32, #tpu.memory_space<hbm>> -> memref<64x128xf32, #tpu.memory_space<hbm>>
      tpu.enqueue_dma source(%arg9 : memref<64x128xf32, #tpu.memory_space<vmem>>) target(%dma_start3A_146 : memref<64x128xf32, #tpu.memory_space<hbm>>) target_semaphore(%run_scoped3A : memref<!tpu.dma_semaphore, #tpu.memory_space<semaphore_mem>>)
      %dma_wait3A_147 = arith.constant 0 : i32
      %dma_wait3A_148 = tpu.memref_slice %arg5[%add3A_93, %dma_wait3A_147] : memref<20480x128xf32, #tpu.memory_space<hbm>> -> memref<64x128xf32, #tpu.memory_space<hbm>>
      %dma_wait3A_149 = arith.constant 0 : i32
      %dma_wait3A_150 = tpu.memref_slice %arg5[%add3A_93, %dma_wait3A_149] : memref<20480x128xf32, #tpu.memory_space<hbm>> -> memref<64x128xf32, #tpu.memory_space<hbm>>
      tpu.wait_dma2 semaphore(%run_scoped3A : memref<!tpu.dma_semaphore, #tpu.memory_space<semaphore_mem>>) src(%arg9 : memref<64x128xf32, #tpu.memory_space<vmem>>) dst(%dma_wait3A_150 : memref<64x128xf32, #tpu.memory_space<hbm>>)
      tpu.yield
    }) : () -> ()
    %mul3A_94 = arith.constant 640 : i32
    %mul3A_95 = arith.muli %arg1, %mul3A_94 : i32
    %add3A_96 = arith.constant 192 : i32
    %add3A_97 = arith.addi %mul3A_95, %add3A_96 : i32
    "tpu.region"() ({
      %run_scoped3A = tpu.sem_alloc : memref<!tpu.dma_semaphore, #tpu.memory_space<semaphore_mem>>
      %dma_start3A_143 = arith.constant 0 : i32
      %dma_start3A_144 = tpu.memref_slice %arg11[%add3A_97, %dma_start3A_143] : memref<10240x128xf32, #tpu.memory_space<vmem_shared>> -> memref<64x128xf32, #tpu.memory_space<vmem_shared>>
      %dma_start3A_145 = arith.constant 0 : i32
      %dma_start3A_146 = tpu.memref_slice %arg11[%add3A_97, %dma_start3A_145] : memref<10240x128xf32, #tpu.memory_space<vmem_shared>> -> memref<64x128xf32, #tpu.memory_space<vmem_shared>>
      tpu.enqueue_dma source(%dma_start3A_146 : memref<64x128xf32, #tpu.memory_space<vmem_shared>>) target(%arg9 : memref<64x128xf32, #tpu.memory_space<vmem>>) target_semaphore(%run_scoped3A : memref<!tpu.dma_semaphore, #tpu.memory_space<semaphore_mem>>)
      %dma_wait3A_147 = arith.constant 0 : i32
      %dma_wait3A_148 = tpu.memref_slice %arg11[%add3A_97, %dma_wait3A_147] : memref<10240x128xf32, #tpu.memory_space<vmem_shared>> -> memref<64x128xf32, #tpu.memory_space<vmem_shared>>
      %dma_wait3A_149 = arith.constant 0 : i32
      %dma_wait3A_150 = tpu.memref_slice %arg11[%add3A_97, %dma_wait3A_149] : memref<10240x128xf32, #tpu.memory_space<vmem_shared>> -> memref<64x128xf32, #tpu.memory_space<vmem_shared>>
      tpu.wait_dma2 semaphore(%run_scoped3A : memref<!tpu.dma_semaphore, #tpu.memory_space<semaphore_mem>>) src(%dma_wait3A_150 : memref<64x128xf32, #tpu.memory_space<vmem_shared>>) dst(%arg9 : memref<64x128xf32, #tpu.memory_space<vmem>>)
      tpu.yield
    }) : () -> ()
    %mul3A_98 = arith.constant 10240 : i32
    %mul3A_99 = arith.muli %arg0, %mul3A_98 : i32
    %add3A_100 = arith.addi %mul3A_99, %add3A_97 : i32
    "tpu.region"() ({
      %run_scoped3A = tpu.sem_alloc : memref<!tpu.dma_semaphore, #tpu.memory_space<semaphore_mem>>
      %dma_start3A_143 = arith.constant 0 : i32
      %dma_start3A_144 = tpu.memref_slice %arg5[%add3A_100, %dma_start3A_143] : memref<20480x128xf32, #tpu.memory_space<hbm>> -> memref<64x128xf32, #tpu.memory_space<hbm>>
      %dma_start3A_145 = arith.constant 0 : i32
      %dma_start3A_146 = tpu.memref_slice %arg5[%add3A_100, %dma_start3A_145] : memref<20480x128xf32, #tpu.memory_space<hbm>> -> memref<64x128xf32, #tpu.memory_space<hbm>>
      tpu.enqueue_dma source(%arg9 : memref<64x128xf32, #tpu.memory_space<vmem>>) target(%dma_start3A_146 : memref<64x128xf32, #tpu.memory_space<hbm>>) target_semaphore(%run_scoped3A : memref<!tpu.dma_semaphore, #tpu.memory_space<semaphore_mem>>)
      %dma_wait3A_147 = arith.constant 0 : i32
      %dma_wait3A_148 = tpu.memref_slice %arg5[%add3A_100, %dma_wait3A_147] : memref<20480x128xf32, #tpu.memory_space<hbm>> -> memref<64x128xf32, #tpu.memory_space<hbm>>
      %dma_wait3A_149 = arith.constant 0 : i32
      %dma_wait3A_150 = tpu.memref_slice %arg5[%add3A_100, %dma_wait3A_149] : memref<20480x128xf32, #tpu.memory_space<hbm>> -> memref<64x128xf32, #tpu.memory_space<hbm>>
      tpu.wait_dma2 semaphore(%run_scoped3A : memref<!tpu.dma_semaphore, #tpu.memory_space<semaphore_mem>>) src(%arg9 : memref<64x128xf32, #tpu.memory_space<vmem>>) dst(%dma_wait3A_150 : memref<64x128xf32, #tpu.memory_space<hbm>>)
      tpu.yield
    }) : () -> ()
    %mul3A_101 = arith.constant 640 : i32
    %mul3A_102 = arith.muli %arg1, %mul3A_101 : i32
    %add3A_103 = arith.constant 256 : i32
    %add3A_104 = arith.addi %mul3A_102, %add3A_103 : i32
    "tpu.region"() ({
      %run_scoped3A = tpu.sem_alloc : memref<!tpu.dma_semaphore, #tpu.memory_space<semaphore_mem>>
      %dma_start3A_143 = arith.constant 0 : i32
      %dma_start3A_144 = tpu.memref_slice %arg11[%add3A_104, %dma_start3A_143] : memref<10240x128xf32, #tpu.memory_space<vmem_shared>> -> memref<64x128xf32, #tpu.memory_space<vmem_shared>>
      %dma_start3A_145 = arith.constant 0 : i32
      %dma_start3A_146 = tpu.memref_slice %arg11[%add3A_104, %dma_start3A_145] : memref<10240x128xf32, #tpu.memory_space<vmem_shared>> -> memref<64x128xf32, #tpu.memory_space<vmem_shared>>
      tpu.enqueue_dma source(%dma_start3A_146 : memref<64x128xf32, #tpu.memory_space<vmem_shared>>) target(%arg9 : memref<64x128xf32, #tpu.memory_space<vmem>>) target_semaphore(%run_scoped3A : memref<!tpu.dma_semaphore, #tpu.memory_space<semaphore_mem>>)
      %dma_wait3A_147 = arith.constant 0 : i32
      %dma_wait3A_148 = tpu.memref_slice %arg11[%add3A_104, %dma_wait3A_147] : memref<10240x128xf32, #tpu.memory_space<vmem_shared>> -> memref<64x128xf32, #tpu.memory_space<vmem_shared>>
      %dma_wait3A_149 = arith.constant 0 : i32
      %dma_wait3A_150 = tpu.memref_slice %arg11[%add3A_104, %dma_wait3A_149] : memref<10240x128xf32, #tpu.memory_space<vmem_shared>> -> memref<64x128xf32, #tpu.memory_space<vmem_shared>>
      tpu.wait_dma2 semaphore(%run_scoped3A : memref<!tpu.dma_semaphore, #tpu.memory_space<semaphore_mem>>) src(%dma_wait3A_150 : memref<64x128xf32, #tpu.memory_space<vmem_shared>>) dst(%arg9 : memref<64x128xf32, #tpu.memory_space<vmem>>)
      tpu.yield
    }) : () -> ()
    %mul3A_105 = arith.constant 10240 : i32
    %mul3A_106 = arith.muli %arg0, %mul3A_105 : i32
    %add3A_107 = arith.addi %mul3A_106, %add3A_104 : i32
    "tpu.region"() ({
      %run_scoped3A = tpu.sem_alloc : memref<!tpu.dma_semaphore, #tpu.memory_space<semaphore_mem>>
      %dma_start3A_143 = arith.constant 0 : i32
      %dma_start3A_144 = tpu.memref_slice %arg5[%add3A_107, %dma_start3A_143] : memref<20480x128xf32, #tpu.memory_space<hbm>> -> memref<64x128xf32, #tpu.memory_space<hbm>>
      %dma_start3A_145 = arith.constant 0 : i32
      %dma_start3A_146 = tpu.memref_slice %arg5[%add3A_107, %dma_start3A_145] : memref<20480x128xf32, #tpu.memory_space<hbm>> -> memref<64x128xf32, #tpu.memory_space<hbm>>
      tpu.enqueue_dma source(%arg9 : memref<64x128xf32, #tpu.memory_space<vmem>>) target(%dma_start3A_146 : memref<64x128xf32, #tpu.memory_space<hbm>>) target_semaphore(%run_scoped3A : memref<!tpu.dma_semaphore, #tpu.memory_space<semaphore_mem>>)
      %dma_wait3A_147 = arith.constant 0 : i32
      %dma_wait3A_148 = tpu.memref_slice %arg5[%add3A_107, %dma_wait3A_147] : memref<20480x128xf32, #tpu.memory_space<hbm>> -> memref<64x128xf32, #tpu.memory_space<hbm>>
      %dma_wait3A_149 = arith.constant 0 : i32
      %dma_wait3A_150 = tpu.memref_slice %arg5[%add3A_107, %dma_wait3A_149] : memref<20480x128xf32, #tpu.memory_space<hbm>> -> memref<64x128xf32, #tpu.memory_space<hbm>>
      tpu.wait_dma2 semaphore(%run_scoped3A : memref<!tpu.dma_semaphore, #tpu.memory_space<semaphore_mem>>) src(%arg9 : memref<64x128xf32, #tpu.memory_space<vmem>>) dst(%dma_wait3A_150 : memref<64x128xf32, #tpu.memory_space<hbm>>)
      tpu.yield
    }) : () -> ()
    %mul3A_108 = arith.constant 640 : i32
    %mul3A_109 = arith.muli %arg1, %mul3A_108 : i32
    %add3A_110 = arith.constant 320 : i32
    %add3A_111 = arith.addi %mul3A_109, %add3A_110 : i32
    "tpu.region"() ({
      %run_scoped3A = tpu.sem_alloc : memref<!tpu.dma_semaphore, #tpu.memory_space<semaphore_mem>>
      %dma_start3A_143 = arith.constant 0 : i32
      %dma_start3A_144 = tpu.memref_slice %arg11[%add3A_111, %dma_start3A_143] : memref<10240x128xf32, #tpu.memory_space<vmem_shared>> -> memref<64x128xf32, #tpu.memory_space<vmem_shared>>
      %dma_start3A_145 = arith.constant 0 : i32
      %dma_start3A_146 = tpu.memref_slice %arg11[%add3A_111, %dma_start3A_145] : memref<10240x128xf32, #tpu.memory_space<vmem_shared>> -> memref<64x128xf32, #tpu.memory_space<vmem_shared>>
      tpu.enqueue_dma source(%dma_start3A_146 : memref<64x128xf32, #tpu.memory_space<vmem_shared>>) target(%arg9 : memref<64x128xf32, #tpu.memory_space<vmem>>) target_semaphore(%run_scoped3A : memref<!tpu.dma_semaphore, #tpu.memory_space<semaphore_mem>>)
      %dma_wait3A_147 = arith.constant 0 : i32
      %dma_wait3A_148 = tpu.memref_slice %arg11[%add3A_111, %dma_wait3A_147] : memref<10240x128xf32, #tpu.memory_space<vmem_shared>> -> memref<64x128xf32, #tpu.memory_space<vmem_shared>>
      %dma_wait3A_149 = arith.constant 0 : i32
      %dma_wait3A_150 = tpu.memref_slice %arg11[%add3A_111, %dma_wait3A_149] : memref<10240x128xf32, #tpu.memory_space<vmem_shared>> -> memref<64x128xf32, #tpu.memory_space<vmem_shared>>
      tpu.wait_dma2 semaphore(%run_scoped3A : memref<!tpu.dma_semaphore, #tpu.memory_space<semaphore_mem>>) src(%dma_wait3A_150 : memref<64x128xf32, #tpu.memory_space<vmem_shared>>) dst(%arg9 : memref<64x128xf32, #tpu.memory_space<vmem>>)
      tpu.yield
    }) : () -> ()
    %mul3A_112 = arith.constant 10240 : i32
    %mul3A_113 = arith.muli %arg0, %mul3A_112 : i32
    %add3A_114 = arith.addi %mul3A_113, %add3A_111 : i32
    "tpu.region"() ({
      %run_scoped3A = tpu.sem_alloc : memref<!tpu.dma_semaphore, #tpu.memory_space<semaphore_mem>>
      %dma_start3A_143 = arith.constant 0 : i32
      %dma_start3A_144 = tpu.memref_slice %arg5[%add3A_114, %dma_start3A_143] : memref<20480x128xf32, #tpu.memory_space<hbm>> -> memref<64x128xf32, #tpu.memory_space<hbm>>
      %dma_start3A_145 = arith.constant 0 : i32
      %dma_start3A_146 = tpu.memref_slice %arg5[%add3A_114, %dma_start3A_145] : memref<20480x128xf32, #tpu.memory_space<hbm>> -> memref<64x128xf32, #tpu.memory_space<hbm>>
      tpu.enqueue_dma source(%arg9 : memref<64x128xf32, #tpu.memory_space<vmem>>) target(%dma_start3A_146 : memref<64x128xf32, #tpu.memory_space<hbm>>) target_semaphore(%run_scoped3A : memref<!tpu.dma_semaphore, #tpu.memory_space<semaphore_mem>>)
      %dma_wait3A_147 = arith.constant 0 : i32
      %dma_wait3A_148 = tpu.memref_slice %arg5[%add3A_114, %dma_wait3A_147] : memref<20480x128xf32, #tpu.memory_space<hbm>> -> memref<64x128xf32, #tpu.memory_space<hbm>>
      %dma_wait3A_149 = arith.constant 0 : i32
      %dma_wait3A_150 = tpu.memref_slice %arg5[%add3A_114, %dma_wait3A_149] : memref<20480x128xf32, #tpu.memory_space<hbm>> -> memref<64x128xf32, #tpu.memory_space<hbm>>
      tpu.wait_dma2 semaphore(%run_scoped3A : memref<!tpu.dma_semaphore, #tpu.memory_space<semaphore_mem>>) src(%arg9 : memref<64x128xf32, #tpu.memory_space<vmem>>) dst(%dma_wait3A_150 : memref<64x128xf32, #tpu.memory_space<hbm>>)
      tpu.yield
    }) : () -> ()
    %mul3A_115 = arith.constant 640 : i32
    %mul3A_116 = arith.muli %arg1, %mul3A_115 : i32
    %add3A_117 = arith.constant 384 : i32
    %add3A_118 = arith.addi %mul3A_116, %add3A_117 : i32
    "tpu.region"() ({
      %run_scoped3A = tpu.sem_alloc : memref<!tpu.dma_semaphore, #tpu.memory_space<semaphore_mem>>
      %dma_start3A_143 = arith.constant 0 : i32
      %dma_start3A_144 = tpu.memref_slice %arg11[%add3A_118, %dma_start3A_143] : memref<10240x128xf32, #tpu.memory_space<vmem_shared>> -> memref<64x128xf32, #tpu.memory_space<vmem_shared>>
      %dma_start3A_145 = arith.constant 0 : i32
      %dma_start3A_146 = tpu.memref_slice %arg11[%add3A_118, %dma_start3A_145] : memref<10240x128xf32, #tpu.memory_space<vmem_shared>> -> memref<64x128xf32, #tpu.memory_space<vmem_shared>>
      tpu.enqueue_dma source(%dma_start3A_146 : memref<64x128xf32, #tpu.memory_space<vmem_shared>>) target(%arg9 : memref<64x128xf32, #tpu.memory_space<vmem>>) target_semaphore(%run_scoped3A : memref<!tpu.dma_semaphore, #tpu.memory_space<semaphore_mem>>)
      %dma_wait3A_147 = arith.constant 0 : i32
      %dma_wait3A_148 = tpu.memref_slice %arg11[%add3A_118, %dma_wait3A_147] : memref<10240x128xf32, #tpu.memory_space<vmem_shared>> -> memref<64x128xf32, #tpu.memory_space<vmem_shared>>
      %dma_wait3A_149 = arith.constant 0 : i32
      %dma_wait3A_150 = tpu.memref_slice %arg11[%add3A_118, %dma_wait3A_149] : memref<10240x128xf32, #tpu.memory_space<vmem_shared>> -> memref<64x128xf32, #tpu.memory_space<vmem_shared>>
      tpu.wait_dma2 semaphore(%run_scoped3A : memref<!tpu.dma_semaphore, #tpu.memory_space<semaphore_mem>>) src(%dma_wait3A_150 : memref<64x128xf32, #tpu.memory_space<vmem_shared>>) dst(%arg9 : memref<64x128xf32, #tpu.memory_space<vmem>>)
      tpu.yield
    }) : () -> ()
    %mul3A_119 = arith.constant 10240 : i32
    %mul3A_120 = arith.muli %arg0, %mul3A_119 : i32
    %add3A_121 = arith.addi %mul3A_120, %add3A_118 : i32
    "tpu.region"() ({
      %run_scoped3A = tpu.sem_alloc : memref<!tpu.dma_semaphore, #tpu.memory_space<semaphore_mem>>
      %dma_start3A_143 = arith.constant 0 : i32
      %dma_start3A_144 = tpu.memref_slice %arg5[%add3A_121, %dma_start3A_143] : memref<20480x128xf32, #tpu.memory_space<hbm>> -> memref<64x128xf32, #tpu.memory_space<hbm>>
      %dma_start3A_145 = arith.constant 0 : i32
      %dma_start3A_146 = tpu.memref_slice %arg5[%add3A_121, %dma_start3A_145] : memref<20480x128xf32, #tpu.memory_space<hbm>> -> memref<64x128xf32, #tpu.memory_space<hbm>>
      tpu.enqueue_dma source(%arg9 : memref<64x128xf32, #tpu.memory_space<vmem>>) target(%dma_start3A_146 : memref<64x128xf32, #tpu.memory_space<hbm>>) target_semaphore(%run_scoped3A : memref<!tpu.dma_semaphore, #tpu.memory_space<semaphore_mem>>)
      %dma_wait3A_147 = arith.constant 0 : i32
      %dma_wait3A_148 = tpu.memref_slice %arg5[%add3A_121, %dma_wait3A_147] : memref<20480x128xf32, #tpu.memory_space<hbm>> -> memref<64x128xf32, #tpu.memory_space<hbm>>
      %dma_wait3A_149 = arith.constant 0 : i32
      %dma_wait3A_150 = tpu.memref_slice %arg5[%add3A_121, %dma_wait3A_149] : memref<20480x128xf32, #tpu.memory_space<hbm>> -> memref<64x128xf32, #tpu.memory_space<hbm>>
      tpu.wait_dma2 semaphore(%run_scoped3A : memref<!tpu.dma_semaphore, #tpu.memory_space<semaphore_mem>>) src(%arg9 : memref<64x128xf32, #tpu.memory_space<vmem>>) dst(%dma_wait3A_150 : memref<64x128xf32, #tpu.memory_space<hbm>>)
      tpu.yield
    }) : () -> ()
    %mul3A_122 = arith.constant 640 : i32
    %mul3A_123 = arith.muli %arg1, %mul3A_122 : i32
    %add3A_124 = arith.constant 448 : i32
    %add3A_125 = arith.addi %mul3A_123, %add3A_124 : i32
    "tpu.region"() ({
      %run_scoped3A = tpu.sem_alloc : memref<!tpu.dma_semaphore, #tpu.memory_space<semaphore_mem>>
      %dma_start3A_143 = arith.constant 0 : i32
      %dma_start3A_144 = tpu.memref_slice %arg11[%add3A_125, %dma_start3A_143] : memref<10240x128xf32, #tpu.memory_space<vmem_shared>> -> memref<64x128xf32, #tpu.memory_space<vmem_shared>>
      %dma_start3A_145 = arith.constant 0 : i32
      %dma_start3A_146 = tpu.memref_slice %arg11[%add3A_125, %dma_start3A_145] : memref<10240x128xf32, #tpu.memory_space<vmem_shared>> -> memref<64x128xf32, #tpu.memory_space<vmem_shared>>
      tpu.enqueue_dma source(%dma_start3A_146 : memref<64x128xf32, #tpu.memory_space<vmem_shared>>) target(%arg9 : memref<64x128xf32, #tpu.memory_space<vmem>>) target_semaphore(%run_scoped3A : memref<!tpu.dma_semaphore, #tpu.memory_space<semaphore_mem>>)
      %dma_wait3A_147 = arith.constant 0 : i32
      %dma_wait3A_148 = tpu.memref_slice %arg11[%add3A_125, %dma_wait3A_147] : memref<10240x128xf32, #tpu.memory_space<vmem_shared>> -> memref<64x128xf32, #tpu.memory_space<vmem_shared>>
      %dma_wait3A_149 = arith.constant 0 : i32
      %dma_wait3A_150 = tpu.memref_slice %arg11[%add3A_125, %dma_wait3A_149] : memref<10240x128xf32, #tpu.memory_space<vmem_shared>> -> memref<64x128xf32, #tpu.memory_space<vmem_shared>>
      tpu.wait_dma2 semaphore(%run_scoped3A : memref<!tpu.dma_semaphore, #tpu.memory_space<semaphore_mem>>) src(%dma_wait3A_150 : memref<64x128xf32, #tpu.memory_space<vmem_shared>>) dst(%arg9 : memref<64x128xf32, #tpu.memory_space<vmem>>)
      tpu.yield
    }) : () -> ()
    %mul3A_126 = arith.constant 10240 : i32
    %mul3A_127 = arith.muli %arg0, %mul3A_126 : i32
    %add3A_128 = arith.addi %mul3A_127, %add3A_125 : i32
    "tpu.region"() ({
      %run_scoped3A = tpu.sem_alloc : memref<!tpu.dma_semaphore, #tpu.memory_space<semaphore_mem>>
      %dma_start3A_143 = arith.constant 0 : i32
      %dma_start3A_144 = tpu.memref_slice %arg5[%add3A_128, %dma_start3A_143] : memref<20480x128xf32, #tpu.memory_space<hbm>> -> memref<64x128xf32, #tpu.memory_space<hbm>>
      %dma_start3A_145 = arith.constant 0 : i32
      %dma_start3A_146 = tpu.memref_slice %arg5[%add3A_128, %dma_start3A_145] : memref<20480x128xf32, #tpu.memory_space<hbm>> -> memref<64x128xf32, #tpu.memory_space<hbm>>
      tpu.enqueue_dma source(%arg9 : memref<64x128xf32, #tpu.memory_space<vmem>>) target(%dma_start3A_146 : memref<64x128xf32, #tpu.memory_space<hbm>>) target_semaphore(%run_scoped3A : memref<!tpu.dma_semaphore, #tpu.memory_space<semaphore_mem>>)
      %dma_wait3A_147 = arith.constant 0 : i32
      %dma_wait3A_148 = tpu.memref_slice %arg5[%add3A_128, %dma_wait3A_147] : memref<20480x128xf32, #tpu.memory_space<hbm>> -> memref<64x128xf32, #tpu.memory_space<hbm>>
      %dma_wait3A_149 = arith.constant 0 : i32
      %dma_wait3A_150 = tpu.memref_slice %arg5[%add3A_128, %dma_wait3A_149] : memref<20480x128xf32, #tpu.memory_space<hbm>> -> memref<64x128xf32, #tpu.memory_space<hbm>>
      tpu.wait_dma2 semaphore(%run_scoped3A : memref<!tpu.dma_semaphore, #tpu.memory_space<semaphore_mem>>) src(%arg9 : memref<64x128xf32, #tpu.memory_space<vmem>>) dst(%dma_wait3A_150 : memref<64x128xf32, #tpu.memory_space<hbm>>)
      tpu.yield
    }) : () -> ()
    %mul3A_129 = arith.constant 640 : i32
    %mul3A_130 = arith.muli %arg1, %mul3A_129 : i32
    %add3A_131 = arith.constant 512 : i32
    %add3A_132 = arith.addi %mul3A_130, %add3A_131 : i32
    "tpu.region"() ({
      %run_scoped3A = tpu.sem_alloc : memref<!tpu.dma_semaphore, #tpu.memory_space<semaphore_mem>>
      %dma_start3A_143 = arith.constant 0 : i32
      %dma_start3A_144 = tpu.memref_slice %arg11[%add3A_132, %dma_start3A_143] : memref<10240x128xf32, #tpu.memory_space<vmem_shared>> -> memref<64x128xf32, #tpu.memory_space<vmem_shared>>
      %dma_start3A_145 = arith.constant 0 : i32
      %dma_start3A_146 = tpu.memref_slice %arg11[%add3A_132, %dma_start3A_145] : memref<10240x128xf32, #tpu.memory_space<vmem_shared>> -> memref<64x128xf32, #tpu.memory_space<vmem_shared>>
      tpu.enqueue_dma source(%dma_start3A_146 : memref<64x128xf32, #tpu.memory_space<vmem_shared>>) target(%arg9 : memref<64x128xf32, #tpu.memory_space<vmem>>) target_semaphore(%run_scoped3A : memref<!tpu.dma_semaphore, #tpu.memory_space<semaphore_mem>>)
      %dma_wait3A_147 = arith.constant 0 : i32
      %dma_wait3A_148 = tpu.memref_slice %arg11[%add3A_132, %dma_wait3A_147] : memref<10240x128xf32, #tpu.memory_space<vmem_shared>> -> memref<64x128xf32, #tpu.memory_space<vmem_shared>>
      %dma_wait3A_149 = arith.constant 0 : i32
      %dma_wait3A_150 = tpu.memref_slice %arg11[%add3A_132, %dma_wait3A_149] : memref<10240x128xf32, #tpu.memory_space<vmem_shared>> -> memref<64x128xf32, #tpu.memory_space<vmem_shared>>
      tpu.wait_dma2 semaphore(%run_scoped3A : memref<!tpu.dma_semaphore, #tpu.memory_space<semaphore_mem>>) src(%dma_wait3A_150 : memref<64x128xf32, #tpu.memory_space<vmem_shared>>) dst(%arg9 : memref<64x128xf32, #tpu.memory_space<vmem>>)
      tpu.yield
    }) : () -> ()
    %mul3A_133 = arith.constant 10240 : i32
    %mul3A_134 = arith.muli %arg0, %mul3A_133 : i32
    %add3A_135 = arith.addi %mul3A_134, %add3A_132 : i32
    "tpu.region"() ({
      %run_scoped3A = tpu.sem_alloc : memref<!tpu.dma_semaphore, #tpu.memory_space<semaphore_mem>>
      %dma_start3A_143 = arith.constant 0 : i32
      %dma_start3A_144 = tpu.memref_slice %arg5[%add3A_135, %dma_start3A_143] : memref<20480x128xf32, #tpu.memory_space<hbm>> -> memref<64x128xf32, #tpu.memory_space<hbm>>
      %dma_start3A_145 = arith.constant 0 : i32
      %dma_start3A_146 = tpu.memref_slice %arg5[%add3A_135, %dma_start3A_145] : memref<20480x128xf32, #tpu.memory_space<hbm>> -> memref<64x128xf32, #tpu.memory_space<hbm>>
      tpu.enqueue_dma source(%arg9 : memref<64x128xf32, #tpu.memory_space<vmem>>) target(%dma_start3A_146 : memref<64x128xf32, #tpu.memory_space<hbm>>) target_semaphore(%run_scoped3A : memref<!tpu.dma_semaphore, #tpu.memory_space<semaphore_mem>>)
      %dma_wait3A_147 = arith.constant 0 : i32
      %dma_wait3A_148 = tpu.memref_slice %arg5[%add3A_135, %dma_wait3A_147] : memref<20480x128xf32, #tpu.memory_space<hbm>> -> memref<64x128xf32, #tpu.memory_space<hbm>>
      %dma_wait3A_149 = arith.constant 0 : i32
      %dma_wait3A_150 = tpu.memref_slice %arg5[%add3A_135, %dma_wait3A_149] : memref<20480x128xf32, #tpu.memory_space<hbm>> -> memref<64x128xf32, #tpu.memory_space<hbm>>
      tpu.wait_dma2 semaphore(%run_scoped3A : memref<!tpu.dma_semaphore, #tpu.memory_space<semaphore_mem>>) src(%arg9 : memref<64x128xf32, #tpu.memory_space<vmem>>) dst(%dma_wait3A_150 : memref<64x128xf32, #tpu.memory_space<hbm>>)
      tpu.yield
    }) : () -> ()
    %mul3A_136 = arith.constant 640 : i32
    %mul3A_137 = arith.muli %arg1, %mul3A_136 : i32
    %add3A_138 = arith.constant 576 : i32
    %add3A_139 = arith.addi %mul3A_137, %add3A_138 : i32
    "tpu.region"() ({
      %run_scoped3A = tpu.sem_alloc : memref<!tpu.dma_semaphore, #tpu.memory_space<semaphore_mem>>
      %dma_start3A_143 = arith.constant 0 : i32
      %dma_start3A_144 = tpu.memref_slice %arg11[%add3A_139, %dma_start3A_143] : memref<10240x128xf32, #tpu.memory_space<vmem_shared>> -> memref<64x128xf32, #tpu.memory_space<vmem_shared>>
      %dma_start3A_145 = arith.constant 0 : i32
      %dma_start3A_146 = tpu.memref_slice %arg11[%add3A_139, %dma_start3A_145] : memref<10240x128xf32, #tpu.memory_space<vmem_shared>> -> memref<64x128xf32, #tpu.memory_space<vmem_shared>>
      tpu.enqueue_dma source(%dma_start3A_146 : memref<64x128xf32, #tpu.memory_space<vmem_shared>>) target(%arg9 : memref<64x128xf32, #tpu.memory_space<vmem>>) target_semaphore(%run_scoped3A : memref<!tpu.dma_semaphore, #tpu.memory_space<semaphore_mem>>)
      %dma_wait3A_147 = arith.constant 0 : i32
      %dma_wait3A_148 = tpu.memref_slice %arg11[%add3A_139, %dma_wait3A_147] : memref<10240x128xf32, #tpu.memory_space<vmem_shared>> -> memref<64x128xf32, #tpu.memory_space<vmem_shared>>
      %dma_wait3A_149 = arith.constant 0 : i32
      %dma_wait3A_150 = tpu.memref_slice %arg11[%add3A_139, %dma_wait3A_149] : memref<10240x128xf32, #tpu.memory_space<vmem_shared>> -> memref<64x128xf32, #tpu.memory_space<vmem_shared>>
      tpu.wait_dma2 semaphore(%run_scoped3A : memref<!tpu.dma_semaphore, #tpu.memory_space<semaphore_mem>>) src(%dma_wait3A_150 : memref<64x128xf32, #tpu.memory_space<vmem_shared>>) dst(%arg9 : memref<64x128xf32, #tpu.memory_space<vmem>>)
      tpu.yield
    }) : () -> ()
    %mul3A_140 = arith.constant 10240 : i32
    %mul3A_141 = arith.muli %arg0, %mul3A_140 : i32
    %add3A_142 = arith.addi %mul3A_141, %add3A_139 : i32
    "tpu.region"() ({
      %run_scoped3A = tpu.sem_alloc : memref<!tpu.dma_semaphore, #tpu.memory_space<semaphore_mem>>
      %dma_start3A_143 = arith.constant 0 : i32
      %dma_start3A_144 = tpu.memref_slice %arg5[%add3A_142, %dma_start3A_143] : memref<20480x128xf32, #tpu.memory_space<hbm>> -> memref<64x128xf32, #tpu.memory_space<hbm>>
      %dma_start3A_145 = arith.constant 0 : i32
      %dma_start3A_146 = tpu.memref_slice %arg5[%add3A_142, %dma_start3A_145] : memref<20480x128xf32, #tpu.memory_space<hbm>> -> memref<64x128xf32, #tpu.memory_space<hbm>>
      tpu.enqueue_dma source(%arg9 : memref<64x128xf32, #tpu.memory_space<vmem>>) target(%dma_start3A_146 : memref<64x128xf32, #tpu.memory_space<hbm>>) target_semaphore(%run_scoped3A : memref<!tpu.dma_semaphore, #tpu.memory_space<semaphore_mem>>)
      %dma_wait3A_147 = arith.constant 0 : i32
      %dma_wait3A_148 = tpu.memref_slice %arg5[%add3A_142, %dma_wait3A_147] : memref<20480x128xf32, #tpu.memory_space<hbm>> -> memref<64x128xf32, #tpu.memory_space<hbm>>
      %dma_wait3A_149 = arith.constant 0 : i32
      %dma_wait3A_150 = tpu.memref_slice %arg5[%add3A_142, %dma_wait3A_149] : memref<20480x128xf32, #tpu.memory_space<hbm>> -> memref<64x128xf32, #tpu.memory_space<hbm>>
      tpu.wait_dma2 semaphore(%run_scoped3A : memref<!tpu.dma_semaphore, #tpu.memory_space<semaphore_mem>>) src(%arg9 : memref<64x128xf32, #tpu.memory_space<vmem>>) dst(%dma_wait3A_150 : memref<64x128xf32, #tpu.memory_space<hbm>>)
      tpu.yield
    }) : () -> ()
    return
  }
}

module attributes {stable_mosaic.version = 14 : i64} {
  func.func @_k1_body(%arg0: i32, %arg1: memref<640x128xf32, #tpu.memory_space<vmem>>, %arg2: memref<128x128xf32, #tpu.memory_space<vmem>>, %arg3: memref<2x640x128xf32, #tpu.memory_space<vmem>>, %arg4: memref<640x128xf32, #tpu.memory_space<vmem>>) attributes {dimension_semantics = [#tpu.dimension_semantics<arbitrary>], iteration_bounds = array<i64: 16>, scalar_prefetch = 0 : i64, scratch_operands = 0 : i64, tpu.core_type = #tpu.core_type<tc>, window_params = [{transform_indices = @transform_0, window_bounds = array<i64: 640, 128>}, {pipeline_mode = #tpu.pipeline_mode<synchronous>, transform_indices = @transform_1, window_bounds = array<i64: 128, 128>}, {transform_indices = @transform_2, window_bounds = array<i64: 2, 640, 128>}, {transform_indices = @transform_3, window_bounds = array<i64: 640, 128>}]} {
    %get3A = arith.constant 0 : index
    %get3A_0 = arith.constant 0 : index
    %get3A_1 = vector.load %arg1[%get3A, %get3A_0] : memref<640x128xf32, #tpu.memory_space<vmem>>, vector<640x128xf32>
    %get3A_2 = arith.constant 0 : index
    %get3A_3 = arith.constant 0 : index
    %get3A_4 = vector.load %arg2[%get3A_2, %get3A_3] : memref<128x128xf32, #tpu.memory_space<vmem>>, vector<128x128xf32>
    %dot_general3A = arith.constant dense<0.000000e+00> : vector<640x128xf32>
    %dot_general3A_5 = tpu.matmul %get3A_1, %get3A_4, %dot_general3A {dimension_numbers = #tpu.dot_dimension_numbers<[1], [0], [0], [1], [0, 0, 1, 1], [], []>, transpose_lhs_hint = false} : vector<640x128xf32>, vector<128x128xf32>, vector<640x128xf32> -> vector<640x128xf32>
    %get3A_6 = arith.constant 0 : index
    %get3A_7 = arith.constant 0 : index
    %get3A_8 = arith.constant 0 : index
    %get3A_9 = vector.load %arg3[%get3A_6, %get3A_7, %get3A_8] : memref<2x640x128xf32, #tpu.memory_space<vmem>>, vector<1x640x1xf32>
    %get3A_10 = vector.shape_cast %get3A_9 : vector<1x640x1xf32> to vector<640x1xf32>
    %get3A_11 = arith.constant 1 : index
    %get3A_12 = arith.constant 0 : index
    %get3A_13 = arith.constant 0 : index
    %get3A_14 = vector.load %arg3[%get3A_11, %get3A_12, %get3A_13] : memref<2x640x128xf32, #tpu.memory_space<vmem>>, vector<1x640x1xf32>
    %get3A_15 = vector.shape_cast %get3A_14 : vector<1x640x1xf32> to vector<640x1xf32>
    %add3A = arith.addf %get3A_10, %get3A_15 : vector<640x1xf32>
    %add3A_16 = arith.constant 1.000000e+00 : f32
    %add3A_17 = vector.broadcast %add3A_16 : f32 to vector<640x1xf32>
    %add3A_18 = arith.addf %add3A, %add3A_17 : vector<640x1xf32>
    %rsqrt3A = math.rsqrt %add3A_18 : vector<640x1xf32>
    %mul3A = vector.broadcast %rsqrt3A : vector<640x1xf32> to vector<640x128xf32>
    %mul3A_19 = arith.mulf %mul3A, %dot_general3A_5 : vector<640x128xf32>
    %swap3A = arith.constant 0 : index
    %swap3A_20 = arith.constant 0 : index
    %swap3A_21 = vector.load %arg4[%swap3A, %swap3A_20] : memref<640x128xf32, #tpu.memory_space<vmem>>, vector<640x128xf32>
    tpu.vector_store %arg4[%swap3A, %swap3A_20], %mul3A_19 {strides = array<i32>} : memref<640x128xf32, #tpu.memory_space<vmem>>, vector<640x128xf32>,
    return
  }
  func.func @transform_0(%arg0: i32) -> (i32, i32) {
    %c0_i32 = arith.constant 0 : i32
    %c0_i32_0 = arith.constant 0 : i32
    return %arg0, %c0_i32 : i32, i32
  }
  func.func @transform_1(%arg0: i32) -> (i32, i32) {
    %c0_i32 = arith.constant 0 : i32
    %c0_i32_0 = arith.constant 0 : i32
    %c0_i32_1 = arith.constant 0 : i32
    return %c0_i32, %c0_i32_0 : i32, i32
  }
  func.func @transform_2(%arg0: i32) -> (i32, i32, i32) {
    %c0_i32 = arith.constant 0 : i32
    %c0_i32_0 = arith.constant 0 : i32
    %c0_i32_1 = arith.constant 0 : i32
    return %c0_i32, %arg0, %c0_i32_0 : i32, i32, i32
  }
  func.func @transform_3(%arg0: i32) -> (i32, i32) {
    %c0_i32 = arith.constant 0 : i32
    %c0_i32_0 = arith.constant 0 : i32
    return %arg0, %c0_i32 : i32, i32
  }
}

module attributes {stable_mosaic.version = 14 : i64} {
  func.func @_k2_body(%arg0: i32, %arg1: memref<2x640x128xf32, #tpu.memory_space<vmem>>, %arg2: memref<640x128xf32, #tpu.memory_space<vmem>>, %arg3: memref<2x640x128xf32, #tpu.memory_space<vmem>>, %arg4: memref<1x128xf32, #tpu.memory_space<vmem>>, %arg5: memref<128x128xf32, #tpu.memory_space<vmem>>, %arg6: memref<640x128xf32, #tpu.memory_space<vmem>>) attributes {dimension_semantics = [#tpu.dimension_semantics<arbitrary>], iteration_bounds = array<i64: 16>, scalar_prefetch = 0 : i64, scratch_operands = 0 : i64, tpu.core_type = #tpu.core_type<tc>, window_params = [{transform_indices = @transform_0, window_bounds = array<i64: 2, 640, 128>}, {transform_indices = @transform_1, window_bounds = array<i64: 640, 128>}, {transform_indices = @transform_2, window_bounds = array<i64: 2, 640, 128>}, {pipeline_mode = #tpu.pipeline_mode<synchronous>, transform_indices = @transform_3, window_bounds = array<i64: 1, 128>}, {pipeline_mode = #tpu.pipeline_mode<synchronous>, transform_indices = @transform_4, window_bounds = array<i64: 128, 128>}, {transform_indices = @transform_5, window_bounds = array<i64: 640, 128>}]} {
    %get3A = arith.constant 0 : index
    %get3A_0 = arith.constant 0 : index
    %get3A_1 = arith.constant 0 : index
    %get3A_2 = vector.load %arg3[%get3A, %get3A_0, %get3A_1] : memref<2x640x128xf32, #tpu.memory_space<vmem>>, vector<1x640x1xf32>
    %get3A_3 = vector.shape_cast %get3A_2 : vector<1x640x1xf32> to vector<640x1xf32>
    %get3A_4 = arith.constant 1 : index
    %get3A_5 = arith.constant 0 : index
    %get3A_6 = arith.constant 0 : index
    %get3A_7 = vector.load %arg3[%get3A_4, %get3A_5, %get3A_6] : memref<2x640x128xf32, #tpu.memory_space<vmem>>, vector<1x640x1xf32>
    %get3A_8 = vector.shape_cast %get3A_7 : vector<1x640x1xf32> to vector<640x1xf32>
    %add3A = arith.addf %get3A_3, %get3A_8 : vector<640x1xf32>
    %add3A_9 = arith.constant 1.000000e+00 : f32
    %add3A_10 = vector.broadcast %add3A_9 : f32 to vector<640x1xf32>
    %add3A_11 = arith.addf %add3A, %add3A_10 : vector<640x1xf32>
    %rsqrt3A = math.rsqrt %add3A_11 : vector<640x1xf32>
    %get3A_12 = arith.constant 0 : index
    %get3A_13 = arith.constant 0 : index
    %get3A_14 = arith.constant 0 : index
    %get3A_15 = vector.load %arg1[%get3A_12, %get3A_13, %get3A_14] : memref<2x640x128xf32, #tpu.memory_space<vmem>>, vector<1x640x128xf32>
    %get3A_16 = vector.shape_cast %get3A_15 : vector<1x640x128xf32> to vector<640x128xf32>
    %get3A_17 = arith.constant 1 : index
    %get3A_18 = arith.constant 0 : index
    %get3A_19 = arith.constant 0 : index
    %get3A_20 = vector.load %arg1[%get3A_17, %get3A_18, %get3A_19] : memref<2x640x128xf32, #tpu.memory_space<vmem>>, vector<1x640x128xf32>
    %get3A_21 = vector.shape_cast %get3A_20 : vector<1x640x128xf32> to vector<640x128xf32>
    %add3A_22 = arith.addf %get3A_16, %get3A_21 : vector<640x128xf32>
    %get3A_23 = arith.constant 0 : index
    %get3A_24 = arith.constant 0 : index
    %get3A_25 = vector.load %arg2[%get3A_23, %get3A_24] : memref<640x128xf32, #tpu.memory_space<vmem>>, vector<640x128xf32>
    %add3A_26 = arith.addf %add3A_22, %get3A_25 : vector<640x128xf32>
    %mul3A = vector.broadcast %rsqrt3A : vector<640x1xf32> to vector<640x128xf32>
    %mul3A_27 = arith.mulf %mul3A, %add3A_26 : vector<640x128xf32>
    %get3A_28 = arith.constant 0 : index
    %get3A_29 = arith.constant 0 : index
    %get3A_30 = vector.load %arg4[%get3A_28, %get3A_29] : memref<1x128xf32, #tpu.memory_space<vmem>>, vector<1x128xf32>
    %add3A_31 = vector.broadcast %get3A_30 : vector<1x128xf32> to vector<640x128xf32>
    %add3A_32 = arith.addf %mul3A_27, %add3A_31 : vector<640x128xf32>
    %max3A = arith.constant 0.000000e+00 : f32
    %max3A_33 = vector.broadcast %max3A : f32 to vector<640x128xf32>
    %max3A_34 = arith.maximumf %add3A_32, %max3A_33 : vector<640x128xf32>
    %get3A_35 = arith.constant 0 : index
    %get3A_36 = arith.constant 0 : index
    %get3A_37 = vector.load %arg5[%get3A_35, %get3A_36] : memref<128x128xf32, #tpu.memory_space<vmem>>, vector<128x128xf32>
    %dot_general3A = arith.constant dense<0.000000e+00> : vector<640x128xf32>
    %dot_general3A_38 = tpu.matmul %max3A_34, %get3A_37, %dot_general3A {dimension_numbers = #tpu.dot_dimension_numbers<[1], [0], [0], [1], [0, 0, 1, 1], [], []>, transpose_lhs_hint = false} : vector<640x128xf32>, vector<128x128xf32>, vector<640x128xf32> -> vector<640x128xf32>
    %mul3A_39 = vector.broadcast %rsqrt3A : vector<640x1xf32> to vector<640x128xf32>
    %mul3A_40 = arith.mulf %mul3A_39, %dot_general3A_38 : vector<640x128xf32>
    %swap3A = arith.constant 0 : index
    %swap3A_41 = arith.constant 0 : index
    %swap3A_42 = vector.load %arg6[%swap3A, %swap3A_41] : memref<640x128xf32, #tpu.memory_space<vmem>>, vector<640x128xf32>
    tpu.vector_store %arg6[%swap3A, %swap3A_41], %mul3A_40 {strides = array<i32>} : memref<640x128xf32, #tpu.memory_space<vmem>>, vector<640x128xf32>,
    return
  }
  func.func @transform_0(%arg0: i32) -> (i32, i32, i32) {
    %c0_i32 = arith.constant 0 : i32
    %c0_i32_0 = arith.constant 0 : i32
    %c0_i32_1 = arith.constant 0 : i32
    return %c0_i32, %arg0, %c0_i32_0 : i32, i32, i32
  }
  func.func @transform_1(%arg0: i32) -> (i32, i32) {
    %c0_i32 = arith.constant 0 : i32
    %c0_i32_0 = arith.constant 0 : i32
    return %arg0, %c0_i32 : i32, i32
  }
  func.func @transform_2(%arg0: i32) -> (i32, i32, i32) {
    %c0_i32 = arith.constant 0 : i32
    %c0_i32_0 = arith.constant 0 : i32
    %c0_i32_1 = arith.constant 0 : i32
    return %c0_i32, %arg0, %c0_i32_0 : i32, i32, i32
  }
  func.func @transform_3(%arg0: i32) -> (i32, i32) {
    %c0_i32 = arith.constant 0 : i32
    %c0_i32_0 = arith.constant 0 : i32
    %c0_i32_1 = arith.constant 0 : i32
    return %c0_i32, %c0_i32_0 : i32, i32
  }
  func.func @transform_4(%arg0: i32) -> (i32, i32) {
    %c0_i32 = arith.constant 0 : i32
    %c0_i32_0 = arith.constant 0 : i32
    %c0_i32_1 = arith.constant 0 : i32
    return %c0_i32, %c0_i32_0 : i32, i32
  }
  func.func @transform_5(%arg0: i32) -> (i32, i32) {
    %c0_i32 = arith.constant 0 : i32
    %c0_i32_0 = arith.constant 0 : i32
    return %arg0, %c0_i32 : i32, i32
  }
}

module attributes {stable_mosaic.version = 14 : i64} {
  func.func @_k3_body(%arg0: i32, %arg1: memref<2x640x128xf32, #tpu.memory_space<vmem>>, %arg2: memref<640x128xf32, #tpu.memory_space<vmem>>, %arg3: memref<2x640x128xf32, #tpu.memory_space<vmem>>, %arg4: memref<1x128xf32, #tpu.memory_space<vmem>>, %arg5: memref<128x512xf32, #tpu.memory_space<vmem>>, %arg6: memref<1x512xf32, #tpu.memory_space<vmem>>, %arg7: memref<640x512xf32, #tpu.memory_space<vmem>>) attributes {dimension_semantics = [#tpu.dimension_semantics<arbitrary>], iteration_bounds = array<i64: 16>, scalar_prefetch = 0 : i64, scratch_operands = 0 : i64, tpu.core_type = #tpu.core_type<tc>, window_params = [{transform_indices = @transform_0, window_bounds = array<i64: 2, 640, 128>}, {transform_indices = @transform_1, window_bounds = array<i64: 640, 128>}, {transform_indices = @transform_2, window_bounds = array<i64: 2, 640, 128>}, {pipeline_mode = #tpu.pipeline_mode<synchronous>, transform_indices = @transform_3, window_bounds = array<i64: 1, 128>}, {pipeline_mode = #tpu.pipeline_mode<synchronous>, transform_indices = @transform_4, window_bounds = array<i64: 128, 512>}, {pipeline_mode = #tpu.pipeline_mode<synchronous>, transform_indices = @transform_5, window_bounds = array<i64: 1, 512>}, {transform_indices = @transform_6, window_bounds = array<i64: 640, 512>}]} {
    %get3A = arith.constant 0 : index
    %get3A_0 = arith.constant 0 : index
    %get3A_1 = arith.constant 0 : index
    %get3A_2 = vector.load %arg3[%get3A, %get3A_0, %get3A_1] : memref<2x640x128xf32, #tpu.memory_space<vmem>>, vector<1x640x1xf32>
    %get3A_3 = vector.shape_cast %get3A_2 : vector<1x640x1xf32> to vector<640x1xf32>
    %get3A_4 = arith.constant 1 : index
    %get3A_5 = arith.constant 0 : index
    %get3A_6 = arith.constant 0 : index
    %get3A_7 = vector.load %arg3[%get3A_4, %get3A_5, %get3A_6] : memref<2x640x128xf32, #tpu.memory_space<vmem>>, vector<1x640x1xf32>
    %get3A_8 = vector.shape_cast %get3A_7 : vector<1x640x1xf32> to vector<640x1xf32>
    %add3A = arith.addf %get3A_3, %get3A_8 : vector<640x1xf32>
    %add3A_9 = arith.constant 1.000000e+00 : f32
    %add3A_10 = vector.broadcast %add3A_9 : f32 to vector<640x1xf32>
    %add3A_11 = arith.addf %add3A, %add3A_10 : vector<640x1xf32>
    %rsqrt3A = math.rsqrt %add3A_11 : vector<640x1xf32>
    %get3A_12 = arith.constant 0 : index
    %get3A_13 = arith.constant 0 : index
    %get3A_14 = arith.constant 0 : index
    %get3A_15 = vector.load %arg1[%get3A_12, %get3A_13, %get3A_14] : memref<2x640x128xf32, #tpu.memory_space<vmem>>, vector<1x640x128xf32>
    %get3A_16 = vector.shape_cast %get3A_15 : vector<1x640x128xf32> to vector<640x128xf32>
    %get3A_17 = arith.constant 1 : index
    %get3A_18 = arith.constant 0 : index
    %get3A_19 = arith.constant 0 : index
    %get3A_20 = vector.load %arg1[%get3A_17, %get3A_18, %get3A_19] : memref<2x640x128xf32, #tpu.memory_space<vmem>>, vector<1x640x128xf32>
    %get3A_21 = vector.shape_cast %get3A_20 : vector<1x640x128xf32> to vector<640x128xf32>
    %add3A_22 = arith.addf %get3A_16, %get3A_21 : vector<640x128xf32>
    %get3A_23 = arith.constant 0 : index
    %get3A_24 = arith.constant 0 : index
    %get3A_25 = vector.load %arg2[%get3A_23, %get3A_24] : memref<640x128xf32, #tpu.memory_space<vmem>>, vector<640x128xf32>
    %add3A_26 = arith.addf %add3A_22, %get3A_25 : vector<640x128xf32>
    %mul3A = vector.broadcast %rsqrt3A : vector<640x1xf32> to vector<640x128xf32>
    %mul3A_27 = arith.mulf %mul3A, %add3A_26 : vector<640x128xf32>
    %get3A_28 = arith.constant 0 : index
    %get3A_29 = arith.constant 0 : index
    %get3A_30 = vector.load %arg4[%get3A_28, %get3A_29] : memref<1x128xf32, #tpu.memory_space<vmem>>, vector<1x128xf32>
    %add3A_31 = vector.broadcast %get3A_30 : vector<1x128xf32> to vector<640x128xf32>
    %add3A_32 = arith.addf %mul3A_27, %add3A_31 : vector<640x128xf32>
    %max3A = arith.constant 0.000000e+00 : f32
    %max3A_33 = vector.broadcast %max3A : f32 to vector<640x128xf32>
    %max3A_34 = arith.maximumf %add3A_32, %max3A_33 : vector<640x128xf32>
    %get3A_35 = arith.constant 0 : index
    %get3A_36 = arith.constant 0 : index
    %get3A_37 = vector.load %arg5[%get3A_35, %get3A_36] : memref<128x512xf32, #tpu.memory_space<vmem>>, vector<128x512xf32>
    %dot_general3A = arith.constant dense<0.000000e+00> : vector<640x512xf32>
    %dot_general3A_38 = tpu.matmul %max3A_34, %get3A_37, %dot_general3A {dimension_numbers = #tpu.dot_dimension_numbers<[1], [0], [0], [1], [0, 0, 1, 1], [], []>, transpose_lhs_hint = false} : vector<640x128xf32>, vector<128x512xf32>, vector<640x512xf32> -> vector<640x512xf32>
    %get3A_39 = arith.constant 0 : index
    %get3A_40 = arith.constant 0 : index
    %get3A_41 = vector.load %arg6[%get3A_39, %get3A_40] : memref<1x512xf32, #tpu.memory_space<vmem>>, vector<1x512xf32>
    %add3A_42 = vector.broadcast %get3A_41 : vector<1x512xf32> to vector<640x512xf32>
    %add3A_43 = arith.addf %dot_general3A_38, %add3A_42 : vector<640x512xf32>
    %swap3A = arith.constant 0 : index
    %swap3A_44 = arith.constant 0 : index
    %swap3A_45 = vector.load %arg7[%swap3A, %swap3A_44] : memref<640x512xf32, #tpu.memory_space<vmem>>, vector<640x512xf32>
    tpu.vector_store %arg7[%swap3A, %swap3A_44], %add3A_43 {strides = array<i32>} : memref<640x512xf32, #tpu.memory_space<vmem>>, vector<640x512xf32>,
    return
  }
  func.func @transform_0(%arg0: i32) -> (i32, i32, i32) {
    %c0_i32 = arith.constant 0 : i32
    %c0_i32_0 = arith.constant 0 : i32
    %c0_i32_1 = arith.constant 0 : i32
    return %c0_i32, %arg0, %c0_i32_0 : i32, i32, i32
  }
  func.func @transform_1(%arg0: i32) -> (i32, i32) {
    %c0_i32 = arith.constant 0 : i32
    %c0_i32_0 = arith.constant 0 : i32
    return %arg0, %c0_i32 : i32, i32
  }
  func.func @transform_2(%arg0: i32) -> (i32, i32, i32) {
    %c0_i32 = arith.constant 0 : i32
    %c0_i32_0 = arith.constant 0 : i32
    %c0_i32_1 = arith.constant 0 : i32
    return %c0_i32, %arg0, %c0_i32_0 : i32, i32, i32
  }
  func.func @transform_3(%arg0: i32) -> (i32, i32) {
    %c0_i32 = arith.constant 0 : i32
    %c0_i32_0 = arith.constant 0 : i32
    %c0_i32_1 = arith.constant 0 : i32
    return %c0_i32, %c0_i32_0 : i32, i32
  }
  func.func @transform_4(%arg0: i32) -> (i32, i32) {
    %c0_i32 = arith.constant 0 : i32
    %c0_i32_0 = arith.constant 0 : i32
    %c0_i32_1 = arith.constant 0 : i32
    return %c0_i32, %c0_i32_0 : i32, i32
  }
  func.func @transform_5(%arg0: i32) -> (i32, i32) {
    %c0_i32 = arith.constant 0 : i32
    %c0_i32_0 = arith.constant 0 : i32
    %c0_i32_1 = arith.constant 0 : i32
    return %c0_i32, %c0_i32_0 : i32, i32
  }
  func.func @transform_6(%arg0: i32) -> (i32, i32) {
    %c0_i32 = arith.constant 0 : i32
    %c0_i32_0 = arith.constant 0 : i32
    return %arg0, %c0_i32 : i32, i32
  }
}

module attributes {stable_mosaic.version = 14 : i64} {
  func.func @_lstm_body(%arg0: i32, %arg1: memref<400x512xf32, #tpu.memory_space<vmem>>, %arg2: memref<128x512xbf16, #tpu.memory_space<vmem>>, %arg3: memref<128x64xf32, #tpu.memory_space<vmem>>, %arg4: memref<1x64xf32, #tpu.memory_space<vmem>>, %arg5: memref<400x64xf32, #tpu.memory_space<vmem>>, %arg6: memref<1x128xf32, #tpu.memory_space<vmem>>, %arg7: memref<1x128xf32, #tpu.memory_space<vmem>>, %arg8: memref<400x128xf32, #tpu.memory_space<vmem>>) attributes {dimension_semantics = [#tpu.dimension_semantics<arbitrary>], iteration_bounds = array<i64: 25>, scalar_prefetch = 0 : i64, scratch_operands = 3 : i64, tpu.core_type = #tpu.core_type<tc>, window_params = [{transform_indices = @transform_0, window_bounds = array<i64: 400, 512>}, {pipeline_mode = #tpu.pipeline_mode<synchronous>, transform_indices = @transform_1, window_bounds = array<i64: 128, 512>}, {pipeline_mode = #tpu.pipeline_mode<synchronous>, transform_indices = @transform_2, window_bounds = array<i64: 128, 64>}, {pipeline_mode = #tpu.pipeline_mode<synchronous>, transform_indices = @transform_3, window_bounds = array<i64: 1, 64>}, {transform_indices = @transform_4, window_bounds = array<i64: 400, 64>}]} {
    %eq3A = arith.constant 0 : i32
    %eq3A_0 = arith.cmpi eq, %arg0, %eq3A : i32
    %convert_element_type3A = arith.extui %eq3A_0 : i1 to i32
    %cond3A = arith.constant 0 : i32
    %cond3A_1 = arith.cmpi ne, %convert_element_type3A, %cond3A : i32
    scf.if %cond3A_1 {
      %broadcast_in_dim3A = arith.constant 0.000000e+00 : f32
      %broadcast_in_dim3A_34 = vector.broadcast %broadcast_in_dim3A : f32 to vector<1x128xf32>
      %swap3A_35 = arith.constant 0 : index
      %swap3A_36 = arith.constant 0 : index
      %swap3A_37 = vector.load %arg6[%swap3A_35, %swap3A_36] : memref<1x128xf32, #tpu.memory_space<vmem>>, vector<1x128xf32>
      tpu.vector_store %arg6[%swap3A_35, %swap3A_36], %broadcast_in_dim3A_34 {strides = array<i32>} : memref<1x128xf32, #tpu.memory_space<vmem>>, vector<1x128xf32>,
      %broadcast_in_dim3A_38 = arith.constant 0.000000e+00 : f32
      %broadcast_in_dim3A_39 = vector.broadcast %broadcast_in_dim3A_38 : f32 to vector<1x128xf32>
      %swap3A_40 = arith.constant 0 : index
      %swap3A_41 = arith.constant 0 : index
      %swap3A_42 = vector.load %arg7[%swap3A_40, %swap3A_41] : memref<1x128xf32, #tpu.memory_space<vmem>>, vector<1x128xf32>
      tpu.vector_store %arg7[%swap3A_40, %swap3A_41], %broadcast_in_dim3A_39 {strides = array<i32>} : memref<1x128xf32, #tpu.memory_space<vmem>>, vector<1x128xf32>,
    } else {
    }
    %get3A = arith.constant 0 : index
    %get3A_2 = arith.constant 0 : index
    %get3A_3 = vector.load %arg2[%get3A, %get3A_2] : memref<128x512xbf16, #tpu.memory_space<vmem>>, vector<128x512xbf16>
    %get3A_4 = arith.constant 0 : index
    %get3A_5 = arith.constant 0 : index
    %get3A_6 = vector.load %arg6[%get3A_4, %get3A_5] : memref<1x128xf32, #tpu.memory_space<vmem>>, vector<1x128xf32>
    %get3A_7 = arith.constant 0 : index
    %get3A_8 = arith.constant 0 : index
    %get3A_9 = vector.load %arg7[%get3A_7, %get3A_8] : memref<1x128xf32, #tpu.memory_space<vmem>>, vector<1x128xf32>
    %scan3A = arith.constant 0 : i32
    %scan3A_10 = arith.constant 400 : i32
    %scan3A_11 = arith.addi %scan3A, %scan3A_10 : i32
    %scan3A_12 = arith.constant 1 : i32
    %scan3A_13:2 = scf.for %scan3A_34 = %scan3A to %scan3A_11 step %scan3A_12 iter_args(%scan3A_35 = %get3A_6, %scan3A_36 = %get3A_9) -> (vector<1x128xf32>, vector<1x128xf32>)  : i32 {
      %get3A_37 = arith.index_cast %scan3A_34 : i32 to index
      %get3A_38 = arith.constant 0 : index
      %get3A_39 = vector.load %arg1[%get3A_37, %get3A_38] : memref<400x512xf32, #tpu.memory_space<vmem>>, vector<1x512xf32>
      %convert_element_type3A_40 = arith.truncf %scan3A_35 : vector<1x128xf32> to vector<1x128xbf16>
      %dot_general3A_41 = arith.constant dense<0.000000e+00> : vector<1x512xf32>
      %dot_general3A_42 = tpu.matmul %convert_element_type3A_40, %get3A_3, %dot_general3A_41 {dimension_numbers = #tpu.dot_dimension_numbers<[1], [0], [0], [1], [0, 0, 1, 1], [], []>, transpose_lhs_hint = false} : vector<1x128xbf16>, vector<128x512xbf16>, vector<1x512xf32> -> vector<1x512xf32>
      %add3A_43 = arith.addf %get3A_39, %dot_general3A_42 : vector<1x512xf32>
      %slice3A = vector.extract_strided_slice %add3A_43 {offsets = [0, 0], sizes = [1, 128], strides = [1, 1]} : vector<1x512xf32> to vector<1x128xf32>
      %logistic3A = arith.negf %slice3A : vector<1x128xf32>
      %logistic3A_44 = math.exp %logistic3A : vector<1x128xf32>
      %logistic3A_45 = arith.constant 1.000000e+00 : f32
      %logistic3A_46 = vector.broadcast %logistic3A_45 : f32 to vector<1x128xf32>
      %logistic3A_47 = arith.addf %logistic3A_46, %logistic3A_44 : vector<1x128xf32>
      %logistic3A_48 = arith.divf %logistic3A_46, %logistic3A_47 : vector<1x128xf32>
      %slice3A_49 = vector.extract_strided_slice %add3A_43 {offsets = [0, 128], sizes = [1, 128], strides = [1, 1]} : vector<1x512xf32> to vector<1x128xf32>
      %logistic3A_50 = arith.negf %slice3A_49 : vector<1x128xf32>
      %logistic3A_51 = math.exp %logistic3A_50 : vector<1x128xf32>
      %logistic3A_52 = arith.constant 1.000000e+00 : f32
      %logistic3A_53 = vector.broadcast %logistic3A_52 : f32 to vector<1x128xf32>
      %logistic3A_54 = arith.addf %logistic3A_53, %logistic3A_51 : vector<1x128xf32>
      %logistic3A_55 = arith.divf %logistic3A_53, %logistic3A_54 : vector<1x128xf32>
      %slice3A_56 = vector.extract_strided_slice %add3A_43 {offsets = [0, 256], sizes = [1, 128], strides = [1, 1]} : vector<1x512xf32> to vector<1x128xf32>
      %tanh3A = math.tanh %slice3A_56 : vector<1x128xf32>
      %slice3A_57 = vector.extract_strided_slice %add3A_43 {offsets = [0, 384], sizes = [1, 128], strides = [1, 1]} : vector<1x512xf32> to vector<1x128xf32>
      %logistic3A_58 = arith.negf %slice3A_57 : vector<1x128xf32>
      %logistic3A_59 = math.exp %logistic3A_58 : vector<1x128xf32>
      %logistic3A_60 = arith.constant 1.000000e+00 : f32
      %logistic3A_61 = vector.broadcast %logistic3A_60 : f32 to vector<1x128xf32>
      %logistic3A_62 = arith.addf %logistic3A_61, %logistic3A_59 : vector<1x128xf32>
      %logistic3A_63 = arith.divf %logistic3A_61, %logistic3A_62 : vector<1x128xf32>
      %mul3A = arith.mulf %logistic3A_55, %scan3A_36 : vector<1x128xf32>
      %mul3A_64 = arith.mulf %logistic3A_48, %tanh3A : vector<1x128xf32>
      %add3A_65 = arith.addf %mul3A, %mul3A_64 : vector<1x128xf32>
      %tanh3A_66 = math.tanh %add3A_65 : vector<1x128xf32>
      %mul3A_67 = arith.mulf %logistic3A_63, %tanh3A_66 : vector<1x128xf32>
      %swap3A_68 = arith.index_cast %scan3A_34 : i32 to index
      %swap3A_69 = arith.constant 0 : index
      %swap3A_70 = vector.load %arg8[%swap3A_68, %swap3A_69] : memref<400x128xf32, #tpu.memory_space<vmem>>, vector<1x128xf32>
      tpu.vector_store %arg8[%swap3A_68, %swap3A_69], %mul3A_67 {strides = array<i32>} : memref<400x128xf32, #tpu.memory_space<vmem>>, vector<1x128xf32>,
      scf.yield %mul3A_67, %add3A_65 : vector<1x128xf32>, vector<1x128xf32>
    }
    %scan3A_14 = arith.constant 400 : i32
    %swap3A = arith.constant 0 : index
    %swap3A_15 = arith.constant 0 : index
    %swap3A_16 = vector.load %arg6[%swap3A, %swap3A_15] : memref<1x128xf32, #tpu.memory_space<vmem>>, vector<1x128xf32>
    tpu.vector_store %arg6[%swap3A, %swap3A_15], %scan3A_13#0 {strides = array<i32>} : memref<1x128xf32, #tpu.memory_space<vmem>>, vector<1x128xf32>,
    %swap3A_17 = arith.constant 0 : index
    %swap3A_18 = arith.constant 0 : index
    %swap3A_19 = vector.load %arg7[%swap3A_17, %swap3A_18] : memref<1x128xf32, #tpu.memory_space<vmem>>, vector<1x128xf32>
    tpu.vector_store %arg7[%swap3A_17, %swap3A_18], %scan3A_13#1 {strides = array<i32>} : memref<1x128xf32, #tpu.memory_space<vmem>>, vector<1x128xf32>,
    %get3A_20 = arith.constant 0 : index
    %get3A_21 = arith.constant 0 : index
    %get3A_22 = vector.load %arg8[%get3A_20, %get3A_21] : memref<400x128xf32, #tpu.memory_space<vmem>>, vector<400x128xf32>
    %get3A_23 = arith.constant 0 : index
    %get3A_24 = arith.constant 0 : index
    %get3A_25 = vector.load %arg3[%get3A_23, %get3A_24] : memref<128x64xf32, #tpu.memory_space<vmem>>, vector<128x64xf32>
    %dot_general3A = arith.constant dense<0.000000e+00> : vector<400x64xf32>
    %dot_general3A_26 = tpu.matmul %get3A_22, %get3A_25, %dot_general3A {dimension_numbers = #tpu.dot_dimension_numbers<[1], [0], [0], [1], [0, 0, 1, 1], [], []>, transpose_lhs_hint = false} : vector<400x128xf32>, vector<128x64xf32>, vector<400x64xf32> -> vector<400x64xf32>
    %get3A_27 = arith.constant 0 : index
    %get3A_28 = arith.constant 0 : index
    %get3A_29 = vector.load %arg4[%get3A_27, %get3A_28] : memref<1x64xf32, #tpu.memory_space<vmem>>, vector<1x64xf32>
    %add3A = vector.broadcast %get3A_29 : vector<1x64xf32> to vector<400x64xf32>
    %add3A_30 = arith.addf %dot_general3A_26, %add3A : vector<400x64xf32>
    %swap3A_31 = arith.constant 0 : index
    %swap3A_32 = arith.constant 0 : index
    %swap3A_33 = vector.load %arg5[%swap3A_31, %swap3A_32] : memref<400x64xf32, #tpu.memory_space<vmem>>, vector<400x64xf32>
    tpu.vector_store %arg5[%swap3A_31, %swap3A_32], %add3A_30 {strides = array<i32>} : memref<400x64xf32, #tpu.memory_space<vmem>>, vector<400x64xf32>,
    return
  }
  func.func @transform_0(%arg0: i32) -> (i32, i32) {
    %c0_i32 = arith.constant 0 : i32
    %c0_i32_0 = arith.constant 0 : i32
    return %arg0, %c0_i32 : i32, i32
  }
  func.func @transform_1(%arg0: i32) -> (i32, i32) {
    %c0_i32 = arith.constant 0 : i32
    %c0_i32_0 = arith.constant 0 : i32
    %c0_i32_1 = arith.constant 0 : i32
    return %c0_i32, %c0_i32_0 : i32, i32
  }
  func.func @transform_2(%arg0: i32) -> (i32, i32) {
    %c0_i32 = arith.constant 0 : i32
    %c0_i32_0 = arith.constant 0 : i32
    %c0_i32_1 = arith.constant 0 : i32
    return %c0_i32, %c0_i32_0 : i32, i32
  }
  func.func @transform_3(%arg0: i32) -> (i32, i32) {
    %c0_i32 = arith.constant 0 : i32
    %c0_i32_0 = arith.constant 0 : i32
    %c0_i32_1 = arith.constant 0 : i32
    return %c0_i32, %c0_i32_0 : i32, i32
  }
  func.func @transform_4(%arg0: i32) -> (i32, i32) {
    %c0_i32 = arith.constant 0 : i32
    %c0_i32_0 = arith.constant 0 : i32
    return %arg0, %c0_i32 : i32, i32
  }
}

</mosaic_0001>

<sc_bundles>
// kernel: kernel.12.cloned.1.call-start
scs
__scs_entry_jumppad:
0x0: {  	(pc) =	sbr.rel $0x88, $3  }
0x1: {  	(tag) =	ssettag $0x0;
	lr =	simm.s32 $0x1  }
0x2: {  	[smem:$0x3F95] =	sst lr;
	_ =	strace $0xD0000000  }
0x3: {  	_ = 	snop  }
0x4: {  	_ = 	snop  }
0x5: {  	_ = 	snop  }
0x6: {  	_ = 	snop  }
0x7: {  	_ = 	snop  }
__scs_overlays_trampoline_lowered:
0x8: {  	[smem:$0x3FA4] =	sst s0  }
0x9: {  	[smem:$0x3FA5] =	sst s1  }
0xa: {  	[smem:$0x3FA6] =	sst s2  }
0xb: {  	[smem:$0x3FA7] =	sst s3  }
0xc: {  	[smem:$0x3FA8] =	sst s4  }
0xd: {  	[smem:$0x3FA9] =	sst s5  }
0xe: {  	[smem:$0x3FAA] =	sst s6  }
0xf: {  	[smem:$0x3FAB] =	sst s7  }
0x10: {  	[smem:$0x3FAC] =	sst s8  }
0x11: {  	[smem:$0x3FAD] =	sst s9;
	s0 =	simm.s32 @!p0 $0x0  }
0x12: {  	s1 =	sld [smem:$0x3F93];
	s0 =	simm.s32 @p0 $0x1  }
0x13: {  	[smem:$0x3FAE] =	sst s0;
	s0 =	simm.s32 @!p1 $0x0  }
0x14: {  	s2 =	sld [smem:$0x3F92];
	s0 =	simm.s32 @p1 $0x1  }
0x15: {  	[smem:$0x3FAF] =	sst s0;
	s0 =	simm.s32 @!p2 $0x0  }
0x16: {  	s3 =	sld [smem:$0x3FDB];
	s0 =	simm.s32 @p2 $0x1  }
0x17: {  	s4 =	simm.s32 $0x1BF5;
	[smem:$0x3FB1] =	sst s0  }
0x18: {  	s0 =	sld [smem:$0x3F94];
	_ =	swait.ge [sflag:s4], $0x0  }
0x19: {  	s7 =	sld [smem:$0x3F95]  }
0x1a: {  	s8 =	sadd.s32 $0xFFFFE003, lr  }
0x1b: {  	s9 =	sadd.s32 $0xFFFFFEF7, lr;
	s5 =	simm.s32 $0xFFFFFFFF;
	p2 =	slt.u32 s8, $0xFFFFF086  }
0x1c: {  	p1 =	slt.u32 s9, $0xF7A;
	s5 =	simm.s32 @!p2 $0x0  }
0x1d: {  	s5 =	simm.s32 @p1 $0x1;
	p0 =	seq.s32 s7, s2  }
0x1e: {  	s7 =	smul.u32 @!p0 $0xF7A, s2;
	p2 =	seq.s32 @!p0 s5, $0x0  }
0x1f: {  	s9 =	smul.u32 $0xF7A, s1;
	s8 =	simm.s32 @!p0 $0x1BF5;
	p2 =	por !p2, p0  }
0x20: {  	[sflag:s8] =	ssyncset.s32 @!p0 $0xFFFFF086;
	s6 =	sadd.s32 @!p0 s3, s7;
	s7 =	simm.s32 @!p0 $0x108  }
0x21: {  	s3 =	sadd.s32 s3, s9;
	s6 =	sadd.s32 @!p0 $0x88, s6;
	s7 =	simm.s32 @p2 $0x1082  }
0x22: {  	[simem:s7], [sflag:s8] =	dma.local @!p0 [hbm:s6], $0xF7A  }
0x23: {  	s9 =	sor.u32 $0xD0000000, s2;
	s6 =	simm.s32 $0x108;
	_ =	swait.ge @!p0 [sflag:s8], $0x0  }
0x24: {  	s3 =	sadd.s32 $0x88, s3;
	s6 =	simm.s32 @!p1 $0x1082;
	[sflag:s4] =	ssyncset.s32 $0xFFFFF086  }
0x25: {  	[simem:s6], [sflag:s4] =	dma.local [hbm:s3], $0xF7A  }
0x26: {  	[smem:$0x3F95] =	sst s1;
	(tag) =	ssettag s2;
	_ =	strace s9  }
0x27: {  	s1 =	sld [smem:$0x3FA5]  }
0x28: {  	s2 =	sld [smem:$0x3FA6]  }
0x29: {  	s4 =	sld [smem:$0x3FA8]  }
0x2a: {  	p0 =	seq.s32 s5, $0x0;
	s5 =	sld [smem:$0x3FA9]  }
0x2b: {  	s6 =	sld [smem:$0x3FAA]  }
0x2c: {  	s7 =	sld [smem:$0x3FAB]  }
0x2d: {  	s3 =	simm.s32 $0x108;
	s8 =	sld [smem:$0x3FAC]  }
0x2e: {  	s3 =	simm.s32 @!p0 $0x1082;
	s9 =	sld [smem:$0x3FAD]  }
0x2f: {  	lr =	sadd.s32 s0, s3;
	s0 =	sld [smem:$0x3FA4]  }
0x30: {  	s3 =	sld [smem:$0x3FA7]  }
0x31: {  	[smem:$0x3FB0] =	sst s10  }
0x32: {  	s10 =	sld [smem:$0x3FAE];
	_ =	sdelay $0x3  }
0x33: {  	p0 =	seq.s32 s10, $0x1;
	s10 =	sld [smem:$0x3FB0];
	_ =	sdelay $0x3  }
0x34: {  	[smem:$0x3FB0] =	sst s10  }
0x35: {  	s10 =	sld [smem:$0x3FAF];
	_ =	sdelay $0x3  }
0x36: {  	p1 =	seq.s32 s10, $0x1;
	s10 =	sld [smem:$0x3FB0];
	_ =	sdelay $0x3  }
0x37: {  	[smem:$0x3FB0] =	sst s10  }
0x38: {  	s10 =	sld [smem:$0x3FB1]  }
0x39: {  	_ = 	snop;
	(pc) =	sbr.ind lr, $3  }
0x3a: {  	_ = 	snop  }
0x3b: {  	_ = 	snop  }
0x3c: {  	p2 =	seq.s32 s10, $0x1;
	s10 =	sld [smem:$0x3FB0]  }
0x3d: {  	_ =	shalt  }
0x3e: {  	_ =	shalt  }
0x3f: {  	_ =	shalt  }
0x40: {  	_ =	shalt  }
0x41: {  	_ =	shalt  }
0x42: {  	_ =	shalt  }
0x43: {  	_ =	shalt  }
0x44: {  	_ =	shalt  }
0x45: {  	_ =	shalt  }
0x46: {  	_ =	shalt  }
0x47: {  	_ =	shalt  }
0x48: {  	_ =	shalt  }
0x49: {  	_ =	shalt  }
0x4a: {  	_ =	shalt  }
0x4b: {  	_ =	shalt  }
0x4c: {  	_ =	shalt  }
0x4d: {  	_ =	shalt  }
0x4e: {  	_ =	shalt  }
0x4f: {  	_ =	shalt  }
0x50: {  	_ =	shalt  }
0x51: {  	_ =	shalt  }
0x52: {  	_ =	shalt  }
0x53: {  	_ =	shalt  }
0x54: {  	_ =	shalt  }
0x55: {  	_ =	shalt  }
0x56: {  	_ =	shalt  }
0x57: {  	_ =	shalt  }
0x58: {  	_ =	shalt  }
0x59: {  	_ =	shalt  }
0x5a: {  	_ =	shalt  }
0x5b: {  	_ =	shalt  }
0x5c: {  	_ =	shalt  }
0x5d: {  	_ =	shalt  }
0x5e: {  	_ =	shalt  }
0x5f: {  	_ =	shalt  }
0x60: {  	_ =	shalt  }
0x61: {  	_ =	shalt  }
0x62: {  	_ =	shalt  }
0x63: {  	_ =	shalt  }
0x64: {  	_ =	shalt  }
0x65: {  	_ =	shalt  }
0x66: {  	_ =	shalt  }
0x67: {  	_ =	shalt  }
0x68: {  	_ =	shalt  }
0x69: {  	_ =	shalt  }
0x6a: {  	_ =	shalt  }
0x6b: {  	_ =	shalt  }
0x6c: {  	_ =	shalt  }
0x6d: {  	_ =	shalt  }
0x6e: {  	_ =	shalt  }
0x6f: {  	_ =	shalt  }
0x70: {  	_ =	shalt  }
0x71: {  	_ =	shalt  }
0x72: {  	_ =	shalt  }
0x73: {  	_ =	shalt  }
0x74: {  	_ =	shalt  }
0x75: {  	_ =	shalt  }
0x76: {  	_ =	shalt  }
0x77: {  	_ =	shalt  }
0x78: {  	_ =	shalt  }
0x79: {  	_ =	shalt  }
0x7a: {  	_ =	shalt  }
0x7b: {  	_ =	shalt  }
0x7c: {  	_ =	shalt  }
0x7d: {  	_ =	shalt  }
0x7e: {  	_ =	shalt  }
0x7f: {  	_ =	shalt  }
0x80: {  	_ =	shalt  }
0x81: {  	_ =	shalt  }
0x82: {  	_ =	shalt  }
0x83: {  	_ =	shalt  }
0x84: {  	_ =	shalt  }
0x85: {  	_ =	shalt  }
0x86: {  	_ =	shalt  }
0x87: {  	_ =	shalt  }
.Lfunc_end0:
.L_simem_size_0:
called_computation.1_lowered:
.L_overlay_start_0:
0x88: {  	s2 =	sld [smem:$0x3FD9]  }
0x89: {  	s3 =	sld [smem:$0x3FFE];
	_ =	sdelay $0x1  }
0x8a: {  	s1 =	srdreg.scid  }
0x8b: {  	s0 =	sand.u32 $0x1, s1  }
0x8c: {  	s17 =	sshll.u32 s0, $0xA;
	s2 =	sadd.s32 s3, s2  }
0x8d: {  	s2 =	sadd.s32 s2, s17  }
0x8e: {  	[smem:$0x3FBC] =	sst s2  }
0x8f: {  	_ = 	snop  }
0x90: {  	s2 =	sld [smem:$0x3FD0];
	(tm) =	ssettm $0x1  }
0x91: {  	s18 =	sld [smem:$0x3FFB];
	_ =	sdelay $0x3  }
0x92: {  	_ =	strace s18  }
0x93: {  	s3 =	sld [smem:$0x3FFC];
	_ =	sdelay $0x3  }
0x94: {  	_ =	strace s3  }
0x95: {  	s3 =	sld [smem:$0x3FFD];
	_ =	sdelay $0x3  }
0x96: {  	_ =	strace s3  }
0x97: {  	_ =	strace $0x8FFFFFFF  }
0x98: {  	s19 =	sld [smem:$0x3FDB];
	_ =	sdelay $0x1  }
0x99: {  	s4 =	simm.s32 $_scs_section_size  }
0x9a: {  	s5 =	simm.s32 $_size__tile_overlayer_lowered;
	s6 =	simm.s32 $_tile_overlayer_lowered  }
0x9b: {  	s22 =	simm.s32 $0x1BFF;
	s21 =	sshll.u32 s6, $0x1;
	s3 =	sadd.s32 s4, s19  }
0x9c: {  	s7 =	simm.s32 $0x0;
	s20 =	sshll.u32 s5, $0x1;
	s5 =	sadd.s32 s21, s3  }
0x9d: {  	[timem:s7], [sflag:s22] =	dma.local [hbm:s5], s20  }
0x9e: {  	_ =	swait.ge [sflag:s22], s20  }
0x9f: {  	s4 =	ssub.s32 $0x0, s20;
	[sflag:s22] =	ssyncset.done $0x0  }
0xa0: {  	[sflag:s22] =	ssyncadd.s32 s4;
	_ =	sdelay $0x1  }
0xa1: {  	s23 =	simm.s32 $0x1B8B  }
0xa2: {  	_ =	swait.ge [sflag:s23], $0x1  }
0xa3: {  	[sflag:s23] =	ssyncset.done $0x0  }
0xa4: {  	s25 =	simm.s32 $0x1B8E;
	s24 =	sld [smem:$0x3FFE];
	[sflag:s23] =	ssyncadd.s32 $0xFFFFFFFF  }
0xa5: {  	s26 =	simm.s32 $execute0_lowered;
	[smem:$0x3FD2] =	sst s25  }
0xa6: {  	s5 =	sshll.u32 s26, $0x1;
	_ =	strace $0x80000049;
	[dreg:$0x1] =	wrdreg $0xFFFFFFFF  }
0xa7: {  	s28 =	simm.s32 $_size_execute0_lowered;
	s3 =	sadd.s32 s3, s5;
	[dreg:$0x0] =	wrdreg $0x0  }
0xa8: {  	s5 =	sshll.u32 s28, $0x1;
	[dreg:$0x2] =	wrdreg s3  }
0xa9: {  	[dreg:$0x3] =	wrdreg s5  }
0xaa: {  	[dreg:$0x4] =	wrdreg $0xC0  }
0xab: {  	_ =	task [dreg:s7], $0x5FFFF  }
0xac: {  	[dreg:$0x1] =	wrdreg $0xFFFFFFFF  }
0xad: {  	[dreg:$0x0] =	wrdreg $0x60  }
0xae: {  	[dreg:$0x2] =	wrdreg s24  }
0xaf: {  	[dreg:$0x3] =	wrdreg s2  }
0xb0: {  	[dreg:$0x4] =	wrdreg $0x68800  }
0xb1: {  	[dreg:$0x5] =	wrdreg $0x9  }
0xb2: {  	_ =	task.clear_ibuf [dreg:s7], $0x6FFFF;
	_ =	strace $0x90000049  }
0xb3: {  	s29 =	simm.s32 $0x9;
	_ =	strace $0x8000004B  }
0xb4: {  	_ =	swait.ge [sflag:s29], $0x1  }
0xb5: {  	[sflag:s29] =	ssyncadd.s32 $0xFFFFFFFF  }
0xb6: {  	_ =	strace $0x9000004B  }
0xb7: {  	_ =	sfence  }
0xb8: {  	s30 =	sld [smem:$0x0];
	_ =	sdelay $0x2  }
0xb9: {  	s31 =	sshll.u32 s1, $0xD;
	s1 =	sshrl.u32 s1, $0x2  }
0xba: {  	s3 =	sand.u32 $0x4000, s31;
	s1 =	sadd.s32 s1, s30  }
0xbb: {  	s0 =	sor.u32 s3, s0;
	s1 =	sshll.u32 s1, $0x11  }
0xbc: {  	s0 =	sor.u32 s1, s0  }
0xbd: {  	s0 =	sadd.s32 $0x8F2B, s0  }
0xbe: {  	[sflag:s0] =	ssyncadd.remote.s32 $0x1  }
0xbf: {  	_ =	sfence.sel $0xFFFF  }
0xc0: {  	[dreg:$0x0] =	wrdreg $0xFFFFFFFF;
	(pc) =	sbr.abs _section_cstart, $3  }
0xc1: {  	[dreg:$0x1] =	wrdreg $0xFFFFFFFF  }
0xc2: {  	_ =	task.clear_ibuf [dreg:s7], $0x2FFFF;
	_ =	strace $0x9FFFFFFF  }
0xc3: {  	(tm) =	ssettm $0x7FFFFFFF  }
tec
execute0_lowered:
.L_overlay_start_1:
0x0: {  	(tag) =	ssettag $0x1  }
0x1: {  	s0 =	srdreg.scid;
	s2 =	rddreg [dreg:$0x0];
	s1 =	simm.s32 $0x0  }
0x2: {  	s18 =	stileid.u32;
	s28 =	simm.s32 $0x4;
	s31 =	simm.s32 $0x0  }
0x3: {  	s3 =	sand.u32 $0x1, s0;
	[smem:$0x7FF] =	sst s1;
	s5 =	smul.u32 $0x280, s18  }
0x4: {  	s7 =	sadd.s32 $0x85400, s2;
	s0 =	sshll.u32 s3, $0x4;
	s11 =	smul.u32 $0x2800, s3  }
0x5: {  	s4 =	ssub.s32 $0x2, s3;
	s3 =	smul.u32 $0x9E0, s3;
	s0 =	sor.u32 s18, s0  }
0x6: {  	s21 =	sshrl.u32 s4, $0x1;
	s8 =	sadd.s32 $0x80, s5;
	s9 =	sadd.s32 $0xC0, s5  }
0x7: {  	s10 =	sadd.s32 $0x100, s5;
	s13 =	sadd.s32 $0x140, s5;
	s16 =	sadd.s32 $0x180, s5  }
0x8: {  	s24 =	sadd.s32 $0x1C0, s5;
	s25 =	sadd.s32 $0x200, s5;
	s6 =	smul.u32 $0x4F0, s0  }
0x9: {  	s0 =	ssub.s32 s4, s21;
	s4 =	sor.u32 $0x40, s5;
	s12 =	sadd.s32 s5, s11  }
0xa: {  	s5 =	sadd.s32 $0x240, s5;
	s23 =	sadd.s32 s11, s8;
	s26 =	sadd.s32 s11, s9  }
0xb: {  	s15 =	sadd.s32 s11, s10;
	s21 =	sadd.s32 s11, s13;
	s14 =	sadd.s32 s11, s4  }
0xc: {  	s12 =	sshll.u32 s12, $0x4;
	s17 =	sshll.u32 s26, $0x4;
	s19 =	sshll.u32 s15, $0x4  }
0xd: {  	s15 =	sadd.s32 s11, s25;
	s0 =	smax.u32 s0, $0x1;
	s12 =	sadd.s32 s7, s12  }
0xe: {  	s14 =	sshll.u32 s14, $0x4;
	s20 =	sadd.s32 s7, s19;
	[dreg:$0x4] =	wrdreg s12  }
0xf: {  	s22 =	sadd.s32 s7, s14;
	s12 =	sshll.u32 s23, $0x4;
	[dreg:$0x8] =	wrdreg s20  }
0x10: {  	s23 =	sadd.s32 s11, s24;
	[dreg:$0x5] =	wrdreg s22;
	s12 =	sadd.s32 s7, s12  }
0x11: {  	s22 =	sadd.s32 s11, s16;
	s11 =	sadd.s32 s11, s5;
	s5 =	sshll.u32 s5, $0x7  }
0x12: {  	[dreg:$0x6] =	wrdreg s12;
	s12 =	sadd.s32 s7, s17;
	s17 =	smul.u32 $0x9E, s18  }
0x13: {  	s14 =	sshll.u32 s22, $0x4;
	s11 =	sshll.u32 s11, $0x4;
	s18 =	smul.u32 $0x50000, s18  }
0x14: {  	s22 =	sshll.u32 s4, $0x7;
	[dreg:$0x7] =	wrdreg s12;
	s12 =	sshll.u32 s21, $0x4  }
0x15: {  	s26 =	sadd.s32 s7, s14;
	s14 =	sshll.u32 s23, $0x4;
	s23 =	sshll.u32 s8, $0x7  }
0x16: {  	s8 =	sshll.u32 s13, $0x7;
	s13 =	sshll.u32 s25, $0x7;
	[dreg:$0xa] =	wrdreg s26  }
0x17: {  	s12 =	sadd.s32 s7, s12;
	s3 =	sadd.s32 s17, s3;
	s17 =	rddreg [dreg:$0x1]  }
0x18: {  	s20 =	sshrl.u32 s18, $0x2;
	s26 =	sshll.u32 s9, $0x7;
	s9 =	sshll.u32 s16, $0x7  }
0x19: {  	[dreg:$0x9] =	wrdreg s12;
	s12 =	sadd.s32 s7, s14;
	s3 =	sshll.u32 s3, $0x3  }
0x1a: {  	s19 =	sadd.s32 s17, s6;
	s6 =	sadd.s32 s6, s2;
	[dreg:$0xb] =	wrdreg s12  }
0x1b: {  	s12 =	sshll.u32 s15, $0x4;
	s3 =	sadd.s32 s17, s3;
	s15 =	sadd.s32 $0x5D400, s2  }
0x1c: {  	s21 =	sadd.s32 $0x3600, s6;
	s16 =	sadd.s32 $0x8, s19;
	s18 =	sadd.s32 $0x10, s19  }
0x1d: {  	s2 =	simm.s32 $0x7;
	s6 =	simm.s32 $0x1;
	s12 =	sadd.s32 s7, s12  }
0x1e: {  	s7 =	sadd.s32 s7, s11;
	s29 =	sadd.s32 $0x18, s3;
	[dreg:$0xc] =	wrdreg s12  }
0x1f: {  	s30 =	sadd.s32 $0x20, s3;
	s3 =	simm.s32 $0x2880;
	s12 =	rddreg [dreg:$0x2]  }
0x20: {  	s11 =	simm.s32 $0x2;
	[dreg:$0xd] =	wrdreg s7;
	s7 =	sshll.u32 s10, $0x7  }
0x21: {  	s10 =	sshll.u32 s24, $0x7;
	_ =	strace $0x8000004A;
	[dreg:$0xf] =	wrdreg s21  }
0x22: {  	s14 =	sadd.s32 s20, s12;
	s17 =	sadd.s32 s22, s12;
	s4 =	sadd.s32 s23, s12  }
0x23: {  	s20 =	sadd.s32 s26, s12;
	s21 =	sadd.s32 s7, s12;
	[dreg:$0x11] =	wrdreg s0  }
0x24: {  	s22 =	sadd.s32 s8, s12;
	s23 =	sadd.s32 s9, s12;
	[dreg:$0x12] =	wrdreg s16  }
0x25: {  	s24 =	sadd.s32 s10, s12;
	s25 =	sadd.s32 s13, s12;
	[dreg:$0x13] =	wrdreg s18  }
0x26: {  	s26 =	sadd.s32 s5, s12;
	[dreg:$0xe] =	wrdreg s19;
	s19 =	sadd.s32 $0x4E8, s19  }
0x27: {  	s5 =	simm.s32 $0x40;
	s7 =	simm.s32 $0x2800;
	s8 =	simm.s32 $0x4880  }
0x28: {  	s9 =	simm.s32 $0x5;
	s13 =	simm.s32 $0x3;
	[dreg:$0x10] =	wrdreg s4  }
0x29: {  	v0 =	vimm.f32 $0.0e+00;
	s16 =	simm.s32 $0x6;
	[dreg:$0x14] =	wrdreg s19;
	s4 =	simm.s32 $0x2780  }
.LBB2_1:
0x2a: {  	s0 =	rddreg [dreg:$0xf]  }
0x2b: {  	[tilespmem:s1], [sflag:$0x7] =	stream.linear.gather [hbm4b:s0+s1], $0x2780, $0x38;
	[tilespmem:$0x1A880] =	vst v63  }
0x2c: {  	_ =	swait.ge [sflag:s2], $0x2780  }
0x2d: {  	[sflag:s2] =	ssyncset.done $0x0  }
0x2e: {  	s10 =	simm.s32 $0x200;
	s0 =	simm.s32 $0x0;
	[sflag:s2] =	ssyncadd.s32 $0xFFFFD880  }
.LBB2_2:
0x2f: {  	p0 =	sne.s32 s10, $0x7E00;
	[tilespmem:s0+$0x28F0] =	vst v0  }
0x30: {  	[tilespmem:s0+$0x2880] =	vst v0  }
0x31: {  	[tilespmem:s0+$0x2890] =	vst v0  }
.Ltmp0:
0x32: {  	[tilespmem:s0+$0x28A0] =	vst v0;
	(pc) =	sbr.rel @p0 .LBB2_2-.Ltmp0, $4  }
0x33: {  	[tilespmem:s0+$0x28B0] =	vst v0  }
0x34: {  	[tilespmem:s0+$0x28C0] =	vst v0  }
0x35: {  	[tilespmem:s0+$0x28D0] =	vst v0  }
0x36: {  	[tilespmem:s0+$0x28E0] =	vst v0;
	s0 =	sshra.s32 s10, $0x2;
	s10 =	sadd.s32 $0x200, s10  }
0x37: {  	[tilespmem:s0+$0x28F0] =	vst v0  }
0x38: {  	[tilespmem:s0+$0x2880] =	vst v0  }
0x39: {  	[tilespmem:s0+$0x2890] =	vst v0  }
0x3a: {  	[tilespmem:s0+$0x28A0] =	vst v0  }
0x3b: {  	[tilespmem:s0+$0x28B0] =	vst v0  }
0x3c: {  	[tilespmem:s0+$0x28C0] =	vst v0  }
0x3d: {  	[tilespmem:s0+$0x28D0] =	vst v0  }
0x3e: {  	[tilespmem:s0+$0x28E0] =	vst v0  }
0x3f: {  	[spmem:s14] =	stream.linear.scatter [tilespmem:s3], [sflag:$0x7], $0x2000, $0x38;
	[tilespmem:$0x1A880] =	vst v63  }
0x40: {  	_ =	swait.ge [sflag:s2], $0x2000  }
0x41: {  	[sflag:s2] =	ssyncset.done $0x0  }
0x42: {  	[sflag:s2] =	ssyncadd.s32 $0xFFFFE000  }
0x43: {  	[spmem:s17] =	stream.linear.scatter [tilespmem:s3], [sflag:$0x7], $0x2000, $0x38;
	[tilespmem:$0x1A880] =	vst v63  }
0x44: {  	_ =	swait.ge [sflag:s2], $0x2000  }
0x45: {  	[sflag:s2] =	ssyncset.done $0x0  }
0x46: {  	s10 =	rddreg [dreg:$0x10];
	[sflag:s2] =	ssyncadd.s32 $0xFFFFE000  }
0x47: {  	[spmem:s10] =	stream.linear.scatter [tilespmem:s3], [sflag:$0x7], $0x2000, $0x38;
	[tilespmem:$0x1A880] =	vst v63  }
0x48: {  	_ =	swait.ge [sflag:s2], $0x2000  }
0x49: {  	[sflag:s2] =	ssyncset.done $0x0  }
0x4a: {  	[sflag:s2] =	ssyncadd.s32 $0xFFFFE000  }
0x4b: {  	[spmem:s20] =	stream.linear.scatter [tilespmem:s3], [sflag:$0x7], $0x2000, $0x38;
	[tilespmem:$0x1A880] =	vst v63  }
0x4c: {  	_ =	swait.ge [sflag:s2], $0x2000  }
0x4d: {  	[sflag:s2] =	ssyncset.done $0x0  }
0x4e: {  	[sflag:s2] =	ssyncadd.s32 $0xFFFFE000  }
0x4f: {  	[spmem:s21] =	stream.linear.scatter [tilespmem:s3], [sflag:$0x7], $0x2000, $0x38;
	[tilespmem:$0x1A880] =	vst v63  }
0x50: {  	_ =	swait.ge [sflag:s2], $0x2000  }
0x51: {  	[sflag:s2] =	ssyncset.done $0x0  }
0x52: {  	[sflag:s2] =	ssyncadd.s32 $0xFFFFE000  }
0x53: {  	[spmem:s22] =	stream.linear.scatter [tilespmem:s3], [sflag:$0x7], $0x2000, $0x38;
	[tilespmem:$0x1A880] =	vst v63  }
0x54: {  	_ =	swait.ge [sflag:s2], $0x2000  }
0x55: {  	[sflag:s2] =	ssyncset.done $0x0  }
0x56: {  	[sflag:s2] =	ssyncadd.s32 $0xFFFFE000  }
0x57: {  	[spmem:s23] =	stream.linear.scatter [tilespmem:s3], [sflag:$0x7], $0x2000, $0x38;
	[tilespmem:$0x1A880] =	vst v63  }
0x58: {  	_ =	swait.ge [sflag:s2], $0x2000  }
0x59: {  	[sflag:s2] =	ssyncset.done $0x0  }
0x5a: {  	[sflag:s2] =	ssyncadd.s32 $0xFFFFE000  }
0x5b: {  	[spmem:s24] =	stream.linear.scatter [tilespmem:s3], [sflag:$0x7], $0x2000, $0x38;
	[tilespmem:$0x1A880] =	vst v63  }
0x5c: {  	_ =	swait.ge [sflag:s2], $0x2000  }
0x5d: {  	[sflag:s2] =	ssyncset.done $0x0  }
0x5e: {  	[sflag:s2] =	ssyncadd.s32 $0xFFFFE000  }
0x5f: {  	[spmem:s25] =	stream.linear.scatter [tilespmem:s3], [sflag:$0x7], $0x2000, $0x38;
	[tilespmem:$0x1A880] =	vst v63  }
0x60: {  	_ =	swait.ge [sflag:s2], $0x2000  }
0x61: {  	[sflag:s2] =	ssyncset.done $0x0  }
0x62: {  	[sflag:s2] =	ssyncadd.s32 $0xFFFFE000  }
0x63: {  	[spmem:s26] =	stream.linear.scatter [tilespmem:s3], [sflag:$0x7], $0x2000, $0x38;
	[tilespmem:$0x1A880] =	vst v63  }
0x64: {  	_ =	swait.ge [sflag:s2], $0x2000  }
0x65: {  	[sflag:s2] =	ssyncset.done $0x0  }
0x66: {  	[sflag:s2] =	ssyncadd.s32 $0xFFFFE000  }
0x67: {  	[bflag:$0x0] =	sbarrier.arrive $0xFFFF  }
0x68: {  	s0 =	simm.s32 $0x0;
	s10 =	rddreg [dreg:$0xe]  }
0x69: {  	[tilespmem:s4], [sflag:$0x5] =	stream.linear.gather [hbm4b:s10+s0], $0x40, $0x38;
	[tilespmem:$0x1A880] =	vst v63  }
0x6a: {  	_ = 	snop  }
0x6b: {  	[tilespmem:s3], [sflag:$0x1] =	stream.indirect.gather [hbm4b:s15+s5], $0x80, s0, s5, $0xb8;
	[tilespmem:$0x1A880] =	vst v63  }
0x6c: {  	_ =	swait.ge [sflag:s6], $0x2000  }
0x6d: {  	[sflag:s6] =	ssyncset.done $0x0  }
0x6e: {  	s18 =	smov.u32 s14;
	s14 =	rddreg [dreg:$0x12];
	[sflag:s6] =	ssyncadd.s32 $0xFFFFE000  }
0x6f: {  	[tilespmem:s7], [sflag:$0x6] =	stream.linear.gather [hbm4b:s14+s0], $0x40, $0x38;
	[tilespmem:$0x1A880] =	vst v63  }
0x70: {  	_ = 	snop  }
0x71: {  	[tilespmem:s8], [sflag:$0x2] =	stream.indirect.gather [hbm4b:s15+s5], $0x80, s5, s5, $0xb8;
	[tilespmem:$0x1A880] =	vst v63  }
0x72: {  	_ =	swait.ge [sflag:s9], $0x40  }
0x73: {  	[sflag:s9] =	ssyncset.done $0x0  }
0x74: {  	[sflag:s9] =	ssyncadd.s32 $0xFFFFFFC0  }
0x75: {  	[spmem:s12] =	stream.indirect.scatter.add.f32 [tilespmem:s3], [sflag:$0x3], $0x80, s4, s5, $0xb8;
	[tilespmem:$0x1A880] =	vst v63  }
0x76: {  	_ =	swait.ge [sflag:s11], $0x2000  }
0x77: {  	[sflag:s11] =	ssyncset.done $0x0  }
0x78: {  	[sflag:s11] =	ssyncadd.s32 $0xFFFFE000  }
0x79: {  	_ =	swait.ge [sflag:s13], $0x2000  }
0x7a: {  	[sflag:s13] =	ssyncset.done $0x0  }
0x7b: {  	s19 =	smov.u32 s17;
	s17 =	rddreg [dreg:$0x13];
	[sflag:s13] =	ssyncadd.s32 $0xFFFFE000  }
0x7c: {  	[tilespmem:s4], [sflag:$0x5] =	stream.linear.gather [hbm4b:s17+s0], $0x40, $0x38;
	[tilespmem:$0x1A880] =	vst v63  }
0x7d: {  	s14 =	simm.s32 $0x80  }
0x7e: {  	[tilespmem:s3], [sflag:$0x1] =	stream.indirect.gather [hbm4b:s15+s5], $0x80, s14, s5, $0xb8;
	[tilespmem:$0x1A880] =	vst v63  }
0x7f: {  	_ =	swait.ge [sflag:s16], $0x40  }
0x80: {  	[sflag:s16] =	ssyncset.done $0x0  }
0x81: {  	[sflag:s16] =	ssyncadd.s32 $0xFFFFFFC0  }
0x82: {  	[spmem:s12] =	stream.indirect.scatter.add.f32 [tilespmem:s8], [sflag:$0x4], $0x80, s7, s5, $0xb8;
	[tilespmem:$0x1A880] =	vst v63  }
0x83: {  	_ =	swait.ge [sflag:s6], $0x2000  }
0x84: {  	[sflag:s6] =	ssyncset.done $0x0  }
0x85: {  	[sflag:s6] =	ssyncadd.s32 $0xFFFFE000  }
0x86: {  	_ =	swait.ge [sflag:s28], $0x2000  }
0x87: {  	[sflag:s28] =	ssyncset.done $0x0  }
0x88: {  	s17 =	sadd.s32 $0x0, s29;
	[sflag:s28] =	ssyncadd.s32 $0xFFFFE000  }
0x89: {  	[tilespmem:s7], [sflag:$0x6] =	stream.linear.gather [hbm4b:s17+s1], $0x40, $0x38;
	[tilespmem:$0x1A880] =	vst v63  }
0x8a: {  	s10 =	simm.s32 $0xC0  }
0x8b: {  	[tilespmem:s8], [sflag:$0x2] =	stream.indirect.gather [hbm4b:s15+s5], $0x80, s10, s5, $0xb8;
	[tilespmem:$0x1A880] =	vst v63  }
0x8c: {  	_ =	swait.ge [sflag:s9], $0x40  }
0x8d: {  	[sflag:s9] =	ssyncset.done $0x0  }
0x8e: {  	[sflag:s9] =	ssyncadd.s32 $0xFFFFFFC0  }
0x8f: {  	[spmem:s12] =	stream.indirect.scatter.add.f32 [tilespmem:s3], [sflag:$0x3], $0x80, s4, s5, $0xb8;
	[tilespmem:$0x1A880] =	vst v63  }
0x90: {  	_ =	swait.ge [sflag:s11], $0x2000  }
0x91: {  	[sflag:s11] =	ssyncset.done $0x0  }
0x92: {  	[sflag:s11] =	ssyncadd.s32 $0xFFFFE000  }
0x93: {  	_ =	swait.ge [sflag:s13], $0x2000  }
0x94: {  	[sflag:s13] =	ssyncset.done $0x0  }
0x95: {  	s14 =	sadd.s32 $0x0, s30;
	[sflag:s13] =	ssyncadd.s32 $0xFFFFE000  }
0x96: {  	[tilespmem:s4], [sflag:$0x5] =	stream.linear.gather [hbm4b:s14+s1], $0x40, $0x38;
	[tilespmem:$0x1A880] =	vst v63  }
0x97: {  	s17 =	simm.s32 $0x100  }
0x98: {  	[tilespmem:s3], [sflag:$0x1] =	stream.indirect.gather [hbm4b:s15+s5], $0x80, s17, s5, $0xb8;
	[tilespmem:$0x1A880] =	vst v63  }
0x99: {  	_ =	swait.ge [sflag:s16], $0x40  }
0x9a: {  	[sflag:s16] =	ssyncset.done $0x0  }
0x9b: {  	s0 =	simm.s32 $0x140;
	s10 =	simm.s32 $0x10;
	[sflag:s16] =	ssyncadd.s32 $0xFFFFFFC0  }
.LBB2_4:
0x9c: {  	[spmem:s12] =	stream.indirect.scatter.add.f32 [tilespmem:s8], [sflag:$0x4], $0x80, s7, s5, $0xb8;
	[tilespmem:$0x1A880] =	vst v63  }
0x9d: {  	s14 =	smov.u32 s10  }
0x9e: {  	p0 =	sne.s32 s10, $0x4C0;
	s10 =	sadd.s32 $0x10, s10;
	_ =	swait.ge [sflag:s6], $0x2000  }
0x9f: {  	[sflag:s6] =	ssyncset.done $0x0  }
0xa0: {  	[sflag:s6] =	ssyncadd.s32 $0xFFFFE000  }
0xa1: {  	_ =	swait.ge [sflag:s28], $0x2000  }
0xa2: {  	[sflag:s28] =	ssyncset.done $0x0  }
0xa3: {  	s17 =	sadd.s32 s14, s29;
	[sflag:s28] =	ssyncadd.s32 $0xFFFFE000  }
0xa4: {  	[tilespmem:s7], [sflag:$0x6] =	stream.linear.gather [hbm4b:s17+s1], $0x40, $0x38;
	[tilespmem:$0x1A880] =	vst v63  }
0xa5: {  	_ = 	snop  }
0xa6: {  	[tilespmem:s8], [sflag:$0x2] =	stream.indirect.gather [hbm4b:s15+s5], $0x80, s0, s5, $0xb8;
	[tilespmem:$0x1A880] =	vst v63  }
0xa7: {  	_ =	swait.ge [sflag:s9], $0x40  }
0xa8: {  	[sflag:s9] =	ssyncset.done $0x0  }
0xa9: {  	[sflag:s9] =	ssyncadd.s32 $0xFFFFFFC0  }
0xaa: {  	[spmem:s12] =	stream.indirect.scatter.add.f32 [tilespmem:s3], [sflag:$0x3], $0x80, s4, s5, $0xb8;
	[tilespmem:$0x1A880] =	vst v63  }
0xab: {  	_ =	swait.ge [sflag:s11], $0x2000  }
0xac: {  	[sflag:s11] =	ssyncset.done $0x0  }
0xad: {  	[sflag:s11] =	ssyncadd.s32 $0xFFFFE000  }
0xae: {  	_ =	swait.ge [sflag:s13], $0x2000  }
0xaf: {  	[sflag:s13] =	ssyncset.done $0x0  }
0xb0: {  	s14 =	sadd.s32 s14, s30;
	[sflag:s13] =	ssyncadd.s32 $0xFFFFE000  }
0xb1: {  	[tilespmem:s4], [sflag:$0x5] =	stream.linear.gather [hbm4b:s14+s1], $0x40, $0x38;
	[tilespmem:$0x1A880] =	vst v63  }
.Ltmp1:
0xb2: {  	s14 =	sadd.s32 $0x40, s0;
	(pc) =	sbr.rel @p0 .LBB2_4-.Ltmp1, $4  }
0xb3: {  	[tilespmem:s3], [sflag:$0x1] =	stream.indirect.gather [hbm4b:s15+s5], $0x80, s14, s5, $0xb8;
	[tilespmem:$0x1A880] =	vst v63  }
0xb4: {  	_ =	swait.ge [sflag:s16], $0x40  }
0xb5: {  	[sflag:s16] =	ssyncset.done $0x0  }
0xb6: {  	s0 =	sadd.s32 $0x80, s0;
	[sflag:s16] =	ssyncadd.s32 $0xFFFFFFC0  }
0xb7: {  	[spmem:s12] =	stream.indirect.scatter.add.f32 [tilespmem:s8], [sflag:$0x4], $0x80, s7, s5, $0xb8;
	[tilespmem:$0x1A880] =	vst v63  }
0xb8: {  	_ =	swait.ge [sflag:s6], $0x2000  }
0xb9: {  	[sflag:s6] =	ssyncset.done $0x0  }
0xba: {  	[sflag:s6] =	ssyncadd.s32 $0xFFFFE000  }
0xbb: {  	_ =	swait.ge [sflag:s28], $0x2000  }
0xbc: {  	[sflag:s28] =	ssyncset.done $0x0  }
0xbd: {  	s0 =	rddreg [dreg:$0x14];
	[sflag:s28] =	ssyncadd.s32 $0xFFFFE000  }
0xbe: {  	[tilespmem:s7], [sflag:$0x6] =	stream.linear.gather [hbm4b:s0+s1], $0x40, $0x38;
	[tilespmem:$0x1A880] =	vst v63  }
0xbf: {  	s14 =	simm.s32 $0x2740  }
0xc0: {  	[tilespmem:s8], [sflag:$0x2] =	stream.indirect.gather [hbm4b:s15+s5], $0x80, s14, s5, $0xb8;
	[tilespmem:$0x1A880] =	vst v63  }
0xc1: {  	_ =	swait.ge [sflag:s9], $0x40  }
0xc2: {  	[sflag:s9] =	ssyncset.done $0x0  }
0xc3: {  	[sflag:s9] =	ssyncadd.s32 $0xFFFFFFC0  }
0xc4: {  	[spmem:s12] =	stream.indirect.scatter.add.f32 [tilespmem:s3], [sflag:$0x3], $0x80, s4, s5, $0xb8;
	[tilespmem:$0x1A880] =	vst v63  }
0xc5: {  	_ =	swait.ge [sflag:s11], $0x2000  }
0xc6: {  	[sflag:s11] =	ssyncset.done $0x0  }
0xc7: {  	[sflag:s11] =	ssyncadd.s32 $0xFFFFE000  }
0xc8: {  	_ =	swait.ge [sflag:s13], $0x2000  }
0xc9: {  	[sflag:s13] =	ssyncset.done $0x0  }
0xca: {  	[sflag:s13] =	ssyncadd.s32 $0xFFFFE000  }
0xcb: {  	_ =	swait.ge [sflag:s16], $0x40  }
0xcc: {  	[sflag:s16] =	ssyncset.done $0x0  }
0xcd: {  	[sflag:s16] =	ssyncadd.s32 $0xFFFFFFC0  }
0xce: {  	[spmem:s12] =	stream.indirect.scatter.add.f32 [tilespmem:s8], [sflag:$0x4], $0x80, s7, s5, $0xb8;
	[tilespmem:$0x1A880] =	vst v63  }
0xcf: {  	_ =	swait.ge [sflag:s28], $0x2000  }
0xd0: {  	[sflag:s28] =	ssyncset.done $0x0  }
0xd1: {  	[sflag:s28] =	ssyncadd.s32 $0xFFFFE000  }
0xd2: {  	[bflag:$0x0] =	sbarrier.arrive $0xFFFF  }
0xd3: {  	[tilespmem:s3], [sflag:$0x7] =	stream.linear.gather [spmem:s18], $0x2000, $0x38;
	[tilespmem:$0x1A880] =	vst v63  }
0xd4: {  	_ =	swait.ge [sflag:s2], $0x2000  }
0xd5: {  	[sflag:s2] =	ssyncset.done $0x0  }
0xd6: {  	s17 =	rddreg [dreg:$0x4];
	[sflag:s2] =	ssyncadd.s32 $0xFFFFE000  }
0xd7: {  	[hbm4b:s17+s1] =	stream.linear.scatter [tilespmem:s3], [sflag:$0x7], $0x2000, $0x38;
	[tilespmem:$0x1A880] =	vst v63  }
0xd8: {  	_ =	swait.ge [sflag:s2], $0x2000  }
0xd9: {  	[sflag:s2] =	ssyncset.done $0x0  }
0xda: {  	[sflag:s2] =	ssyncadd.s32 $0xFFFFE000  }
0xdb: {  	[tilespmem:s3], [sflag:$0x7] =	stream.linear.gather [spmem:s19], $0x2000, $0x38;
	[tilespmem:$0x1A880] =	vst v63  }
0xdc: {  	_ =	swait.ge [sflag:s2], $0x2000  }
0xdd: {  	[sflag:s2] =	ssyncset.done $0x0  }
0xde: {  	s14 =	smov.u32 s18;
	s18 =	rddreg [dreg:$0x5];
	[sflag:s2] =	ssyncadd.s32 $0xFFFFE000  }
0xdf: {  	[hbm4b:s18+s1] =	stream.linear.scatter [tilespmem:s3], [sflag:$0x7], $0x2000, $0x38;
	[tilespmem:$0x1A880] =	vst v63  }
0xe0: {  	_ =	swait.ge [sflag:s2], $0x2000  }
0xe1: {  	[sflag:s2] =	ssyncset.done $0x0  }
0xe2: {  	s17 =	smov.u32 s19;
	s19 =	rddreg [dreg:$0x10];
	[sflag:s2] =	ssyncadd.s32 $0xFFFFE000  }
0xe3: {  	[tilespmem:s3], [sflag:$0x7] =	stream.linear.gather [spmem:s19], $0x2000, $0x38;
	[tilespmem:$0x1A880] =	vst v63  }
0xe4: {  	_ =	swait.ge [sflag:s2], $0x2000  }
0xe5: {  	[sflag:s2] =	ssyncset.done $0x0  }
0xe6: {  	s10 =	rddreg [dreg:$0x6];
	[sflag:s2] =	ssyncadd.s32 $0xFFFFE000  }
0xe7: {  	[hbm4b:s10+s1] =	stream.linear.scatter [tilespmem:s3], [sflag:$0x7], $0x2000, $0x38;
	[tilespmem:$0x1A880] =	vst v63  }
0xe8: {  	_ =	swait.ge [sflag:s2], $0x2000  }
0xe9: {  	[sflag:s2] =	ssyncset.done $0x0  }
0xea: {  	[sflag:s2] =	ssyncadd.s32 $0xFFFFE000  }
0xeb: {  	[tilespmem:s3], [sflag:$0x7] =	stream.linear.gather [spmem:s20], $0x2000, $0x38;
	[tilespmem:$0x1A880] =	vst v63  }
0xec: {  	_ =	swait.ge [sflag:s2], $0x2000  }
0xed: {  	[sflag:s2] =	ssyncset.done $0x0  }
0xee: {  	s18 =	rddreg [dreg:$0x7];
	[sflag:s2] =	ssyncadd.s32 $0xFFFFE000  }
0xef: {  	[hbm4b:s18+s1] =	stream.linear.scatter [tilespmem:s3], [sflag:$0x7], $0x2000, $0x38;
	[tilespmem:$0x1A880] =	vst v63  }
0xf0: {  	_ =	swait.ge [sflag:s2], $0x2000  }
0xf1: {  	[sflag:s2] =	ssyncset.done $0x0  }
0xf2: {  	[sflag:s2] =	ssyncadd.s32 $0xFFFFE000  }
0xf3: {  	[tilespmem:s3], [sflag:$0x7] =	stream.linear.gather [spmem:s21], $0x2000, $0x38;
	[tilespmem:$0x1A880] =	vst v63  }
0xf4: {  	_ =	swait.ge [sflag:s2], $0x2000  }
0xf5: {  	[sflag:s2] =	ssyncset.done $0x0  }
0xf6: {  	s19 =	rddreg [dreg:$0x8];
	[sflag:s2] =	ssyncadd.s32 $0xFFFFE000  }
0xf7: {  	[hbm4b:s19+s1] =	stream.linear.scatter [tilespmem:s3], [sflag:$0x7], $0x2000, $0x38;
	[tilespmem:$0x1A880] =	vst v63  }
0xf8: {  	_ =	swait.ge [sflag:s2], $0x2000  }
0xf9: {  	[sflag:s2] =	ssyncset.done $0x0  }
0xfa: {  	[sflag:s2] =	ssyncadd.s32 $0xFFFFE000  }
0xfb: {  	[tilespmem:s3], [sflag:$0x7] =	stream.linear.gather [spmem:s22], $0x2000, $0x38;
	[tilespmem:$0x1A880] =	vst v63  }
0xfc: {  	_ =	swait.ge [sflag:s2], $0x2000  }
0xfd: {  	[sflag:s2] =	ssyncset.done $0x0  }
0xfe: {  	s10 =	rddreg [dreg:$0x9];
	[sflag:s2] =	ssyncadd.s32 $0xFFFFE000  }
0xff: {  	[hbm4b:s10+s1] =	stream.linear.scatter [tilespmem:s3], [sflag:$0x7], $0x2000, $0x38;
	[tilespmem:$0x1A880] =	vst v63  }
0x100: {  	_ =	swait.ge [sflag:s2], $0x2000  }
0x101: {  	[sflag:s2] =	ssyncset.done $0x0  }
0x102: {  	[sflag:s2] =	ssyncadd.s32 $0xFFFFE000  }
0x103: {  	[tilespmem:s3], [sflag:$0x7] =	stream.linear.gather [spmem:s23], $0x2000, $0x38;
	[tilespmem:$0x1A880] =	vst v63  }
0x104: {  	_ =	swait.ge [sflag:s2], $0x2000  }
0x105: {  	[sflag:s2] =	ssyncset.done $0x0  }
0x106: {  	s18 =	rddreg [dreg:$0xa];
	[sflag:s2] =	ssyncadd.s32 $0xFFFFE000  }
0x107: {  	[hbm4b:s18+s1] =	stream.linear.scatter [tilespmem:s3], [sflag:$0x7], $0x2000, $0x38;
	[tilespmem:$0x1A880] =	vst v63  }
0x108: {  	_ =	swait.ge [sflag:s2], $0x2000  }
0x109: {  	[sflag:s2] =	ssyncset.done $0x0  }
0x10a: {  	[sflag:s2] =	ssyncadd.s32 $0xFFFFE000  }
0x10b: {  	[tilespmem:s3], [sflag:$0x7] =	stream.linear.gather [spmem:s24], $0x2000, $0x38;
	[tilespmem:$0x1A880] =	vst v63  }
0x10c: {  	_ =	swait.ge [sflag:s2], $0x2000  }
0x10d: {  	[sflag:s2] =	ssyncset.done $0x0  }
0x10e: {  	s19 =	rddreg [dreg:$0xb];
	[sflag:s2] =	ssyncadd.s32 $0xFFFFE000  }
0x10f: {  	[hbm4b:s19+s1] =	stream.linear.scatter [tilespmem:s3], [sflag:$0x7], $0x2000, $0x38;
	[tilespmem:$0x1A880] =	vst v63  }
0x110: {  	_ =	swait.ge [sflag:s2], $0x2000  }
0x111: {  	[sflag:s2] =	ssyncset.done $0x0  }
0x112: {  	[sflag:s2] =	ssyncadd.s32 $0xFFFFE000  }
0x113: {  	[tilespmem:s3], [sflag:$0x7] =	stream.linear.gather [spmem:s25], $0x2000, $0x38;
	[tilespmem:$0x1A880] =	vst v63  }
0x114: {  	_ =	swait.ge [sflag:s2], $0x2000  }
0x115: {  	[sflag:s2] =	ssyncset.done $0x0  }
0x116: {  	s10 =	rddreg [dreg:$0xc];
	[sflag:s2] =	ssyncadd.s32 $0xFFFFE000  }
0x117: {  	[hbm4b:s10+s1] =	stream.linear.scatter [tilespmem:s3], [sflag:$0x7], $0x2000, $0x38;
	[tilespmem:$0x1A880] =	vst v63  }
0x118: {  	_ =	swait.ge [sflag:s2], $0x2000  }
0x119: {  	[sflag:s2] =	ssyncset.done $0x0  }
0x11a: {  	[sflag:s2] =	ssyncadd.s32 $0xFFFFE000  }
0x11b: {  	[tilespmem:s3], [sflag:$0x7] =	stream.linear.gather [spmem:s26], $0x2000, $0x38;
	[tilespmem:$0x1A880] =	vst v63  }
0x11c: {  	_ =	swait.ge [sflag:s2], $0x2000  }
0x11d: {  	[sflag:s2] =	ssyncset.done $0x0  }
0x11e: {  	s18 =	rddreg [dreg:$0xd];
	[sflag:s2] =	ssyncadd.s32 $0xFFFFE000  }
0x11f: {  	[hbm4b:s18+s1] =	stream.linear.scatter [tilespmem:s3], [sflag:$0x7], $0x2000, $0x38;
	[tilespmem:$0x1A880] =	vst v63  }
0x120: {  	_ =	swait.ge [sflag:s2], $0x2000  }
0x121: {  	s31 =	sadd.s32 $0x1, s31;
	s19 =	rddreg [dreg:$0x11]  }
0x122: {  	p0 =	sne.s32 s31, s19  }
.Ltmp2:
0x123: {  	_ = 	snop;
	(pc) =	sbr.rel @p0 .LBB2_1-.Ltmp2, $3  }
0x124: {  	_ =	sdelay $0x1  }
0x125: {  	[sflag:s2] =	ssyncset.done $0x0  }
0x126: {  	[sflag:s2] =	ssyncadd.s32 $0xFFFFE000  }
0x127: {  	_ =	sfence.sel $0x180000  }
0x128: {  	[bflag:$0x0] =	sbarrier.arrive $0xFFFF  }
0x129: {  	_ =	strace $0x9000004A  }
0x12a: {  	s0 =	stileid.u32;
	[bflag:$0x2] =	sbarrier.arrive $0xFFFF  }
0x12b: {  	p0 =	sne.s32 s0, $0x0;
	s0 =	rddreg [dreg:$0x3]  }
0x12c: {  	s0 =	sadd.s32 @!p0 $0x100000, s0  }
0x12d: {  	[sflag:s0] =	ssyncadd.tile.s32 @!p0 $0x1;
	_ =	shalt  }
.Lfunc_end2:
_tile_overlayer_lowered:
.L_overlay_start_2:
0x12e: {  	(tag) =	ssettag $0x2  }
0x12f: {  	s0 =	rddreg [dreg:$0x0];
	s2 =	stileid.u32  }
0x130: {  	s1 =	rddreg [dreg:$0x1];
	p0 =	sne.s32 s2, $0x0  }
0x131: {  	s3 =	rddreg [dreg:$0x2];
	[bflag:$0x3] =	sbarrier.arrive $0xFFFF;
	s2 =	simm.s32 @!p0 $0x1C07  }
0x132: {  	[timem:s3], [sflag:s2] =	dma.local @!p0 [hbm:s0], s1  }
0x133: {  	s0 =	simm.s32 @!p0 $0x7  }
0x134: {  	_ =	swait.ge @!p0 [sflag:s0], s1  }
0x135: {  	s1 =	ssub.s32 @!p0 $0x0, s1;
	[sflag:s0] =	ssyncset.done @!p0 $0x0  }
0x136: {  	[sflag:s0] =	ssyncadd.s32 @!p0 s1  }
0x137: {  	[bflag:$0x3] =	sbarrier.arrive $0xFFFF  }
0x138: {  	_ =	shalt  }

// kernel: kernel.15.cloned.1.call-start
scs
__scs_entry_jumppad:
0x0: {  	(pc) =	sbr.rel $0x88, $3  }
0x1: {  	(tag) =	ssettag $0x0;
	lr =	simm.s32 $0x1  }
0x2: {  	[smem:$0x3F95] =	sst lr;
	_ =	strace $0xD0000000  }
0x3: {  	_ = 	snop  }
0x4: {  	_ = 	snop  }
0x5: {  	_ = 	snop  }
0x6: {  	_ = 	snop  }
0x7: {  	_ = 	snop  }
__scs_overlays_trampoline_lowered:
0x8: {  	[smem:$0x3FA4] =	sst s0  }
0x9: {  	[smem:$0x3FA5] =	sst s1  }
0xa: {  	[smem:$0x3FA6] =	sst s2  }
0xb: {  	[smem:$0x3FA7] =	sst s3  }
0xc: {  	[smem:$0x3FA8] =	sst s4  }
0xd: {  	[smem:$0x3FA9] =	sst s5  }
0xe: {  	[smem:$0x3FAA] =	sst s6  }
0xf: {  	[smem:$0x3FAB] =	sst s7  }
0x10: {  	[smem:$0x3FAC] =	sst s8  }
0x11: {  	[smem:$0x3FAD] =	sst s9;
	s0 =	simm.s32 @!p0 $0x0  }
0x12: {  	s1 =	sld [smem:$0x3F93];
	s0 =	simm.s32 @p0 $0x1  }
0x13: {  	[smem:$0x3FAE] =	sst s0;
	s0 =	simm.s32 @!p1 $0x0  }
0x14: {  	s2 =	sld [smem:$0x3F92];
	s0 =	simm.s32 @p1 $0x1  }
0x15: {  	[smem:$0x3FAF] =	sst s0;
	s0 =	simm.s32 @!p2 $0x0  }
0x16: {  	s3 =	sld [smem:$0x3FDB];
	s0 =	simm.s32 @p2 $0x1  }
0x17: {  	s4 =	simm.s32 $0x1BF5;
	[smem:$0x3FB1] =	sst s0  }
0x18: {  	s0 =	sld [smem:$0x3F94];
	_ =	swait.ge [sflag:s4], $0x0  }
0x19: {  	s7 =	sld [smem:$0x3F95]  }
0x1a: {  	s8 =	sadd.s32 $0xFFFFE003, lr  }
0x1b: {  	s9 =	sadd.s32 $0xFFFFFEF7, lr;
	s5 =	simm.s32 $0xFFFFFFFF;
	p2 =	slt.u32 s8, $0xFFFFF086  }
0x1c: {  	p1 =	slt.u32 s9, $0xF7A;
	s5 =	simm.s32 @!p2 $0x0  }
0x1d: {  	s5 =	simm.s32 @p1 $0x1;
	p0 =	seq.s32 s7, s2  }
0x1e: {  	s7 =	smul.u32 @!p0 $0xF7A, s2;
	p2 =	seq.s32 @!p0 s5, $0x0  }
0x1f: {  	s9 =	smul.u32 $0xF7A, s1;
	s8 =	simm.s32 @!p0 $0x1BF5;
	p2 =	por !p2, p0  }
0x20: {  	[sflag:s8] =	ssyncset.s32 @!p0 $0xFFFFF086;
	s6 =	sadd.s32 @!p0 s3, s7;
	s7 =	simm.s32 @!p0 $0x108  }
0x21: {  	s3 =	sadd.s32 s3, s9;
	s6 =	sadd.s32 @!p0 $0x88, s6;
	s7 =	simm.s32 @p2 $0x1082  }
0x22: {  	[simem:s7], [sflag:s8] =	dma.local @!p0 [hbm:s6], $0xF7A  }
0x23: {  	s9 =	sor.u32 $0xD0000000, s2;
	s6 =	simm.s32 $0x108;
	_ =	swait.ge @!p0 [sflag:s8], $0x0  }
0x24: {  	s3 =	sadd.s32 $0x88, s3;
	s6 =	simm.s32 @!p1 $0x1082;
	[sflag:s4] =	ssyncset.s32 $0xFFFFF086  }
0x25: {  	[simem:s6], [sflag:s4] =	dma.local [hbm:s3], $0xF7A  }
0x26: {  	[smem:$0x3F95] =	sst s1;
	(tag) =	ssettag s2;
	_ =	strace s9  }
0x27: {  	s1 =	sld [smem:$0x3FA5]  }
0x28: {  	s2 =	sld [smem:$0x3FA6]  }
0x29: {  	s4 =	sld [smem:$0x3FA8]  }
0x2a: {  	p0 =	seq.s32 s5, $0x0;
	s5 =	sld [smem:$0x3FA9]  }
0x2b: {  	s6 =	sld [smem:$0x3FAA]  }
0x2c: {  	s7 =	sld [smem:$0x3FAB]  }
0x2d: {  	s3 =	simm.s32 $0x108;
	s8 =	sld [smem:$0x3FAC]  }
0x2e: {  	s3 =	simm.s32 @!p0 $0x1082;
	s9 =	sld [smem:$0x3FAD]  }
0x2f: {  	lr =	sadd.s32 s0, s3;
	s0 =	sld [smem:$0x3FA4]  }
0x30: {  	s3 =	sld [smem:$0x3FA7]  }
0x31: {  	[smem:$0x3FB0] =	sst s10  }
0x32: {  	s10 =	sld [smem:$0x3FAE];
	_ =	sdelay $0x3  }
0x33: {  	p0 =	seq.s32 s10, $0x1;
	s10 =	sld [smem:$0x3FB0];
	_ =	sdelay $0x3  }
0x34: {  	[smem:$0x3FB0] =	sst s10  }
0x35: {  	s10 =	sld [smem:$0x3FAF];
	_ =	sdelay $0x3  }
0x36: {  	p1 =	seq.s32 s10, $0x1;
	s10 =	sld [smem:$0x3FB0];
	_ =	sdelay $0x3  }
0x37: {  	[smem:$0x3FB0] =	sst s10  }
0x38: {  	s10 =	sld [smem:$0x3FB1]  }
0x39: {  	_ = 	snop;
	(pc) =	sbr.ind lr, $3  }
0x3a: {  	_ = 	snop  }
0x3b: {  	_ = 	snop  }
0x3c: {  	p2 =	seq.s32 s10, $0x1;
	s10 =	sld [smem:$0x3FB0]  }
0x3d: {  	_ =	shalt  }
0x3e: {  	_ =	shalt  }
0x3f: {  	_ =	shalt  }
0x40: {  	_ =	shalt  }
0x41: {  	_ =	shalt  }
0x42: {  	_ =	shalt  }
0x43: {  	_ =	shalt  }
0x44: {  	_ =	shalt  }
0x45: {  	_ =	shalt  }
0x46: {  	_ =	shalt  }
0x47: {  	_ =	shalt  }
0x48: {  	_ =	shalt  }
0x49: {  	_ =	shalt  }
0x4a: {  	_ =	shalt  }
0x4b: {  	_ =	shalt  }
0x4c: {  	_ =	shalt  }
0x4d: {  	_ =	shalt  }
0x4e: {  	_ =	shalt  }
0x4f: {  	_ =	shalt  }
0x50: {  	_ =	shalt  }
0x51: {  	_ =	shalt  }
0x52: {  	_ =	shalt  }
0x53: {  	_ =	shalt  }
0x54: {  	_ =	shalt  }
0x55: {  	_ =	shalt  }
0x56: {  	_ =	shalt  }
0x57: {  	_ =	shalt  }
0x58: {  	_ =	shalt  }
0x59: {  	_ =	shalt  }
0x5a: {  	_ =	shalt  }
0x5b: {  	_ =	shalt  }
0x5c: {  	_ =	shalt  }
0x5d: {  	_ =	shalt  }
0x5e: {  	_ =	shalt  }
0x5f: {  	_ =	shalt  }
0x60: {  	_ =	shalt  }
0x61: {  	_ =	shalt  }
0x62: {  	_ =	shalt  }
0x63: {  	_ =	shalt  }
0x64: {  	_ =	shalt  }
0x65: {  	_ =	shalt  }
0x66: {  	_ =	shalt  }
0x67: {  	_ =	shalt  }
0x68: {  	_ =	shalt  }
0x69: {  	_ =	shalt  }
0x6a: {  	_ =	shalt  }
0x6b: {  	_ =	shalt  }
0x6c: {  	_ =	shalt  }
0x6d: {  	_ =	shalt  }
0x6e: {  	_ =	shalt  }
0x6f: {  	_ =	shalt  }
0x70: {  	_ =	shalt  }
0x71: {  	_ =	shalt  }
0x72: {  	_ =	shalt  }
0x73: {  	_ =	shalt  }
0x74: {  	_ =	shalt  }
0x75: {  	_ =	shalt  }
0x76: {  	_ =	shalt  }
0x77: {  	_ =	shalt  }
0x78: {  	_ =	shalt  }
0x79: {  	_ =	shalt  }
0x7a: {  	_ =	shalt  }
0x7b: {  	_ =	shalt  }
0x7c: {  	_ =	shalt  }
0x7d: {  	_ =	shalt  }
0x7e: {  	_ =	shalt  }
0x7f: {  	_ =	shalt  }
0x80: {  	_ =	shalt  }
0x81: {  	_ =	shalt  }
0x82: {  	_ =	shalt  }
0x83: {  	_ =	shalt  }
0x84: {  	_ =	shalt  }
0x85: {  	_ =	shalt  }
0x86: {  	_ =	shalt  }
0x87: {  	_ =	shalt  }
.Lfunc_end0:
.L_simem_size_0:
called_computation.2_lowered:
.L_overlay_start_0:
0x88: {  	s2 =	sld [smem:$0x3FD9]  }
0x89: {  	s3 =	sld [smem:$0x3FFE];
	_ =	sdelay $0x1  }
0x8a: {  	s1 =	srdreg.scid  }
0x8b: {  	s0 =	sand.u32 $0x1, s1  }
0x8c: {  	s17 =	sshll.u32 s0, $0xA;
	s2 =	sadd.s32 s3, s2  }
0x8d: {  	s2 =	sadd.s32 s2, s17  }
0x8e: {  	[smem:$0x3FBC] =	sst s2  }
0x8f: {  	_ = 	snop  }
0x90: {  	s2 =	sld [smem:$0x3FD0];
	(tm) =	ssettm $0x1  }
0x91: {  	s18 =	sld [smem:$0x3FFB];
	_ =	sdelay $0x3  }
0x92: {  	_ =	strace s18  }
0x93: {  	s3 =	sld [smem:$0x3FFC];
	_ =	sdelay $0x3  }
0x94: {  	_ =	strace s3  }
0x95: {  	s3 =	sld [smem:$0x3FFD];
	_ =	sdelay $0x3  }
0x96: {  	_ =	strace s3  }
0x97: {  	_ =	strace $0x8FFFFFFF  }
0x98: {  	s19 =	sld [smem:$0x3FDB];
	_ =	sdelay $0x1  }
0x99: {  	s4 =	simm.s32 $_scs_section_size  }
0x9a: {  	s5 =	simm.s32 $_size__tile_overlayer_lowered;
	s6 =	simm.s32 $_tile_overlayer_lowered  }
0x9b: {  	s22 =	simm.s32 $0x1BFF;
	s21 =	sshll.u32 s6, $0x1;
	s3 =	sadd.s32 s4, s19  }
0x9c: {  	s7 =	simm.s32 $0x0;
	s20 =	sshll.u32 s5, $0x1;
	s5 =	sadd.s32 s21, s3  }
0x9d: {  	[timem:s7], [sflag:s22] =	dma.local [hbm:s5], s20  }
0x9e: {  	_ =	swait.ge [sflag:s22], s20  }
0x9f: {  	s4 =	ssub.s32 $0x0, s20;
	[sflag:s22] =	ssyncset.done $0x0  }
0xa0: {  	[sflag:s22] =	ssyncadd.s32 s4;
	_ =	sdelay $0x1  }
0xa1: {  	s23 =	simm.s32 $0x1B8B  }
0xa2: {  	_ =	swait.ge [sflag:s23], $0x1  }
0xa3: {  	[sflag:s23] =	ssyncset.done $0x0  }
0xa4: {  	s25 =	simm.s32 $0x1B8E;
	s24 =	sld [smem:$0x3FFE];
	[sflag:s23] =	ssyncadd.s32 $0xFFFFFFFF  }
0xa5: {  	s26 =	simm.s32 $execute0_lowered;
	[smem:$0x3FD2] =	sst s25  }
0xa6: {  	s5 =	sshll.u32 s26, $0x1;
	_ =	strace $0x8000004C;
	[dreg:$0x1] =	wrdreg $0xFFFFFFFF  }
0xa7: {  	s28 =	simm.s32 $_size_execute0_lowered;
	s3 =	sadd.s32 s3, s5;
	[dreg:$0x0] =	wrdreg $0x0  }
0xa8: {  	s5 =	sshll.u32 s28, $0x1;
	[dreg:$0x2] =	wrdreg s3  }
0xa9: {  	[dreg:$0x3] =	wrdreg s5  }
0xaa: {  	[dreg:$0x4] =	wrdreg $0xC0  }
0xab: {  	_ =	task [dreg:s7], $0x5FFFF  }
0xac: {  	[dreg:$0x1] =	wrdreg $0xFFFFFFFF  }
0xad: {  	[dreg:$0x0] =	wrdreg $0x60  }
0xae: {  	[dreg:$0x2] =	wrdreg s24  }
0xaf: {  	[dreg:$0x3] =	wrdreg s2  }
0xb0: {  	[dreg:$0x4] =	wrdreg $0x68800  }
0xb1: {  	[dreg:$0x5] =	wrdreg $0x9  }
0xb2: {  	_ =	task.clear_ibuf [dreg:s7], $0x6FFFF;
	_ =	strace $0x9000004C  }
0xb3: {  	s29 =	simm.s32 $0x9;
	_ =	strace $0x8000004E  }
0xb4: {  	_ =	swait.ge [sflag:s29], $0x1  }
0xb5: {  	[sflag:s29] =	ssyncadd.s32 $0xFFFFFFFF  }
0xb6: {  	_ =	strace $0x9000004E  }
0xb7: {  	_ =	sfence  }
0xb8: {  	s30 =	sld [smem:$0x0];
	_ =	sdelay $0x2  }
0xb9: {  	s31 =	sshll.u32 s1, $0xD;
	s1 =	sshrl.u32 s1, $0x2  }
0xba: {  	s3 =	sand.u32 $0x4000, s31;
	s1 =	sadd.s32 s1, s30  }
0xbb: {  	s0 =	sor.u32 s3, s0;
	s1 =	sshll.u32 s1, $0x11  }
0xbc: {  	s0 =	sor.u32 s1, s0  }
0xbd: {  	s0 =	sadd.s32 $0x8F2B, s0  }
0xbe: {  	[sflag:s0] =	ssyncadd.remote.s32 $0x1  }
0xbf: {  	_ =	sfence.sel $0xFFFF  }
0xc0: {  	[dreg:$0x0] =	wrdreg $0xFFFFFFFF;
	(pc) =	sbr.abs _section_cstart, $3  }
0xc1: {  	[dreg:$0x1] =	wrdreg $0xFFFFFFFF  }
0xc2: {  	_ =	task.clear_ibuf [dreg:s7], $0x2FFFF;
	_ =	strace $0x9FFFFFFF  }
0xc3: {  	(tm) =	ssettm $0x7FFFFFFF  }
tec
execute0_lowered:
.L_overlay_start_1:
0x0: {  	(tag) =	ssettag $0x1  }
0x1: {  	s0 =	srdreg.scid;
	s2 =	rddreg [dreg:$0x0];
	s1 =	simm.s32 $0x0  }
0x2: {  	s18 =	stileid.u32;
	s28 =	simm.s32 $0x4;
	s31 =	simm.s32 $0x0  }
0x3: {  	s3 =	sand.u32 $0x1, s0;
	[smem:$0x7FF] =	sst s1;
	s5 =	smul.u32 $0x280, s18  }
0x4: {  	s7 =	sadd.s32 $0x85400, s2;
	s0 =	sshll.u32 s3, $0x4;
	s11 =	smul.u32 $0x2800, s3  }
0x5: {  	s4 =	ssub.s32 $0x2, s3;
	s3 =	smul.u32 $0x9E0, s3;
	s0 =	sor.u32 s18, s0  }
0x6: {  	s21 =	sshrl.u32 s4, $0x1;
	s8 =	sadd.s32 $0x80, s5;
	s9 =	sadd.s32 $0xC0, s5  }
0x7: {  	s10 =	sadd.s32 $0x100, s5;
	s13 =	sadd.s32 $0x140, s5;
	s16 =	sadd.s32 $0x180, s5  }
0x8: {  	s24 =	sadd.s32 $0x1C0, s5;
	s25 =	sadd.s32 $0x200, s5;
	s6 =	smul.u32 $0x4F0, s0  }
0x9: {  	s0 =	ssub.s32 s4, s21;
	s4 =	sor.u32 $0x40, s5;
	s12 =	sadd.s32 s5, s11  }
0xa: {  	s5 =	sadd.s32 $0x240, s5;
	s23 =	sadd.s32 s11, s8;
	s26 =	sadd.s32 s11, s9  }
0xb: {  	s15 =	sadd.s32 s11, s10;
	s21 =	sadd.s32 s11, s13;
	s14 =	sadd.s32 s11, s4  }
0xc: {  	s12 =	sshll.u32 s12, $0x4;
	s17 =	sshll.u32 s26, $0x4;
	s19 =	sshll.u32 s15, $0x4  }
0xd: {  	s15 =	sadd.s32 s11, s25;
	s0 =	smax.u32 s0, $0x1;
	s12 =	sadd.s32 s7, s12  }
0xe: {  	s14 =	sshll.u32 s14, $0x4;
	s20 =	sadd.s32 s7, s19;
	[dreg:$0x4] =	wrdreg s12  }
0xf: {  	s22 =	sadd.s32 s7, s14;
	s12 =	sshll.u32 s23, $0x4;
	[dreg:$0x8] =	wrdreg s20  }
0x10: {  	s23 =	sadd.s32 s11, s24;
	[dreg:$0x5] =	wrdreg s22;
	s12 =	sadd.s32 s7, s12  }
0x11: {  	s22 =	sadd.s32 s11, s16;
	s11 =	sadd.s32 s11, s5;
	s5 =	sshll.u32 s5, $0x7  }
0x12: {  	[dreg:$0x6] =	wrdreg s12;
	s12 =	sadd.s32 s7, s17;
	s17 =	smul.u32 $0x9E, s18  }
0x13: {  	s14 =	sshll.u32 s22, $0x4;
	s11 =	sshll.u32 s11, $0x4;
	s18 =	smul.u32 $0x50000, s18  }
0x14: {  	s22 =	sshll.u32 s4, $0x7;
	[dreg:$0x7] =	wrdreg s12;
	s12 =	sshll.u32 s21, $0x4  }
0x15: {  	s26 =	sadd.s32 s7, s14;
	s14 =	sshll.u32 s23, $0x4;
	s23 =	sshll.u32 s8, $0x7  }
0x16: {  	s8 =	sshll.u32 s13, $0x7;
	s13 =	sshll.u32 s25, $0x7;
	[dreg:$0xa] =	wrdreg s26  }
0x17: {  	s12 =	sadd.s32 s7, s12;
	s3 =	sadd.s32 s17, s3;
	s17 =	rddreg [dreg:$0x1]  }
0x18: {  	s20 =	sshrl.u32 s18, $0x2;
	s26 =	sshll.u32 s9, $0x7;
	s9 =	sshll.u32 s16, $0x7  }
0x19: {  	[dreg:$0x9] =	wrdreg s12;
	s12 =	sadd.s32 s7, s14;
	s3 =	sshll.u32 s3, $0x3  }
0x1a: {  	s19 =	sadd.s32 s17, s6;
	s6 =	sadd.s32 s6, s2;
	[dreg:$0xb] =	wrdreg s12  }
0x1b: {  	s12 =	sshll.u32 s15, $0x4;
	s3 =	sadd.s32 s17, s3;
	s15 =	sadd.s32 $0x5D400, s2  }
0x1c: {  	s21 =	sadd.s32 $0x3600, s6;
	s16 =	sadd.s32 $0x8, s19;
	s18 =	sadd.s32 $0x10, s19  }
0x1d: {  	s2 =	simm.s32 $0x7;
	s6 =	simm.s32 $0x1;
	s12 =	sadd.s32 s7, s12  }
0x1e: {  	s7 =	sadd.s32 s7, s11;
	s29 =	sadd.s32 $0x18, s3;
	[dreg:$0xc] =	wrdreg s12  }
0x1f: {  	s30 =	sadd.s32 $0x20, s3;
	s3 =	simm.s32 $0x2880;
	s12 =	rddreg [dreg:$0x2]  }
0x20: {  	s11 =	simm.s32 $0x2;
	[dreg:$0xd] =	wrdreg s7;
	s7 =	sshll.u32 s10, $0x7  }
0x21: {  	s10 =	sshll.u32 s24, $0x7;
	_ =	strace $0x8000004D;
	[dreg:$0xf] =	wrdreg s21  }
0x22: {  	s14 =	sadd.s32 s20, s12;
	s17 =	sadd.s32 s22, s12;
	s4 =	sadd.s32 s23, s12  }
0x23: {  	s20 =	sadd.s32 s26, s12;
	s21 =	sadd.s32 s7, s12;
	[dreg:$0x11] =	wrdreg s0  }
0x24: {  	s22 =	sadd.s32 s8, s12;
	s23 =	sadd.s32 s9, s12;
	[dreg:$0x12] =	wrdreg s16  }
0x25: {  	s24 =	sadd.s32 s10, s12;
	s25 =	sadd.s32 s13, s12;
	[dreg:$0x13] =	wrdreg s18  }
0x26: {  	s26 =	sadd.s32 s5, s12;
	[dreg:$0xe] =	wrdreg s19;
	s19 =	sadd.s32 $0x4E8, s19  }
0x27: {  	s5 =	simm.s32 $0x40;
	s7 =	simm.s32 $0x2800;
	s8 =	simm.s32 $0x4880  }
0x28: {  	s9 =	simm.s32 $0x5;
	s13 =	simm.s32 $0x3;
	[dreg:$0x10] =	wrdreg s4  }
0x29: {  	v0 =	vimm.f32 $0.0e+00;
	s16 =	simm.s32 $0x6;
	[dreg:$0x14] =	wrdreg s19;
	s4 =	simm.s32 $0x2780  }
.LBB2_1:
0x2a: {  	s0 =	rddreg [dreg:$0xf]  }
0x2b: {  	[tilespmem:s1], [sflag:$0x7] =	stream.linear.gather [hbm4b:s0+s1], $0x2780, $0x38;
	[tilespmem:$0x1A880] =	vst v63  }
0x2c: {  	_ =	swait.ge [sflag:s2], $0x2780  }
0x2d: {  	[sflag:s2] =	ssyncset.done $0x0  }
0x2e: {  	s10 =	simm.s32 $0x200;
	s0 =	simm.s32 $0x0;
	[sflag:s2] =	ssyncadd.s32 $0xFFFFD880  }
.LBB2_2:
0x2f: {  	p0 =	sne.s32 s10, $0x7E00;
	[tilespmem:s0+$0x28F0] =	vst v0  }
0x30: {  	[tilespmem:s0+$0x2880] =	vst v0  }
0x31: {  	[tilespmem:s0+$0x2890] =	vst v0  }
.Ltmp0:
0x32: {  	[tilespmem:s0+$0x28A0] =	vst v0;
	(pc) =	sbr.rel @p0 .LBB2_2-.Ltmp0, $4  }
0x33: {  	[tilespmem:s0+$0x28B0] =	vst v0  }
0x34: {  	[tilespmem:s0+$0x28C0] =	vst v0  }
0x35: {  	[tilespmem:s0+$0x28D0] =	vst v0  }
0x36: {  	[tilespmem:s0+$0x28E0] =	vst v0;
	s0 =	sshra.s32 s10, $0x2;
	s10 =	sadd.s32 $0x200, s10  }
0x37: {  	[tilespmem:s0+$0x28F0] =	vst v0  }
0x38: {  	[tilespmem:s0+$0x2880] =	vst v0  }
0x39: {  	[tilespmem:s0+$0x2890] =	vst v0  }
0x3a: {  	[tilespmem:s0+$0x28A0] =	vst v0  }
0x3b: {  	[tilespmem:s0+$0x28B0] =	vst v0  }
0x3c: {  	[tilespmem:s0+$0x28C0] =	vst v0  }
0x3d: {  	[tilespmem:s0+$0x28D0] =	vst v0  }
0x3e: {  	[tilespmem:s0+$0x28E0] =	vst v0  }
0x3f: {  	[spmem:s14] =	stream.linear.scatter [tilespmem:s3], [sflag:$0x7], $0x2000, $0x38;
	[tilespmem:$0x1A880] =	vst v63  }
0x40: {  	_ =	swait.ge [sflag:s2], $0x2000  }
0x41: {  	[sflag:s2] =	ssyncset.done $0x0  }
0x42: {  	[sflag:s2] =	ssyncadd.s32 $0xFFFFE000  }
0x43: {  	[spmem:s17] =	stream.linear.scatter [tilespmem:s3], [sflag:$0x7], $0x2000, $0x38;
	[tilespmem:$0x1A880] =	vst v63  }
0x44: {  	_ =	swait.ge [sflag:s2], $0x2000  }
0x45: {  	[sflag:s2] =	ssyncset.done $0x0  }
0x46: {  	s10 =	rddreg [dreg:$0x10];
	[sflag:s2] =	ssyncadd.s32 $0xFFFFE000  }
0x47: {  	[spmem:s10] =	stream.linear.scatter [tilespmem:s3], [sflag:$0x7], $0x2000, $0x38;
	[tilespmem:$0x1A880] =	vst v63  }
0x48: {  	_ =	swait.ge [sflag:s2], $0x2000  }
0x49: {  	[sflag:s2] =	ssyncset.done $0x0  }
0x4a: {  	[sflag:s2] =	ssyncadd.s32 $0xFFFFE000  }
0x4b: {  	[spmem:s20] =	stream.linear.scatter [tilespmem:s3], [sflag:$0x7], $0x2000, $0x38;
	[tilespmem:$0x1A880] =	vst v63  }
0x4c: {  	_ =	swait.ge [sflag:s2], $0x2000  }
0x4d: {  	[sflag:s2] =	ssyncset.done $0x0  }
0x4e: {  	[sflag:s2] =	ssyncadd.s32 $0xFFFFE000  }
0x4f: {  	[spmem:s21] =	stream.linear.scatter [tilespmem:s3], [sflag:$0x7], $0x2000, $0x38;
	[tilespmem:$0x1A880] =	vst v63  }
0x50: {  	_ =	swait.ge [sflag:s2], $0x2000  }
0x51: {  	[sflag:s2] =	ssyncset.done $0x0  }
0x52: {  	[sflag:s2] =	ssyncadd.s32 $0xFFFFE000  }
0x53: {  	[spmem:s22] =	stream.linear.scatter [tilespmem:s3], [sflag:$0x7], $0x2000, $0x38;
	[tilespmem:$0x1A880] =	vst v63  }
0x54: {  	_ =	swait.ge [sflag:s2], $0x2000  }
0x55: {  	[sflag:s2] =	ssyncset.done $0x0  }
0x56: {  	[sflag:s2] =	ssyncadd.s32 $0xFFFFE000  }
0x57: {  	[spmem:s23] =	stream.linear.scatter [tilespmem:s3], [sflag:$0x7], $0x2000, $0x38;
	[tilespmem:$0x1A880] =	vst v63  }
0x58: {  	_ =	swait.ge [sflag:s2], $0x2000  }
0x59: {  	[sflag:s2] =	ssyncset.done $0x0  }
0x5a: {  	[sflag:s2] =	ssyncadd.s32 $0xFFFFE000  }
0x5b: {  	[spmem:s24] =	stream.linear.scatter [tilespmem:s3], [sflag:$0x7], $0x2000, $0x38;
	[tilespmem:$0x1A880] =	vst v63  }
0x5c: {  	_ =	swait.ge [sflag:s2], $0x2000  }
0x5d: {  	[sflag:s2] =	ssyncset.done $0x0  }
0x5e: {  	[sflag:s2] =	ssyncadd.s32 $0xFFFFE000  }
0x5f: {  	[spmem:s25] =	stream.linear.scatter [tilespmem:s3], [sflag:$0x7], $0x2000, $0x38;
	[tilespmem:$0x1A880] =	vst v63  }
0x60: {  	_ =	swait.ge [sflag:s2], $0x2000  }
0x61: {  	[sflag:s2] =	ssyncset.done $0x0  }
0x62: {  	[sflag:s2] =	ssyncadd.s32 $0xFFFFE000  }
0x63: {  	[spmem:s26] =	stream.linear.scatter [tilespmem:s3], [sflag:$0x7], $0x2000, $0x38;
	[tilespmem:$0x1A880] =	vst v63  }
0x64: {  	_ =	swait.ge [sflag:s2], $0x2000  }
0x65: {  	[sflag:s2] =	ssyncset.done $0x0  }
0x66: {  	[sflag:s2] =	ssyncadd.s32 $0xFFFFE000  }
0x67: {  	[bflag:$0x0] =	sbarrier.arrive $0xFFFF  }
0x68: {  	s0 =	simm.s32 $0x0;
	s10 =	rddreg [dreg:$0xe]  }
0x69: {  	[tilespmem:s4], [sflag:$0x5] =	stream.linear.gather [hbm4b:s10+s0], $0x40, $0x38;
	[tilespmem:$0x1A880] =	vst v63  }
0x6a: {  	_ = 	snop  }
0x6b: {  	[tilespmem:s3], [sflag:$0x1] =	stream.indirect.gather [hbm4b:s15+s5], $0x80, s0, s5, $0xb8;
	[tilespmem:$0x1A880] =	vst v63  }
0x6c: {  	_ =	swait.ge [sflag:s6], $0x2000  }
0x6d: {  	[sflag:s6] =	ssyncset.done $0x0  }
0x6e: {  	s18 =	smov.u32 s14;
	s14 =	rddreg [dreg:$0x12];
	[sflag:s6] =	ssyncadd.s32 $0xFFFFE000  }
0x6f: {  	[tilespmem:s7], [sflag:$0x6] =	stream.linear.gather [hbm4b:s14+s0], $0x40, $0x38;
	[tilespmem:$0x1A880] =	vst v63  }
0x70: {  	_ = 	snop  }
0x71: {  	[tilespmem:s8], [sflag:$0x2] =	stream.indirect.gather [hbm4b:s15+s5], $0x80, s5, s5, $0xb8;
	[tilespmem:$0x1A880] =	vst v63  }
0x72: {  	_ =	swait.ge [sflag:s9], $0x40  }
0x73: {  	[sflag:s9] =	ssyncset.done $0x0  }
0x74: {  	[sflag:s9] =	ssyncadd.s32 $0xFFFFFFC0  }
0x75: {  	[spmem:s12] =	stream.indirect.scatter.add.f32 [tilespmem:s3], [sflag:$0x3], $0x80, s4, s5, $0xb8;
	[tilespmem:$0x1A880] =	vst v63  }
0x76: {  	_ =	swait.ge [sflag:s11], $0x2000  }
0x77: {  	[sflag:s11] =	ssyncset.done $0x0  }
0x78: {  	[sflag:s11] =	ssyncadd.s32 $0xFFFFE000  }
0x79: {  	_ =	swait.ge [sflag:s13], $0x2000  }
0x7a: {  	[sflag:s13] =	ssyncset.done $0x0  }
0x7b: {  	s19 =	smov.u32 s17;
	s17 =	rddreg [dreg:$0x13];
	[sflag:s13] =	ssyncadd.s32 $0xFFFFE000  }
0x7c: {  	[tilespmem:s4], [sflag:$0x5] =	stream.linear.gather [hbm4b:s17+s0], $0x40, $0x38;
	[tilespmem:$0x1A880] =	vst v63  }
0x7d: {  	s14 =	simm.s32 $0x80  }
0x7e: {  	[tilespmem:s3], [sflag:$0x1] =	stream.indirect.gather [hbm4b:s15+s5], $0x80, s14, s5, $0xb8;
	[tilespmem:$0x1A880] =	vst v63  }
0x7f: {  	_ =	swait.ge [sflag:s16], $0x40  }
0x80: {  	[sflag:s16] =	ssyncset.done $0x0  }
0x81: {  	[sflag:s16] =	ssyncadd.s32 $0xFFFFFFC0  }
0x82: {  	[spmem:s12] =	stream.indirect.scatter.add.f32 [tilespmem:s8], [sflag:$0x4], $0x80, s7, s5, $0xb8;
	[tilespmem:$0x1A880] =	vst v63  }
0x83: {  	_ =	swait.ge [sflag:s6], $0x2000  }
0x84: {  	[sflag:s6] =	ssyncset.done $0x0  }
0x85: {  	[sflag:s6] =	ssyncadd.s32 $0xFFFFE000  }
0x86: {  	_ =	swait.ge [sflag:s28], $0x2000  }
0x87: {  	[sflag:s28] =	ssyncset.done $0x0  }
0x88: {  	s17 =	sadd.s32 $0x0, s29;
	[sflag:s28] =	ssyncadd.s32 $0xFFFFE000  }
0x89: {  	[tilespmem:s7], [sflag:$0x6] =	stream.linear.gather [hbm4b:s17+s1], $0x40, $0x38;
	[tilespmem:$0x1A880] =	vst v63  }
0x8a: {  	s10 =	simm.s32 $0xC0  }
0x8b: {  	[tilespmem:s8], [sflag:$0x2] =	stream.indirect.gather [hbm4b:s15+s5], $0x80, s10, s5, $0xb8;
	[tilespmem:$0x1A880] =	vst v63  }
0x8c: {  	_ =	swait.ge [sflag:s9], $0x40  }
0x8d: {  	[sflag:s9] =	ssyncset.done $0x0  }
0x8e: {  	[sflag:s9] =	ssyncadd.s32 $0xFFFFFFC0  }
0x8f: {  	[spmem:s12] =	stream.indirect.scatter.add.f32 [tilespmem:s3], [sflag:$0x3], $0x80, s4, s5, $0xb8;
	[tilespmem:$0x1A880] =	vst v63  }
0x90: {  	_ =	swait.ge [sflag:s11], $0x2000  }
0x91: {  	[sflag:s11] =	ssyncset.done $0x0  }
0x92: {  	[sflag:s11] =	ssyncadd.s32 $0xFFFFE000  }
0x93: {  	_ =	swait.ge [sflag:s13], $0x2000  }
0x94: {  	[sflag:s13] =	ssyncset.done $0x0  }
0x95: {  	s14 =	sadd.s32 $0x0, s30;
	[sflag:s13] =	ssyncadd.s32 $0xFFFFE000  }
0x96: {  	[tilespmem:s4], [sflag:$0x5] =	stream.linear.gather [hbm4b:s14+s1], $0x40, $0x38;
	[tilespmem:$0x1A880] =	vst v63  }
0x97: {  	s17 =	simm.s32 $0x100  }
0x98: {  	[tilespmem:s3], [sflag:$0x1] =	stream.indirect.gather [hbm4b:s15+s5], $0x80, s17, s5, $0xb8;
	[tilespmem:$0x1A880] =	vst v63  }
0x99: {  	_ =	swait.ge [sflag:s16], $0x40  }
0x9a: {  	[sflag:s16] =	ssyncset.done $0x0  }
0x9b: {  	s0 =	simm.s32 $0x140;
	s10 =	simm.s32 $0x10;
	[sflag:s16] =	ssyncadd.s32 $0xFFFFFFC0  }
.LBB2_4:
0x9c: {  	[spmem:s12] =	stream.indirect.scatter.add.f32 [tilespmem:s8], [sflag:$0x4], $0x80, s7, s5, $0xb8;
	[tilespmem:$0x1A880] =	vst v63  }
0x9d: {  	s14 =	smov.u32 s10  }
0x9e: {  	p0 =	sne.s32 s10, $0x4C0;
	s10 =	sadd.s32 $0x10, s10;
	_ =	swait.ge [sflag:s6], $0x2000  }
0x9f: {  	[sflag:s6] =	ssyncset.done $0x0  }
0xa0: {  	[sflag:s6] =	ssyncadd.s32 $0xFFFFE000  }
0xa1: {  	_ =	swait.ge [sflag:s28], $0x2000  }
0xa2: {  	[sflag:s28] =	ssyncset.done $0x0  }
0xa3: {  	s17 =	sadd.s32 s14, s29;
	[sflag:s28] =	ssyncadd.s32 $0xFFFFE000  }
0xa4: {  	[tilespmem:s7], [sflag:$0x6] =	stream.linear.gather [hbm4b:s17+s1], $0x40, $0x38;
	[tilespmem:$0x1A880] =	vst v63  }
0xa5: {  	_ = 	snop  }
0xa6: {  	[tilespmem:s8], [sflag:$0x2] =	stream.indirect.gather [hbm4b:s15+s5], $0x80, s0, s5, $0xb8;
	[tilespmem:$0x1A880] =	vst v63  }
0xa7: {  	_ =	swait.ge [sflag:s9], $0x40  }
0xa8: {  	[sflag:s9] =	ssyncset.done $0x0  }
0xa9: {  	[sflag:s9] =	ssyncadd.s32 $0xFFFFFFC0  }
0xaa: {  	[spmem:s12] =	stream.indirect.scatter.add.f32 [tilespmem:s3], [sflag:$0x3], $0x80, s4, s5, $0xb8;
	[tilespmem:$0x1A880] =	vst v63  }
0xab: {  	_ =	swait.ge [sflag:s11], $0x2000  }
0xac: {  	[sflag:s11] =	ssyncset.done $0x0  }
0xad: {  	[sflag:s11] =	ssyncadd.s32 $0xFFFFE000  }
0xae: {  	_ =	swait.ge [sflag:s13], $0x2000  }
0xaf: {  	[sflag:s13] =	ssyncset.done $0x0  }
0xb0: {  	s14 =	sadd.s32 s14, s30;
	[sflag:s13] =	ssyncadd.s32 $0xFFFFE000  }
0xb1: {  	[tilespmem:s4], [sflag:$0x5] =	stream.linear.gather [hbm4b:s14+s1], $0x40, $0x38;
	[tilespmem:$0x1A880] =	vst v63  }
.Ltmp1:
0xb2: {  	s14 =	sadd.s32 $0x40, s0;
	(pc) =	sbr.rel @p0 .LBB2_4-.Ltmp1, $4  }
0xb3: {  	[tilespmem:s3], [sflag:$0x1] =	stream.indirect.gather [hbm4b:s15+s5], $0x80, s14, s5, $0xb8;
	[tilespmem:$0x1A880] =	vst v63  }
0xb4: {  	_ =	swait.ge [sflag:s16], $0x40  }
0xb5: {  	[sflag:s16] =	ssyncset.done $0x0  }
0xb6: {  	s0 =	sadd.s32 $0x80, s0;
	[sflag:s16] =	ssyncadd.s32 $0xFFFFFFC0  }
0xb7: {  	[spmem:s12] =	stream.indirect.scatter.add.f32 [tilespmem:s8], [sflag:$0x4], $0x80, s7, s5, $0xb8;
	[tilespmem:$0x1A880] =	vst v63  }
0xb8: {  	_ =	swait.ge [sflag:s6], $0x2000  }
0xb9: {  	[sflag:s6] =	ssyncset.done $0x0  }
0xba: {  	[sflag:s6] =	ssyncadd.s32 $0xFFFFE000  }
0xbb: {  	_ =	swait.ge [sflag:s28], $0x2000  }
0xbc: {  	[sflag:s28] =	ssyncset.done $0x0  }
0xbd: {  	s0 =	rddreg [dreg:$0x14];
	[sflag:s28] =	ssyncadd.s32 $0xFFFFE000  }
0xbe: {  	[tilespmem:s7], [sflag:$0x6] =	stream.linear.gather [hbm4b:s0+s1], $0x40, $0x38;
	[tilespmem:$0x1A880] =	vst v63  }
0xbf: {  	s14 =	simm.s32 $0x2740  }
0xc0: {  	[tilespmem:s8], [sflag:$0x2] =	stream.indirect.gather [hbm4b:s15+s5], $0x80, s14, s5, $0xb8;
	[tilespmem:$0x1A880] =	vst v63  }
0xc1: {  	_ =	swait.ge [sflag:s9], $0x40  }
0xc2: {  	[sflag:s9] =	ssyncset.done $0x0  }
0xc3: {  	[sflag:s9] =	ssyncadd.s32 $0xFFFFFFC0  }
0xc4: {  	[spmem:s12] =	stream.indirect.scatter.add.f32 [tilespmem:s3], [sflag:$0x3], $0x80, s4, s5, $0xb8;
	[tilespmem:$0x1A880] =	vst v63  }
0xc5: {  	_ =	swait.ge [sflag:s11], $0x2000  }
0xc6: {  	[sflag:s11] =	ssyncset.done $0x0  }
0xc7: {  	[sflag:s11] =	ssyncadd.s32 $0xFFFFE000  }
0xc8: {  	_ =	swait.ge [sflag:s13], $0x2000  }
0xc9: {  	[sflag:s13] =	ssyncset.done $0x0  }
0xca: {  	[sflag:s13] =	ssyncadd.s32 $0xFFFFE000  }
0xcb: {  	_ =	swait.ge [sflag:s16], $0x40  }
0xcc: {  	[sflag:s16] =	ssyncset.done $0x0  }
0xcd: {  	[sflag:s16] =	ssyncadd.s32 $0xFFFFFFC0  }
0xce: {  	[spmem:s12] =	stream.indirect.scatter.add.f32 [tilespmem:s8], [sflag:$0x4], $0x80, s7, s5, $0xb8;
	[tilespmem:$0x1A880] =	vst v63  }
0xcf: {  	_ =	swait.ge [sflag:s28], $0x2000  }
0xd0: {  	[sflag:s28] =	ssyncset.done $0x0  }
0xd1: {  	[sflag:s28] =	ssyncadd.s32 $0xFFFFE000  }
0xd2: {  	[bflag:$0x0] =	sbarrier.arrive $0xFFFF  }
0xd3: {  	[tilespmem:s3], [sflag:$0x7] =	stream.linear.gather [spmem:s18], $0x2000, $0x38;
	[tilespmem:$0x1A880] =	vst v63  }
0xd4: {  	_ =	swait.ge [sflag:s2], $0x2000  }
0xd5: {  	[sflag:s2] =	ssyncset.done $0x0  }
0xd6: {  	s17 =	rddreg [dreg:$0x4];
	[sflag:s2] =	ssyncadd.s32 $0xFFFFE000  }
0xd7: {  	[hbm4b:s17+s1] =	stream.linear.scatter [tilespmem:s3], [sflag:$0x7], $0x2000, $0x38;
	[tilespmem:$0x1A880] =	vst v63  }
0xd8: {  	_ =	swait.ge [sflag:s2], $0x2000  }
0xd9: {  	[sflag:s2] =	ssyncset.done $0x0  }
0xda: {  	[sflag:s2] =	ssyncadd.s32 $0xFFFFE000  }
0xdb: {  	[tilespmem:s3], [sflag:$0x7] =	stream.linear.gather [spmem:s19], $0x2000, $0x38;
	[tilespmem:$0x1A880] =	vst v63  }
0xdc: {  	_ =	swait.ge [sflag:s2], $0x2000  }
0xdd: {  	[sflag:s2] =	ssyncset.done $0x0  }
0xde: {  	s14 =	smov.u32 s18;
	s18 =	rddreg [dreg:$0x5];
	[sflag:s2] =	ssyncadd.s32 $0xFFFFE000  }
0xdf: {  	[hbm4b:s18+s1] =	stream.linear.scatter [tilespmem:s3], [sflag:$0x7], $0x2000, $0x38;
	[tilespmem:$0x1A880] =	vst v63  }
0xe0: {  	_ =	swait.ge [sflag:s2], $0x2000  }
0xe1: {  	[sflag:s2] =	ssyncset.done $0x0  }
0xe2: {  	s17 =	smov.u32 s19;
	s19 =	rddreg [dreg:$0x10];
	[sflag:s2] =	ssyncadd.s32 $0xFFFFE000  }
0xe3: {  	[tilespmem:s3], [sflag:$0x7] =	stream.linear.gather [spmem:s19], $0x2000, $0x38;
	[tilespmem:$0x1A880] =	vst v63  }
0xe4: {  	_ =	swait.ge [sflag:s2], $0x2000  }
0xe5: {  	[sflag:s2] =	ssyncset.done $0x0  }
0xe6: {  	s10 =	rddreg [dreg:$0x6];
	[sflag:s2] =	ssyncadd.s32 $0xFFFFE000  }
0xe7: {  	[hbm4b:s10+s1] =	stream.linear.scatter [tilespmem:s3], [sflag:$0x7], $0x2000, $0x38;
	[tilespmem:$0x1A880] =	vst v63  }
0xe8: {  	_ =	swait.ge [sflag:s2], $0x2000  }
0xe9: {  	[sflag:s2] =	ssyncset.done $0x0  }
0xea: {  	[sflag:s2] =	ssyncadd.s32 $0xFFFFE000  }
0xeb: {  	[tilespmem:s3], [sflag:$0x7] =	stream.linear.gather [spmem:s20], $0x2000, $0x38;
	[tilespmem:$0x1A880] =	vst v63  }
0xec: {  	_ =	swait.ge [sflag:s2], $0x2000  }
0xed: {  	[sflag:s2] =	ssyncset.done $0x0  }
0xee: {  	s18 =	rddreg [dreg:$0x7];
	[sflag:s2] =	ssyncadd.s32 $0xFFFFE000  }
0xef: {  	[hbm4b:s18+s1] =	stream.linear.scatter [tilespmem:s3], [sflag:$0x7], $0x2000, $0x38;
	[tilespmem:$0x1A880] =	vst v63  }
0xf0: {  	_ =	swait.ge [sflag:s2], $0x2000  }
0xf1: {  	[sflag:s2] =	ssyncset.done $0x0  }
0xf2: {  	[sflag:s2] =	ssyncadd.s32 $0xFFFFE000  }
0xf3: {  	[tilespmem:s3], [sflag:$0x7] =	stream.linear.gather [spmem:s21], $0x2000, $0x38;
	[tilespmem:$0x1A880] =	vst v63  }
0xf4: {  	_ =	swait.ge [sflag:s2], $0x2000  }
0xf5: {  	[sflag:s2] =	ssyncset.done $0x0  }
0xf6: {  	s19 =	rddreg [dreg:$0x8];
	[sflag:s2] =	ssyncadd.s32 $0xFFFFE000  }
0xf7: {  	[hbm4b:s19+s1] =	stream.linear.scatter [tilespmem:s3], [sflag:$0x7], $0x2000, $0x38;
	[tilespmem:$0x1A880] =	vst v63  }
0xf8: {  	_ =	swait.ge [sflag:s2], $0x2000  }
0xf9: {  	[sflag:s2] =	ssyncset.done $0x0  }
0xfa: {  	[sflag:s2] =	ssyncadd.s32 $0xFFFFE000  }
0xfb: {  	[tilespmem:s3], [sflag:$0x7] =	stream.linear.gather [spmem:s22], $0x2000, $0x38;
	[tilespmem:$0x1A880] =	vst v63  }
0xfc: {  	_ =	swait.ge [sflag:s2], $0x2000  }
0xfd: {  	[sflag:s2] =	ssyncset.done $0x0  }
0xfe: {  	s10 =	rddreg [dreg:$0x9];
	[sflag:s2] =	ssyncadd.s32 $0xFFFFE000  }
0xff: {  	[hbm4b:s10+s1] =	stream.linear.scatter [tilespmem:s3], [sflag:$0x7], $0x2000, $0x38;
	[tilespmem:$0x1A880] =	vst v63  }
0x100: {  	_ =	swait.ge [sflag:s2], $0x2000  }
0x101: {  	[sflag:s2] =	ssyncset.done $0x0  }
0x102: {  	[sflag:s2] =	ssyncadd.s32 $0xFFFFE000  }
0x103: {  	[tilespmem:s3], [sflag:$0x7] =	stream.linear.gather [spmem:s23], $0x2000, $0x38;
	[tilespmem:$0x1A880] =	vst v63  }
0x104: {  	_ =	swait.ge [sflag:s2], $0x2000  }
0x105: {  	[sflag:s2] =	ssyncset.done $0x0  }
0x106: {  	s18 =	rddreg [dreg:$0xa];
	[sflag:s2] =	ssyncadd.s32 $0xFFFFE000  }
0x107: {  	[hbm4b:s18+s1] =	stream.linear.scatter [tilespmem:s3], [sflag:$0x7], $0x2000, $0x38;
	[tilespmem:$0x1A880] =	vst v63  }
0x108: {  	_ =	swait.ge [sflag:s2], $0x2000  }
0x109: {  	[sflag:s2] =	ssyncset.done $0x0  }
0x10a: {  	[sflag:s2] =	ssyncadd.s32 $0xFFFFE000  }
0x10b: {  	[tilespmem:s3], [sflag:$0x7] =	stream.linear.gather [spmem:s24], $0x2000, $0x38;
	[tilespmem:$0x1A880] =	vst v63  }
0x10c: {  	_ =	swait.ge [sflag:s2], $0x2000  }
0x10d: {  	[sflag:s2] =	ssyncset.done $0x0  }
0x10e: {  	s19 =	rddreg [dreg:$0xb];
	[sflag:s2] =	ssyncadd.s32 $0xFFFFE000  }
0x10f: {  	[hbm4b:s19+s1] =	stream.linear.scatter [tilespmem:s3], [sflag:$0x7], $0x2000, $0x38;
	[tilespmem:$0x1A880] =	vst v63  }
0x110: {  	_ =	swait.ge [sflag:s2], $0x2000  }
0x111: {  	[sflag:s2] =	ssyncset.done $0x0  }
0x112: {  	[sflag:s2] =	ssyncadd.s32 $0xFFFFE000  }
0x113: {  	[tilespmem:s3], [sflag:$0x7] =	stream.linear.gather [spmem:s25], $0x2000, $0x38;
	[tilespmem:$0x1A880] =	vst v63  }
0x114: {  	_ =	swait.ge [sflag:s2], $0x2000  }
0x115: {  	[sflag:s2] =	ssyncset.done $0x0  }
0x116: {  	s10 =	rddreg [dreg:$0xc];
	[sflag:s2] =	ssyncadd.s32 $0xFFFFE000  }
0x117: {  	[hbm4b:s10+s1] =	stream.linear.scatter [tilespmem:s3], [sflag:$0x7], $0x2000, $0x38;
	[tilespmem:$0x1A880] =	vst v63  }
0x118: {  	_ =	swait.ge [sflag:s2], $0x2000  }
0x119: {  	[sflag:s2] =	ssyncset.done $0x0  }
0x11a: {  	[sflag:s2] =	ssyncadd.s32 $0xFFFFE000  }
0x11b: {  	[tilespmem:s3], [sflag:$0x7] =	stream.linear.gather [spmem:s26], $0x2000, $0x38;
	[tilespmem:$0x1A880] =	vst v63  }
0x11c: {  	_ =	swait.ge [sflag:s2], $0x2000  }
0x11d: {  	[sflag:s2] =	ssyncset.done $0x0  }
0x11e: {  	s18 =	rddreg [dreg:$0xd];
	[sflag:s2] =	ssyncadd.s32 $0xFFFFE000  }
0x11f: {  	[hbm4b:s18+s1] =	stream.linear.scatter [tilespmem:s3], [sflag:$0x7], $0x2000, $0x38;
	[tilespmem:$0x1A880] =	vst v63  }
0x120: {  	_ =	swait.ge [sflag:s2], $0x2000  }
0x121: {  	s31 =	sadd.s32 $0x1, s31;
	s19 =	rddreg [dreg:$0x11]  }
0x122: {  	p0 =	sne.s32 s31, s19  }
.Ltmp2:
0x123: {  	_ = 	snop;
	(pc) =	sbr.rel @p0 .LBB2_1-.Ltmp2, $3  }
0x124: {  	_ =	sdelay $0x1  }
0x125: {  	[sflag:s2] =	ssyncset.done $0x0  }
0x126: {  	[sflag:s2] =	ssyncadd.s32 $0xFFFFE000  }
0x127: {  	_ =	sfence.sel $0x180000  }
0x128: {  	[bflag:$0x0] =	sbarrier.arrive $0xFFFF  }
0x129: {  	_ =	strace $0x9000004D  }
0x12a: {  	s0 =	stileid.u32;
	[bflag:$0x2] =	sbarrier.arrive $0xFFFF  }
0x12b: {  	p0 =	sne.s32 s0, $0x0;
	s0 =	rddreg [dreg:$0x3]  }
0x12c: {  	s0 =	sadd.s32 @!p0 $0x100000, s0  }
0x12d: {  	[sflag:s0] =	ssyncadd.tile.s32 @!p0 $0x1;
	_ =	shalt  }
.Lfunc_end2:
_tile_overlayer_lowered:
.L_overlay_start_2:
0x12e: {  	(tag) =	ssettag $0x2  }
0x12f: {  	s0 =	rddreg [dreg:$0x0];
	s2 =	stileid.u32  }
0x130: {  	s1 =	rddreg [dreg:$0x1];
	p0 =	sne.s32 s2, $0x0  }
0x131: {  	s3 =	rddreg [dreg:$0x2];
	[bflag:$0x3] =	sbarrier.arrive $0xFFFF;
	s2 =	simm.s32 @!p0 $0x1C07  }
0x132: {  	[timem:s3], [sflag:s2] =	dma.local @!p0 [hbm:s0], s1  }
0x133: {  	s0 =	simm.s32 @!p0 $0x7  }
0x134: {  	_ =	swait.ge @!p0 [sflag:s0], s1  }
0x135: {  	s1 =	ssub.s32 @!p0 $0x0, s1;
	[sflag:s0] =	ssyncset.done @!p0 $0x0  }
0x136: {  	[sflag:s0] =	ssyncadd.s32 @!p0 s1  }
0x137: {  	[bflag:$0x3] =	sbarrier.arrive $0xFFFF  }
0x138: {  	_ =	shalt  }

// kernel: kernel.9.cloned.1.call-start
scs
__scs_entry_jumppad:
0x0: {  	(pc) =	sbr.rel $0x88, $3  }
0x1: {  	(tag) =	ssettag $0x0;
	lr =	simm.s32 $0x1  }
0x2: {  	[smem:$0x3F95] =	sst lr;
	_ =	strace $0xD0000000  }
0x3: {  	_ = 	snop  }
0x4: {  	_ = 	snop  }
0x5: {  	_ = 	snop  }
0x6: {  	_ = 	snop  }
0x7: {  	_ = 	snop  }
__scs_overlays_trampoline_lowered:
0x8: {  	[smem:$0x3FA4] =	sst s0  }
0x9: {  	[smem:$0x3FA5] =	sst s1  }
0xa: {  	[smem:$0x3FA6] =	sst s2  }
0xb: {  	[smem:$0x3FA7] =	sst s3  }
0xc: {  	[smem:$0x3FA8] =	sst s4  }
0xd: {  	[smem:$0x3FA9] =	sst s5  }
0xe: {  	[smem:$0x3FAA] =	sst s6  }
0xf: {  	[smem:$0x3FAB] =	sst s7  }
0x10: {  	[smem:$0x3FAC] =	sst s8  }
0x11: {  	[smem:$0x3FAD] =	sst s9;
	s0 =	simm.s32 @!p0 $0x0  }
0x12: {  	s1 =	sld [smem:$0x3F93];
	s0 =	simm.s32 @p0 $0x1  }
0x13: {  	[smem:$0x3FAE] =	sst s0;
	s0 =	simm.s32 @!p1 $0x0  }
0x14: {  	s2 =	sld [smem:$0x3F92];
	s0 =	simm.s32 @p1 $0x1  }
0x15: {  	[smem:$0x3FAF] =	sst s0;
	s0 =	simm.s32 @!p2 $0x0  }
0x16: {  	s3 =	sld [smem:$0x3FDB];
	s0 =	simm.s32 @p2 $0x1  }
0x17: {  	s4 =	simm.s32 $0x1BF5;
	[smem:$0x3FB1] =	sst s0  }
0x18: {  	s0 =	sld [smem:$0x3F94];
	_ =	swait.ge [sflag:s4], $0x0  }
0x19: {  	s7 =	sld [smem:$0x3F95]  }
0x1a: {  	s8 =	sadd.s32 $0xFFFFE003, lr  }
0x1b: {  	s9 =	sadd.s32 $0xFFFFFEF7, lr;
	s5 =	simm.s32 $0xFFFFFFFF;
	p2 =	slt.u32 s8, $0xFFFFF086  }
0x1c: {  	p1 =	slt.u32 s9, $0xF7A;
	s5 =	simm.s32 @!p2 $0x0  }
0x1d: {  	s5 =	simm.s32 @p1 $0x1;
	p0 =	seq.s32 s7, s2  }
0x1e: {  	s7 =	smul.u32 @!p0 $0xF7A, s2;
	p2 =	seq.s32 @!p0 s5, $0x0  }
0x1f: {  	s9 =	smul.u32 $0xF7A, s1;
	s8 =	simm.s32 @!p0 $0x1BF5;
	p2 =	por !p2, p0  }
0x20: {  	[sflag:s8] =	ssyncset.s32 @!p0 $0xFFFFF086;
	s6 =	sadd.s32 @!p0 s3, s7;
	s7 =	simm.s32 @!p0 $0x108  }
0x21: {  	s3 =	sadd.s32 s3, s9;
	s6 =	sadd.s32 @!p0 $0x88, s6;
	s7 =	simm.s32 @p2 $0x1082  }
0x22: {  	[simem:s7], [sflag:s8] =	dma.local @!p0 [hbm:s6], $0xF7A  }
0x23: {  	s9 =	sor.u32 $0xD0000000, s2;
	s6 =	simm.s32 $0x108;
	_ =	swait.ge @!p0 [sflag:s8], $0x0  }
0x24: {  	s3 =	sadd.s32 $0x88, s3;
	s6 =	simm.s32 @!p1 $0x1082;
	[sflag:s4] =	ssyncset.s32 $0xFFFFF086  }
0x25: {  	[simem:s6], [sflag:s4] =	dma.local [hbm:s3], $0xF7A  }
0x26: {  	[smem:$0x3F95] =	sst s1;
	(tag) =	ssettag s2;
	_ =	strace s9  }
0x27: {  	s1 =	sld [smem:$0x3FA5]  }
0x28: {  	s2 =	sld [smem:$0x3FA6]  }
0x29: {  	s4 =	sld [smem:$0x3FA8]  }
0x2a: {  	p0 =	seq.s32 s5, $0x0;
	s5 =	sld [smem:$0x3FA9]  }
0x2b: {  	s6 =	sld [smem:$0x3FAA]  }
0x2c: {  	s7 =	sld [smem:$0x3FAB]  }
0x2d: {  	s3 =	simm.s32 $0x108;
	s8 =	sld [smem:$0x3FAC]  }
0x2e: {  	s3 =	simm.s32 @!p0 $0x1082;
	s9 =	sld [smem:$0x3FAD]  }
0x2f: {  	lr =	sadd.s32 s0, s3;
	s0 =	sld [smem:$0x3FA4]  }
0x30: {  	s3 =	sld [smem:$0x3FA7]  }
0x31: {  	[smem:$0x3FB0] =	sst s10  }
0x32: {  	s10 =	sld [smem:$0x3FAE];
	_ =	sdelay $0x3  }
0x33: {  	p0 =	seq.s32 s10, $0x1;
	s10 =	sld [smem:$0x3FB0];
	_ =	sdelay $0x3  }
0x34: {  	[smem:$0x3FB0] =	sst s10  }
0x35: {  	s10 =	sld [smem:$0x3FAF];
	_ =	sdelay $0x3  }
0x36: {  	p1 =	seq.s32 s10, $0x1;
	s10 =	sld [smem:$0x3FB0];
	_ =	sdelay $0x3  }
0x37: {  	[smem:$0x3FB0] =	sst s10  }
0x38: {  	s10 =	sld [smem:$0x3FB1]  }
0x39: {  	_ = 	snop;
	(pc) =	sbr.ind lr, $3  }
0x3a: {  	_ = 	snop  }
0x3b: {  	_ = 	snop  }
0x3c: {  	p2 =	seq.s32 s10, $0x1;
	s10 =	sld [smem:$0x3FB0]  }
0x3d: {  	_ =	shalt  }
0x3e: {  	_ =	shalt  }
0x3f: {  	_ =	shalt  }
0x40: {  	_ =	shalt  }
0x41: {  	_ =	shalt  }
0x42: {  	_ =	shalt  }
0x43: {  	_ =	shalt  }
0x44: {  	_ =	shalt  }
0x45: {  	_ =	shalt  }
0x46: {  	_ =	shalt  }
0x47: {  	_ =	shalt  }
0x48: {  	_ =	shalt  }
0x49: {  	_ =	shalt  }
0x4a: {  	_ =	shalt  }
0x4b: {  	_ =	shalt  }
0x4c: {  	_ =	shalt  }
0x4d: {  	_ =	shalt  }
0x4e: {  	_ =	shalt  }
0x4f: {  	_ =	shalt  }
0x50: {  	_ =	shalt  }
0x51: {  	_ =	shalt  }
0x52: {  	_ =	shalt  }
0x53: {  	_ =	shalt  }
0x54: {  	_ =	shalt  }
0x55: {  	_ =	shalt  }
0x56: {  	_ =	shalt  }
0x57: {  	_ =	shalt  }
0x58: {  	_ =	shalt  }
0x59: {  	_ =	shalt  }
0x5a: {  	_ =	shalt  }
0x5b: {  	_ =	shalt  }
0x5c: {  	_ =	shalt  }
0x5d: {  	_ =	shalt  }
0x5e: {  	_ =	shalt  }
0x5f: {  	_ =	shalt  }
0x60: {  	_ =	shalt  }
0x61: {  	_ =	shalt  }
0x62: {  	_ =	shalt  }
0x63: {  	_ =	shalt  }
0x64: {  	_ =	shalt  }
0x65: {  	_ =	shalt  }
0x66: {  	_ =	shalt  }
0x67: {  	_ =	shalt  }
0x68: {  	_ =	shalt  }
0x69: {  	_ =	shalt  }
0x6a: {  	_ =	shalt  }
0x6b: {  	_ =	shalt  }
0x6c: {  	_ =	shalt  }
0x6d: {  	_ =	shalt  }
0x6e: {  	_ =	shalt  }
0x6f: {  	_ =	shalt  }
0x70: {  	_ =	shalt  }
0x71: {  	_ =	shalt  }
0x72: {  	_ =	shalt  }
0x73: {  	_ =	shalt  }
0x74: {  	_ =	shalt  }
0x75: {  	_ =	shalt  }
0x76: {  	_ =	shalt  }
0x77: {  	_ =	shalt  }
0x78: {  	_ =	shalt  }
0x79: {  	_ =	shalt  }
0x7a: {  	_ =	shalt  }
0x7b: {  	_ =	shalt  }
0x7c: {  	_ =	shalt  }
0x7d: {  	_ =	shalt  }
0x7e: {  	_ =	shalt  }
0x7f: {  	_ =	shalt  }
0x80: {  	_ =	shalt  }
0x81: {  	_ =	shalt  }
0x82: {  	_ =	shalt  }
0x83: {  	_ =	shalt  }
0x84: {  	_ =	shalt  }
0x85: {  	_ =	shalt  }
0x86: {  	_ =	shalt  }
0x87: {  	_ =	shalt  }
.Lfunc_end0:
.L_simem_size_0:
called_computation_lowered:
.L_overlay_start_0:
0x88: {  	s2 =	sld [smem:$0x3FD9]  }
0x89: {  	s3 =	sld [smem:$0x3FFE];
	_ =	sdelay $0x1  }
0x8a: {  	s1 =	srdreg.scid  }
0x8b: {  	s0 =	sand.u32 $0x1, s1  }
0x8c: {  	s17 =	sshll.u32 s0, $0xA;
	s2 =	sadd.s32 s3, s2  }
0x8d: {  	s2 =	sadd.s32 s2, s17  }
0x8e: {  	[smem:$0x3FBC] =	sst s2  }
0x8f: {  	_ = 	snop  }
0x90: {  	s2 =	sld [smem:$0x3FD0];
	(tm) =	ssettm $0x1  }
0x91: {  	s18 =	sld [smem:$0x3FFB];
	_ =	sdelay $0x3  }
0x92: {  	_ =	strace s18  }
0x93: {  	s3 =	sld [smem:$0x3FFC];
	_ =	sdelay $0x3  }
0x94: {  	_ =	strace s3  }
0x95: {  	s3 =	sld [smem:$0x3FFD];
	_ =	sdelay $0x3  }
0x96: {  	_ =	strace s3  }
0x97: {  	_ =	strace $0x8FFFFFFF  }
0x98: {  	s19 =	sld [smem:$0x3FDB];
	_ =	sdelay $0x1  }
0x99: {  	s4 =	simm.s32 $_scs_section_size  }
0x9a: {  	s5 =	simm.s32 $_size__tile_overlayer_lowered;
	s6 =	simm.s32 $_tile_overlayer_lowered  }
0x9b: {  	s22 =	simm.s32 $0x1BFF;
	s21 =	sshll.u32 s6, $0x1;
	s3 =	sadd.s32 s4, s19  }
0x9c: {  	s7 =	simm.s32 $0x0;
	s20 =	sshll.u32 s5, $0x1;
	s5 =	sadd.s32 s21, s3  }
0x9d: {  	[timem:s7], [sflag:s22] =	dma.local [hbm:s5], s20  }
0x9e: {  	_ =	swait.ge [sflag:s22], s20  }
0x9f: {  	s4 =	ssub.s32 $0x0, s20;
	[sflag:s22] =	ssyncset.done $0x0  }
0xa0: {  	[sflag:s22] =	ssyncadd.s32 s4;
	_ =	sdelay $0x1  }
0xa1: {  	s23 =	simm.s32 $0x1B8B  }
0xa2: {  	_ =	swait.ge [sflag:s23], $0x1  }
0xa3: {  	[sflag:s23] =	ssyncset.done $0x0  }
0xa4: {  	s25 =	simm.s32 $0x1B8E;
	s24 =	sld [smem:$0x3FFE];
	[sflag:s23] =	ssyncadd.s32 $0xFFFFFFFF  }
0xa5: {  	s26 =	simm.s32 $execute0_lowered;
	[smem:$0x3FD2] =	sst s25  }
0xa6: {  	s5 =	sshll.u32 s26, $0x1;
	_ =	strace $0x80000046;
	[dreg:$0x1] =	wrdreg $0xFFFFFFFF  }
0xa7: {  	s28 =	simm.s32 $_size_execute0_lowered;
	s3 =	sadd.s32 s3, s5;
	[dreg:$0x0] =	wrdreg $0x0  }
0xa8: {  	s5 =	sshll.u32 s28, $0x1;
	[dreg:$0x2] =	wrdreg s3  }
0xa9: {  	[dreg:$0x3] =	wrdreg s5  }
0xaa: {  	[dreg:$0x4] =	wrdreg $0xC0  }
0xab: {  	_ =	task [dreg:s7], $0x5FFFF  }
0xac: {  	[dreg:$0x1] =	wrdreg $0xFFFFFFFF  }
0xad: {  	[dreg:$0x0] =	wrdreg $0x60  }
0xae: {  	[dreg:$0x2] =	wrdreg s2  }
0xaf: {  	[dreg:$0x3] =	wrdreg s24  }
0xb0: {  	[dreg:$0x4] =	wrdreg $0x20800  }
0xb1: {  	[dreg:$0x5] =	wrdreg $0x9  }
0xb2: {  	_ =	task.clear_ibuf [dreg:s7], $0x6FFFF;
	_ =	strace $0x90000046  }
0xb3: {  	s29 =	simm.s32 $0x9;
	_ =	strace $0x80000048  }
0xb4: {  	_ =	swait.ge [sflag:s29], $0x1  }
0xb5: {  	[sflag:s29] =	ssyncadd.s32 $0xFFFFFFFF  }
0xb6: {  	_ =	strace $0x90000048  }
0xb7: {  	_ =	sfence  }
0xb8: {  	s30 =	sld [smem:$0x0];
	_ =	sdelay $0x2  }
0xb9: {  	s31 =	sshll.u32 s1, $0xD;
	s1 =	sshrl.u32 s1, $0x2  }
0xba: {  	s3 =	sand.u32 $0x4000, s31;
	s1 =	sadd.s32 s1, s30  }
0xbb: {  	s0 =	sor.u32 s3, s0;
	s1 =	sshll.u32 s1, $0x11  }
0xbc: {  	s0 =	sor.u32 s1, s0  }
0xbd: {  	s0 =	sadd.s32 $0x8F2B, s0  }
0xbe: {  	[sflag:s0] =	ssyncadd.remote.s32 $0x1  }
0xbf: {  	_ =	sfence.sel $0xFFFF  }
0xc0: {  	[dreg:$0x0] =	wrdreg $0xFFFFFFFF;
	(pc) =	sbr.abs _section_cstart, $3  }
0xc1: {  	[dreg:$0x1] =	wrdreg $0xFFFFFFFF  }
0xc2: {  	_ =	task.clear_ibuf [dreg:s7], $0x2FFFF;
	_ =	strace $0x9FFFFFFF  }
0xc3: {  	(tm) =	ssettm $0x7FFFFFFF  }
tec
execute0_lowered:
.L_overlay_start_1:
0x0: {  	(tag) =	ssettag $0x1  }
0x1: {  	s11 =	rddreg [dreg:$0x0];
	s31 =	stileid.u32  }
0x2: {  	s0 =	srdreg.scid;
	s5 =	smul.u32 $0x280, s31  }
0x3: {  	s2 =	rddreg [dreg:$0x1];
	s1 =	simm.s32 $0x0;
	s15 =	smul.u32 $0x50000, s31  }
0x4: {  	s29 =	simm.s32 $0x40;
	s12 =	sand.u32 $0x1, s0;
	s28 =	smul.u32 $0x4F0, s31  }
0x5: {  	s30 =	simm.s32 $0x0;
	[smem:$0x7FF] =	sst s1;
	s14 =	smul.u32 $0x2800, s12  }
0x6: {  	s13 =	sadd.s32 $0xD400, s2;
	s3 =	ssub.s32 $0x2, s12;
	s26 =	smul.u32 $0x4F00, s12  }
0x7: {  	s12 =	rddreg [dreg:$0x2];
	s4 =	sshrl.u32 s3, $0x1;
	s16 =	sor.u32 $0x40, s5  }
0x8: {  	s17 =	sadd.s32 $0x80, s5;
	s18 =	sadd.s32 $0xC0, s5;
	s19 =	sadd.s32 $0x100, s5  }
0x9: {  	s20 =	sadd.s32 $0x140, s5;
	s21 =	sadd.s32 $0x180, s5;
	s22 =	sadd.s32 $0x1C0, s5  }
0xa: {  	s23 =	sadd.s32 $0x200, s5;
	s24 =	sadd.s32 $0x240, s5;
	s15 =	sshrl.u32 s15, $0x2  }
0xb: {  	s25 =	ssub.s32 s3, s4;
	s7 =	sadd.s32 s5, s14;
	s8 =	sadd.s32 s14, s16  }
0xc: {  	s9 =	sadd.s32 s14, s17;
	s10 =	sadd.s32 s14, s18;
	s6 =	sadd.s32 s14, s19  }
0xd: {  	s11 =	sadd.s32 s26, s11;
	s15 =	sadd.s32 s15, s12;
	s16 =	sshll.u32 s16, $0x7  }
0xe: {  	s17 =	sshll.u32 s17, $0x7;
	s18 =	sshll.u32 s18, $0x7;
	s19 =	sshll.u32 s19, $0x7  }
0xf: {  	s26 =	sshll.u32 s22, $0x7;
	s31 =	sshll.u32 s24, $0x7;
	s2 =	sshll.u32 s7, $0x4  }
0x10: {  	s3 =	sshll.u32 s8, $0x4;
	s4 =	sshll.u32 s9, $0x4;
	s5 =	sshll.u32 s10, $0x4  }
0x11: {  	s6 =	sshll.u32 s6, $0x4;
	s7 =	sadd.s32 s14, s20;
	s8 =	sadd.s32 s14, s21  }
0x12: {  	s9 =	sadd.s32 s14, s22;
	s10 =	sadd.s32 s14, s23;
	s14 =	sadd.s32 s14, s24  }
0x13: {  	s16 =	sadd.s32 s16, s12;
	s17 =	sadd.s32 s17, s12;
	s18 =	sadd.s32 s18, s12  }
0x14: {  	s20 =	sshll.u32 s20, $0x7;
	s19 =	sadd.s32 s19, s12;
	s21 =	sshll.u32 s21, $0x7  }
0x15: {  	s23 =	sshll.u32 s23, $0x7;
	s22 =	sadd.s32 s26, s12;
	s24 =	sadd.s32 s31, s12  }
0x16: {  	s25 =	smax.u32 s25, $0x1;
	s26 =	simm.s32 $0x80;
	s2 =	sadd.s32 s13, s2  }
0x17: {  	s3 =	sadd.s32 s13, s3;
	s4 =	sadd.s32 s13, s4;
	s5 =	sadd.s32 s13, s5  }
0x18: {  	s6 =	sadd.s32 s13, s6;
	s7 =	sshll.u32 s7, $0x4;
	s8 =	sshll.u32 s8, $0x4  }
0x19: {  	s9 =	sshll.u32 s9, $0x4;
	s10 =	sshll.u32 s10, $0x4;
	s14 =	sshll.u32 s14, $0x4  }
0x1a: {  	s20 =	sadd.s32 s20, s12;
	s21 =	sadd.s32 s21, s12;
	s23 =	sadd.s32 s23, s12  }
0x1b: {  	[dreg:$0x4] =	wrdreg s2;
	s7 =	sadd.s32 s13, s7;
	s8 =	sadd.s32 s13, s8  }
0x1c: {  	s9 =	sadd.s32 s13, s9;
	s10 =	sadd.s32 s13, s10;
	s13 =	sadd.s32 s13, s14  }
0x1d: {  	v0 =	vimm.f32 $0.0e+00;
	v1 =	vimm.f32 $1.000000000e+00;
	s14 =	sadd.s32 s28, s11;
	s28 =	simm.s32 $0x1;
	_ =	strace $0x80000047  }
.LBB2_1:
0x1e: {  	s31 =	simm.s32 $0x0;
	s11 =	simm.s32 $0x200  }
.LBB2_2:
0x1f: {  	p0 =	sne.s32 s11, $0x7E00;
	[tilespmem:s31+$0xF0] =	vst v0  }
0x20: {  	[tilespmem:s31+$0x80] =	vst v0  }
0x21: {  	[tilespmem:s31+$0x90] =	vst v0  }
.Ltmp0:
0x22: {  	[tilespmem:s31+$0xA0] =	vst v0;
	(pc) =	sbr.rel @p0 .LBB2_2-.Ltmp0, $4  }
0x23: {  	[tilespmem:s31+$0xB0] =	vst v0  }
0x24: {  	[tilespmem:s31+$0xC0] =	vst v0  }
0x25: {  	[tilespmem:s31+$0xD0] =	vst v0  }
0x26: {  	[tilespmem:s31+$0xE0] =	vst v0;
	s31 =	sshra.s32 s11, $0x2;
	s11 =	sadd.s32 $0x200, s11  }
0x27: {  	[tilespmem:s31+$0xF0] =	vst v0  }
0x28: {  	[tilespmem:s31+$0x80] =	vst v0  }
0x29: {  	[tilespmem:s31+$0x90] =	vst v0  }
0x2a: {  	[tilespmem:s31+$0xA0] =	vst v0  }
0x2b: {  	[tilespmem:s31+$0xB0] =	vst v0  }
0x2c: {  	[tilespmem:s31+$0xC0] =	vst v0  }
0x2d: {  	[tilespmem:s31+$0xD0] =	vst v0  }
0x2e: {  	[tilespmem:s31+$0xE0] =	vst v0  }
0x2f: {  	[spmem:s15] =	stream.linear.scatter [tilespmem:s26], [sflag:$0x1], $0x2000, $0x38;
	[tilespmem:$0x16080] =	vst v63  }
0x30: {  	_ =	swait.ge [sflag:s28], $0x2000  }
0x31: {  	[sflag:s28] =	ssyncset.done $0x0  }
0x32: {  	[sflag:s28] =	ssyncadd.s32 $0xFFFFE000  }
0x33: {  	[spmem:s16] =	stream.linear.scatter [tilespmem:s26], [sflag:$0x1], $0x2000, $0x38;
	[tilespmem:$0x16080] =	vst v63  }
0x34: {  	_ =	swait.ge [sflag:s28], $0x2000  }
0x35: {  	[sflag:s28] =	ssyncset.done $0x0  }
0x36: {  	[sflag:s28] =	ssyncadd.s32 $0xFFFFE000  }
0x37: {  	[spmem:s17] =	stream.linear.scatter [tilespmem:s26], [sflag:$0x1], $0x2000, $0x38;
	[tilespmem:$0x16080] =	vst v63  }
0x38: {  	_ =	swait.ge [sflag:s28], $0x2000  }
0x39: {  	[sflag:s28] =	ssyncset.done $0x0  }
0x3a: {  	[sflag:s28] =	ssyncadd.s32 $0xFFFFE000  }
0x3b: {  	[spmem:s18] =	stream.linear.scatter [tilespmem:s26], [sflag:$0x1], $0x2000, $0x38;
	[tilespmem:$0x16080] =	vst v63  }
0x3c: {  	_ =	swait.ge [sflag:s28], $0x2000  }
0x3d: {  	[sflag:s28] =	ssyncset.done $0x0  }
0x3e: {  	[sflag:s28] =	ssyncadd.s32 $0xFFFFE000  }
0x3f: {  	[spmem:s19] =	stream.linear.scatter [tilespmem:s26], [sflag:$0x1], $0x2000, $0x38;
	[tilespmem:$0x16080] =	vst v63  }
0x40: {  	_ =	swait.ge [sflag:s28], $0x2000  }
0x41: {  	[sflag:s28] =	ssyncset.done $0x0  }
0x42: {  	[sflag:s28] =	ssyncadd.s32 $0xFFFFE000  }
0x43: {  	[spmem:s20] =	stream.linear.scatter [tilespmem:s26], [sflag:$0x1], $0x2000, $0x38;
	[tilespmem:$0x16080] =	vst v63  }
0x44: {  	_ =	swait.ge [sflag:s28], $0x2000  }
0x45: {  	[sflag:s28] =	ssyncset.done $0x0  }
0x46: {  	[sflag:s28] =	ssyncadd.s32 $0xFFFFE000  }
0x47: {  	[spmem:s21] =	stream.linear.scatter [tilespmem:s26], [sflag:$0x1], $0x2000, $0x38;
	[tilespmem:$0x16080] =	vst v63  }
0x48: {  	_ =	swait.ge [sflag:s28], $0x2000  }
0x49: {  	[sflag:s28] =	ssyncset.done $0x0  }
0x4a: {  	[sflag:s28] =	ssyncadd.s32 $0xFFFFE000  }
0x4b: {  	[spmem:s22] =	stream.linear.scatter [tilespmem:s26], [sflag:$0x1], $0x2000, $0x38;
	[tilespmem:$0x16080] =	vst v63  }
0x4c: {  	_ =	swait.ge [sflag:s28], $0x2000  }
0x4d: {  	[sflag:s28] =	ssyncset.done $0x0  }
0x4e: {  	[sflag:s28] =	ssyncadd.s32 $0xFFFFE000  }
0x4f: {  	[spmem:s23] =	stream.linear.scatter [tilespmem:s26], [sflag:$0x1], $0x2000, $0x38;
	[tilespmem:$0x16080] =	vst v63  }
0x50: {  	_ =	swait.ge [sflag:s28], $0x2000  }
0x51: {  	[sflag:s28] =	ssyncset.done $0x0  }
0x52: {  	[sflag:s28] =	ssyncadd.s32 $0xFFFFE000  }
0x53: {  	[spmem:s24] =	stream.linear.scatter [tilespmem:s26], [sflag:$0x1], $0x2000, $0x38;
	[tilespmem:$0x16080] =	vst v63  }
0x54: {  	_ =	swait.ge [sflag:s28], $0x2000  }
0x55: {  	[sflag:s28] =	ssyncset.done $0x0  }
0x56: {  	s31 =	simm.s32 $0x0;
	s11 =	simm.s32 $0x200;
	[sflag:s28] =	ssyncadd.s32 $0xFFFFE000  }
.LBB2_4:
0x57: {  	p0 =	sne.s32 s11, $0x7E00;
	[tilespmem:s31+$0xF0] =	vst v1  }
0x58: {  	[tilespmem:s31+$0x80] =	vst v1  }
0x59: {  	[tilespmem:s31+$0x90] =	vst v1  }
.Ltmp1:
0x5a: {  	[tilespmem:s31+$0xA0] =	vst v1;
	(pc) =	sbr.rel @p0 .LBB2_4-.Ltmp1, $4  }
0x5b: {  	[tilespmem:s31+$0xB0] =	vst v1  }
0x5c: {  	[tilespmem:s31+$0xC0] =	vst v1  }
0x5d: {  	[tilespmem:s31+$0xD0] =	vst v1  }
0x5e: {  	[tilespmem:s31+$0xE0] =	vst v1;
	s31 =	sshra.s32 s11, $0x2;
	s11 =	sadd.s32 $0x200, s11  }
0x5f: {  	[tilespmem:s31+$0xF0] =	vst v1  }
0x60: {  	[tilespmem:s31+$0x80] =	vst v1  }
0x61: {  	[tilespmem:s31+$0x90] =	vst v1  }
0x62: {  	[tilespmem:s31+$0xA0] =	vst v1  }
0x63: {  	[tilespmem:s31+$0xB0] =	vst v1  }
0x64: {  	[tilespmem:s31+$0xC0] =	vst v1  }
0x65: {  	[tilespmem:s31+$0xD0] =	vst v1  }
0x66: {  	[tilespmem:s31+$0xE0] =	vst v1  }
0x67: {  	s11 =	sadd.s32 $0x0, s14;
	[bflag:$0x0] =	sbarrier.arrive $0xFFFF  }
0x68: {  	[tilespmem:s1], [sflag:$0x1] =	stream.linear.gather [hbm4b:s11+s1], $0x40, $0x38;
	[tilespmem:$0x16080] =	vst v63  }
0x69: {  	_ =	swait.ge [sflag:s28], $0x40  }
0x6a: {  	[sflag:s28] =	ssyncset.done $0x0  }
0x6b: {  	[sflag:s28] =	ssyncadd.s32 $0xFFFFFFC0  }
0x6c: {  	[spmem:s12] =	stream.indirect.scatter.add.f32 [tilespmem:s26], [sflag:$0x1], $0x80, s1, s29, $0xb8;
	[tilespmem:$0x16080] =	vst v63  }
0x6d: {  	_ =	swait.ge [sflag:s28], $0x2000  }
0x6e: {  	s31 =	simm.s32 $0x8;
	s11 =	simm.s32 $0x10;
	[sflag:s28] =	ssyncset.done $0x0  }
.LBB2_6:
0x6f: {  	s0 =	sadd.s32 s31, s14  }
0x70: {  	[sflag:s28] =	ssyncadd.s32 $0xFFFFE000;
	s31 =	smov.u32 s11;
	s2 =	sadd.s32 $0x8, s11  }
0x71: {  	[tilespmem:s1], [sflag:$0x1] =	stream.linear.gather [hbm4b:s0+s1], $0x40, $0x38;
	[tilespmem:$0x16080] =	vst v63  }
0x72: {  	p0 =	sne.s32 s11, $0x4E8;
	_ =	swait.ge [sflag:s28], $0x40  }
.Ltmp2:
0x73: {  	[sflag:s28] =	ssyncset.done $0x0;
	(pc) =	sbr.rel @p0 .LBB2_6-.Ltmp2, $4  }
0x74: {  	[sflag:s28] =	ssyncadd.s32 $0xFFFFFFC0  }
0x75: {  	[spmem:s12] =	stream.indirect.scatter.add.f32 [tilespmem:s26], [sflag:$0x1], $0x80, s1, s29, $0xb8;
	[tilespmem:$0x16080] =	vst v63  }
0x76: {  	_ =	swait.ge [sflag:s28], $0x2000  }
0x77: {  	s11 =	smov.u32 s2;
	[sflag:s28] =	ssyncset.done $0x0  }
0x78: {  	s0 =	sadd.s32 s31, s14;
	[sflag:s28] =	ssyncadd.s32 $0xFFFFE000  }
0x79: {  	[tilespmem:s1], [sflag:$0x1] =	stream.linear.gather [hbm4b:s0+s1], $0x40, $0x38;
	[tilespmem:$0x16080] =	vst v63  }
0x7a: {  	_ =	swait.ge [sflag:s28], $0x40  }
0x7b: {  	[sflag:s28] =	ssyncset.done $0x0  }
0x7c: {  	[sflag:s28] =	ssyncadd.s32 $0xFFFFFFC0  }
0x7d: {  	[spmem:s12] =	stream.indirect.scatter.add.f32 [tilespmem:s26], [sflag:$0x1], $0x80, s1, s29, $0xb8;
	[tilespmem:$0x16080] =	vst v63  }
0x7e: {  	_ =	swait.ge [sflag:s28], $0x2000  }
0x7f: {  	[sflag:s28] =	ssyncset.done $0x0  }
0x80: {  	[sflag:s28] =	ssyncadd.s32 $0xFFFFE000  }
0x81: {  	[bflag:$0x0] =	sbarrier.arrive $0xFFFF  }
0x82: {  	[tilespmem:s26], [sflag:$0x1] =	stream.linear.gather [spmem:s15], $0x2000, $0x38;
	[tilespmem:$0x16080] =	vst v63  }
0x83: {  	_ =	swait.ge [sflag:s28], $0x2000  }
0x84: {  	[sflag:s28] =	ssyncset.done $0x0  }
0x85: {  	s31 =	rddreg [dreg:$0x4];
	[sflag:s28] =	ssyncadd.s32 $0xFFFFE000  }
0x86: {  	[hbm4b:s31+s1] =	stream.linear.scatter [tilespmem:s26], [sflag:$0x1], $0x2000, $0x38;
	[tilespmem:$0x16080] =	vst v63  }
0x87: {  	_ =	swait.ge [sflag:s28], $0x2000  }
0x88: {  	[sflag:s28] =	ssyncset.done $0x0  }
0x89: {  	[sflag:s28] =	ssyncadd.s32 $0xFFFFE000  }
0x8a: {  	[tilespmem:s26], [sflag:$0x1] =	stream.linear.gather [spmem:s16], $0x2000, $0x38;
	[tilespmem:$0x16080] =	vst v63  }
0x8b: {  	_ =	swait.ge [sflag:s28], $0x2000  }
0x8c: {  	[sflag:s28] =	ssyncset.done $0x0  }
0x8d: {  	[sflag:s28] =	ssyncadd.s32 $0xFFFFE000  }
0x8e: {  	[hbm4b:s3+s1] =	stream.linear.scatter [tilespmem:s26], [sflag:$0x1], $0x2000, $0x38;
	[tilespmem:$0x16080] =	vst v63  }
0x8f: {  	_ =	swait.ge [sflag:s28], $0x2000  }
0x90: {  	[sflag:s28] =	ssyncset.done $0x0  }
0x91: {  	[sflag:s28] =	ssyncadd.s32 $0xFFFFE000  }
0x92: {  	[tilespmem:s26], [sflag:$0x1] =	stream.linear.gather [spmem:s17], $0x2000, $0x38;
	[tilespmem:$0x16080] =	vst v63  }
0x93: {  	_ =	swait.ge [sflag:s28], $0x2000  }
0x94: {  	[sflag:s28] =	ssyncset.done $0x0  }
0x95: {  	[sflag:s28] =	ssyncadd.s32 $0xFFFFE000  }
0x96: {  	[hbm4b:s4+s1] =	stream.linear.scatter [tilespmem:s26], [sflag:$0x1], $0x2000, $0x38;
	[tilespmem:$0x16080] =	vst v63  }
0x97: {  	_ =	swait.ge [sflag:s28], $0x2000  }
0x98: {  	[sflag:s28] =	ssyncset.done $0x0  }
0x99: {  	[sflag:s28] =	ssyncadd.s32 $0xFFFFE000  }
0x9a: {  	[tilespmem:s26], [sflag:$0x1] =	stream.linear.gather [spmem:s18], $0x2000, $0x38;
	[tilespmem:$0x16080] =	vst v63  }
0x9b: {  	_ =	swait.ge [sflag:s28], $0x2000  }
0x9c: {  	[sflag:s28] =	ssyncset.done $0x0  }
0x9d: {  	[sflag:s28] =	ssyncadd.s32 $0xFFFFE000  }
0x9e: {  	[hbm4b:s5+s1] =	stream.linear.scatter [tilespmem:s26], [sflag:$0x1], $0x2000, $0x38;
	[tilespmem:$0x16080] =	vst v63  }
0x9f: {  	_ =	swait.ge [sflag:s28], $0x2000  }
0xa0: {  	[sflag:s28] =	ssyncset.done $0x0  }
0xa1: {  	[sflag:s28] =	ssyncadd.s32 $0xFFFFE000  }
0xa2: {  	[tilespmem:s26], [sflag:$0x1] =	stream.linear.gather [spmem:s19], $0x2000, $0x38;
	[tilespmem:$0x16080] =	vst v63  }
0xa3: {  	_ =	swait.ge [sflag:s28], $0x2000  }
0xa4: {  	[sflag:s28] =	ssyncset.done $0x0  }
0xa5: {  	[sflag:s28] =	ssyncadd.s32 $0xFFFFE000  }
0xa6: {  	[hbm4b:s6+s1] =	stream.linear.scatter [tilespmem:s26], [sflag:$0x1], $0x2000, $0x38;
	[tilespmem:$0x16080] =	vst v63  }
0xa7: {  	_ =	swait.ge [sflag:s28], $0x2000  }
0xa8: {  	[sflag:s28] =	ssyncset.done $0x0  }
0xa9: {  	[sflag:s28] =	ssyncadd.s32 $0xFFFFE000  }
0xaa: {  	[tilespmem:s26], [sflag:$0x1] =	stream.linear.gather [spmem:s20], $0x2000, $0x38;
	[tilespmem:$0x16080] =	vst v63  }
0xab: {  	_ =	swait.ge [sflag:s28], $0x2000  }
0xac: {  	[sflag:s28] =	ssyncset.done $0x0  }
0xad: {  	[sflag:s28] =	ssyncadd.s32 $0xFFFFE000  }
0xae: {  	[hbm4b:s7+s1] =	stream.linear.scatter [tilespmem:s26], [sflag:$0x1], $0x2000, $0x38;
	[tilespmem:$0x16080] =	vst v63  }
0xaf: {  	_ =	swait.ge [sflag:s28], $0x2000  }
0xb0: {  	[sflag:s28] =	ssyncset.done $0x0  }
0xb1: {  	[sflag:s28] =	ssyncadd.s32 $0xFFFFE000  }
0xb2: {  	[tilespmem:s26], [sflag:$0x1] =	stream.linear.gather [spmem:s21], $0x2000, $0x38;
	[tilespmem:$0x16080] =	vst v63  }
0xb3: {  	_ =	swait.ge [sflag:s28], $0x2000  }
0xb4: {  	[sflag:s28] =	ssyncset.done $0x0  }
0xb5: {  	[sflag:s28] =	ssyncadd.s32 $0xFFFFE000  }
0xb6: {  	[hbm4b:s8+s1] =	stream.linear.scatter [tilespmem:s26], [sflag:$0x1], $0x2000, $0x38;
	[tilespmem:$0x16080] =	vst v63  }
0xb7: {  	_ =	swait.ge [sflag:s28], $0x2000  }
0xb8: {  	[sflag:s28] =	ssyncset.done $0x0  }
0xb9: {  	[sflag:s28] =	ssyncadd.s32 $0xFFFFE000  }
0xba: {  	[tilespmem:s26], [sflag:$0x1] =	stream.linear.gather [spmem:s22], $0x2000, $0x38;
	[tilespmem:$0x16080] =	vst v63  }
0xbb: {  	_ =	swait.ge [sflag:s28], $0x2000  }
0xbc: {  	[sflag:s28] =	ssyncset.done $0x0  }
0xbd: {  	[sflag:s28] =	ssyncadd.s32 $0xFFFFE000  }
0xbe: {  	[hbm4b:s9+s1] =	stream.linear.scatter [tilespmem:s26], [sflag:$0x1], $0x2000, $0x38;
	[tilespmem:$0x16080] =	vst v63  }
0xbf: {  	_ =	swait.ge [sflag:s28], $0x2000  }
0xc0: {  	[sflag:s28] =	ssyncset.done $0x0  }
0xc1: {  	[sflag:s28] =	ssyncadd.s32 $0xFFFFE000  }
0xc2: {  	[tilespmem:s26], [sflag:$0x1] =	stream.linear.gather [spmem:s23], $0x2000, $0x38;
	[tilespmem:$0x16080] =	vst v63  }
0xc3: {  	_ =	swait.ge [sflag:s28], $0x2000  }
0xc4: {  	[sflag:s28] =	ssyncset.done $0x0  }
0xc5: {  	[sflag:s28] =	ssyncadd.s32 $0xFFFFE000  }
0xc6: {  	[hbm4b:s10+s1] =	stream.linear.scatter [tilespmem:s26], [sflag:$0x1], $0x2000, $0x38;
	[tilespmem:$0x16080] =	vst v63  }
0xc7: {  	_ =	swait.ge [sflag:s28], $0x2000  }
0xc8: {  	[sflag:s28] =	ssyncset.done $0x0  }
0xc9: {  	[sflag:s28] =	ssyncadd.s32 $0xFFFFE000  }
0xca: {  	[tilespmem:s26], [sflag:$0x1] =	stream.linear.gather [spmem:s24], $0x2000, $0x38;
	[tilespmem:$0x16080] =	vst v63  }
0xcb: {  	s30 =	sadd.s32 $0x1, s30;
	_ =	swait.ge [sflag:s28], $0x2000  }
0xcc: {  	p0 =	sne.s32 s30, s25;
	[sflag:s28] =	ssyncset.done $0x0  }
.Ltmp3:
0xcd: {  	[sflag:s28] =	ssyncadd.s32 $0xFFFFE000;
	(pc) =	sbr.rel @p0 .LBB2_1-.Ltmp3, $4  }
0xce: {  	[hbm4b:s13+s1] =	stream.linear.scatter [tilespmem:s26], [sflag:$0x1], $0x2000, $0x38;
	[tilespmem:$0x16080] =	vst v63  }
0xcf: {  	_ =	swait.ge [sflag:s28], $0x2000  }
0xd0: {  	[sflag:s28] =	ssyncset.done $0x0  }
0xd1: {  	[sflag:s28] =	ssyncadd.s32 $0xFFFFE000  }
0xd2: {  	_ =	sfence.sel $0x180000  }
0xd3: {  	[bflag:$0x0] =	sbarrier.arrive $0xFFFF  }
0xd4: {  	_ =	strace $0x90000047  }
0xd5: {  	s0 =	stileid.u32;
	[bflag:$0x2] =	sbarrier.arrive $0xFFFF  }
0xd6: {  	p0 =	sne.s32 s0, $0x0;
	s0 =	rddreg [dreg:$0x3]  }
0xd7: {  	s0 =	sadd.s32 @!p0 $0x100000, s0  }
0xd8: {  	[sflag:s0] =	ssyncadd.tile.s32 @!p0 $0x1;
	_ =	shalt  }
.Lfunc_end2:
_tile_overlayer_lowered:
.L_overlay_start_2:
0xd9: {  	(tag) =	ssettag $0x2  }
0xda: {  	s0 =	rddreg [dreg:$0x0];
	s2 =	stileid.u32  }
0xdb: {  	s1 =	rddreg [dreg:$0x1];
	p0 =	sne.s32 s2, $0x0  }
0xdc: {  	s3 =	rddreg [dreg:$0x2];
	[bflag:$0x3] =	sbarrier.arrive $0xFFFF;
	s2 =	simm.s32 @!p0 $0x1C01  }
0xdd: {  	[timem:s3], [sflag:s2] =	dma.local @!p0 [hbm:s0], s1  }
0xde: {  	s0 =	simm.s32 @!p0 $0x1  }
0xdf: {  	_ =	swait.ge @!p0 [sflag:s0], s1  }
0xe0: {  	s1 =	ssub.s32 @!p0 $0x0, s1;
	[sflag:s0] =	ssyncset.done @!p0 $0x0  }
0xe1: {  	[sflag:s0] =	ssyncadd.s32 @!p0 s1  }
0xe2: {  	[bflag:$0x3] =	sbarrier.arrive $0xFFFF  }
0xe3: {  	_ =	shalt  }

</sc_bundles>
